<compile_context>
chip_gen: v7x
topology: tpu7x:2x2x1
jax: 0.10.2.dev20260603
libtpu: 0.0.44.dev20260713+nightly
codegen_flags: <defaults>
</compile_context>

<pallas_src>
import functools

import jax
import jax.numpy as jnp
import numpy as np
from jax import lax
from jax.experimental import pallas as pl
from jax.experimental.pallas import tpu as pltpu
from jax.experimental.pallas import tpu_sc as plsc

N = 1_000_000
KSEL = 512
W = 16
C = 62512
NV = C // 16
SKIP15 = (16 * C - N) // 16
CBUF = C + 16
U = 11
MININT = np.int32(-(2 ** 31))


def _keys_of(v):
    u = lax.bitcast_convert_type(v, jnp.int32)
    m = lax.shift_right_arithmetic(u, 31)
    return lax.bitwise_xor(u, lax.bitwise_or(m, MININT))


def _digit(key, shift):
    d = lax.shift_right_logical(key, shift)
    if shift != 24:
        d = lax.bitwise_and(d, jnp.int32(0xFF))
    return d


def _extract(vec, lane, lane_iota):
    return jnp.max(jnp.where(lane_iota == lane, vec, MININT))


def _sc_select_builder():
    mesh = plsc.VectorSubcoreMesh(
        core_axis_name="c", subcore_axis_name="s", num_cores=1,
        num_subcores=W)

    @functools.partial(
        pl.kernel,
        out_type=jax.ShapeDtypeStruct((16,), jnp.float32),
        mesh=mesh,
        compiler_params=pltpu.CompilerParams(needs_layout_passes=False),
        scratch_types=[
            pltpu.VMEM((CBUF,), jnp.float32),
            pltpu.VMEM((256 * 16 * U,), jnp.int32),
            pltpu.VMEM((16, 256), jnp.int32),
            pltpu.VMEM((256,), jnp.int32),
            pltpu.VMEM((16,), jnp.float32),
            pltpu.VMEM((16,), jnp.int32),
            pltpu.SMEM((1,), jnp.int32),
            pltpu.VMEM_SHARED((W, 256 * 16), jnp.int32),
            pltpu.VMEM_SHARED((256,), jnp.int32),
        ],
    )
    def sc_select(x_hbm, out_hbm, buf, hist, stage, cnts, outv,
                  cvec_v, offm, sh_hist, sh_cnt):
        w = lax.axis_index("s")
        lane = lax.iota(jnp.int32, 16)
        ones = jnp.ones((16,), jnp.int32)
        zero16 = jnp.zeros((16,), jnp.int32)
        lane_u = [lax.bitwise_or(lane, jnp.int32(u * 4096)) for u in range(U)]
        base = jnp.where(w == W - 1, jnp.int32(N - C), w * C)
        s0 = jnp.where(w == W - 1, jnp.int32(SKIP15), jnp.int32(0))

        pltpu.sync_copy(x_hbm.at[pl.ds(base, C)], buf.at[pl.ds(0, C)])

        m_cur = jnp.int32(NV) - s0
        v_off = s0
        kk = jnp.int32(KSEL)
        digits = []
        for pidx, shift in enumerate((24, 16, 8, 0)):
            uu = U if pidx == 0 else 1

            def zbody(j, _, hist=hist):
                for t in range(8):
                    hist[pl.ds(j * 128 + t * 16, 16)] = zero16
                return 0
            lax.fori_loop(0, 32 * uu, zbody, 0)

            nfull = lax.shift_right_logical(m_cur, 4) if pidx > 0 else m_cur
            if pidx == 0:
                ng = lax.div(nfull, jnp.int32(U))

                def hgroup(g, _):
                    b = v_off + g * U
                    for u in range(U):
                        v = buf[pl.ds((b + u) * 16, 16)]
                        uraw = lax.bitcast_convert_type(v, jnp.int32)
                        d16 = lax.bitwise_and(
                            lax.shift_right_logical(uraw, 20),
                            jnp.int32(0xFF0))
                        idx = lax.bitwise_or(d16, lane_u[u])
                        plsc.addupdate_scatter(hist, [idx], ones)
                    return 0
                lax.fori_loop(0, ng, hgroup, 0)

                def hrem(i, _):
                    v = buf[pl.ds(i * 16, 16)]
                    uraw = lax.bitcast_convert_type(v, jnp.int32)
                    d16 = lax.bitwise_and(
                        lax.shift_right_logical(uraw, 20), jnp.int32(0xFF0))
                    idx = lax.bitwise_or(d16, lane_u[0])
                    plsc.addupdate_scatter(hist, [idx], ones)
                    return 0
                lax.fori_loop(v_off + ng * U, v_off + nfull, hrem, 0)

                def mbody(j, _):
                    for t in range(4):
                        jj = j * 4 + t
                        s = hist[pl.ds(jj * 16, 16)]
                        for u in range(1, U):
                            s = s + hist[pl.ds(u * 4096 + jj * 16, 16)]
                        hist[pl.ds(jj * 16, 16)] = s
                    return 0
                lax.fori_loop(0, 64, mbody, 0)
            else:
                rem = m_cur - lax.shift_left(nfull, 4)

                def hbody(i, _, shift=shift):
                    v = buf[pl.ds(i * 16, 16)]
                    dig = _digit(_keys_of(v), shift)
                    idx = lax.bitwise_or(lax.shift_left(dig, 4), lane)
                    plsc.addupdate_scatter(hist, [idx], ones)
                    return 0
                lax.fori_loop(0, nfull, hbody, 0)
                vt = buf[pl.ds(nfull * 16, 16)]
                digt = _digit(_keys_of(vt), shift)
                idxt = lax.bitwise_or(lax.shift_left(digt, 4), lane)
                plsc.addupdate_scatter(hist, [idxt], ones, mask=lane < rem)

            pltpu.sync_copy(hist.at[pl.ds(0, 4096)], sh_hist.at[w])
            plsc.subcore_barrier()

            pltpu.sync_copy(sh_hist.at[:, pl.ds(w * 256, 256)], stage)

            def rbody(j, cvec):
                s = stage[0, pl.ds(j * 16, 16)]
                for v in range(1, W):
                    s = s + stage[v, pl.ds(j * 16, 16)]
                t = jnp.sum(s)
                return jnp.where(lane == j, t, cvec)
            cnt_vec = lax.fori_loop(0, 16, rbody, zero16)
            cvec_v[...] = cnt_vec
            pltpu.sync_copy(cvec_v, sh_cnt.at[pl.ds(w * 16, 16)])
            plsc.subcore_barrier()

            pltpu.sync_copy(sh_cnt, cnts)

            svec = zero16
            for j in range(16):
                graw = (15 - j if j < 8 else j - 8) if pidx == 0 else j
                t = jnp.sum(cnts[pl.ds(graw * 16, 16)])
                svec = jnp.where(lane == j, t, svec)
            suf_g = lax.rev(plsc.cumsum(lax.rev(svec, (0,))), (0,))
            jsel = jnp.max(jnp.where(suf_g >= kk, lane, jnp.int32(-1)))
            above_g = (_extract(suf_g, jsel, lane)
                       - _extract(svec, jsel, lane))
            kk2 = kk - above_g
            if pidx == 0:
                graw_sel = jnp.where(jsel < 8, 15 - jsel, jsel - 8)
                cg_raw = cnts[pl.ds(graw_sel * 16, 16)]
                condv = (zero16 + jsel) < 8
                cg = jnp.where(condv, lax.rev(cg_raw, (0,)), cg_raw)
            else:
                cg = cnts[pl.ds(jsel * 16, 16)]
            suf_l = lax.rev(plsc.cumsum(lax.rev(cg, (0,))), (0,))
            lsel = jnp.max(jnp.where(suf_l >= kk2, lane, jnp.int32(-1)))
            above_l = (_extract(suf_l, lsel, lane)
                       - _extract(cg, lsel, lane))
            d_sel = jsel * 16 + lsel
            if pidx == 0:
                d_cmp = (graw_sel * 16
                         + jnp.where(jsel < 8, 15 - lsel, lsel))
            else:
                d_cmp = d_sel
            kk = kk2 - above_l
            digits.append(d_sel)

            if shift != 0:
                if pidx == 0:
                    ncomp = v_off + m_cur
                    ngc = lax.div(m_cur, jnp.int32(U))
                    offm[0] = jnp.int32(0)

                    def pgroup(g, _, d_cmp=d_cmp):
                        b = v_off + g * U
                        vs, ms = [], []
                        for u in range(U):
                            v = buf[pl.ds((b + u) * 16, 16)]
                            uraw = lax.bitcast_convert_type(v, jnp.int32)
                            dig = lax.shift_right_logical(uraw, 24)
                            vs.append(v)
                            ms.append(dig == d_cmp)
                        anym = ms[0]
                        for u in range(1, U):
                            anym = jnp.logical_or(anym, ms[u])
                        has = jnp.max(jnp.where(anym, 1, 0))

                        @pl.when(has > 0)
                        def _():
                            off = offm[0]
                            for u in range(U):
                                mc = jnp.where(ms[u], 1, 0).astype(jnp.int32)
                                inc = plsc.cumsum(mc)
                                plsc.store_scatter(buf, [off + inc - mc],
                                                   vs[u], mask=ms[u])
                                off = off + jnp.max(inc)
                            offm[0] = off
                        return 0
                    lax.fori_loop(0, ngc, pgroup, 0)

                    def prem(i, _, d_cmp=d_cmp):
                        v = buf[pl.ds(i * 16, 16)]
                        uraw = lax.bitcast_convert_type(v, jnp.int32)
                        dig = lax.shift_right_logical(uraw, 24)
                        match = dig == d_cmp
                        has = jnp.max(jnp.where(match, 1, 0))

                        @pl.when(has > 0)
                        def _():
                            off = offm[0]
                            mc = jnp.where(match, 1, 0).astype(jnp.int32)
                            inc = plsc.cumsum(mc)
                            plsc.store_scatter(buf, [off + inc - mc], v,
                                               mask=match)
                            offm[0] = off + jnp.max(inc)
                        return 0
                    lax.fori_loop(v_off + ngc * U, ncomp, prem, 0)
                    m_cur = offm[0]
                    v_off = jnp.int32(0)
                else:
                    nfull2 = lax.shift_right_logical(m_cur + 15, 4)

                    def pbody(i, off, shift=shift, d_cmp=d_cmp, mp=m_cur):
                        v = buf[pl.ds(i * 16, 16)]
                        dig = _digit(_keys_of(v), shift)
                        valid = (i * 16 + lane) < mp
                        match = jnp.logical_and(dig == d_cmp, valid)
                        mc = jnp.where(match, 1, 0).astype(jnp.int32)
                        inc = plsc.cumsum(mc)
                        plsc.store_scatter(buf, [off + inc - mc], v,
                                           mask=match)
                        return off + jnp.max(inc)
                    m_cur = lax.fori_loop(0, nfull2, pbody, jnp.int32(0))

        d0, d1, d2, d3 = digits
        tk = (lax.shift_left(d0, 24) | lax.shift_left(d1, 16)
              | lax.shift_left(d2, 8) | d3)
        tkv = jnp.full((16,), tk, jnp.int32)
        bits = jnp.where(tkv < 0, lax.bitwise_xor(tkv, MININT),
                         lax.bitwise_not(tkv))
        outv[...] = lax.bitcast_convert_type(bits, jnp.float32)

        @pl.when(w == 0)
        def _():
            pltpu.sync_copy(outv, out_hbm)

    return sc_select


_sc_select_cache = []


def _sc_select(x):
    if not _sc_select_cache:
        _sc_select_cache.append(_sc_select_builder())
    return _sc_select_cache[0](x)


def _mask_body(t_ref, x_ref, o_ref):
    t = t_ref[0]
    x = x_ref[...]
    o_ref[...] = jnp.where(x >= t, x, jnp.float32(0.0))


def _mask(t1, x2d):
    return pl.pallas_call(
        _mask_body,
        grid=(5,),
        in_specs=[
            pl.BlockSpec(memory_space=pltpu.SMEM),
            pl.BlockSpec((200, 1000), lambda i: (i, 0)),
        ],
        out_specs=pl.BlockSpec((200, 1000), lambda i: (i, 0)),
        out_shape=jax.ShapeDtypeStruct((1000, 1000), jnp.float32),
    )(t1, x2d)


@jax.jit
def kernel(inputs):
    thr16 = _sc_select(inputs)
    t1 = lax.slice(thr16, (0,), (1,))
    out2d = _mask(t1, inputs.reshape(1000, 1000))
    return out2d.reshape(N)

# --- scband reference (transcript-rebuilt; emitter-appended) ---
"""Pipeline reference for scband-k-wta-layer-61546881352183 (READ-ONLY COPY).

The authoritative reference and input builder live on the scoring server;
editing this copy changes nothing except your own understanding.
"""

import jax, jax.numpy as jnp
import numpy as np

K = 512

def setup_inputs(seed: int = 0) -> dict:
    key = jax.random.key(seed)
    inputs = jax.random.normal(key, (1000000,), dtype=jnp.float32)
    return {"inputs": inputs}

def reference(inputs):
    # tf.sort(inputs, direction='DESCENDING')[:k][-1] on a 1D tensor
    # == the k-th largest value (threshold)
    sorted_desc = jnp.sort(inputs)[::-1]
    threshold = sorted_desc[:K][-1]
    # tf.where(inputs < threshold, zeros, inputs)
    return jnp.where(inputs < threshold, jnp.zeros_like(inputs), inputs)

if __name__ == "__main__":
    import jax
    _d = setup_inputs()
    print(jax.jit(kernel)(*tuple(_d.values())))

</pallas_src>

<mosaic_0001>
#map = affine_map<(d0, d1) -> (0)>
module attributes {stable_mosaic.version = 14 : i64} {
  func.func @sc_select(%arg0: i32, %arg1: i32, %arg2: memref<1000000xf32, #tpu.memory_space<hbm>>, %arg3: memref<16xf32, #tpu.memory_space<hbm>>, %arg4: memref<62528xf32, #tpu.memory_space<vmem>>, %arg5: memref<45056xi32, #tpu.memory_space<vmem>>, %arg6: memref<16x256xi32, #tpu.memory_space<vmem>>, %arg7: memref<256xi32, #tpu.memory_space<vmem>>, %arg8: memref<16xf32, #tpu.memory_space<vmem>>, %arg9: memref<16xi32, #tpu.memory_space<vmem>>, %arg10: memref<1xi32, #tpu.memory_space<smem>>, %arg11: memref<16x4096xi32, #tpu.memory_space<vmem_shared>>, %arg12: memref<256xi32, #tpu.memory_space<vmem_shared>>) attributes {dimension_semantics = [#tpu.dimension_semantics<core_parallel>, #tpu.dimension_semantics<subcore_parallel>], iteration_bounds = array<i64: 1, 16>, scalar_prefetch = 0 : i64, scratch_operands = 9 : i64, tpu.core_type = #tpu.core_type<sc_vector_subcore>, window_params = [{transform_indices = #map}, {transform_indices = #map}]} {
    %iota3A = tpu.iota {dimensions = array<i32: 0>} : vector<16xi32>
    %broadcast_in_dim3A = arith.constant 1 : i32
    %broadcast_in_dim3A_0 = vector.broadcast %broadcast_in_dim3A : i32 to vector<16xi32>
    %broadcast_in_dim3A_1 = arith.constant 0 : i32
    %broadcast_in_dim3A_2 = vector.broadcast %broadcast_in_dim3A_1 : i32 to vector<16xi32>
    %or3A = arith.constant 0 : i32
    %or3A_3 = vector.broadcast %or3A : i32 to vector<16xi32>
    %or3A_4 = arith.ori %iota3A, %or3A_3 : vector<16xi32>
    %or3A_5 = arith.constant 4096 : i32
    %or3A_6 = vector.broadcast %or3A_5 : i32 to vector<16xi32>
    %or3A_7 = arith.ori %iota3A, %or3A_6 : vector<16xi32>
    %or3A_8 = arith.constant 8192 : i32
    %or3A_9 = vector.broadcast %or3A_8 : i32 to vector<16xi32>
    %or3A_10 = arith.ori %iota3A, %or3A_9 : vector<16xi32>
    %or3A_11 = arith.constant 12288 : i32
    %or3A_12 = vector.broadcast %or3A_11 : i32 to vector<16xi32>
    %or3A_13 = arith.ori %iota3A, %or3A_12 : vector<16xi32>
    %or3A_14 = arith.constant 16384 : i32
    %or3A_15 = vector.broadcast %or3A_14 : i32 to vector<16xi32>
    %or3A_16 = arith.ori %iota3A, %or3A_15 : vector<16xi32>
    %or3A_17 = arith.constant 20480 : i32
    %or3A_18 = vector.broadcast %or3A_17 : i32 to vector<16xi32>
    %or3A_19 = arith.ori %iota3A, %or3A_18 : vector<16xi32>
    %or3A_20 = arith.constant 24576 : i32
    %or3A_21 = vector.broadcast %or3A_20 : i32 to vector<16xi32>
    %or3A_22 = arith.ori %iota3A, %or3A_21 : vector<16xi32>
    %or3A_23 = arith.constant 28672 : i32
    %or3A_24 = vector.broadcast %or3A_23 : i32 to vector<16xi32>
    %or3A_25 = arith.ori %iota3A, %or3A_24 : vector<16xi32>
    %or3A_26 = arith.constant 32768 : i32
    %or3A_27 = vector.broadcast %or3A_26 : i32 to vector<16xi32>
    %or3A_28 = arith.ori %iota3A, %or3A_27 : vector<16xi32>
    %or3A_29 = arith.constant 36864 : i32
    %or3A_30 = vector.broadcast %or3A_29 : i32 to vector<16xi32>
    %or3A_31 = arith.ori %iota3A, %or3A_30 : vector<16xi32>
    %or3A_32 = arith.constant 40960 : i32
    %or3A_33 = vector.broadcast %or3A_32 : i32 to vector<16xi32>
    %or3A_34 = arith.ori %iota3A, %or3A_33 : vector<16xi32>
    %eq3A = arith.constant 15 : i32
    %eq3A_35 = arith.cmpi eq, %arg1, %eq3A : i32
    %mul3A = arith.constant 62512 : i32
    %mul3A_36 = arith.muli %arg1, %mul3A : i32
    %jit3A = arith.constant 937488 : i32
    %select_n3A = arith.select %eq3A_35, %jit3A, %mul3A_36 : i32
    %eq3A_37 = arith.constant 15 : i32
    %eq3A_38 = arith.cmpi eq, %arg1, %eq3A_37 : i32
    %jit3A_39 = arith.constant 12 : i32
    %jit3A_40 = arith.constant 0 : i32
    %select_n3A_41 = arith.select %eq3A_38, %jit3A_39, %jit3A_40 : i32
    "tpu.region"() ({
      %run_scoped3A = tpu.sem_alloc : memref<!tpu.dma_semaphore, #tpu.memory_space<semaphore_mem>>
      %dma_start3A = arith.constant 0 : i32
      %dma_start3A_1551 = tpu.memref_slice %arg4[%dma_start3A] : memref<62528xf32, #tpu.memory_space<vmem>> -> memref<62512xf32, #tpu.memory_space<vmem>>
      %dma_start3A_1552 = tpu.memref_slice %arg2[%select_n3A] : memref<1000000xf32, #tpu.memory_space<hbm>> -> memref<62512xf32, #tpu.memory_space<hbm>>
      %dma_start3A_1553 = arith.constant 0 : i32
      %dma_start3A_1554 = tpu.memref_slice %arg4[%dma_start3A_1553] : memref<62528xf32, #tpu.memory_space<vmem>> -> memref<62512xf32, #tpu.memory_space<vmem>>
      %dma_start3A_1555 = tpu.memref_slice %arg2[%select_n3A] : memref<1000000xf32, #tpu.memory_space<hbm>> -> memref<62512xf32, #tpu.memory_space<hbm>>
      tpu.enqueue_dma source(%dma_start3A_1555 : memref<62512xf32, #tpu.memory_space<hbm>>) target(%dma_start3A_1554 : memref<62512xf32, #tpu.memory_space<vmem>>) target_semaphore(%run_scoped3A : memref<!tpu.dma_semaphore, #tpu.memory_space<semaphore_mem>>)
      %dma_wait3A = arith.constant 0 : i32
      %dma_wait3A_1556 = tpu.memref_slice %arg4[%dma_wait3A] : memref<62528xf32, #tpu.memory_space<vmem>> -> memref<62512xf32, #tpu.memory_space<vmem>>
      %dma_wait3A_1557 = tpu.memref_slice %arg2[%select_n3A] : memref<1000000xf32, #tpu.memory_space<hbm>> -> memref<62512xf32, #tpu.memory_space<hbm>>
      %dma_wait3A_1558 = arith.constant 0 : i32
      %dma_wait3A_1559 = tpu.memref_slice %arg4[%dma_wait3A_1558] : memref<62528xf32, #tpu.memory_space<vmem>> -> memref<62512xf32, #tpu.memory_space<vmem>>
      %dma_wait3A_1560 = tpu.memref_slice %arg2[%select_n3A] : memref<1000000xf32, #tpu.memory_space<hbm>> -> memref<62512xf32, #tpu.memory_space<hbm>>
      tpu.wait_dma2 semaphore(%run_scoped3A : memref<!tpu.dma_semaphore, #tpu.memory_space<semaphore_mem>>) src(%dma_wait3A_1560 : memref<62512xf32, #tpu.memory_space<hbm>>) dst(%dma_wait3A_1559 : memref<62512xf32, #tpu.memory_space<vmem>>)
      tpu.yield
    }) : () -> ()
    %sub3A = arith.constant 3907 : i32
    %sub3A_42 = arith.subi %sub3A, %select_n3A_41 : i32
    %scan3A = arith.constant 0 : i32
    %scan3A_43 = arith.constant 0 : i32
    %scan3A_44 = arith.constant 352 : i32
    %scan3A_45 = arith.addi %scan3A_43, %scan3A_44 : i32
    %scan3A_46 = arith.constant 1 : i32
    %scan3A_47 = scf.for %scan3A_1551 = %scan3A_43 to %scan3A_45 step %scan3A_46 iter_args(%scan3A_1552 = %scan3A) -> (i32)  : i32 {
      %mul3A_1553 = arith.constant 128 : i32
      %mul3A_1554 = arith.muli %scan3A_1551, %mul3A_1553 : i32
      %add3A_1555 = arith.constant 0 : i32
      %add3A_1556 = arith.addi %mul3A_1554, %add3A_1555 : i32
      %swap3A_1557 = arith.index_cast %add3A_1556 : i32 to index
      %swap3A_1558 = tpu.vector_load %arg5[%swap3A_1557] {strides = array<i32>} : memref<45056xi32, #tpu.memory_space<vmem>>, vector<16xi32>,
      tpu.vector_store %arg5[%swap3A_1557], %broadcast_in_dim3A_2 {strides = array<i32>} : memref<45056xi32, #tpu.memory_space<vmem>>, vector<16xi32>,
      %mul3A_1559 = arith.constant 128 : i32
      %mul3A_1560 = arith.muli %scan3A_1551, %mul3A_1559 : i32
      %add3A_1561 = arith.constant 16 : i32
      %add3A_1562 = arith.addi %mul3A_1560, %add3A_1561 : i32
      %swap3A_1563 = arith.index_cast %add3A_1562 : i32 to index
      %swap3A_1564 = tpu.vector_load %arg5[%swap3A_1563] {strides = array<i32>} : memref<45056xi32, #tpu.memory_space<vmem>>, vector<16xi32>,
      tpu.vector_store %arg5[%swap3A_1563], %broadcast_in_dim3A_2 {strides = array<i32>} : memref<45056xi32, #tpu.memory_space<vmem>>, vector<16xi32>,
      %mul3A_1565 = arith.constant 128 : i32
      %mul3A_1566 = arith.muli %scan3A_1551, %mul3A_1565 : i32
      %add3A_1567 = arith.constant 32 : i32
      %add3A_1568 = arith.addi %mul3A_1566, %add3A_1567 : i32
      %swap3A_1569 = arith.index_cast %add3A_1568 : i32 to index
      %swap3A_1570 = tpu.vector_load %arg5[%swap3A_1569] {strides = array<i32>} : memref<45056xi32, #tpu.memory_space<vmem>>, vector<16xi32>,
      tpu.vector_store %arg5[%swap3A_1569], %broadcast_in_dim3A_2 {strides = array<i32>} : memref<45056xi32, #tpu.memory_space<vmem>>, vector<16xi32>,
      %mul3A_1571 = arith.constant 128 : i32
      %mul3A_1572 = arith.muli %scan3A_1551, %mul3A_1571 : i32
      %add3A_1573 = arith.constant 48 : i32
      %add3A_1574 = arith.addi %mul3A_1572, %add3A_1573 : i32
      %swap3A_1575 = arith.index_cast %add3A_1574 : i32 to index
      %swap3A_1576 = tpu.vector_load %arg5[%swap3A_1575] {strides = array<i32>} : memref<45056xi32, #tpu.memory_space<vmem>>, vector<16xi32>,
      tpu.vector_store %arg5[%swap3A_1575], %broadcast_in_dim3A_2 {strides = array<i32>} : memref<45056xi32, #tpu.memory_space<vmem>>, vector<16xi32>,
      %mul3A_1577 = arith.constant 128 : i32
      %mul3A_1578 = arith.muli %scan3A_1551, %mul3A_1577 : i32
      %add3A_1579 = arith.constant 64 : i32
      %add3A_1580 = arith.addi %mul3A_1578, %add3A_1579 : i32
      %swap3A_1581 = arith.index_cast %add3A_1580 : i32 to index
      %swap3A_1582 = tpu.vector_load %arg5[%swap3A_1581] {strides = array<i32>} : memref<45056xi32, #tpu.memory_space<vmem>>, vector<16xi32>,
      tpu.vector_store %arg5[%swap3A_1581], %broadcast_in_dim3A_2 {strides = array<i32>} : memref<45056xi32, #tpu.memory_space<vmem>>, vector<16xi32>,
      %mul3A_1583 = arith.constant 128 : i32
      %mul3A_1584 = arith.muli %scan3A_1551, %mul3A_1583 : i32
      %add3A_1585 = arith.constant 80 : i32
      %add3A_1586 = arith.addi %mul3A_1584, %add3A_1585 : i32
      %swap3A_1587 = arith.index_cast %add3A_1586 : i32 to index
      %swap3A_1588 = tpu.vector_load %arg5[%swap3A_1587] {strides = array<i32>} : memref<45056xi32, #tpu.memory_space<vmem>>, vector<16xi32>,
      tpu.vector_store %arg5[%swap3A_1587], %broadcast_in_dim3A_2 {strides = array<i32>} : memref<45056xi32, #tpu.memory_space<vmem>>, vector<16xi32>,
      %mul3A_1589 = arith.constant 128 : i32
      %mul3A_1590 = arith.muli %scan3A_1551, %mul3A_1589 : i32
      %add3A_1591 = arith.constant 96 : i32
      %add3A_1592 = arith.addi %mul3A_1590, %add3A_1591 : i32
      %swap3A_1593 = arith.index_cast %add3A_1592 : i32 to index
      %swap3A_1594 = tpu.vector_load %arg5[%swap3A_1593] {strides = array<i32>} : memref<45056xi32, #tpu.memory_space<vmem>>, vector<16xi32>,
      tpu.vector_store %arg5[%swap3A_1593], %broadcast_in_dim3A_2 {strides = array<i32>} : memref<45056xi32, #tpu.memory_space<vmem>>, vector<16xi32>,
      %mul3A_1595 = arith.constant 128 : i32
      %mul3A_1596 = arith.muli %scan3A_1551, %mul3A_1595 : i32
      %add3A_1597 = arith.constant 112 : i32
      %add3A_1598 = arith.addi %mul3A_1596, %add3A_1597 : i32
      %swap3A_1599 = arith.index_cast %add3A_1598 : i32 to index
      %swap3A_1600 = tpu.vector_load %arg5[%swap3A_1599] {strides = array<i32>} : memref<45056xi32, #tpu.memory_space<vmem>>, vector<16xi32>,
      tpu.vector_store %arg5[%swap3A_1599], %broadcast_in_dim3A_2 {strides = array<i32>} : memref<45056xi32, #tpu.memory_space<vmem>>, vector<16xi32>,
      %scan3A_1601 = arith.constant 0 : i32
      scf.yield %scan3A_1601 : i32
    }
    %scan3A_48 = arith.constant 352 : i32
    %div3A = arith.constant 11 : i32
    %div3A_49 = arith.divsi %sub3A_42, %div3A : i32
    %while3A = arith.constant 0 : i32
    %while3A_50 = arith.constant 0 : i32
    %while3A_51 = arith.subi %div3A_49, %while3A : i32
    %while3A_52 = arith.addi %while3A, %while3A_51 : i32
    %while3A_53 = arith.constant 1 : i32
    %while3A_54 = arith.divsi %while3A_51, %while3A_53 : i32
    %while3A_55 = arith.muli %while3A_54, %while3A_53 : i32
    %while3A_56 = arith.addi %while3A, %while3A_55 : i32
    %while3A_57 = arith.constant 1 : i32
    %while3A_58 = scf.for %while3A_1551 = %while3A to %while3A_56 step %while3A_57 iter_args(%while3A_1552 = %while3A_50) -> (i32)  : i32 {
      %mul3A_1553 = arith.constant 11 : i32
      %mul3A_1554 = arith.muli %while3A_1551, %mul3A_1553 : i32
      %add3A_1555 = arith.addi %select_n3A_41, %mul3A_1554 : i32
      %add3A_1556 = arith.constant 0 : i32
      %add3A_1557 = arith.addi %add3A_1555, %add3A_1556 : i32
      %mul3A_1558 = arith.constant 16 : i32
      %mul3A_1559 = arith.muli %add3A_1557, %mul3A_1558 : i32
      %get3A_1560 = arith.index_cast %mul3A_1559 : i32 to index
      %get3A_1561 = tpu.vector_load %arg4[%get3A_1560] {strides = array<i32>} : memref<62528xf32, #tpu.memory_space<vmem>>, vector<16xf32>,
      %bitcast_convert_type3A_1562 = tpu.bitcast %get3A_1561 : vector<16xf32> -> vector<16xi32>
      %shift_right_logical3A_1563 = arith.constant 20 : i32
      %shift_right_logical3A_1564 = vector.broadcast %shift_right_logical3A_1563 : i32 to vector<16xi32>
      %shift_right_logical3A_1565 = arith.shrui %bitcast_convert_type3A_1562, %shift_right_logical3A_1564 : vector<16xi32>
      %and3A_1566 = arith.constant 4080 : i32
      %and3A_1567 = vector.broadcast %and3A_1566 : i32 to vector<16xi32>
      %and3A_1568 = arith.andi %shift_right_logical3A_1565, %and3A_1567 : vector<16xi32>
      %or3A_1569 = arith.ori %and3A_1568, %or3A_4 : vector<16xi32>
      tpu.vector_store_idx %arg5[%or3A_1569], %broadcast_in_dim3A_0 {add = true} : memref<45056xi32, #tpu.memory_space<vmem>>[vector<16xi32>], vector<16xi32>,
      %add3A_1570 = arith.constant 1 : i32
      %add3A_1571 = arith.addi %add3A_1555, %add3A_1570 : i32
      %mul3A_1572 = arith.constant 16 : i32
      %mul3A_1573 = arith.muli %add3A_1571, %mul3A_1572 : i32
      %get3A_1574 = arith.index_cast %mul3A_1573 : i32 to index
      %get3A_1575 = tpu.vector_load %arg4[%get3A_1574] {strides = array<i32>} : memref<62528xf32, #tpu.memory_space<vmem>>, vector<16xf32>,
      %bitcast_convert_type3A_1576 = tpu.bitcast %get3A_1575 : vector<16xf32> -> vector<16xi32>
      %shift_right_logical3A_1577 = arith.constant 20 : i32
      %shift_right_logical3A_1578 = vector.broadcast %shift_right_logical3A_1577 : i32 to vector<16xi32>
      %shift_right_logical3A_1579 = arith.shrui %bitcast_convert_type3A_1576, %shift_right_logical3A_1578 : vector<16xi32>
      %and3A_1580 = arith.constant 4080 : i32
      %and3A_1581 = vector.broadcast %and3A_1580 : i32 to vector<16xi32>
      %and3A_1582 = arith.andi %shift_right_logical3A_1579, %and3A_1581 : vector<16xi32>
      %or3A_1583 = arith.ori %and3A_1582, %or3A_7 : vector<16xi32>
      tpu.vector_store_idx %arg5[%or3A_1583], %broadcast_in_dim3A_0 {add = true} : memref<45056xi32, #tpu.memory_space<vmem>>[vector<16xi32>], vector<16xi32>,
      %add3A_1584 = arith.constant 2 : i32
      %add3A_1585 = arith.addi %add3A_1555, %add3A_1584 : i32
      %mul3A_1586 = arith.constant 16 : i32
      %mul3A_1587 = arith.muli %add3A_1585, %mul3A_1586 : i32
      %get3A_1588 = arith.index_cast %mul3A_1587 : i32 to index
      %get3A_1589 = tpu.vector_load %arg4[%get3A_1588] {strides = array<i32>} : memref<62528xf32, #tpu.memory_space<vmem>>, vector<16xf32>,
      %bitcast_convert_type3A_1590 = tpu.bitcast %get3A_1589 : vector<16xf32> -> vector<16xi32>
      %shift_right_logical3A_1591 = arith.constant 20 : i32
      %shift_right_logical3A_1592 = vector.broadcast %shift_right_logical3A_1591 : i32 to vector<16xi32>
      %shift_right_logical3A_1593 = arith.shrui %bitcast_convert_type3A_1590, %shift_right_logical3A_1592 : vector<16xi32>
      %and3A_1594 = arith.constant 4080 : i32
      %and3A_1595 = vector.broadcast %and3A_1594 : i32 to vector<16xi32>
      %and3A_1596 = arith.andi %shift_right_logical3A_1593, %and3A_1595 : vector<16xi32>
      %or3A_1597 = arith.ori %and3A_1596, %or3A_10 : vector<16xi32>
      tpu.vector_store_idx %arg5[%or3A_1597], %broadcast_in_dim3A_0 {add = true} : memref<45056xi32, #tpu.memory_space<vmem>>[vector<16xi32>], vector<16xi32>,
      %add3A_1598 = arith.constant 3 : i32
      %add3A_1599 = arith.addi %add3A_1555, %add3A_1598 : i32
      %mul3A_1600 = arith.constant 16 : i32
      %mul3A_1601 = arith.muli %add3A_1599, %mul3A_1600 : i32
      %get3A_1602 = arith.index_cast %mul3A_1601 : i32 to index
      %get3A_1603 = tpu.vector_load %arg4[%get3A_1602] {strides = array<i32>} : memref<62528xf32, #tpu.memory_space<vmem>>, vector<16xf32>,
      %bitcast_convert_type3A_1604 = tpu.bitcast %get3A_1603 : vector<16xf32> -> vector<16xi32>
      %shift_right_logical3A_1605 = arith.constant 20 : i32
      %shift_right_logical3A_1606 = vector.broadcast %shift_right_logical3A_1605 : i32 to vector<16xi32>
      %shift_right_logical3A_1607 = arith.shrui %bitcast_convert_type3A_1604, %shift_right_logical3A_1606 : vector<16xi32>
      %and3A_1608 = arith.constant 4080 : i32
      %and3A_1609 = vector.broadcast %and3A_1608 : i32 to vector<16xi32>
      %and3A_1610 = arith.andi %shift_right_logical3A_1607, %and3A_1609 : vector<16xi32>
      %or3A_1611 = arith.ori %and3A_1610, %or3A_13 : vector<16xi32>
      tpu.vector_store_idx %arg5[%or3A_1611], %broadcast_in_dim3A_0 {add = true} : memref<45056xi32, #tpu.memory_space<vmem>>[vector<16xi32>], vector<16xi32>,
      %add3A_1612 = arith.constant 4 : i32
      %add3A_1613 = arith.addi %add3A_1555, %add3A_1612 : i32
      %mul3A_1614 = arith.constant 16 : i32
      %mul3A_1615 = arith.muli %add3A_1613, %mul3A_1614 : i32
      %get3A_1616 = arith.index_cast %mul3A_1615 : i32 to index
      %get3A_1617 = tpu.vector_load %arg4[%get3A_1616] {strides = array<i32>} : memref<62528xf32, #tpu.memory_space<vmem>>, vector<16xf32>,
      %bitcast_convert_type3A_1618 = tpu.bitcast %get3A_1617 : vector<16xf32> -> vector<16xi32>
      %shift_right_logical3A_1619 = arith.constant 20 : i32
      %shift_right_logical3A_1620 = vector.broadcast %shift_right_logical3A_1619 : i32 to vector<16xi32>
      %shift_right_logical3A_1621 = arith.shrui %bitcast_convert_type3A_1618, %shift_right_logical3A_1620 : vector<16xi32>
      %and3A_1622 = arith.constant 4080 : i32
      %and3A_1623 = vector.broadcast %and3A_1622 : i32 to vector<16xi32>
      %and3A_1624 = arith.andi %shift_right_logical3A_1621, %and3A_1623 : vector<16xi32>
      %or3A_1625 = arith.ori %and3A_1624, %or3A_16 : vector<16xi32>
      tpu.vector_store_idx %arg5[%or3A_1625], %broadcast_in_dim3A_0 {add = true} : memref<45056xi32, #tpu.memory_space<vmem>>[vector<16xi32>], vector<16xi32>,
      %add3A_1626 = arith.constant 5 : i32
      %add3A_1627 = arith.addi %add3A_1555, %add3A_1626 : i32
      %mul3A_1628 = arith.constant 16 : i32
      %mul3A_1629 = arith.muli %add3A_1627, %mul3A_1628 : i32
      %get3A_1630 = arith.index_cast %mul3A_1629 : i32 to index
      %get3A_1631 = tpu.vector_load %arg4[%get3A_1630] {strides = array<i32>} : memref<62528xf32, #tpu.memory_space<vmem>>, vector<16xf32>,
      %bitcast_convert_type3A_1632 = tpu.bitcast %get3A_1631 : vector<16xf32> -> vector<16xi32>
      %shift_right_logical3A_1633 = arith.constant 20 : i32
      %shift_right_logical3A_1634 = vector.broadcast %shift_right_logical3A_1633 : i32 to vector<16xi32>
      %shift_right_logical3A_1635 = arith.shrui %bitcast_convert_type3A_1632, %shift_right_logical3A_1634 : vector<16xi32>
      %and3A_1636 = arith.constant 4080 : i32
      %and3A_1637 = vector.broadcast %and3A_1636 : i32 to vector<16xi32>
      %and3A_1638 = arith.andi %shift_right_logical3A_1635, %and3A_1637 : vector<16xi32>
      %or3A_1639 = arith.ori %and3A_1638, %or3A_19 : vector<16xi32>
      tpu.vector_store_idx %arg5[%or3A_1639], %broadcast_in_dim3A_0 {add = true} : memref<45056xi32, #tpu.memory_space<vmem>>[vector<16xi32>], vector<16xi32>,
      %add3A_1640 = arith.constant 6 : i32
      %add3A_1641 = arith.addi %add3A_1555, %add3A_1640 : i32
      %mul3A_1642 = arith.constant 16 : i32
      %mul3A_1643 = arith.muli %add3A_1641, %mul3A_1642 : i32
      %get3A_1644 = arith.index_cast %mul3A_1643 : i32 to index
      %get3A_1645 = tpu.vector_load %arg4[%get3A_1644] {strides = array<i32>} : memref<62528xf32, #tpu.memory_space<vmem>>, vector<16xf32>,
      %bitcast_convert_type3A_1646 = tpu.bitcast %get3A_1645 : vector<16xf32> -> vector<16xi32>
      %shift_right_logical3A_1647 = arith.constant 20 : i32
      %shift_right_logical3A_1648 = vector.broadcast %shift_right_logical3A_1647 : i32 to vector<16xi32>
      %shift_right_logical3A_1649 = arith.shrui %bitcast_convert_type3A_1646, %shift_right_logical3A_1648 : vector<16xi32>
      %and3A_1650 = arith.constant 4080 : i32
      %and3A_1651 = vector.broadcast %and3A_1650 : i32 to vector<16xi32>
      %and3A_1652 = arith.andi %shift_right_logical3A_1649, %and3A_1651 : vector<16xi32>
      %or3A_1653 = arith.ori %and3A_1652, %or3A_22 : vector<16xi32>
      tpu.vector_store_idx %arg5[%or3A_1653], %broadcast_in_dim3A_0 {add = true} : memref<45056xi32, #tpu.memory_space<vmem>>[vector<16xi32>], vector<16xi32>,
      %add3A_1654 = arith.constant 7 : i32
      %add3A_1655 = arith.addi %add3A_1555, %add3A_1654 : i32
      %mul3A_1656 = arith.constant 16 : i32
      %mul3A_1657 = arith.muli %add3A_1655, %mul3A_1656 : i32
      %get3A_1658 = arith.index_cast %mul3A_1657 : i32 to index
      %get3A_1659 = tpu.vector_load %arg4[%get3A_1658] {strides = array<i32>} : memref<62528xf32, #tpu.memory_space<vmem>>, vector<16xf32>,
      %bitcast_convert_type3A_1660 = tpu.bitcast %get3A_1659 : vector<16xf32> -> vector<16xi32>
      %shift_right_logical3A_1661 = arith.constant 20 : i32
      %shift_right_logical3A_1662 = vector.broadcast %shift_right_logical3A_1661 : i32 to vector<16xi32>
      %shift_right_logical3A_1663 = arith.shrui %bitcast_convert_type3A_1660, %shift_right_logical3A_1662 : vector<16xi32>
      %and3A_1664 = arith.constant 4080 : i32
      %and3A_1665 = vector.broadcast %and3A_1664 : i32 to vector<16xi32>
      %and3A_1666 = arith.andi %shift_right_logical3A_1663, %and3A_1665 : vector<16xi32>
      %or3A_1667 = arith.ori %and3A_1666, %or3A_25 : vector<16xi32>
      tpu.vector_store_idx %arg5[%or3A_1667], %broadcast_in_dim3A_0 {add = true} : memref<45056xi32, #tpu.memory_space<vmem>>[vector<16xi32>], vector<16xi32>,
      %add3A_1668 = arith.constant 8 : i32
      %add3A_1669 = arith.addi %add3A_1555, %add3A_1668 : i32
      %mul3A_1670 = arith.constant 16 : i32
      %mul3A_1671 = arith.muli %add3A_1669, %mul3A_1670 : i32
      %get3A_1672 = arith.index_cast %mul3A_1671 : i32 to index
      %get3A_1673 = tpu.vector_load %arg4[%get3A_1672] {strides = array<i32>} : memref<62528xf32, #tpu.memory_space<vmem>>, vector<16xf32>,
      %bitcast_convert_type3A_1674 = tpu.bitcast %get3A_1673 : vector<16xf32> -> vector<16xi32>
      %shift_right_logical3A_1675 = arith.constant 20 : i32
      %shift_right_logical3A_1676 = vector.broadcast %shift_right_logical3A_1675 : i32 to vector<16xi32>
      %shift_right_logical3A_1677 = arith.shrui %bitcast_convert_type3A_1674, %shift_right_logical3A_1676 : vector<16xi32>
      %and3A_1678 = arith.constant 4080 : i32
      %and3A_1679 = vector.broadcast %and3A_1678 : i32 to vector<16xi32>
      %and3A_1680 = arith.andi %shift_right_logical3A_1677, %and3A_1679 : vector<16xi32>
      %or3A_1681 = arith.ori %and3A_1680, %or3A_28 : vector<16xi32>
      tpu.vector_store_idx %arg5[%or3A_1681], %broadcast_in_dim3A_0 {add = true} : memref<45056xi32, #tpu.memory_space<vmem>>[vector<16xi32>], vector<16xi32>,
      %add3A_1682 = arith.constant 9 : i32
      %add3A_1683 = arith.addi %add3A_1555, %add3A_1682 : i32
      %mul3A_1684 = arith.constant 16 : i32
      %mul3A_1685 = arith.muli %add3A_1683, %mul3A_1684 : i32
      %get3A_1686 = arith.index_cast %mul3A_1685 : i32 to index
      %get3A_1687 = tpu.vector_load %arg4[%get3A_1686] {strides = array<i32>} : memref<62528xf32, #tpu.memory_space<vmem>>, vector<16xf32>,
      %bitcast_convert_type3A_1688 = tpu.bitcast %get3A_1687 : vector<16xf32> -> vector<16xi32>
      %shift_right_logical3A_1689 = arith.constant 20 : i32
      %shift_right_logical3A_1690 = vector.broadcast %shift_right_logical3A_1689 : i32 to vector<16xi32>
      %shift_right_logical3A_1691 = arith.shrui %bitcast_convert_type3A_1688, %shift_right_logical3A_1690 : vector<16xi32>
      %and3A_1692 = arith.constant 4080 : i32
      %and3A_1693 = vector.broadcast %and3A_1692 : i32 to vector<16xi32>
      %and3A_1694 = arith.andi %shift_right_logical3A_1691, %and3A_1693 : vector<16xi32>
      %or3A_1695 = arith.ori %and3A_1694, %or3A_31 : vector<16xi32>
      tpu.vector_store_idx %arg5[%or3A_1695], %broadcast_in_dim3A_0 {add = true} : memref<45056xi32, #tpu.memory_space<vmem>>[vector<16xi32>], vector<16xi32>,
      %add3A_1696 = arith.constant 10 : i32
      %add3A_1697 = arith.addi %add3A_1555, %add3A_1696 : i32
      %mul3A_1698 = arith.constant 16 : i32
      %mul3A_1699 = arith.muli %add3A_1697, %mul3A_1698 : i32
      %get3A_1700 = arith.index_cast %mul3A_1699 : i32 to index
      %get3A_1701 = tpu.vector_load %arg4[%get3A_1700] {strides = array<i32>} : memref<62528xf32, #tpu.memory_space<vmem>>, vector<16xf32>,
      %bitcast_convert_type3A_1702 = tpu.bitcast %get3A_1701 : vector<16xf32> -> vector<16xi32>
      %shift_right_logical3A_1703 = arith.constant 20 : i32
      %shift_right_logical3A_1704 = vector.broadcast %shift_right_logical3A_1703 : i32 to vector<16xi32>
      %shift_right_logical3A_1705 = arith.shrui %bitcast_convert_type3A_1702, %shift_right_logical3A_1704 : vector<16xi32>
      %and3A_1706 = arith.constant 4080 : i32
      %and3A_1707 = vector.broadcast %and3A_1706 : i32 to vector<16xi32>
      %and3A_1708 = arith.andi %shift_right_logical3A_1705, %and3A_1707 : vector<16xi32>
      %or3A_1709 = arith.ori %and3A_1708, %or3A_34 : vector<16xi32>
      tpu.vector_store_idx %arg5[%or3A_1709], %broadcast_in_dim3A_0 {add = true} : memref<45056xi32, #tpu.memory_space<vmem>>[vector<16xi32>], vector<16xi32>,
      %while3A_1710 = arith.constant 0 : i32
      scf.yield %while3A_1710 : i32
    }
    %while3A_59 = arith.constant 1 : i32
    %while3A_60 = scf.for %while3A_1551 = %while3A_56 to %while3A_52 step %while3A_59 iter_args(%while3A_1552 = %while3A_58) -> (i32)  : i32 {
      %mul3A_1553 = arith.constant 11 : i32
      %mul3A_1554 = arith.muli %while3A_1551, %mul3A_1553 : i32
      %add3A_1555 = arith.addi %select_n3A_41, %mul3A_1554 : i32
      %add3A_1556 = arith.constant 0 : i32
      %add3A_1557 = arith.addi %add3A_1555, %add3A_1556 : i32
      %mul3A_1558 = arith.constant 16 : i32
      %mul3A_1559 = arith.muli %add3A_1557, %mul3A_1558 : i32
      %get3A_1560 = arith.index_cast %mul3A_1559 : i32 to index
      %get3A_1561 = tpu.vector_load %arg4[%get3A_1560] {strides = array<i32>} : memref<62528xf32, #tpu.memory_space<vmem>>, vector<16xf32>,
      %bitcast_convert_type3A_1562 = tpu.bitcast %get3A_1561 : vector<16xf32> -> vector<16xi32>
      %shift_right_logical3A_1563 = arith.constant 20 : i32
      %shift_right_logical3A_1564 = vector.broadcast %shift_right_logical3A_1563 : i32 to vector<16xi32>
      %shift_right_logical3A_1565 = arith.shrui %bitcast_convert_type3A_1562, %shift_right_logical3A_1564 : vector<16xi32>
      %and3A_1566 = arith.constant 4080 : i32
      %and3A_1567 = vector.broadcast %and3A_1566 : i32 to vector<16xi32>
      %and3A_1568 = arith.andi %shift_right_logical3A_1565, %and3A_1567 : vector<16xi32>
      %or3A_1569 = arith.ori %and3A_1568, %or3A_4 : vector<16xi32>
      tpu.vector_store_idx %arg5[%or3A_1569], %broadcast_in_dim3A_0 {add = true} : memref<45056xi32, #tpu.memory_space<vmem>>[vector<16xi32>], vector<16xi32>,
      %add3A_1570 = arith.constant 1 : i32
      %add3A_1571 = arith.addi %add3A_1555, %add3A_1570 : i32
      %mul3A_1572 = arith.constant 16 : i32
      %mul3A_1573 = arith.muli %add3A_1571, %mul3A_1572 : i32
      %get3A_1574 = arith.index_cast %mul3A_1573 : i32 to index
      %get3A_1575 = tpu.vector_load %arg4[%get3A_1574] {strides = array<i32>} : memref<62528xf32, #tpu.memory_space<vmem>>, vector<16xf32>,
      %bitcast_convert_type3A_1576 = tpu.bitcast %get3A_1575 : vector<16xf32> -> vector<16xi32>
      %shift_right_logical3A_1577 = arith.constant 20 : i32
      %shift_right_logical3A_1578 = vector.broadcast %shift_right_logical3A_1577 : i32 to vector<16xi32>
      %shift_right_logical3A_1579 = arith.shrui %bitcast_convert_type3A_1576, %shift_right_logical3A_1578 : vector<16xi32>
      %and3A_1580 = arith.constant 4080 : i32
      %and3A_1581 = vector.broadcast %and3A_1580 : i32 to vector<16xi32>
      %and3A_1582 = arith.andi %shift_right_logical3A_1579, %and3A_1581 : vector<16xi32>
      %or3A_1583 = arith.ori %and3A_1582, %or3A_7 : vector<16xi32>
      tpu.vector_store_idx %arg5[%or3A_1583], %broadcast_in_dim3A_0 {add = true} : memref<45056xi32, #tpu.memory_space<vmem>>[vector<16xi32>], vector<16xi32>,
      %add3A_1584 = arith.constant 2 : i32
      %add3A_1585 = arith.addi %add3A_1555, %add3A_1584 : i32
      %mul3A_1586 = arith.constant 16 : i32
      %mul3A_1587 = arith.muli %add3A_1585, %mul3A_1586 : i32
      %get3A_1588 = arith.index_cast %mul3A_1587 : i32 to index
      %get3A_1589 = tpu.vector_load %arg4[%get3A_1588] {strides = array<i32>} : memref<62528xf32, #tpu.memory_space<vmem>>, vector<16xf32>,
      %bitcast_convert_type3A_1590 = tpu.bitcast %get3A_1589 : vector<16xf32> -> vector<16xi32>
      %shift_right_logical3A_1591 = arith.constant 20 : i32
      %shift_right_logical3A_1592 = vector.broadcast %shift_right_logical3A_1591 : i32 to vector<16xi32>
      %shift_right_logical3A_1593 = arith.shrui %bitcast_convert_type3A_1590, %shift_right_logical3A_1592 : vector<16xi32>
      %and3A_1594 = arith.constant 4080 : i32
      %and3A_1595 = vector.broadcast %and3A_1594 : i32 to vector<16xi32>
      %and3A_1596 = arith.andi %shift_right_logical3A_1593, %and3A_1595 : vector<16xi32>
      %or3A_1597 = arith.ori %and3A_1596, %or3A_10 : vector<16xi32>
      tpu.vector_store_idx %arg5[%or3A_1597], %broadcast_in_dim3A_0 {add = true} : memref<45056xi32, #tpu.memory_space<vmem>>[vector<16xi32>], vector<16xi32>,
      %add3A_1598 = arith.constant 3 : i32
      %add3A_1599 = arith.addi %add3A_1555, %add3A_1598 : i32
      %mul3A_1600 = arith.constant 16 : i32
      %mul3A_1601 = arith.muli %add3A_1599, %mul3A_1600 : i32
      %get3A_1602 = arith.index_cast %mul3A_1601 : i32 to index
      %get3A_1603 = tpu.vector_load %arg4[%get3A_1602] {strides = array<i32>} : memref<62528xf32, #tpu.memory_space<vmem>>, vector<16xf32>,
      %bitcast_convert_type3A_1604 = tpu.bitcast %get3A_1603 : vector<16xf32> -> vector<16xi32>
      %shift_right_logical3A_1605 = arith.constant 20 : i32
      %shift_right_logical3A_1606 = vector.broadcast %shift_right_logical3A_1605 : i32 to vector<16xi32>
      %shift_right_logical3A_1607 = arith.shrui %bitcast_convert_type3A_1604, %shift_right_logical3A_1606 : vector<16xi32>
      %and3A_1608 = arith.constant 4080 : i32
      %and3A_1609 = vector.broadcast %and3A_1608 : i32 to vector<16xi32>
      %and3A_1610 = arith.andi %shift_right_logical3A_1607, %and3A_1609 : vector<16xi32>
      %or3A_1611 = arith.ori %and3A_1610, %or3A_13 : vector<16xi32>
      tpu.vector_store_idx %arg5[%or3A_1611], %broadcast_in_dim3A_0 {add = true} : memref<45056xi32, #tpu.memory_space<vmem>>[vector<16xi32>], vector<16xi32>,
      %add3A_1612 = arith.constant 4 : i32
      %add3A_1613 = arith.addi %add3A_1555, %add3A_1612 : i32
      %mul3A_1614 = arith.constant 16 : i32
      %mul3A_1615 = arith.muli %add3A_1613, %mul3A_1614 : i32
      %get3A_1616 = arith.index_cast %mul3A_1615 : i32 to index
      %get3A_1617 = tpu.vector_load %arg4[%get3A_1616] {strides = array<i32>} : memref<62528xf32, #tpu.memory_space<vmem>>, vector<16xf32>,
      %bitcast_convert_type3A_1618 = tpu.bitcast %get3A_1617 : vector<16xf32> -> vector<16xi32>
      %shift_right_logical3A_1619 = arith.constant 20 : i32
      %shift_right_logical3A_1620 = vector.broadcast %shift_right_logical3A_1619 : i32 to vector<16xi32>
      %shift_right_logical3A_1621 = arith.shrui %bitcast_convert_type3A_1618, %shift_right_logical3A_1620 : vector<16xi32>
      %and3A_1622 = arith.constant 4080 : i32
      %and3A_1623 = vector.broadcast %and3A_1622 : i32 to vector<16xi32>
      %and3A_1624 = arith.andi %shift_right_logical3A_1621, %and3A_1623 : vector<16xi32>
      %or3A_1625 = arith.ori %and3A_1624, %or3A_16 : vector<16xi32>
      tpu.vector_store_idx %arg5[%or3A_1625], %broadcast_in_dim3A_0 {add = true} : memref<45056xi32, #tpu.memory_space<vmem>>[vector<16xi32>], vector<16xi32>,
      %add3A_1626 = arith.constant 5 : i32
      %add3A_1627 = arith.addi %add3A_1555, %add3A_1626 : i32
      %mul3A_1628 = arith.constant 16 : i32
      %mul3A_1629 = arith.muli %add3A_1627, %mul3A_1628 : i32
      %get3A_1630 = arith.index_cast %mul3A_1629 : i32 to index
      %get3A_1631 = tpu.vector_load %arg4[%get3A_1630] {strides = array<i32>} : memref<62528xf32, #tpu.memory_space<vmem>>, vector<16xf32>,
      %bitcast_convert_type3A_1632 = tpu.bitcast %get3A_1631 : vector<16xf32> -> vector<16xi32>
      %shift_right_logical3A_1633 = arith.constant 20 : i32
      %shift_right_logical3A_1634 = vector.broadcast %shift_right_logical3A_1633 : i32 to vector<16xi32>
      %shift_right_logical3A_1635 = arith.shrui %bitcast_convert_type3A_1632, %shift_right_logical3A_1634 : vector<16xi32>
      %and3A_1636 = arith.constant 4080 : i32
      %and3A_1637 = vector.broadcast %and3A_1636 : i32 to vector<16xi32>
      %and3A_1638 = arith.andi %shift_right_logical3A_1635, %and3A_1637 : vector<16xi32>
      %or3A_1639 = arith.ori %and3A_1638, %or3A_19 : vector<16xi32>
      tpu.vector_store_idx %arg5[%or3A_1639], %broadcast_in_dim3A_0 {add = true} : memref<45056xi32, #tpu.memory_space<vmem>>[vector<16xi32>], vector<16xi32>,
      %add3A_1640 = arith.constant 6 : i32
      %add3A_1641 = arith.addi %add3A_1555, %add3A_1640 : i32
      %mul3A_1642 = arith.constant 16 : i32
      %mul3A_1643 = arith.muli %add3A_1641, %mul3A_1642 : i32
      %get3A_1644 = arith.index_cast %mul3A_1643 : i32 to index
      %get3A_1645 = tpu.vector_load %arg4[%get3A_1644] {strides = array<i32>} : memref<62528xf32, #tpu.memory_space<vmem>>, vector<16xf32>,
      %bitcast_convert_type3A_1646 = tpu.bitcast %get3A_1645 : vector<16xf32> -> vector<16xi32>
      %shift_right_logical3A_1647 = arith.constant 20 : i32
      %shift_right_logical3A_1648 = vector.broadcast %shift_right_logical3A_1647 : i32 to vector<16xi32>
      %shift_right_logical3A_1649 = arith.shrui %bitcast_convert_type3A_1646, %shift_right_logical3A_1648 : vector<16xi32>
      %and3A_1650 = arith.constant 4080 : i32
      %and3A_1651 = vector.broadcast %and3A_1650 : i32 to vector<16xi32>
      %and3A_1652 = arith.andi %shift_right_logical3A_1649, %and3A_1651 : vector<16xi32>
      %or3A_1653 = arith.ori %and3A_1652, %or3A_22 : vector<16xi32>
      tpu.vector_store_idx %arg5[%or3A_1653], %broadcast_in_dim3A_0 {add = true} : memref<45056xi32, #tpu.memory_space<vmem>>[vector<16xi32>], vector<16xi32>,
      %add3A_1654 = arith.constant 7 : i32
      %add3A_1655 = arith.addi %add3A_1555, %add3A_1654 : i32
      %mul3A_1656 = arith.constant 16 : i32
      %mul3A_1657 = arith.muli %add3A_1655, %mul3A_1656 : i32
      %get3A_1658 = arith.index_cast %mul3A_1657 : i32 to index
      %get3A_1659 = tpu.vector_load %arg4[%get3A_1658] {strides = array<i32>} : memref<62528xf32, #tpu.memory_space<vmem>>, vector<16xf32>,
      %bitcast_convert_type3A_1660 = tpu.bitcast %get3A_1659 : vector<16xf32> -> vector<16xi32>
      %shift_right_logical3A_1661 = arith.constant 20 : i32
      %shift_right_logical3A_1662 = vector.broadcast %shift_right_logical3A_1661 : i32 to vector<16xi32>
      %shift_right_logical3A_1663 = arith.shrui %bitcast_convert_type3A_1660, %shift_right_logical3A_1662 : vector<16xi32>
      %and3A_1664 = arith.constant 4080 : i32
      %and3A_1665 = vector.broadcast %and3A_1664 : i32 to vector<16xi32>
      %and3A_1666 = arith.andi %shift_right_logical3A_1663, %and3A_1665 : vector<16xi32>
      %or3A_1667 = arith.ori %and3A_1666, %or3A_25 : vector<16xi32>
      tpu.vector_store_idx %arg5[%or3A_1667], %broadcast_in_dim3A_0 {add = true} : memref<45056xi32, #tpu.memory_space<vmem>>[vector<16xi32>], vector<16xi32>,
      %add3A_1668 = arith.constant 8 : i32
      %add3A_1669 = arith.addi %add3A_1555, %add3A_1668 : i32
      %mul3A_1670 = arith.constant 16 : i32
      %mul3A_1671 = arith.muli %add3A_1669, %mul3A_1670 : i32
      %get3A_1672 = arith.index_cast %mul3A_1671 : i32 to index
      %get3A_1673 = tpu.vector_load %arg4[%get3A_1672] {strides = array<i32>} : memref<62528xf32, #tpu.memory_space<vmem>>, vector<16xf32>,
      %bitcast_convert_type3A_1674 = tpu.bitcast %get3A_1673 : vector<16xf32> -> vector<16xi32>
      %shift_right_logical3A_1675 = arith.constant 20 : i32
      %shift_right_logical3A_1676 = vector.broadcast %shift_right_logical3A_1675 : i32 to vector<16xi32>
      %shift_right_logical3A_1677 = arith.shrui %bitcast_convert_type3A_1674, %shift_right_logical3A_1676 : vector<16xi32>
      %and3A_1678 = arith.constant 4080 : i32
      %and3A_1679 = vector.broadcast %and3A_1678 : i32 to vector<16xi32>
      %and3A_1680 = arith.andi %shift_right_logical3A_1677, %and3A_1679 : vector<16xi32>
      %or3A_1681 = arith.ori %and3A_1680, %or3A_28 : vector<16xi32>
      tpu.vector_store_idx %arg5[%or3A_1681], %broadcast_in_dim3A_0 {add = true} : memref<45056xi32, #tpu.memory_space<vmem>>[vector<16xi32>], vector<16xi32>,
      %add3A_1682 = arith.constant 9 : i32
      %add3A_1683 = arith.addi %add3A_1555, %add3A_1682 : i32
      %mul3A_1684 = arith.constant 16 : i32
      %mul3A_1685 = arith.muli %add3A_1683, %mul3A_1684 : i32
      %get3A_1686 = arith.index_cast %mul3A_1685 : i32 to index
      %get3A_1687 = tpu.vector_load %arg4[%get3A_1686] {strides = array<i32>} : memref<62528xf32, #tpu.memory_space<vmem>>, vector<16xf32>,
      %bitcast_convert_type3A_1688 = tpu.bitcast %get3A_1687 : vector<16xf32> -> vector<16xi32>
      %shift_right_logical3A_1689 = arith.constant 20 : i32
      %shift_right_logical3A_1690 = vector.broadcast %shift_right_logical3A_1689 : i32 to vector<16xi32>
      %shift_right_logical3A_1691 = arith.shrui %bitcast_convert_type3A_1688, %shift_right_logical3A_1690 : vector<16xi32>
      %and3A_1692 = arith.constant 4080 : i32
      %and3A_1693 = vector.broadcast %and3A_1692 : i32 to vector<16xi32>
      %and3A_1694 = arith.andi %shift_right_logical3A_1691, %and3A_1693 : vector<16xi32>
      %or3A_1695 = arith.ori %and3A_1694, %or3A_31 : vector<16xi32>
      tpu.vector_store_idx %arg5[%or3A_1695], %broadcast_in_dim3A_0 {add = true} : memref<45056xi32, #tpu.memory_space<vmem>>[vector<16xi32>], vector<16xi32>,
      %add3A_1696 = arith.constant 10 : i32
      %add3A_1697 = arith.addi %add3A_1555, %add3A_1696 : i32
      %mul3A_1698 = arith.constant 16 : i32
      %mul3A_1699 = arith.muli %add3A_1697, %mul3A_1698 : i32
      %get3A_1700 = arith.index_cast %mul3A_1699 : i32 to index
      %get3A_1701 = tpu.vector_load %arg4[%get3A_1700] {strides = array<i32>} : memref<62528xf32, #tpu.memory_space<vmem>>, vector<16xf32>,
      %bitcast_convert_type3A_1702 = tpu.bitcast %get3A_1701 : vector<16xf32> -> vector<16xi32>
      %shift_right_logical3A_1703 = arith.constant 20 : i32
      %shift_right_logical3A_1704 = vector.broadcast %shift_right_logical3A_1703 : i32 to vector<16xi32>
      %shift_right_logical3A_1705 = arith.shrui %bitcast_convert_type3A_1702, %shift_right_logical3A_1704 : vector<16xi32>
      %and3A_1706 = arith.constant 4080 : i32
      %and3A_1707 = vector.broadcast %and3A_1706 : i32 to vector<16xi32>
      %and3A_1708 = arith.andi %shift_right_logical3A_1705, %and3A_1707 : vector<16xi32>
      %or3A_1709 = arith.ori %and3A_1708, %or3A_34 : vector<16xi32>
      tpu.vector_store_idx %arg5[%or3A_1709], %broadcast_in_dim3A_0 {add = true} : memref<45056xi32, #tpu.memory_space<vmem>>[vector<16xi32>], vector<16xi32>,
      %while3A_1710 = arith.constant 0 : i32
      scf.yield %while3A_1710 : i32
    }
    %mul3A_61 = arith.constant 11 : i32
    %mul3A_62 = arith.muli %div3A_49, %mul3A_61 : i32
    %add3A = arith.addi %select_n3A_41, %mul3A_62 : i32
    %add3A_63 = arith.addi %select_n3A_41, %sub3A_42 : i32
    %while3A_64 = arith.constant 0 : i32
    %while3A_65 = arith.subi %add3A_63, %add3A : i32
    %while3A_66 = arith.addi %add3A, %while3A_65 : i32
    %while3A_67 = arith.constant 1 : i32
    %while3A_68 = arith.divsi %while3A_65, %while3A_67 : i32
    %while3A_69 = arith.muli %while3A_68, %while3A_67 : i32
    %while3A_70 = arith.addi %add3A, %while3A_69 : i32
    %while3A_71 = arith.constant 1 : i32
    %while3A_72 = scf.for %while3A_1551 = %add3A to %while3A_70 step %while3A_71 iter_args(%while3A_1552 = %while3A_64) -> (i32)  : i32 {
      %mul3A_1553 = arith.constant 16 : i32
      %mul3A_1554 = arith.muli %while3A_1551, %mul3A_1553 : i32
      %get3A_1555 = arith.index_cast %mul3A_1554 : i32 to index
      %get3A_1556 = tpu.vector_load %arg4[%get3A_1555] {strides = array<i32>} : memref<62528xf32, #tpu.memory_space<vmem>>, vector<16xf32>,
      %bitcast_convert_type3A_1557 = tpu.bitcast %get3A_1556 : vector<16xf32> -> vector<16xi32>
      %shift_right_logical3A_1558 = arith.constant 20 : i32
      %shift_right_logical3A_1559 = vector.broadcast %shift_right_logical3A_1558 : i32 to vector<16xi32>
      %shift_right_logical3A_1560 = arith.shrui %bitcast_convert_type3A_1557, %shift_right_logical3A_1559 : vector<16xi32>
      %and3A_1561 = arith.constant 4080 : i32
      %and3A_1562 = vector.broadcast %and3A_1561 : i32 to vector<16xi32>
      %and3A_1563 = arith.andi %shift_right_logical3A_1560, %and3A_1562 : vector<16xi32>
      %or3A_1564 = arith.ori %and3A_1563, %or3A_4 : vector<16xi32>
      tpu.vector_store_idx %arg5[%or3A_1564], %broadcast_in_dim3A_0 {add = true} : memref<45056xi32, #tpu.memory_space<vmem>>[vector<16xi32>], vector<16xi32>,
      %while3A_1565 = arith.constant 0 : i32
      scf.yield %while3A_1565 : i32
    }
    %while3A_73 = arith.constant 1 : i32
    %while3A_74 = scf.for %while3A_1551 = %while3A_70 to %while3A_66 step %while3A_73 iter_args(%while3A_1552 = %while3A_72) -> (i32)  : i32 {
      %mul3A_1553 = arith.constant 16 : i32
      %mul3A_1554 = arith.muli %while3A_1551, %mul3A_1553 : i32
      %get3A_1555 = arith.index_cast %mul3A_1554 : i32 to index
      %get3A_1556 = tpu.vector_load %arg4[%get3A_1555] {strides = array<i32>} : memref<62528xf32, #tpu.memory_space<vmem>>, vector<16xf32>,
      %bitcast_convert_type3A_1557 = tpu.bitcast %get3A_1556 : vector<16xf32> -> vector<16xi32>
      %shift_right_logical3A_1558 = arith.constant 20 : i32
      %shift_right_logical3A_1559 = vector.broadcast %shift_right_logical3A_1558 : i32 to vector<16xi32>
      %shift_right_logical3A_1560 = arith.shrui %bitcast_convert_type3A_1557, %shift_right_logical3A_1559 : vector<16xi32>
      %and3A_1561 = arith.constant 4080 : i32
      %and3A_1562 = vector.broadcast %and3A_1561 : i32 to vector<16xi32>
      %and3A_1563 = arith.andi %shift_right_logical3A_1560, %and3A_1562 : vector<16xi32>
      %or3A_1564 = arith.ori %and3A_1563, %or3A_4 : vector<16xi32>
      tpu.vector_store_idx %arg5[%or3A_1564], %broadcast_in_dim3A_0 {add = true} : memref<45056xi32, #tpu.memory_space<vmem>>[vector<16xi32>], vector<16xi32>,
      %while3A_1565 = arith.constant 0 : i32
      scf.yield %while3A_1565 : i32
    }
    %scan3A_75 = arith.constant 0 : i32
    %scan3A_76 = arith.constant 0 : i32
    %scan3A_77 = arith.constant 64 : i32
    %scan3A_78 = arith.addi %scan3A_76, %scan3A_77 : i32
    %scan3A_79 = arith.constant 1 : i32
    %scan3A_80 = scf.for %scan3A_1551 = %scan3A_76 to %scan3A_78 step %scan3A_79 iter_args(%scan3A_1552 = %scan3A_75) -> (i32)  : i32 {
      %mul3A_1553 = arith.constant 4 : i32
      %mul3A_1554 = arith.muli %scan3A_1551, %mul3A_1553 : i32
      %add3A_1555 = arith.constant 0 : i32
      %add3A_1556 = arith.addi %mul3A_1554, %add3A_1555 : i32
      %mul3A_1557 = arith.constant 16 : i32
      %mul3A_1558 = arith.muli %add3A_1556, %mul3A_1557 : i32
      %get3A_1559 = arith.index_cast %mul3A_1558 : i32 to index
      %get3A_1560 = tpu.vector_load %arg5[%get3A_1559] {strides = array<i32>} : memref<45056xi32, #tpu.memory_space<vmem>>, vector<16xi32>,
      %mul3A_1561 = arith.constant 16 : i32
      %mul3A_1562 = arith.muli %add3A_1556, %mul3A_1561 : i32
      %add3A_1563 = arith.constant 4096 : i32
      %add3A_1564 = arith.addi %add3A_1563, %mul3A_1562 : i32
      %get3A_1565 = arith.index_cast %add3A_1564 : i32 to index
      %get3A_1566 = tpu.vector_load %arg5[%get3A_1565] {strides = array<i32>} : memref<45056xi32, #tpu.memory_space<vmem>>, vector<16xi32>,
      %add3A_1567 = arith.addi %get3A_1560, %get3A_1566 : vector<16xi32>
      %mul3A_1568 = arith.constant 16 : i32
      %mul3A_1569 = arith.muli %add3A_1556, %mul3A_1568 : i32
      %add3A_1570 = arith.constant 8192 : i32
      %add3A_1571 = arith.addi %add3A_1570, %mul3A_1569 : i32
      %get3A_1572 = arith.index_cast %add3A_1571 : i32 to index
      %get3A_1573 = tpu.vector_load %arg5[%get3A_1572] {strides = array<i32>} : memref<45056xi32, #tpu.memory_space<vmem>>, vector<16xi32>,
      %add3A_1574 = arith.addi %add3A_1567, %get3A_1573 : vector<16xi32>
      %mul3A_1575 = arith.constant 16 : i32
      %mul3A_1576 = arith.muli %add3A_1556, %mul3A_1575 : i32
      %add3A_1577 = arith.constant 12288 : i32
      %add3A_1578 = arith.addi %add3A_1577, %mul3A_1576 : i32
      %get3A_1579 = arith.index_cast %add3A_1578 : i32 to index
      %get3A_1580 = tpu.vector_load %arg5[%get3A_1579] {strides = array<i32>} : memref<45056xi32, #tpu.memory_space<vmem>>, vector<16xi32>,
      %add3A_1581 = arith.addi %add3A_1574, %get3A_1580 : vector<16xi32>
      %mul3A_1582 = arith.constant 16 : i32
      %mul3A_1583 = arith.muli %add3A_1556, %mul3A_1582 : i32
      %add3A_1584 = arith.constant 16384 : i32
      %add3A_1585 = arith.addi %add3A_1584, %mul3A_1583 : i32
      %get3A_1586 = arith.index_cast %add3A_1585 : i32 to index
      %get3A_1587 = tpu.vector_load %arg5[%get3A_1586] {strides = array<i32>} : memref<45056xi32, #tpu.memory_space<vmem>>, vector<16xi32>,
      %add3A_1588 = arith.addi %add3A_1581, %get3A_1587 : vector<16xi32>
      %mul3A_1589 = arith.constant 16 : i32
      %mul3A_1590 = arith.muli %add3A_1556, %mul3A_1589 : i32
      %add3A_1591 = arith.constant 20480 : i32
      %add3A_1592 = arith.addi %add3A_1591, %mul3A_1590 : i32
      %get3A_1593 = arith.index_cast %add3A_1592 : i32 to index
      %get3A_1594 = tpu.vector_load %arg5[%get3A_1593] {strides = array<i32>} : memref<45056xi32, #tpu.memory_space<vmem>>, vector<16xi32>,
      %add3A_1595 = arith.addi %add3A_1588, %get3A_1594 : vector<16xi32>
      %mul3A_1596 = arith.constant 16 : i32
      %mul3A_1597 = arith.muli %add3A_1556, %mul3A_1596 : i32
      %add3A_1598 = arith.constant 24576 : i32
      %add3A_1599 = arith.addi %add3A_1598, %mul3A_1597 : i32
      %get3A_1600 = arith.index_cast %add3A_1599 : i32 to index
      %get3A_1601 = tpu.vector_load %arg5[%get3A_1600] {strides = array<i32>} : memref<45056xi32, #tpu.memory_space<vmem>>, vector<16xi32>,
      %add3A_1602 = arith.addi %add3A_1595, %get3A_1601 : vector<16xi32>
      %mul3A_1603 = arith.constant 16 : i32
      %mul3A_1604 = arith.muli %add3A_1556, %mul3A_1603 : i32
      %add3A_1605 = arith.constant 28672 : i32
      %add3A_1606 = arith.addi %add3A_1605, %mul3A_1604 : i32
      %get3A_1607 = arith.index_cast %add3A_1606 : i32 to index
      %get3A_1608 = tpu.vector_load %arg5[%get3A_1607] {strides = array<i32>} : memref<45056xi32, #tpu.memory_space<vmem>>, vector<16xi32>,
      %add3A_1609 = arith.addi %add3A_1602, %get3A_1608 : vector<16xi32>
      %mul3A_1610 = arith.constant 16 : i32
      %mul3A_1611 = arith.muli %add3A_1556, %mul3A_1610 : i32
      %add3A_1612 = arith.constant 32768 : i32
      %add3A_1613 = arith.addi %add3A_1612, %mul3A_1611 : i32
      %get3A_1614 = arith.index_cast %add3A_1613 : i32 to index
      %get3A_1615 = tpu.vector_load %arg5[%get3A_1614] {strides = array<i32>} : memref<45056xi32, #tpu.memory_space<vmem>>, vector<16xi32>,
      %add3A_1616 = arith.addi %add3A_1609, %get3A_1615 : vector<16xi32>
      %mul3A_1617 = arith.constant 16 : i32
      %mul3A_1618 = arith.muli %add3A_1556, %mul3A_1617 : i32
      %add3A_1619 = arith.constant 36864 : i32
      %add3A_1620 = arith.addi %add3A_1619, %mul3A_1618 : i32
      %get3A_1621 = arith.index_cast %add3A_1620 : i32 to index
      %get3A_1622 = tpu.vector_load %arg5[%get3A_1621] {strides = array<i32>} : memref<45056xi32, #tpu.memory_space<vmem>>, vector<16xi32>,
      %add3A_1623 = arith.addi %add3A_1616, %get3A_1622 : vector<16xi32>
      %mul3A_1624 = arith.constant 16 : i32
      %mul3A_1625 = arith.muli %add3A_1556, %mul3A_1624 : i32
      %add3A_1626 = arith.constant 40960 : i32
      %add3A_1627 = arith.addi %add3A_1626, %mul3A_1625 : i32
      %get3A_1628 = arith.index_cast %add3A_1627 : i32 to index
      %get3A_1629 = tpu.vector_load %arg5[%get3A_1628] {strides = array<i32>} : memref<45056xi32, #tpu.memory_space<vmem>>, vector<16xi32>,
      %add3A_1630 = arith.addi %add3A_1623, %get3A_1629 : vector<16xi32>
      %mul3A_1631 = arith.constant 16 : i32
      %mul3A_1632 = arith.muli %add3A_1556, %mul3A_1631 : i32
      %swap3A_1633 = arith.index_cast %mul3A_1632 : i32 to index
      %swap3A_1634 = tpu.vector_load %arg5[%swap3A_1633] {strides = array<i32>} : memref<45056xi32, #tpu.memory_space<vmem>>, vector<16xi32>,
      tpu.vector_store %arg5[%swap3A_1633], %add3A_1630 {strides = array<i32>} : memref<45056xi32, #tpu.memory_space<vmem>>, vector<16xi32>,
      %mul3A_1635 = arith.constant 4 : i32
      %mul3A_1636 = arith.muli %scan3A_1551, %mul3A_1635 : i32
      %add3A_1637 = arith.constant 1 : i32
      %add3A_1638 = arith.addi %mul3A_1636, %add3A_1637 : i32
      %mul3A_1639 = arith.constant 16 : i32
      %mul3A_1640 = arith.muli %add3A_1638, %mul3A_1639 : i32
      %get3A_1641 = arith.index_cast %mul3A_1640 : i32 to index
      %get3A_1642 = tpu.vector_load %arg5[%get3A_1641] {strides = array<i32>} : memref<45056xi32, #tpu.memory_space<vmem>>, vector<16xi32>,
      %mul3A_1643 = arith.constant 16 : i32
      %mul3A_1644 = arith.muli %add3A_1638, %mul3A_1643 : i32
      %add3A_1645 = arith.constant 4096 : i32
      %add3A_1646 = arith.addi %add3A_1645, %mul3A_1644 : i32
      %get3A_1647 = arith.index_cast %add3A_1646 : i32 to index
      %get3A_1648 = tpu.vector_load %arg5[%get3A_1647] {strides = array<i32>} : memref<45056xi32, #tpu.memory_space<vmem>>, vector<16xi32>,
      %add3A_1649 = arith.addi %get3A_1642, %get3A_1648 : vector<16xi32>
      %mul3A_1650 = arith.constant 16 : i32
      %mul3A_1651 = arith.muli %add3A_1638, %mul3A_1650 : i32
      %add3A_1652 = arith.constant 8192 : i32
      %add3A_1653 = arith.addi %add3A_1652, %mul3A_1651 : i32
      %get3A_1654 = arith.index_cast %add3A_1653 : i32 to index
      %get3A_1655 = tpu.vector_load %arg5[%get3A_1654] {strides = array<i32>} : memref<45056xi32, #tpu.memory_space<vmem>>, vector<16xi32>,
      %add3A_1656 = arith.addi %add3A_1649, %get3A_1655 : vector<16xi32>
      %mul3A_1657 = arith.constant 16 : i32
      %mul3A_1658 = arith.muli %add3A_1638, %mul3A_1657 : i32
      %add3A_1659 = arith.constant 12288 : i32
      %add3A_1660 = arith.addi %add3A_1659, %mul3A_1658 : i32
      %get3A_1661 = arith.index_cast %add3A_1660 : i32 to index
      %get3A_1662 = tpu.vector_load %arg5[%get3A_1661] {strides = array<i32>} : memref<45056xi32, #tpu.memory_space<vmem>>, vector<16xi32>,
      %add3A_1663 = arith.addi %add3A_1656, %get3A_1662 : vector<16xi32>
      %mul3A_1664 = arith.constant 16 : i32
      %mul3A_1665 = arith.muli %add3A_1638, %mul3A_1664 : i32
      %add3A_1666 = arith.constant 16384 : i32
      %add3A_1667 = arith.addi %add3A_1666, %mul3A_1665 : i32
      %get3A_1668 = arith.index_cast %add3A_1667 : i32 to index
      %get3A_1669 = tpu.vector_load %arg5[%get3A_1668] {strides = array<i32>} : memref<45056xi32, #tpu.memory_space<vmem>>, vector<16xi32>,
      %add3A_1670 = arith.addi %add3A_1663, %get3A_1669 : vector<16xi32>
      %mul3A_1671 = arith.constant 16 : i32
      %mul3A_1672 = arith.muli %add3A_1638, %mul3A_1671 : i32
      %add3A_1673 = arith.constant 20480 : i32
      %add3A_1674 = arith.addi %add3A_1673, %mul3A_1672 : i32
      %get3A_1675 = arith.index_cast %add3A_1674 : i32 to index
      %get3A_1676 = tpu.vector_load %arg5[%get3A_1675] {strides = array<i32>} : memref<45056xi32, #tpu.memory_space<vmem>>, vector<16xi32>,
      %add3A_1677 = arith.addi %add3A_1670, %get3A_1676 : vector<16xi32>
      %mul3A_1678 = arith.constant 16 : i32
      %mul3A_1679 = arith.muli %add3A_1638, %mul3A_1678 : i32
      %add3A_1680 = arith.constant 24576 : i32
      %add3A_1681 = arith.addi %add3A_1680, %mul3A_1679 : i32
      %get3A_1682 = arith.index_cast %add3A_1681 : i32 to index
      %get3A_1683 = tpu.vector_load %arg5[%get3A_1682] {strides = array<i32>} : memref<45056xi32, #tpu.memory_space<vmem>>, vector<16xi32>,
      %add3A_1684 = arith.addi %add3A_1677, %get3A_1683 : vector<16xi32>
      %mul3A_1685 = arith.constant 16 : i32
      %mul3A_1686 = arith.muli %add3A_1638, %mul3A_1685 : i32
      %add3A_1687 = arith.constant 28672 : i32
      %add3A_1688 = arith.addi %add3A_1687, %mul3A_1686 : i32
      %get3A_1689 = arith.index_cast %add3A_1688 : i32 to index
      %get3A_1690 = tpu.vector_load %arg5[%get3A_1689] {strides = array<i32>} : memref<45056xi32, #tpu.memory_space<vmem>>, vector<16xi32>,
      %add3A_1691 = arith.addi %add3A_1684, %get3A_1690 : vector<16xi32>
      %mul3A_1692 = arith.constant 16 : i32
      %mul3A_1693 = arith.muli %add3A_1638, %mul3A_1692 : i32
      %add3A_1694 = arith.constant 32768 : i32
      %add3A_1695 = arith.addi %add3A_1694, %mul3A_1693 : i32
      %get3A_1696 = arith.index_cast %add3A_1695 : i32 to index
      %get3A_1697 = tpu.vector_load %arg5[%get3A_1696] {strides = array<i32>} : memref<45056xi32, #tpu.memory_space<vmem>>, vector<16xi32>,
      %add3A_1698 = arith.addi %add3A_1691, %get3A_1697 : vector<16xi32>
      %mul3A_1699 = arith.constant 16 : i32
      %mul3A_1700 = arith.muli %add3A_1638, %mul3A_1699 : i32
      %add3A_1701 = arith.constant 36864 : i32
      %add3A_1702 = arith.addi %add3A_1701, %mul3A_1700 : i32
      %get3A_1703 = arith.index_cast %add3A_1702 : i32 to index
      %get3A_1704 = tpu.vector_load %arg5[%get3A_1703] {strides = array<i32>} : memref<45056xi32, #tpu.memory_space<vmem>>, vector<16xi32>,
      %add3A_1705 = arith.addi %add3A_1698, %get3A_1704 : vector<16xi32>
      %mul3A_1706 = arith.constant 16 : i32
      %mul3A_1707 = arith.muli %add3A_1638, %mul3A_1706 : i32
      %add3A_1708 = arith.constant 40960 : i32
      %add3A_1709 = arith.addi %add3A_1708, %mul3A_1707 : i32
      %get3A_1710 = arith.index_cast %add3A_1709 : i32 to index
      %get3A_1711 = tpu.vector_load %arg5[%get3A_1710] {strides = array<i32>} : memref<45056xi32, #tpu.memory_space<vmem>>, vector<16xi32>,
      %add3A_1712 = arith.addi %add3A_1705, %get3A_1711 : vector<16xi32>
      %mul3A_1713 = arith.constant 16 : i32
      %mul3A_1714 = arith.muli %add3A_1638, %mul3A_1713 : i32
      %swap3A_1715 = arith.index_cast %mul3A_1714 : i32 to index
      %swap3A_1716 = tpu.vector_load %arg5[%swap3A_1715] {strides = array<i32>} : memref<45056xi32, #tpu.memory_space<vmem>>, vector<16xi32>,
      tpu.vector_store %arg5[%swap3A_1715], %add3A_1712 {strides = array<i32>} : memref<45056xi32, #tpu.memory_space<vmem>>, vector<16xi32>,
      %mul3A_1717 = arith.constant 4 : i32
      %mul3A_1718 = arith.muli %scan3A_1551, %mul3A_1717 : i32
      %add3A_1719 = arith.constant 2 : i32
      %add3A_1720 = arith.addi %mul3A_1718, %add3A_1719 : i32
      %mul3A_1721 = arith.constant 16 : i32
      %mul3A_1722 = arith.muli %add3A_1720, %mul3A_1721 : i32
      %get3A_1723 = arith.index_cast %mul3A_1722 : i32 to index
      %get3A_1724 = tpu.vector_load %arg5[%get3A_1723] {strides = array<i32>} : memref<45056xi32, #tpu.memory_space<vmem>>, vector<16xi32>,
      %mul3A_1725 = arith.constant 16 : i32
      %mul3A_1726 = arith.muli %add3A_1720, %mul3A_1725 : i32
      %add3A_1727 = arith.constant 4096 : i32
      %add3A_1728 = arith.addi %add3A_1727, %mul3A_1726 : i32
      %get3A_1729 = arith.index_cast %add3A_1728 : i32 to index
      %get3A_1730 = tpu.vector_load %arg5[%get3A_1729] {strides = array<i32>} : memref<45056xi32, #tpu.memory_space<vmem>>, vector<16xi32>,
      %add3A_1731 = arith.addi %get3A_1724, %get3A_1730 : vector<16xi32>
      %mul3A_1732 = arith.constant 16 : i32
      %mul3A_1733 = arith.muli %add3A_1720, %mul3A_1732 : i32
      %add3A_1734 = arith.constant 8192 : i32
      %add3A_1735 = arith.addi %add3A_1734, %mul3A_1733 : i32
      %get3A_1736 = arith.index_cast %add3A_1735 : i32 to index
      %get3A_1737 = tpu.vector_load %arg5[%get3A_1736] {strides = array<i32>} : memref<45056xi32, #tpu.memory_space<vmem>>, vector<16xi32>,
      %add3A_1738 = arith.addi %add3A_1731, %get3A_1737 : vector<16xi32>
      %mul3A_1739 = arith.constant 16 : i32
      %mul3A_1740 = arith.muli %add3A_1720, %mul3A_1739 : i32
      %add3A_1741 = arith.constant 12288 : i32
      %add3A_1742 = arith.addi %add3A_1741, %mul3A_1740 : i32
      %get3A_1743 = arith.index_cast %add3A_1742 : i32 to index
      %get3A_1744 = tpu.vector_load %arg5[%get3A_1743] {strides = array<i32>} : memref<45056xi32, #tpu.memory_space<vmem>>, vector<16xi32>,
      %add3A_1745 = arith.addi %add3A_1738, %get3A_1744 : vector<16xi32>
      %mul3A_1746 = arith.constant 16 : i32
      %mul3A_1747 = arith.muli %add3A_1720, %mul3A_1746 : i32
      %add3A_1748 = arith.constant 16384 : i32
      %add3A_1749 = arith.addi %add3A_1748, %mul3A_1747 : i32
      %get3A_1750 = arith.index_cast %add3A_1749 : i32 to index
      %get3A_1751 = tpu.vector_load %arg5[%get3A_1750] {strides = array<i32>} : memref<45056xi32, #tpu.memory_space<vmem>>, vector<16xi32>,
      %add3A_1752 = arith.addi %add3A_1745, %get3A_1751 : vector<16xi32>
      %mul3A_1753 = arith.constant 16 : i32
      %mul3A_1754 = arith.muli %add3A_1720, %mul3A_1753 : i32
      %add3A_1755 = arith.constant 20480 : i32
      %add3A_1756 = arith.addi %add3A_1755, %mul3A_1754 : i32
      %get3A_1757 = arith.index_cast %add3A_1756 : i32 to index
      %get3A_1758 = tpu.vector_load %arg5[%get3A_1757] {strides = array<i32>} : memref<45056xi32, #tpu.memory_space<vmem>>, vector<16xi32>,
      %add3A_1759 = arith.addi %add3A_1752, %get3A_1758 : vector<16xi32>
      %mul3A_1760 = arith.constant 16 : i32
      %mul3A_1761 = arith.muli %add3A_1720, %mul3A_1760 : i32
      %add3A_1762 = arith.constant 24576 : i32
      %add3A_1763 = arith.addi %add3A_1762, %mul3A_1761 : i32
      %get3A_1764 = arith.index_cast %add3A_1763 : i32 to index
      %get3A_1765 = tpu.vector_load %arg5[%get3A_1764] {strides = array<i32>} : memref<45056xi32, #tpu.memory_space<vmem>>, vector<16xi32>,
      %add3A_1766 = arith.addi %add3A_1759, %get3A_1765 : vector<16xi32>
      %mul3A_1767 = arith.constant 16 : i32
      %mul3A_1768 = arith.muli %add3A_1720, %mul3A_1767 : i32
      %add3A_1769 = arith.constant 28672 : i32
      %add3A_1770 = arith.addi %add3A_1769, %mul3A_1768 : i32
      %get3A_1771 = arith.index_cast %add3A_1770 : i32 to index
      %get3A_1772 = tpu.vector_load %arg5[%get3A_1771] {strides = array<i32>} : memref<45056xi32, #tpu.memory_space<vmem>>, vector<16xi32>,
      %add3A_1773 = arith.addi %add3A_1766, %get3A_1772 : vector<16xi32>
      %mul3A_1774 = arith.constant 16 : i32
      %mul3A_1775 = arith.muli %add3A_1720, %mul3A_1774 : i32
      %add3A_1776 = arith.constant 32768 : i32
      %add3A_1777 = arith.addi %add3A_1776, %mul3A_1775 : i32
      %get3A_1778 = arith.index_cast %add3A_1777 : i32 to index
      %get3A_1779 = tpu.vector_load %arg5[%get3A_1778] {strides = array<i32>} : memref<45056xi32, #tpu.memory_space<vmem>>, vector<16xi32>,
      %add3A_1780 = arith.addi %add3A_1773, %get3A_1779 : vector<16xi32>
      %mul3A_1781 = arith.constant 16 : i32
      %mul3A_1782 = arith.muli %add3A_1720, %mul3A_1781 : i32
      %add3A_1783 = arith.constant 36864 : i32
      %add3A_1784 = arith.addi %add3A_1783, %mul3A_1782 : i32
      %get3A_1785 = arith.index_cast %add3A_1784 : i32 to index
      %get3A_1786 = tpu.vector_load %arg5[%get3A_1785] {strides = array<i32>} : memref<45056xi32, #tpu.memory_space<vmem>>, vector<16xi32>,
      %add3A_1787 = arith.addi %add3A_1780, %get3A_1786 : vector<16xi32>
      %mul3A_1788 = arith.constant 16 : i32
      %mul3A_1789 = arith.muli %add3A_1720, %mul3A_1788 : i32
      %add3A_1790 = arith.constant 40960 : i32
      %add3A_1791 = arith.addi %add3A_1790, %mul3A_1789 : i32
      %get3A_1792 = arith.index_cast %add3A_1791 : i32 to index
      %get3A_1793 = tpu.vector_load %arg5[%get3A_1792] {strides = array<i32>} : memref<45056xi32, #tpu.memory_space<vmem>>, vector<16xi32>,
      %add3A_1794 = arith.addi %add3A_1787, %get3A_1793 : vector<16xi32>
      %mul3A_1795 = arith.constant 16 : i32
      %mul3A_1796 = arith.muli %add3A_1720, %mul3A_1795 : i32
      %swap3A_1797 = arith.index_cast %mul3A_1796 : i32 to index
      %swap3A_1798 = tpu.vector_load %arg5[%swap3A_1797] {strides = array<i32>} : memref<45056xi32, #tpu.memory_space<vmem>>, vector<16xi32>,
      tpu.vector_store %arg5[%swap3A_1797], %add3A_1794 {strides = array<i32>} : memref<45056xi32, #tpu.memory_space<vmem>>, vector<16xi32>,
      %mul3A_1799 = arith.constant 4 : i32
      %mul3A_1800 = arith.muli %scan3A_1551, %mul3A_1799 : i32
      %add3A_1801 = arith.constant 3 : i32
      %add3A_1802 = arith.addi %mul3A_1800, %add3A_1801 : i32
      %mul3A_1803 = arith.constant 16 : i32
      %mul3A_1804 = arith.muli %add3A_1802, %mul3A_1803 : i32
      %get3A_1805 = arith.index_cast %mul3A_1804 : i32 to index
      %get3A_1806 = tpu.vector_load %arg5[%get3A_1805] {strides = array<i32>} : memref<45056xi32, #tpu.memory_space<vmem>>, vector<16xi32>,
      %mul3A_1807 = arith.constant 16 : i32
      %mul3A_1808 = arith.muli %add3A_1802, %mul3A_1807 : i32
      %add3A_1809 = arith.constant 4096 : i32
      %add3A_1810 = arith.addi %add3A_1809, %mul3A_1808 : i32
      %get3A_1811 = arith.index_cast %add3A_1810 : i32 to index
      %get3A_1812 = tpu.vector_load %arg5[%get3A_1811] {strides = array<i32>} : memref<45056xi32, #tpu.memory_space<vmem>>, vector<16xi32>,
      %add3A_1813 = arith.addi %get3A_1806, %get3A_1812 : vector<16xi32>
      %mul3A_1814 = arith.constant 16 : i32
      %mul3A_1815 = arith.muli %add3A_1802, %mul3A_1814 : i32
      %add3A_1816 = arith.constant 8192 : i32
      %add3A_1817 = arith.addi %add3A_1816, %mul3A_1815 : i32
      %get3A_1818 = arith.index_cast %add3A_1817 : i32 to index
      %get3A_1819 = tpu.vector_load %arg5[%get3A_1818] {strides = array<i32>} : memref<45056xi32, #tpu.memory_space<vmem>>, vector<16xi32>,
      %add3A_1820 = arith.addi %add3A_1813, %get3A_1819 : vector<16xi32>
      %mul3A_1821 = arith.constant 16 : i32
      %mul3A_1822 = arith.muli %add3A_1802, %mul3A_1821 : i32
      %add3A_1823 = arith.constant 12288 : i32
      %add3A_1824 = arith.addi %add3A_1823, %mul3A_1822 : i32
      %get3A_1825 = arith.index_cast %add3A_1824 : i32 to index
      %get3A_1826 = tpu.vector_load %arg5[%get3A_1825] {strides = array<i32>} : memref<45056xi32, #tpu.memory_space<vmem>>, vector<16xi32>,
      %add3A_1827 = arith.addi %add3A_1820, %get3A_1826 : vector<16xi32>
      %mul3A_1828 = arith.constant 16 : i32
      %mul3A_1829 = arith.muli %add3A_1802, %mul3A_1828 : i32
      %add3A_1830 = arith.constant 16384 : i32
      %add3A_1831 = arith.addi %add3A_1830, %mul3A_1829 : i32
      %get3A_1832 = arith.index_cast %add3A_1831 : i32 to index
      %get3A_1833 = tpu.vector_load %arg5[%get3A_1832] {strides = array<i32>} : memref<45056xi32, #tpu.memory_space<vmem>>, vector<16xi32>,
      %add3A_1834 = arith.addi %add3A_1827, %get3A_1833 : vector<16xi32>
      %mul3A_1835 = arith.constant 16 : i32
      %mul3A_1836 = arith.muli %add3A_1802, %mul3A_1835 : i32
      %add3A_1837 = arith.constant 20480 : i32
      %add3A_1838 = arith.addi %add3A_1837, %mul3A_1836 : i32
      %get3A_1839 = arith.index_cast %add3A_1838 : i32 to index
      %get3A_1840 = tpu.vector_load %arg5[%get3A_1839] {strides = array<i32>} : memref<45056xi32, #tpu.memory_space<vmem>>, vector<16xi32>,
      %add3A_1841 = arith.addi %add3A_1834, %get3A_1840 : vector<16xi32>
      %mul3A_1842 = arith.constant 16 : i32
      %mul3A_1843 = arith.muli %add3A_1802, %mul3A_1842 : i32
      %add3A_1844 = arith.constant 24576 : i32
      %add3A_1845 = arith.addi %add3A_1844, %mul3A_1843 : i32
      %get3A_1846 = arith.index_cast %add3A_1845 : i32 to index
      %get3A_1847 = tpu.vector_load %arg5[%get3A_1846] {strides = array<i32>} : memref<45056xi32, #tpu.memory_space<vmem>>, vector<16xi32>,
      %add3A_1848 = arith.addi %add3A_1841, %get3A_1847 : vector<16xi32>
      %mul3A_1849 = arith.constant 16 : i32
      %mul3A_1850 = arith.muli %add3A_1802, %mul3A_1849 : i32
      %add3A_1851 = arith.constant 28672 : i32
      %add3A_1852 = arith.addi %add3A_1851, %mul3A_1850 : i32
      %get3A_1853 = arith.index_cast %add3A_1852 : i32 to index
      %get3A_1854 = tpu.vector_load %arg5[%get3A_1853] {strides = array<i32>} : memref<45056xi32, #tpu.memory_space<vmem>>, vector<16xi32>,
      %add3A_1855 = arith.addi %add3A_1848, %get3A_1854 : vector<16xi32>
      %mul3A_1856 = arith.constant 16 : i32
      %mul3A_1857 = arith.muli %add3A_1802, %mul3A_1856 : i32
      %add3A_1858 = arith.constant 32768 : i32
      %add3A_1859 = arith.addi %add3A_1858, %mul3A_1857 : i32
      %get3A_1860 = arith.index_cast %add3A_1859 : i32 to index
      %get3A_1861 = tpu.vector_load %arg5[%get3A_1860] {strides = array<i32>} : memref<45056xi32, #tpu.memory_space<vmem>>, vector<16xi32>,
      %add3A_1862 = arith.addi %add3A_1855, %get3A_1861 : vector<16xi32>
      %mul3A_1863 = arith.constant 16 : i32
      %mul3A_1864 = arith.muli %add3A_1802, %mul3A_1863 : i32
      %add3A_1865 = arith.constant 36864 : i32
      %add3A_1866 = arith.addi %add3A_1865, %mul3A_1864 : i32
      %get3A_1867 = arith.index_cast %add3A_1866 : i32 to index
      %get3A_1868 = tpu.vector_load %arg5[%get3A_1867] {strides = array<i32>} : memref<45056xi32, #tpu.memory_space<vmem>>, vector<16xi32>,
      %add3A_1869 = arith.addi %add3A_1862, %get3A_1868 : vector<16xi32>
      %mul3A_1870 = arith.constant 16 : i32
      %mul3A_1871 = arith.muli %add3A_1802, %mul3A_1870 : i32
      %add3A_1872 = arith.constant 40960 : i32
      %add3A_1873 = arith.addi %add3A_1872, %mul3A_1871 : i32
      %get3A_1874 = arith.index_cast %add3A_1873 : i32 to index
      %get3A_1875 = tpu.vector_load %arg5[%get3A_1874] {strides = array<i32>} : memref<45056xi32, #tpu.memory_space<vmem>>, vector<16xi32>,
      %add3A_1876 = arith.addi %add3A_1869, %get3A_1875 : vector<16xi32>
      %mul3A_1877 = arith.constant 16 : i32
      %mul3A_1878 = arith.muli %add3A_1802, %mul3A_1877 : i32
      %swap3A_1879 = arith.index_cast %mul3A_1878 : i32 to index
      %swap3A_1880 = tpu.vector_load %arg5[%swap3A_1879] {strides = array<i32>} : memref<45056xi32, #tpu.memory_space<vmem>>, vector<16xi32>,
      tpu.vector_store %arg5[%swap3A_1879], %add3A_1876 {strides = array<i32>} : memref<45056xi32, #tpu.memory_space<vmem>>, vector<16xi32>,
      %scan3A_1881 = arith.constant 0 : i32
      scf.yield %scan3A_1881 : i32
    }
    %scan3A_81 = arith.constant 64 : i32
    "tpu.region"() ({
      %run_scoped3A = tpu.sem_alloc : memref<!tpu.dma_semaphore, #tpu.memory_space<semaphore_mem>>
      %dma_start3A = arith.constant 0 : i32
      %dma_start3A_1551 = tpu.memref_slice %arg5[%dma_start3A] : memref<45056xi32, #tpu.memory_space<vmem>> -> memref<4096xi32, #tpu.memory_space<vmem>>
      %dma_start3A_1552 = arith.constant 0 : i32
      %dma_start3A_1553 = tpu.memref_slice %arg11[%arg1, %dma_start3A_1552] : memref<16x4096xi32, #tpu.memory_space<vmem_shared>> -> memref<1x4096xi32, #tpu.memory_space<vmem_shared>>
      %dma_start3A_1554 = tpu.memref_squeeze %dma_start3A_1553 : memref<1x4096xi32, #tpu.memory_space<vmem_shared>> -> memref<4096xi32, #tpu.memory_space<vmem_shared>>
      %dma_start3A_1555 = arith.constant 0 : i32
      %dma_start3A_1556 = tpu.memref_slice %arg11[%arg1, %dma_start3A_1555] : memref<16x4096xi32, #tpu.memory_space<vmem_shared>> -> memref<1x4096xi32, #tpu.memory_space<vmem_shared>>
      %dma_start3A_1557 = tpu.memref_squeeze %dma_start3A_1556 : memref<1x4096xi32, #tpu.memory_space<vmem_shared>> -> memref<4096xi32, #tpu.memory_space<vmem_shared>>
      %dma_start3A_1558 = arith.constant 0 : i32
      %dma_start3A_1559 = tpu.memref_slice %arg5[%dma_start3A_1558] : memref<45056xi32, #tpu.memory_space<vmem>> -> memref<4096xi32, #tpu.memory_space<vmem>>
      tpu.enqueue_dma source(%dma_start3A_1559 : memref<4096xi32, #tpu.memory_space<vmem>>) target(%dma_start3A_1557 : memref<4096xi32, #tpu.memory_space<vmem_shared>>) target_semaphore(%run_scoped3A : memref<!tpu.dma_semaphore, #tpu.memory_space<semaphore_mem>>)
      %dma_wait3A = arith.constant 0 : i32
      %dma_wait3A_1560 = tpu.memref_slice %arg5[%dma_wait3A] : memref<45056xi32, #tpu.memory_space<vmem>> -> memref<4096xi32, #tpu.memory_space<vmem>>
      %dma_wait3A_1561 = arith.constant 0 : i32
      %dma_wait3A_1562 = tpu.memref_slice %arg11[%arg1, %dma_wait3A_1561] : memref<16x4096xi32, #tpu.memory_space<vmem_shared>> -> memref<1x4096xi32, #tpu.memory_space<vmem_shared>>
      %dma_wait3A_1563 = tpu.memref_squeeze %dma_wait3A_1562 : memref<1x4096xi32, #tpu.memory_space<vmem_shared>> -> memref<4096xi32, #tpu.memory_space<vmem_shared>>
      %dma_wait3A_1564 = arith.constant 0 : i32
      %dma_wait3A_1565 = tpu.memref_slice %arg11[%arg1, %dma_wait3A_1564] : memref<16x4096xi32, #tpu.memory_space<vmem_shared>> -> memref<1x4096xi32, #tpu.memory_space<vmem_shared>>
      %dma_wait3A_1566 = tpu.memref_squeeze %dma_wait3A_1565 : memref<1x4096xi32, #tpu.memory_space<vmem_shared>> -> memref<4096xi32, #tpu.memory_space<vmem_shared>>
      %dma_wait3A_1567 = arith.constant 0 : i32
      %dma_wait3A_1568 = tpu.memref_slice %arg5[%dma_wait3A_1567] : memref<45056xi32, #tpu.memory_space<vmem>> -> memref<4096xi32, #tpu.memory_space<vmem>>
      tpu.wait_dma2 semaphore(%run_scoped3A : memref<!tpu.dma_semaphore, #tpu.memory_space<semaphore_mem>>) src(%dma_wait3A_1568 : memref<4096xi32, #tpu.memory_space<vmem>>) dst(%dma_wait3A_1566 : memref<4096xi32, #tpu.memory_space<vmem_shared>>)
      tpu.yield
    }) : () -> ()
    %barrier3A = arith.constant 0 : index
    tpu.barrier barrier_id(%barrier3A)
    %mul3A_82 = arith.constant 256 : i32
    %mul3A_83 = arith.muli %arg1, %mul3A_82 : i32
    "tpu.region"() ({
      %run_scoped3A = tpu.sem_alloc : memref<!tpu.dma_semaphore, #tpu.memory_space<semaphore_mem>>
      %dma_start3A = arith.constant 0 : i32
      %dma_start3A_1551 = tpu.memref_slice %arg11[%dma_start3A, %mul3A_83] : memref<16x4096xi32, #tpu.memory_space<vmem_shared>> -> memref<16x256xi32, #tpu.memory_space<vmem_shared>>
      %dma_start3A_1552 = arith.constant 0 : i32
      %dma_start3A_1553 = tpu.memref_slice %arg11[%dma_start3A_1552, %mul3A_83] : memref<16x4096xi32, #tpu.memory_space<vmem_shared>> -> memref<16x256xi32, #tpu.memory_space<vmem_shared>>
      tpu.enqueue_dma source(%dma_start3A_1553 : memref<16x256xi32, #tpu.memory_space<vmem_shared>>) target(%arg6 : memref<16x256xi32, #tpu.memory_space<vmem>>) target_semaphore(%run_scoped3A : memref<!tpu.dma_semaphore, #tpu.memory_space<semaphore_mem>>)
      %dma_wait3A = arith.constant 0 : i32
      %dma_wait3A_1554 = tpu.memref_slice %arg11[%dma_wait3A, %mul3A_83] : memref<16x4096xi32, #tpu.memory_space<vmem_shared>> -> memref<16x256xi32, #tpu.memory_space<vmem_shared>>
      %dma_wait3A_1555 = arith.constant 0 : i32
      %dma_wait3A_1556 = tpu.memref_slice %arg11[%dma_wait3A_1555, %mul3A_83] : memref<16x4096xi32, #tpu.memory_space<vmem_shared>> -> memref<16x256xi32, #tpu.memory_space<vmem_shared>>
      tpu.wait_dma2 semaphore(%run_scoped3A : memref<!tpu.dma_semaphore, #tpu.memory_space<semaphore_mem>>) src(%dma_wait3A_1556 : memref<16x256xi32, #tpu.memory_space<vmem_shared>>) dst(%arg6 : memref<16x256xi32, #tpu.memory_space<vmem>>)
      tpu.yield
    }) : () -> ()
    %scan3A_84 = arith.constant 0 : i32
    %scan3A_85 = arith.constant 16 : i32
    %scan3A_86 = arith.addi %scan3A_84, %scan3A_85 : i32
    %scan3A_87 = arith.constant 1 : i32
    %scan3A_88 = scf.for %scan3A_1551 = %scan3A_84 to %scan3A_86 step %scan3A_87 iter_args(%scan3A_1552 = %broadcast_in_dim3A_2) -> (vector<16xi32>)  : i32 {
      %mul3A_1553 = arith.constant 16 : i32
      %mul3A_1554 = arith.muli %scan3A_1551, %mul3A_1553 : i32
      %get3A_1555 = arith.constant 0 : i32
      %get3A_1556 = arith.index_cast %get3A_1555 : i32 to index
      %get3A_1557 = arith.index_cast %mul3A_1554 : i32 to index
      %get3A_1558 = tpu.vector_load %arg6[%get3A_1556, %get3A_1557] {strides = array<i32>} : memref<16x256xi32, #tpu.memory_space<vmem>>, vector<16xi32>,
      %mul3A_1559 = arith.constant 16 : i32
      %mul3A_1560 = arith.muli %scan3A_1551, %mul3A_1559 : i32
      %get3A_1561 = arith.constant 1 : i32
      %get3A_1562 = arith.index_cast %get3A_1561 : i32 to index
      %get3A_1563 = arith.index_cast %mul3A_1560 : i32 to index
      %get3A_1564 = tpu.vector_load %arg6[%get3A_1562, %get3A_1563] {strides = array<i32>} : memref<16x256xi32, #tpu.memory_space<vmem>>, vector<16xi32>,
      %add3A_1565 = arith.addi %get3A_1558, %get3A_1564 : vector<16xi32>
      %mul3A_1566 = arith.constant 16 : i32
      %mul3A_1567 = arith.muli %scan3A_1551, %mul3A_1566 : i32
      %get3A_1568 = arith.constant 2 : i32
      %get3A_1569 = arith.index_cast %get3A_1568 : i32 to index
      %get3A_1570 = arith.index_cast %mul3A_1567 : i32 to index
      %get3A_1571 = tpu.vector_load %arg6[%get3A_1569, %get3A_1570] {strides = array<i32>} : memref<16x256xi32, #tpu.memory_space<vmem>>, vector<16xi32>,
      %add3A_1572 = arith.addi %add3A_1565, %get3A_1571 : vector<16xi32>
      %mul3A_1573 = arith.constant 16 : i32
      %mul3A_1574 = arith.muli %scan3A_1551, %mul3A_1573 : i32
      %get3A_1575 = arith.constant 3 : i32
      %get3A_1576 = arith.index_cast %get3A_1575 : i32 to index
      %get3A_1577 = arith.index_cast %mul3A_1574 : i32 to index
      %get3A_1578 = tpu.vector_load %arg6[%get3A_1576, %get3A_1577] {strides = array<i32>} : memref<16x256xi32, #tpu.memory_space<vmem>>, vector<16xi32>,
      %add3A_1579 = arith.addi %add3A_1572, %get3A_1578 : vector<16xi32>
      %mul3A_1580 = arith.constant 16 : i32
      %mul3A_1581 = arith.muli %scan3A_1551, %mul3A_1580 : i32
      %get3A_1582 = arith.constant 4 : i32
      %get3A_1583 = arith.index_cast %get3A_1582 : i32 to index
      %get3A_1584 = arith.index_cast %mul3A_1581 : i32 to index
      %get3A_1585 = tpu.vector_load %arg6[%get3A_1583, %get3A_1584] {strides = array<i32>} : memref<16x256xi32, #tpu.memory_space<vmem>>, vector<16xi32>,
      %add3A_1586 = arith.addi %add3A_1579, %get3A_1585 : vector<16xi32>
      %mul3A_1587 = arith.constant 16 : i32
      %mul3A_1588 = arith.muli %scan3A_1551, %mul3A_1587 : i32
      %get3A_1589 = arith.constant 5 : i32
      %get3A_1590 = arith.index_cast %get3A_1589 : i32 to index
      %get3A_1591 = arith.index_cast %mul3A_1588 : i32 to index
      %get3A_1592 = tpu.vector_load %arg6[%get3A_1590, %get3A_1591] {strides = array<i32>} : memref<16x256xi32, #tpu.memory_space<vmem>>, vector<16xi32>,
      %add3A_1593 = arith.addi %add3A_1586, %get3A_1592 : vector<16xi32>
      %mul3A_1594 = arith.constant 16 : i32
      %mul3A_1595 = arith.muli %scan3A_1551, %mul3A_1594 : i32
      %get3A_1596 = arith.constant 6 : i32
      %get3A_1597 = arith.index_cast %get3A_1596 : i32 to index
      %get3A_1598 = arith.index_cast %mul3A_1595 : i32 to index
      %get3A_1599 = tpu.vector_load %arg6[%get3A_1597, %get3A_1598] {strides = array<i32>} : memref<16x256xi32, #tpu.memory_space<vmem>>, vector<16xi32>,
      %add3A_1600 = arith.addi %add3A_1593, %get3A_1599 : vector<16xi32>
      %mul3A_1601 = arith.constant 16 : i32
      %mul3A_1602 = arith.muli %scan3A_1551, %mul3A_1601 : i32
      %get3A_1603 = arith.constant 7 : i32
      %get3A_1604 = arith.index_cast %get3A_1603 : i32 to index
      %get3A_1605 = arith.index_cast %mul3A_1602 : i32 to index
      %get3A_1606 = tpu.vector_load %arg6[%get3A_1604, %get3A_1605] {strides = array<i32>} : memref<16x256xi32, #tpu.memory_space<vmem>>, vector<16xi32>,
      %add3A_1607 = arith.addi %add3A_1600, %get3A_1606 : vector<16xi32>
      %mul3A_1608 = arith.constant 16 : i32
      %mul3A_1609 = arith.muli %scan3A_1551, %mul3A_1608 : i32
      %get3A_1610 = arith.constant 8 : i32
      %get3A_1611 = arith.index_cast %get3A_1610 : i32 to index
      %get3A_1612 = arith.index_cast %mul3A_1609 : i32 to index
      %get3A_1613 = tpu.vector_load %arg6[%get3A_1611, %get3A_1612] {strides = array<i32>} : memref<16x256xi32, #tpu.memory_space<vmem>>, vector<16xi32>,
      %add3A_1614 = arith.addi %add3A_1607, %get3A_1613 : vector<16xi32>
      %mul3A_1615 = arith.constant 16 : i32
      %mul3A_1616 = arith.muli %scan3A_1551, %mul3A_1615 : i32
      %get3A_1617 = arith.constant 9 : i32
      %get3A_1618 = arith.index_cast %get3A_1617 : i32 to index
      %get3A_1619 = arith.index_cast %mul3A_1616 : i32 to index
      %get3A_1620 = tpu.vector_load %arg6[%get3A_1618, %get3A_1619] {strides = array<i32>} : memref<16x256xi32, #tpu.memory_space<vmem>>, vector<16xi32>,
      %add3A_1621 = arith.addi %add3A_1614, %get3A_1620 : vector<16xi32>
      %mul3A_1622 = arith.constant 16 : i32
      %mul3A_1623 = arith.muli %scan3A_1551, %mul3A_1622 : i32
      %get3A_1624 = arith.constant 10 : i32
      %get3A_1625 = arith.index_cast %get3A_1624 : i32 to index
      %get3A_1626 = arith.index_cast %mul3A_1623 : i32 to index
      %get3A_1627 = tpu.vector_load %arg6[%get3A_1625, %get3A_1626] {strides = array<i32>} : memref<16x256xi32, #tpu.memory_space<vmem>>, vector<16xi32>,
      %add3A_1628 = arith.addi %add3A_1621, %get3A_1627 : vector<16xi32>
      %mul3A_1629 = arith.constant 16 : i32
      %mul3A_1630 = arith.muli %scan3A_1551, %mul3A_1629 : i32
      %get3A_1631 = arith.constant 11 : i32
      %get3A_1632 = arith.index_cast %get3A_1631 : i32 to index
      %get3A_1633 = arith.index_cast %mul3A_1630 : i32 to index
      %get3A_1634 = tpu.vector_load %arg6[%get3A_1632, %get3A_1633] {strides = array<i32>} : memref<16x256xi32, #tpu.memory_space<vmem>>, vector<16xi32>,
      %add3A_1635 = arith.addi %add3A_1628, %get3A_1634 : vector<16xi32>
      %mul3A_1636 = arith.constant 16 : i32
      %mul3A_1637 = arith.muli %scan3A_1551, %mul3A_1636 : i32
      %get3A_1638 = arith.constant 12 : i32
      %get3A_1639 = arith.index_cast %get3A_1638 : i32 to index
      %get3A_1640 = arith.index_cast %mul3A_1637 : i32 to index
      %get3A_1641 = tpu.vector_load %arg6[%get3A_1639, %get3A_1640] {strides = array<i32>} : memref<16x256xi32, #tpu.memory_space<vmem>>, vector<16xi32>,
      %add3A_1642 = arith.addi %add3A_1635, %get3A_1641 : vector<16xi32>
      %mul3A_1643 = arith.constant 16 : i32
      %mul3A_1644 = arith.muli %scan3A_1551, %mul3A_1643 : i32
      %get3A_1645 = arith.constant 13 : i32
      %get3A_1646 = arith.index_cast %get3A_1645 : i32 to index
      %get3A_1647 = arith.index_cast %mul3A_1644 : i32 to index
      %get3A_1648 = tpu.vector_load %arg6[%get3A_1646, %get3A_1647] {strides = array<i32>} : memref<16x256xi32, #tpu.memory_space<vmem>>, vector<16xi32>,
      %add3A_1649 = arith.addi %add3A_1642, %get3A_1648 : vector<16xi32>
      %mul3A_1650 = arith.constant 16 : i32
      %mul3A_1651 = arith.muli %scan3A_1551, %mul3A_1650 : i32
      %get3A_1652 = arith.constant 14 : i32
      %get3A_1653 = arith.index_cast %get3A_1652 : i32 to index
      %get3A_1654 = arith.index_cast %mul3A_1651 : i32 to index
      %get3A_1655 = tpu.vector_load %arg6[%get3A_1653, %get3A_1654] {strides = array<i32>} : memref<16x256xi32, #tpu.memory_space<vmem>>, vector<16xi32>,
      %add3A_1656 = arith.addi %add3A_1649, %get3A_1655 : vector<16xi32>
      %mul3A_1657 = arith.constant 16 : i32
      %mul3A_1658 = arith.muli %scan3A_1551, %mul3A_1657 : i32
      %get3A_1659 = arith.constant 15 : i32
      %get3A_1660 = arith.index_cast %get3A_1659 : i32 to index
      %get3A_1661 = arith.index_cast %mul3A_1658 : i32 to index
      %get3A_1662 = tpu.vector_load %arg6[%get3A_1660, %get3A_1661] {strides = array<i32>} : memref<16x256xi32, #tpu.memory_space<vmem>>, vector<16xi32>,
      %add3A_1663 = arith.addi %add3A_1656, %get3A_1662 : vector<16xi32>
      %reduce_sum3A_1664 = arith.constant true
      %reduce_sum3A_1665 = vector.broadcast %reduce_sum3A_1664 : i1 to vector<16xi1>
      %reduce_sum3A_1666 = tpu.scan <sum>, %add3A_1663 masked %reduce_sum3A_1665 : vector<16xi32>, vector<16xi1> -> vector<16xi32>
      %reduce_sum3A_1667 = vector.extract %reduce_sum3A_1666[15] : i32 from vector<16xi32>
      %eq3A_1668 = vector.broadcast %scan3A_1551 : i32 to vector<16xi32>
      %eq3A_1669 = arith.cmpi eq, %iota3A, %eq3A_1668 : vector<16xi32>
      %broadcast_in_dim3A_1670 = vector.broadcast %reduce_sum3A_1667 : i32 to vector<16xi32>
      %select_n3A_1671 = arith.select %eq3A_1669, %broadcast_in_dim3A_1670, %scan3A_1552 : vector<16xi1>, vector<16xi32>
      scf.yield %select_n3A_1671 : vector<16xi32>
    }
    %scan3A_89 = arith.constant 16 : i32
    %swap3A = arith.constant 0 : index
    %swap3A_90 = tpu.vector_load %arg9[%swap3A] {strides = array<i32>} : memref<16xi32, #tpu.memory_space<vmem>>, vector<16xi32>,
    tpu.vector_store %arg9[%swap3A], %scan3A_88 {strides = array<i32>} : memref<16xi32, #tpu.memory_space<vmem>>, vector<16xi32>,
    %mul3A_91 = arith.constant 16 : i32
    %mul3A_92 = arith.muli %arg1, %mul3A_91 : i32
    "tpu.region"() ({
      %run_scoped3A = tpu.sem_alloc : memref<!tpu.dma_semaphore, #tpu.memory_space<semaphore_mem>>
      %dma_start3A = tpu.memref_slice %arg12[%mul3A_92] : memref<256xi32, #tpu.memory_space<vmem_shared>> -> memref<16xi32, #tpu.memory_space<vmem_shared>>
      %dma_start3A_1551 = tpu.memref_slice %arg12[%mul3A_92] : memref<256xi32, #tpu.memory_space<vmem_shared>> -> memref<16xi32, #tpu.memory_space<vmem_shared>>
      tpu.enqueue_dma source(%arg9 : memref<16xi32, #tpu.memory_space<vmem>>) target(%dma_start3A_1551 : memref<16xi32, #tpu.memory_space<vmem_shared>>) target_semaphore(%run_scoped3A : memref<!tpu.dma_semaphore, #tpu.memory_space<semaphore_mem>>)
      %dma_wait3A = tpu.memref_slice %arg12[%mul3A_92] : memref<256xi32, #tpu.memory_space<vmem_shared>> -> memref<16xi32, #tpu.memory_space<vmem_shared>>
      %dma_wait3A_1552 = tpu.memref_slice %arg12[%mul3A_92] : memref<256xi32, #tpu.memory_space<vmem_shared>> -> memref<16xi32, #tpu.memory_space<vmem_shared>>
      tpu.wait_dma2 semaphore(%run_scoped3A : memref<!tpu.dma_semaphore, #tpu.memory_space<semaphore_mem>>) src(%arg9 : memref<16xi32, #tpu.memory_space<vmem>>) dst(%dma_wait3A_1552 : memref<16xi32, #tpu.memory_space<vmem_shared>>)
      tpu.yield
    }) : () -> ()
    %barrier3A_93 = arith.constant 0 : index
    tpu.barrier barrier_id(%barrier3A_93)
    "tpu.region"() ({
      %run_scoped3A = tpu.sem_alloc : memref<!tpu.dma_semaphore, #tpu.memory_space<semaphore_mem>>
      tpu.enqueue_dma source(%arg12 : memref<256xi32, #tpu.memory_space<vmem_shared>>) target(%arg7 : memref<256xi32, #tpu.memory_space<vmem>>) target_semaphore(%run_scoped3A : memref<!tpu.dma_semaphore, #tpu.memory_space<semaphore_mem>>)
      tpu.wait_dma2 semaphore(%run_scoped3A : memref<!tpu.dma_semaphore, #tpu.memory_space<semaphore_mem>>) src(%arg12 : memref<256xi32, #tpu.memory_space<vmem_shared>>) dst(%arg7 : memref<256xi32, #tpu.memory_space<vmem>>)
      tpu.yield
    }) : () -> ()
    %get3A = arith.constant 240 : index
    %get3A_94 = tpu.vector_load %arg7[%get3A] {strides = array<i32>} : memref<256xi32, #tpu.memory_space<vmem>>, vector<16xi32>,
    %reduce_sum3A = arith.constant true
    %reduce_sum3A_95 = vector.broadcast %reduce_sum3A : i1 to vector<16xi1>
    %reduce_sum3A_96 = tpu.scan <sum>, %get3A_94 masked %reduce_sum3A_95 : vector<16xi32>, vector<16xi1> -> vector<16xi32>
    %reduce_sum3A_97 = vector.extract %reduce_sum3A_96[15] : i32 from vector<16xi32>
    %eq3A_98 = arith.constant 0 : i32
    %eq3A_99 = vector.broadcast %eq3A_98 : i32 to vector<16xi32>
    %eq3A_100 = arith.cmpi eq, %iota3A, %eq3A_99 : vector<16xi32>
    %broadcast_in_dim3A_101 = vector.broadcast %reduce_sum3A_97 : i32 to vector<16xi32>
    %select_n3A_102 = arith.select %eq3A_100, %broadcast_in_dim3A_101, %broadcast_in_dim3A_2 : vector<16xi1>, vector<16xi32>
    %get3A_103 = arith.constant 224 : index
    %get3A_104 = tpu.vector_load %arg7[%get3A_103] {strides = array<i32>} : memref<256xi32, #tpu.memory_space<vmem>>, vector<16xi32>,
    %reduce_sum3A_105 = arith.constant true
    %reduce_sum3A_106 = vector.broadcast %reduce_sum3A_105 : i1 to vector<16xi1>
    %reduce_sum3A_107 = tpu.scan <sum>, %get3A_104 masked %reduce_sum3A_106 : vector<16xi32>, vector<16xi1> -> vector<16xi32>
    %reduce_sum3A_108 = vector.extract %reduce_sum3A_107[15] : i32 from vector<16xi32>
    %eq3A_109 = arith.constant 1 : i32
    %eq3A_110 = vector.broadcast %eq3A_109 : i32 to vector<16xi32>
    %eq3A_111 = arith.cmpi eq, %iota3A, %eq3A_110 : vector<16xi32>
    %broadcast_in_dim3A_112 = vector.broadcast %reduce_sum3A_108 : i32 to vector<16xi32>
    %select_n3A_113 = arith.select %eq3A_111, %broadcast_in_dim3A_112, %select_n3A_102 : vector<16xi1>, vector<16xi32>
    %get3A_114 = arith.constant 208 : index
    %get3A_115 = tpu.vector_load %arg7[%get3A_114] {strides = array<i32>} : memref<256xi32, #tpu.memory_space<vmem>>, vector<16xi32>,
    %reduce_sum3A_116 = arith.constant true
    %reduce_sum3A_117 = vector.broadcast %reduce_sum3A_116 : i1 to vector<16xi1>
    %reduce_sum3A_118 = tpu.scan <sum>, %get3A_115 masked %reduce_sum3A_117 : vector<16xi32>, vector<16xi1> -> vector<16xi32>
    %reduce_sum3A_119 = vector.extract %reduce_sum3A_118[15] : i32 from vector<16xi32>
    %eq3A_120 = arith.constant 2 : i32
    %eq3A_121 = vector.broadcast %eq3A_120 : i32 to vector<16xi32>
    %eq3A_122 = arith.cmpi eq, %iota3A, %eq3A_121 : vector<16xi32>
    %broadcast_in_dim3A_123 = vector.broadcast %reduce_sum3A_119 : i32 to vector<16xi32>
    %select_n3A_124 = arith.select %eq3A_122, %broadcast_in_dim3A_123, %select_n3A_113 : vector<16xi1>, vector<16xi32>
    %get3A_125 = arith.constant 192 : index
    %get3A_126 = tpu.vector_load %arg7[%get3A_125] {strides = array<i32>} : memref<256xi32, #tpu.memory_space<vmem>>, vector<16xi32>,
    %reduce_sum3A_127 = arith.constant true
    %reduce_sum3A_128 = vector.broadcast %reduce_sum3A_127 : i1 to vector<16xi1>
    %reduce_sum3A_129 = tpu.scan <sum>, %get3A_126 masked %reduce_sum3A_128 : vector<16xi32>, vector<16xi1> -> vector<16xi32>
    %reduce_sum3A_130 = vector.extract %reduce_sum3A_129[15] : i32 from vector<16xi32>
    %eq3A_131 = arith.constant 3 : i32
    %eq3A_132 = vector.broadcast %eq3A_131 : i32 to vector<16xi32>
    %eq3A_133 = arith.cmpi eq, %iota3A, %eq3A_132 : vector<16xi32>
    %broadcast_in_dim3A_134 = vector.broadcast %reduce_sum3A_130 : i32 to vector<16xi32>
    %select_n3A_135 = arith.select %eq3A_133, %broadcast_in_dim3A_134, %select_n3A_124 : vector<16xi1>, vector<16xi32>
    %get3A_136 = arith.constant 176 : index
    %get3A_137 = tpu.vector_load %arg7[%get3A_136] {strides = array<i32>} : memref<256xi32, #tpu.memory_space<vmem>>, vector<16xi32>,
    %reduce_sum3A_138 = arith.constant true
    %reduce_sum3A_139 = vector.broadcast %reduce_sum3A_138 : i1 to vector<16xi1>
    %reduce_sum3A_140 = tpu.scan <sum>, %get3A_137 masked %reduce_sum3A_139 : vector<16xi32>, vector<16xi1> -> vector<16xi32>
    %reduce_sum3A_141 = vector.extract %reduce_sum3A_140[15] : i32 from vector<16xi32>
    %eq3A_142 = arith.constant 4 : i32
    %eq3A_143 = vector.broadcast %eq3A_142 : i32 to vector<16xi32>
    %eq3A_144 = arith.cmpi eq, %iota3A, %eq3A_143 : vector<16xi32>
    %broadcast_in_dim3A_145 = vector.broadcast %reduce_sum3A_141 : i32 to vector<16xi32>
    %select_n3A_146 = arith.select %eq3A_144, %broadcast_in_dim3A_145, %select_n3A_135 : vector<16xi1>, vector<16xi32>
    %get3A_147 = arith.constant 160 : index
    %get3A_148 = tpu.vector_load %arg7[%get3A_147] {strides = array<i32>} : memref<256xi32, #tpu.memory_space<vmem>>, vector<16xi32>,
    %reduce_sum3A_149 = arith.constant true
    %reduce_sum3A_150 = vector.broadcast %reduce_sum3A_149 : i1 to vector<16xi1>
    %reduce_sum3A_151 = tpu.scan <sum>, %get3A_148 masked %reduce_sum3A_150 : vector<16xi32>, vector<16xi1> -> vector<16xi32>
    %reduce_sum3A_152 = vector.extract %reduce_sum3A_151[15] : i32 from vector<16xi32>
    %eq3A_153 = arith.constant 5 : i32
    %eq3A_154 = vector.broadcast %eq3A_153 : i32 to vector<16xi32>
    %eq3A_155 = arith.cmpi eq, %iota3A, %eq3A_154 : vector<16xi32>
    %broadcast_in_dim3A_156 = vector.broadcast %reduce_sum3A_152 : i32 to vector<16xi32>
    %select_n3A_157 = arith.select %eq3A_155, %broadcast_in_dim3A_156, %select_n3A_146 : vector<16xi1>, vector<16xi32>
    %get3A_158 = arith.constant 144 : index
    %get3A_159 = tpu.vector_load %arg7[%get3A_158] {strides = array<i32>} : memref<256xi32, #tpu.memory_space<vmem>>, vector<16xi32>,
    %reduce_sum3A_160 = arith.constant true
    %reduce_sum3A_161 = vector.broadcast %reduce_sum3A_160 : i1 to vector<16xi1>
    %reduce_sum3A_162 = tpu.scan <sum>, %get3A_159 masked %reduce_sum3A_161 : vector<16xi32>, vector<16xi1> -> vector<16xi32>
    %reduce_sum3A_163 = vector.extract %reduce_sum3A_162[15] : i32 from vector<16xi32>
    %eq3A_164 = arith.constant 6 : i32
    %eq3A_165 = vector.broadcast %eq3A_164 : i32 to vector<16xi32>
    %eq3A_166 = arith.cmpi eq, %iota3A, %eq3A_165 : vector<16xi32>
    %broadcast_in_dim3A_167 = vector.broadcast %reduce_sum3A_163 : i32 to vector<16xi32>
    %select_n3A_168 = arith.select %eq3A_166, %broadcast_in_dim3A_167, %select_n3A_157 : vector<16xi1>, vector<16xi32>
    %get3A_169 = arith.constant 128 : index
    %get3A_170 = tpu.vector_load %arg7[%get3A_169] {strides = array<i32>} : memref<256xi32, #tpu.memory_space<vmem>>, vector<16xi32>,
    %reduce_sum3A_171 = arith.constant true
    %reduce_sum3A_172 = vector.broadcast %reduce_sum3A_171 : i1 to vector<16xi1>
    %reduce_sum3A_173 = tpu.scan <sum>, %get3A_170 masked %reduce_sum3A_172 : vector<16xi32>, vector<16xi1> -> vector<16xi32>
    %reduce_sum3A_174 = vector.extract %reduce_sum3A_173[15] : i32 from vector<16xi32>
    %eq3A_175 = arith.constant 7 : i32
    %eq3A_176 = vector.broadcast %eq3A_175 : i32 to vector<16xi32>
    %eq3A_177 = arith.cmpi eq, %iota3A, %eq3A_176 : vector<16xi32>
    %broadcast_in_dim3A_178 = vector.broadcast %reduce_sum3A_174 : i32 to vector<16xi32>
    %select_n3A_179 = arith.select %eq3A_177, %broadcast_in_dim3A_178, %select_n3A_168 : vector<16xi1>, vector<16xi32>
    %get3A_180 = arith.constant 0 : index
    %get3A_181 = tpu.vector_load %arg7[%get3A_180] {strides = array<i32>} : memref<256xi32, #tpu.memory_space<vmem>>, vector<16xi32>,
    %reduce_sum3A_182 = arith.constant true
    %reduce_sum3A_183 = vector.broadcast %reduce_sum3A_182 : i1 to vector<16xi1>
    %reduce_sum3A_184 = tpu.scan <sum>, %get3A_181 masked %reduce_sum3A_183 : vector<16xi32>, vector<16xi1> -> vector<16xi32>
    %reduce_sum3A_185 = vector.extract %reduce_sum3A_184[15] : i32 from vector<16xi32>
    %eq3A_186 = arith.constant 8 : i32
    %eq3A_187 = vector.broadcast %eq3A_186 : i32 to vector<16xi32>
    %eq3A_188 = arith.cmpi eq, %iota3A, %eq3A_187 : vector<16xi32>
    %broadcast_in_dim3A_189 = vector.broadcast %reduce_sum3A_185 : i32 to vector<16xi32>
    %select_n3A_190 = arith.select %eq3A_188, %broadcast_in_dim3A_189, %select_n3A_179 : vector<16xi1>, vector<16xi32>
    %get3A_191 = arith.constant 16 : index
    %get3A_192 = tpu.vector_load %arg7[%get3A_191] {strides = array<i32>} : memref<256xi32, #tpu.memory_space<vmem>>, vector<16xi32>,
    %reduce_sum3A_193 = arith.constant true
    %reduce_sum3A_194 = vector.broadcast %reduce_sum3A_193 : i1 to vector<16xi1>
    %reduce_sum3A_195 = tpu.scan <sum>, %get3A_192 masked %reduce_sum3A_194 : vector<16xi32>, vector<16xi1> -> vector<16xi32>
    %reduce_sum3A_196 = vector.extract %reduce_sum3A_195[15] : i32 from vector<16xi32>
    %eq3A_197 = arith.constant 9 : i32
    %eq3A_198 = vector.broadcast %eq3A_197 : i32 to vector<16xi32>
    %eq3A_199 = arith.cmpi eq, %iota3A, %eq3A_198 : vector<16xi32>
    %broadcast_in_dim3A_200 = vector.broadcast %reduce_sum3A_196 : i32 to vector<16xi32>
    %select_n3A_201 = arith.select %eq3A_199, %broadcast_in_dim3A_200, %select_n3A_190 : vector<16xi1>, vector<16xi32>
    %get3A_202 = arith.constant 32 : index
    %get3A_203 = tpu.vector_load %arg7[%get3A_202] {strides = array<i32>} : memref<256xi32, #tpu.memory_space<vmem>>, vector<16xi32>,
    %reduce_sum3A_204 = arith.constant true
    %reduce_sum3A_205 = vector.broadcast %reduce_sum3A_204 : i1 to vector<16xi1>
    %reduce_sum3A_206 = tpu.scan <sum>, %get3A_203 masked %reduce_sum3A_205 : vector<16xi32>, vector<16xi1> -> vector<16xi32>
    %reduce_sum3A_207 = vector.extract %reduce_sum3A_206[15] : i32 from vector<16xi32>
    %eq3A_208 = arith.constant 10 : i32
    %eq3A_209 = vector.broadcast %eq3A_208 : i32 to vector<16xi32>
    %eq3A_210 = arith.cmpi eq, %iota3A, %eq3A_209 : vector<16xi32>
    %broadcast_in_dim3A_211 = vector.broadcast %reduce_sum3A_207 : i32 to vector<16xi32>
    %select_n3A_212 = arith.select %eq3A_210, %broadcast_in_dim3A_211, %select_n3A_201 : vector<16xi1>, vector<16xi32>
    %get3A_213 = arith.constant 48 : index
    %get3A_214 = tpu.vector_load %arg7[%get3A_213] {strides = array<i32>} : memref<256xi32, #tpu.memory_space<vmem>>, vector<16xi32>,
    %reduce_sum3A_215 = arith.constant true
    %reduce_sum3A_216 = vector.broadcast %reduce_sum3A_215 : i1 to vector<16xi1>
    %reduce_sum3A_217 = tpu.scan <sum>, %get3A_214 masked %reduce_sum3A_216 : vector<16xi32>, vector<16xi1> -> vector<16xi32>
    %reduce_sum3A_218 = vector.extract %reduce_sum3A_217[15] : i32 from vector<16xi32>
    %eq3A_219 = arith.constant 11 : i32
    %eq3A_220 = vector.broadcast %eq3A_219 : i32 to vector<16xi32>
    %eq3A_221 = arith.cmpi eq, %iota3A, %eq3A_220 : vector<16xi32>
    %broadcast_in_dim3A_222 = vector.broadcast %reduce_sum3A_218 : i32 to vector<16xi32>
    %select_n3A_223 = arith.select %eq3A_221, %broadcast_in_dim3A_222, %select_n3A_212 : vector<16xi1>, vector<16xi32>
    %get3A_224 = arith.constant 64 : index
    %get3A_225 = tpu.vector_load %arg7[%get3A_224] {strides = array<i32>} : memref<256xi32, #tpu.memory_space<vmem>>, vector<16xi32>,
    %reduce_sum3A_226 = arith.constant true
    %reduce_sum3A_227 = vector.broadcast %reduce_sum3A_226 : i1 to vector<16xi1>
    %reduce_sum3A_228 = tpu.scan <sum>, %get3A_225 masked %reduce_sum3A_227 : vector<16xi32>, vector<16xi1> -> vector<16xi32>
    %reduce_sum3A_229 = vector.extract %reduce_sum3A_228[15] : i32 from vector<16xi32>
    %eq3A_230 = arith.constant 12 : i32
    %eq3A_231 = vector.broadcast %eq3A_230 : i32 to vector<16xi32>
    %eq3A_232 = arith.cmpi eq, %iota3A, %eq3A_231 : vector<16xi32>
    %broadcast_in_dim3A_233 = vector.broadcast %reduce_sum3A_229 : i32 to vector<16xi32>
    %select_n3A_234 = arith.select %eq3A_232, %broadcast_in_dim3A_233, %select_n3A_223 : vector<16xi1>, vector<16xi32>
    %get3A_235 = arith.constant 80 : index
    %get3A_236 = tpu.vector_load %arg7[%get3A_235] {strides = array<i32>} : memref<256xi32, #tpu.memory_space<vmem>>, vector<16xi32>,
    %reduce_sum3A_237 = arith.constant true
    %reduce_sum3A_238 = vector.broadcast %reduce_sum3A_237 : i1 to vector<16xi1>
    %reduce_sum3A_239 = tpu.scan <sum>, %get3A_236 masked %reduce_sum3A_238 : vector<16xi32>, vector<16xi1> -> vector<16xi32>
    %reduce_sum3A_240 = vector.extract %reduce_sum3A_239[15] : i32 from vector<16xi32>
    %eq3A_241 = arith.constant 13 : i32
    %eq3A_242 = vector.broadcast %eq3A_241 : i32 to vector<16xi32>
    %eq3A_243 = arith.cmpi eq, %iota3A, %eq3A_242 : vector<16xi32>
    %broadcast_in_dim3A_244 = vector.broadcast %reduce_sum3A_240 : i32 to vector<16xi32>
    %select_n3A_245 = arith.select %eq3A_243, %broadcast_in_dim3A_244, %select_n3A_234 : vector<16xi1>, vector<16xi32>
    %get3A_246 = arith.constant 96 : index
    %get3A_247 = tpu.vector_load %arg7[%get3A_246] {strides = array<i32>} : memref<256xi32, #tpu.memory_space<vmem>>, vector<16xi32>,
    %reduce_sum3A_248 = arith.constant true
    %reduce_sum3A_249 = vector.broadcast %reduce_sum3A_248 : i1 to vector<16xi1>
    %reduce_sum3A_250 = tpu.scan <sum>, %get3A_247 masked %reduce_sum3A_249 : vector<16xi32>, vector<16xi1> -> vector<16xi32>
    %reduce_sum3A_251 = vector.extract %reduce_sum3A_250[15] : i32 from vector<16xi32>
    %eq3A_252 = arith.constant 14 : i32
    %eq3A_253 = vector.broadcast %eq3A_252 : i32 to vector<16xi32>
    %eq3A_254 = arith.cmpi eq, %iota3A, %eq3A_253 : vector<16xi32>
    %broadcast_in_dim3A_255 = vector.broadcast %reduce_sum3A_251 : i32 to vector<16xi32>
    %select_n3A_256 = arith.select %eq3A_254, %broadcast_in_dim3A_255, %select_n3A_245 : vector<16xi1>, vector<16xi32>
    %get3A_257 = arith.constant 112 : index
    %get3A_258 = tpu.vector_load %arg7[%get3A_257] {strides = array<i32>} : memref<256xi32, #tpu.memory_space<vmem>>, vector<16xi32>,
    %reduce_sum3A_259 = arith.constant true
    %reduce_sum3A_260 = vector.broadcast %reduce_sum3A_259 : i1 to vector<16xi1>
    %reduce_sum3A_261 = tpu.scan <sum>, %get3A_258 masked %reduce_sum3A_260 : vector<16xi32>, vector<16xi1> -> vector<16xi32>
    %reduce_sum3A_262 = vector.extract %reduce_sum3A_261[15] : i32 from vector<16xi32>
    %eq3A_263 = arith.constant 15 : i32
    %eq3A_264 = vector.broadcast %eq3A_263 : i32 to vector<16xi32>
    %eq3A_265 = arith.cmpi eq, %iota3A, %eq3A_264 : vector<16xi32>
    %broadcast_in_dim3A_266 = vector.broadcast %reduce_sum3A_262 : i32 to vector<16xi32>
    %select_n3A_267 = arith.select %eq3A_265, %broadcast_in_dim3A_266, %select_n3A_256 : vector<16xi1>, vector<16xi32>
    %rev3A = arith.constant 15 : i32
    %rev3A_268 = vector.broadcast %rev3A : i32 to vector<16xi32>
    %rev3A_269 = tpu.iota {dimensions = array<i32: 0>} : vector<16xi32>
    %rev3A_270 = arith.subi %rev3A_268, %rev3A_269 : vector<16xi32>
    %rev3A_271 = tpu.dynamic_gather %select_n3A_267[%rev3A_270] in [0] : vector<16xi32>, vector<16xi32> -> vector<16xi32>
    %broadcast_in_dim3A_272 = arith.constant true
    %broadcast_in_dim3A_273 = vector.broadcast %broadcast_in_dim3A_272 : i1 to vector<16xi1>
    %masked_cumsum3A = tpu.scan <sum>, %rev3A_271 masked %broadcast_in_dim3A_273 : vector<16xi32>, vector<16xi1> -> vector<16xi32>
    %rev3A_274 = arith.constant 15 : i32
    %rev3A_275 = vector.broadcast %rev3A_274 : i32 to vector<16xi32>
    %rev3A_276 = tpu.iota {dimensions = array<i32: 0>} : vector<16xi32>
    %rev3A_277 = arith.subi %rev3A_275, %rev3A_276 : vector<16xi32>
    %rev3A_278 = tpu.dynamic_gather %masked_cumsum3A[%rev3A_277] in [0] : vector<16xi32>, vector<16xi32> -> vector<16xi32>
    %ge3A = arith.constant 512 : i32
    %ge3A_279 = vector.broadcast %ge3A : i32 to vector<16xi32>
    %ge3A_280 = arith.cmpi sge, %rev3A_278, %ge3A_279 : vector<16xi32>
    %jit3A_281 = arith.constant -1 : i32
    %broadcast_in_dim3A_282 = vector.broadcast %jit3A_281 : i32 to vector<16xi32>
    %select_n3A_283 = arith.select %ge3A_280, %iota3A, %broadcast_in_dim3A_282 : vector<16xi1>, vector<16xi32>
    %reduce_max3A = arith.constant true
    %reduce_max3A_284 = vector.broadcast %reduce_max3A : i1 to vector<16xi1>
    %reduce_max3A_285 = arith.constant -2147483648 : i32
    %reduce_max3A_286 = vector.broadcast %reduce_max3A_285 : i32 to vector<16xi32>
    %reduce_max3A_287 = arith.xori %select_n3A_283, %reduce_max3A_286 : vector<16xi32>
    %reduce_max3A_288 = tpu.scan <max>, %reduce_max3A_287 masked %reduce_max3A_284 : vector<16xi32>, vector<16xi1> -> vector<16xi32>
    %reduce_max3A_289 = arith.xori %reduce_max3A_288, %reduce_max3A_286 : vector<16xi32>
    %reduce_max3A_290 = vector.extract %reduce_max3A_289[15] : i32 from vector<16xi32>
    %eq3A_291 = vector.broadcast %reduce_max3A_290 : i32 to vector<16xi32>
    %eq3A_292 = arith.cmpi eq, %iota3A, %eq3A_291 : vector<16xi32>
    %jit3A_293 = arith.constant -2147483648 : i32
    %broadcast_in_dim3A_294 = vector.broadcast %jit3A_293 : i32 to vector<16xi32>
    %select_n3A_295 = arith.select %eq3A_292, %rev3A_278, %broadcast_in_dim3A_294 : vector<16xi1>, vector<16xi32>
    %reduce_max3A_296 = arith.constant true
    %reduce_max3A_297 = vector.broadcast %reduce_max3A_296 : i1 to vector<16xi1>
    %reduce_max3A_298 = arith.constant -2147483648 : i32
    %reduce_max3A_299 = vector.broadcast %reduce_max3A_298 : i32 to vector<16xi32>
    %reduce_max3A_300 = arith.xori %select_n3A_295, %reduce_max3A_299 : vector<16xi32>
    %reduce_max3A_301 = tpu.scan <max>, %reduce_max3A_300 masked %reduce_max3A_297 : vector<16xi32>, vector<16xi1> -> vector<16xi32>
    %reduce_max3A_302 = arith.xori %reduce_max3A_301, %reduce_max3A_299 : vector<16xi32>
    %reduce_max3A_303 = vector.extract %reduce_max3A_302[15] : i32 from vector<16xi32>
    %eq3A_304 = vector.broadcast %reduce_max3A_290 : i32 to vector<16xi32>
    %eq3A_305 = arith.cmpi eq, %iota3A, %eq3A_304 : vector<16xi32>
    %jit3A_306 = arith.constant -2147483648 : i32
    %broadcast_in_dim3A_307 = vector.broadcast %jit3A_306 : i32 to vector<16xi32>
    %select_n3A_308 = arith.select %eq3A_305, %select_n3A_267, %broadcast_in_dim3A_307 : vector<16xi1>, vector<16xi32>
    %reduce_max3A_309 = arith.constant true
    %reduce_max3A_310 = vector.broadcast %reduce_max3A_309 : i1 to vector<16xi1>
    %reduce_max3A_311 = arith.constant -2147483648 : i32
    %reduce_max3A_312 = vector.broadcast %reduce_max3A_311 : i32 to vector<16xi32>
    %reduce_max3A_313 = arith.xori %select_n3A_308, %reduce_max3A_312 : vector<16xi32>
    %reduce_max3A_314 = tpu.scan <max>, %reduce_max3A_313 masked %reduce_max3A_310 : vector<16xi32>, vector<16xi1> -> vector<16xi32>
    %reduce_max3A_315 = arith.xori %reduce_max3A_314, %reduce_max3A_312 : vector<16xi32>
    %reduce_max3A_316 = vector.extract %reduce_max3A_315[15] : i32 from vector<16xi32>
    %sub3A_317 = arith.subi %reduce_max3A_303, %reduce_max3A_316 : i32
    %sub3A_318 = arith.constant 512 : i32
    %sub3A_319 = arith.subi %sub3A_318, %sub3A_317 : i32
    %lt3A = arith.constant 8 : i32
    %lt3A_320 = arith.cmpi slt, %reduce_max3A_290, %lt3A : i32
    %sub3A_321 = arith.constant 15 : i32
    %sub3A_322 = arith.subi %sub3A_321, %reduce_max3A_290 : i32
    %sub3A_323 = arith.constant 8 : i32
    %sub3A_324 = arith.subi %reduce_max3A_290, %sub3A_323 : i32
    %select_n3A_325 = arith.select %lt3A_320, %sub3A_322, %sub3A_324 : i32
    %mul3A_326 = arith.constant 16 : i32
    %mul3A_327 = arith.muli %select_n3A_325, %mul3A_326 : i32
    %get3A_328 = arith.index_cast %mul3A_327 : i32 to index
    %get3A_329 = tpu.vector_load %arg7[%get3A_328] {strides = array<i32>} : memref<256xi32, #tpu.memory_space<vmem>>, vector<16xi32>,
    %add3A_330 = vector.broadcast %reduce_max3A_290 : i32 to vector<16xi32>
    %add3A_331 = arith.addi %broadcast_in_dim3A_2, %add3A_330 : vector<16xi32>
    %lt3A_332 = arith.constant 8 : i32
    %lt3A_333 = vector.broadcast %lt3A_332 : i32 to vector<16xi32>
    %lt3A_334 = arith.cmpi slt, %add3A_331, %lt3A_333 : vector<16xi32>
    %rev3A_335 = arith.constant 15 : i32
    %rev3A_336 = vector.broadcast %rev3A_335 : i32 to vector<16xi32>
    %rev3A_337 = tpu.iota {dimensions = array<i32: 0>} : vector<16xi32>
    %rev3A_338 = arith.subi %rev3A_336, %rev3A_337 : vector<16xi32>
    %rev3A_339 = tpu.dynamic_gather %get3A_329[%rev3A_338] in [0] : vector<16xi32>, vector<16xi32> -> vector<16xi32>
    %select_n3A_340 = arith.select %lt3A_334, %rev3A_339, %get3A_329 : vector<16xi1>, vector<16xi32>
    %rev3A_341 = arith.constant 15 : i32
    %rev3A_342 = vector.broadcast %rev3A_341 : i32 to vector<16xi32>
    %rev3A_343 = tpu.iota {dimensions = array<i32: 0>} : vector<16xi32>
    %rev3A_344 = arith.subi %rev3A_342, %rev3A_343 : vector<16xi32>
    %rev3A_345 = tpu.dynamic_gather %select_n3A_340[%rev3A_344] in [0] : vector<16xi32>, vector<16xi32> -> vector<16xi32>
    %broadcast_in_dim3A_346 = arith.constant true
    %broadcast_in_dim3A_347 = vector.broadcast %broadcast_in_dim3A_346 : i1 to vector<16xi1>
    %masked_cumsum3A_348 = tpu.scan <sum>, %rev3A_345 masked %broadcast_in_dim3A_347 : vector<16xi32>, vector<16xi1> -> vector<16xi32>
    %rev3A_349 = arith.constant 15 : i32
    %rev3A_350 = vector.broadcast %rev3A_349 : i32 to vector<16xi32>
    %rev3A_351 = tpu.iota {dimensions = array<i32: 0>} : vector<16xi32>
    %rev3A_352 = arith.subi %rev3A_350, %rev3A_351 : vector<16xi32>
    %rev3A_353 = tpu.dynamic_gather %masked_cumsum3A_348[%rev3A_352] in [0] : vector<16xi32>, vector<16xi32> -> vector<16xi32>
    %ge3A_354 = vector.broadcast %sub3A_319 : i32 to vector<16xi32>
    %ge3A_355 = arith.cmpi sge, %rev3A_353, %ge3A_354 : vector<16xi32>
    %jit3A_356 = arith.constant -1 : i32
    %broadcast_in_dim3A_357 = vector.broadcast %jit3A_356 : i32 to vector<16xi32>
    %select_n3A_358 = arith.select %ge3A_355, %iota3A, %broadcast_in_dim3A_357 : vector<16xi1>, vector<16xi32>
    %reduce_max3A_359 = arith.constant true
    %reduce_max3A_360 = vector.broadcast %reduce_max3A_359 : i1 to vector<16xi1>
    %reduce_max3A_361 = arith.constant -2147483648 : i32
    %reduce_max3A_362 = vector.broadcast %reduce_max3A_361 : i32 to vector<16xi32>
    %reduce_max3A_363 = arith.xori %select_n3A_358, %reduce_max3A_362 : vector<16xi32>
    %reduce_max3A_364 = tpu.scan <max>, %reduce_max3A_363 masked %reduce_max3A_360 : vector<16xi32>, vector<16xi1> -> vector<16xi32>
    %reduce_max3A_365 = arith.xori %reduce_max3A_364, %reduce_max3A_362 : vector<16xi32>
    %reduce_max3A_366 = vector.extract %reduce_max3A_365[15] : i32 from vector<16xi32>
    %eq3A_367 = vector.broadcast %reduce_max3A_366 : i32 to vector<16xi32>
    %eq3A_368 = arith.cmpi eq, %iota3A, %eq3A_367 : vector<16xi32>
    %jit3A_369 = arith.constant -2147483648 : i32
    %broadcast_in_dim3A_370 = vector.broadcast %jit3A_369 : i32 to vector<16xi32>
    %select_n3A_371 = arith.select %eq3A_368, %rev3A_353, %broadcast_in_dim3A_370 : vector<16xi1>, vector<16xi32>
    %reduce_max3A_372 = arith.constant true
    %reduce_max3A_373 = vector.broadcast %reduce_max3A_372 : i1 to vector<16xi1>
    %reduce_max3A_374 = arith.constant -2147483648 : i32
    %reduce_max3A_375 = vector.broadcast %reduce_max3A_374 : i32 to vector<16xi32>
    %reduce_max3A_376 = arith.xori %select_n3A_371, %reduce_max3A_375 : vector<16xi32>
    %reduce_max3A_377 = tpu.scan <max>, %reduce_max3A_376 masked %reduce_max3A_373 : vector<16xi32>, vector<16xi1> -> vector<16xi32>
    %reduce_max3A_378 = arith.xori %reduce_max3A_377, %reduce_max3A_375 : vector<16xi32>
    %reduce_max3A_379 = vector.extract %reduce_max3A_378[15] : i32 from vector<16xi32>
    %eq3A_380 = vector.broadcast %reduce_max3A_366 : i32 to vector<16xi32>
    %eq3A_381 = arith.cmpi eq, %iota3A, %eq3A_380 : vector<16xi32>
    %jit3A_382 = arith.constant -2147483648 : i32
    %broadcast_in_dim3A_383 = vector.broadcast %jit3A_382 : i32 to vector<16xi32>
    %select_n3A_384 = arith.select %eq3A_381, %select_n3A_340, %broadcast_in_dim3A_383 : vector<16xi1>, vector<16xi32>
    %reduce_max3A_385 = arith.constant true
    %reduce_max3A_386 = vector.broadcast %reduce_max3A_385 : i1 to vector<16xi1>
    %reduce_max3A_387 = arith.constant -2147483648 : i32
    %reduce_max3A_388 = vector.broadcast %reduce_max3A_387 : i32 to vector<16xi32>
    %reduce_max3A_389 = arith.xori %select_n3A_384, %reduce_max3A_388 : vector<16xi32>
    %reduce_max3A_390 = tpu.scan <max>, %reduce_max3A_389 masked %reduce_max3A_386 : vector<16xi32>, vector<16xi1> -> vector<16xi32>
    %reduce_max3A_391 = arith.xori %reduce_max3A_390, %reduce_max3A_388 : vector<16xi32>
    %reduce_max3A_392 = vector.extract %reduce_max3A_391[15] : i32 from vector<16xi32>
    %sub3A_393 = arith.subi %reduce_max3A_379, %reduce_max3A_392 : i32
    %mul3A_394 = arith.constant 16 : i32
    %mul3A_395 = arith.muli %reduce_max3A_290, %mul3A_394 : i32
    %add3A_396 = arith.addi %mul3A_395, %reduce_max3A_366 : i32
    %mul3A_397 = arith.constant 16 : i32
    %mul3A_398 = arith.muli %select_n3A_325, %mul3A_397 : i32
    %lt3A_399 = arith.constant 8 : i32
    %lt3A_400 = arith.cmpi slt, %reduce_max3A_290, %lt3A_399 : i32
    %sub3A_401 = arith.constant 15 : i32
    %sub3A_402 = arith.subi %sub3A_401, %reduce_max3A_366 : i32
    %select_n3A_403 = arith.select %lt3A_400, %sub3A_402, %reduce_max3A_366 : i32
    %add3A_404 = arith.addi %mul3A_398, %select_n3A_403 : i32
    %sub3A_405 = arith.subi %sub3A_319, %sub3A_393 : i32
    %add3A_406 = arith.addi %select_n3A_41, %sub3A_42 : i32
    %div3A_407 = arith.constant 11 : i32
    %div3A_408 = arith.divsi %sub3A_42, %div3A_407 : i32
    %swap3A_409 = arith.constant 0 : i32
    %swap3A_410 = arith.constant 0 : i32
    %swap3A_411 = arith.index_cast %swap3A_410 : i32 to index
    %swap3A_412 = memref.load %arg10[%swap3A_411] : memref<1xi32, #tpu.memory_space<smem>>
    memref.store %swap3A_409, %arg10[%swap3A_411] : memref<1xi32, #tpu.memory_space<smem>>
    %while3A_413 = arith.constant 0 : i32
    %while3A_414 = arith.constant 0 : i32
    %while3A_415 = arith.subi %div3A_408, %while3A_413 : i32
    %while3A_416 = arith.addi %while3A_413, %while3A_415 : i32
    %while3A_417 = arith.constant 1 : i32
    %while3A_418 = arith.divsi %while3A_415, %while3A_417 : i32
    %while3A_419 = arith.muli %while3A_418, %while3A_417 : i32
    %while3A_420 = arith.addi %while3A_413, %while3A_419 : i32
    %while3A_421 = arith.constant 1 : i32
    %while3A_422 = scf.for %while3A_1551 = %while3A_413 to %while3A_420 step %while3A_421 iter_args(%while3A_1552 = %while3A_414) -> (i32)  : i32 {
      %mul3A_1553 = arith.constant 11 : i32
      %mul3A_1554 = arith.muli %while3A_1551, %mul3A_1553 : i32
      %add3A_1555 = arith.addi %select_n3A_41, %mul3A_1554 : i32
      %add3A_1556 = arith.constant 0 : i32
      %add3A_1557 = arith.addi %add3A_1555, %add3A_1556 : i32
      %mul3A_1558 = arith.constant 16 : i32
      %mul3A_1559 = arith.muli %add3A_1557, %mul3A_1558 : i32
      %get3A_1560 = arith.index_cast %mul3A_1559 : i32 to index
      %get3A_1561 = tpu.vector_load %arg4[%get3A_1560] {strides = array<i32>} : memref<62528xf32, #tpu.memory_space<vmem>>, vector<16xf32>,
      %bitcast_convert_type3A_1562 = tpu.bitcast %get3A_1561 : vector<16xf32> -> vector<16xi32>
      %shift_right_logical3A_1563 = arith.constant 24 : i32
      %shift_right_logical3A_1564 = vector.broadcast %shift_right_logical3A_1563 : i32 to vector<16xi32>
      %shift_right_logical3A_1565 = arith.shrui %bitcast_convert_type3A_1562, %shift_right_logical3A_1564 : vector<16xi32>
      %eq3A_1566 = vector.broadcast %add3A_404 : i32 to vector<16xi32>
      %eq3A_1567 = arith.cmpi eq, %shift_right_logical3A_1565, %eq3A_1566 : vector<16xi32>
      %add3A_1568 = arith.constant 1 : i32
      %add3A_1569 = arith.addi %add3A_1555, %add3A_1568 : i32
      %mul3A_1570 = arith.constant 16 : i32
      %mul3A_1571 = arith.muli %add3A_1569, %mul3A_1570 : i32
      %get3A_1572 = arith.index_cast %mul3A_1571 : i32 to index
      %get3A_1573 = tpu.vector_load %arg4[%get3A_1572] {strides = array<i32>} : memref<62528xf32, #tpu.memory_space<vmem>>, vector<16xf32>,
      %bitcast_convert_type3A_1574 = tpu.bitcast %get3A_1573 : vector<16xf32> -> vector<16xi32>
      %shift_right_logical3A_1575 = arith.constant 24 : i32
      %shift_right_logical3A_1576 = vector.broadcast %shift_right_logical3A_1575 : i32 to vector<16xi32>
      %shift_right_logical3A_1577 = arith.shrui %bitcast_convert_type3A_1574, %shift_right_logical3A_1576 : vector<16xi32>
      %eq3A_1578 = vector.broadcast %add3A_404 : i32 to vector<16xi32>
      %eq3A_1579 = arith.cmpi eq, %shift_right_logical3A_1577, %eq3A_1578 : vector<16xi32>
      %add3A_1580 = arith.constant 2 : i32
      %add3A_1581 = arith.addi %add3A_1555, %add3A_1580 : i32
      %mul3A_1582 = arith.constant 16 : i32
      %mul3A_1583 = arith.muli %add3A_1581, %mul3A_1582 : i32
      %get3A_1584 = arith.index_cast %mul3A_1583 : i32 to index
      %get3A_1585 = tpu.vector_load %arg4[%get3A_1584] {strides = array<i32>} : memref<62528xf32, #tpu.memory_space<vmem>>, vector<16xf32>,
      %bitcast_convert_type3A_1586 = tpu.bitcast %get3A_1585 : vector<16xf32> -> vector<16xi32>
      %shift_right_logical3A_1587 = arith.constant 24 : i32
      %shift_right_logical3A_1588 = vector.broadcast %shift_right_logical3A_1587 : i32 to vector<16xi32>
      %shift_right_logical3A_1589 = arith.shrui %bitcast_convert_type3A_1586, %shift_right_logical3A_1588 : vector<16xi32>
      %eq3A_1590 = vector.broadcast %add3A_404 : i32 to vector<16xi32>
      %eq3A_1591 = arith.cmpi eq, %shift_right_logical3A_1589, %eq3A_1590 : vector<16xi32>
      %add3A_1592 = arith.constant 3 : i32
      %add3A_1593 = arith.addi %add3A_1555, %add3A_1592 : i32
      %mul3A_1594 = arith.constant 16 : i32
      %mul3A_1595 = arith.muli %add3A_1593, %mul3A_1594 : i32
      %get3A_1596 = arith.index_cast %mul3A_1595 : i32 to index
      %get3A_1597 = tpu.vector_load %arg4[%get3A_1596] {strides = array<i32>} : memref<62528xf32, #tpu.memory_space<vmem>>, vector<16xf32>,
      %bitcast_convert_type3A_1598 = tpu.bitcast %get3A_1597 : vector<16xf32> -> vector<16xi32>
      %shift_right_logical3A_1599 = arith.constant 24 : i32
      %shift_right_logical3A_1600 = vector.broadcast %shift_right_logical3A_1599 : i32 to vector<16xi32>
      %shift_right_logical3A_1601 = arith.shrui %bitcast_convert_type3A_1598, %shift_right_logical3A_1600 : vector<16xi32>
      %eq3A_1602 = vector.broadcast %add3A_404 : i32 to vector<16xi32>
      %eq3A_1603 = arith.cmpi eq, %shift_right_logical3A_1601, %eq3A_1602 : vector<16xi32>
      %add3A_1604 = arith.constant 4 : i32
      %add3A_1605 = arith.addi %add3A_1555, %add3A_1604 : i32
      %mul3A_1606 = arith.constant 16 : i32
      %mul3A_1607 = arith.muli %add3A_1605, %mul3A_1606 : i32
      %get3A_1608 = arith.index_cast %mul3A_1607 : i32 to index
      %get3A_1609 = tpu.vector_load %arg4[%get3A_1608] {strides = array<i32>} : memref<62528xf32, #tpu.memory_space<vmem>>, vector<16xf32>,
      %bitcast_convert_type3A_1610 = tpu.bitcast %get3A_1609 : vector<16xf32> -> vector<16xi32>
      %shift_right_logical3A_1611 = arith.constant 24 : i32
      %shift_right_logical3A_1612 = vector.broadcast %shift_right_logical3A_1611 : i32 to vector<16xi32>
      %shift_right_logical3A_1613 = arith.shrui %bitcast_convert_type3A_1610, %shift_right_logical3A_1612 : vector<16xi32>
      %eq3A_1614 = vector.broadcast %add3A_404 : i32 to vector<16xi32>
      %eq3A_1615 = arith.cmpi eq, %shift_right_logical3A_1613, %eq3A_1614 : vector<16xi32>
      %add3A_1616 = arith.constant 5 : i32
      %add3A_1617 = arith.addi %add3A_1555, %add3A_1616 : i32
      %mul3A_1618 = arith.constant 16 : i32
      %mul3A_1619 = arith.muli %add3A_1617, %mul3A_1618 : i32
      %get3A_1620 = arith.index_cast %mul3A_1619 : i32 to index
      %get3A_1621 = tpu.vector_load %arg4[%get3A_1620] {strides = array<i32>} : memref<62528xf32, #tpu.memory_space<vmem>>, vector<16xf32>,
      %bitcast_convert_type3A_1622 = tpu.bitcast %get3A_1621 : vector<16xf32> -> vector<16xi32>
      %shift_right_logical3A_1623 = arith.constant 24 : i32
      %shift_right_logical3A_1624 = vector.broadcast %shift_right_logical3A_1623 : i32 to vector<16xi32>
      %shift_right_logical3A_1625 = arith.shrui %bitcast_convert_type3A_1622, %shift_right_logical3A_1624 : vector<16xi32>
      %eq3A_1626 = vector.broadcast %add3A_404 : i32 to vector<16xi32>
      %eq3A_1627 = arith.cmpi eq, %shift_right_logical3A_1625, %eq3A_1626 : vector<16xi32>
      %add3A_1628 = arith.constant 6 : i32
      %add3A_1629 = arith.addi %add3A_1555, %add3A_1628 : i32
      %mul3A_1630 = arith.constant 16 : i32
      %mul3A_1631 = arith.muli %add3A_1629, %mul3A_1630 : i32
      %get3A_1632 = arith.index_cast %mul3A_1631 : i32 to index
      %get3A_1633 = tpu.vector_load %arg4[%get3A_1632] {strides = array<i32>} : memref<62528xf32, #tpu.memory_space<vmem>>, vector<16xf32>,
      %bitcast_convert_type3A_1634 = tpu.bitcast %get3A_1633 : vector<16xf32> -> vector<16xi32>
      %shift_right_logical3A_1635 = arith.constant 24 : i32
      %shift_right_logical3A_1636 = vector.broadcast %shift_right_logical3A_1635 : i32 to vector<16xi32>
      %shift_right_logical3A_1637 = arith.shrui %bitcast_convert_type3A_1634, %shift_right_logical3A_1636 : vector<16xi32>
      %eq3A_1638 = vector.broadcast %add3A_404 : i32 to vector<16xi32>
      %eq3A_1639 = arith.cmpi eq, %shift_right_logical3A_1637, %eq3A_1638 : vector<16xi32>
      %add3A_1640 = arith.constant 7 : i32
      %add3A_1641 = arith.addi %add3A_1555, %add3A_1640 : i32
      %mul3A_1642 = arith.constant 16 : i32
      %mul3A_1643 = arith.muli %add3A_1641, %mul3A_1642 : i32
      %get3A_1644 = arith.index_cast %mul3A_1643 : i32 to index
      %get3A_1645 = tpu.vector_load %arg4[%get3A_1644] {strides = array<i32>} : memref<62528xf32, #tpu.memory_space<vmem>>, vector<16xf32>,
      %bitcast_convert_type3A_1646 = tpu.bitcast %get3A_1645 : vector<16xf32> -> vector<16xi32>
      %shift_right_logical3A_1647 = arith.constant 24 : i32
      %shift_right_logical3A_1648 = vector.broadcast %shift_right_logical3A_1647 : i32 to vector<16xi32>
      %shift_right_logical3A_1649 = arith.shrui %bitcast_convert_type3A_1646, %shift_right_logical3A_1648 : vector<16xi32>
      %eq3A_1650 = vector.broadcast %add3A_404 : i32 to vector<16xi32>
      %eq3A_1651 = arith.cmpi eq, %shift_right_logical3A_1649, %eq3A_1650 : vector<16xi32>
      %add3A_1652 = arith.constant 8 : i32
      %add3A_1653 = arith.addi %add3A_1555, %add3A_1652 : i32
      %mul3A_1654 = arith.constant 16 : i32
      %mul3A_1655 = arith.muli %add3A_1653, %mul3A_1654 : i32
      %get3A_1656 = arith.index_cast %mul3A_1655 : i32 to index
      %get3A_1657 = tpu.vector_load %arg4[%get3A_1656] {strides = array<i32>} : memref<62528xf32, #tpu.memory_space<vmem>>, vector<16xf32>,
      %bitcast_convert_type3A_1658 = tpu.bitcast %get3A_1657 : vector<16xf32> -> vector<16xi32>
      %shift_right_logical3A_1659 = arith.constant 24 : i32
      %shift_right_logical3A_1660 = vector.broadcast %shift_right_logical3A_1659 : i32 to vector<16xi32>
      %shift_right_logical3A_1661 = arith.shrui %bitcast_convert_type3A_1658, %shift_right_logical3A_1660 : vector<16xi32>
      %eq3A_1662 = vector.broadcast %add3A_404 : i32 to vector<16xi32>
      %eq3A_1663 = arith.cmpi eq, %shift_right_logical3A_1661, %eq3A_1662 : vector<16xi32>
      %add3A_1664 = arith.constant 9 : i32
      %add3A_1665 = arith.addi %add3A_1555, %add3A_1664 : i32
      %mul3A_1666 = arith.constant 16 : i32
      %mul3A_1667 = arith.muli %add3A_1665, %mul3A_1666 : i32
      %get3A_1668 = arith.index_cast %mul3A_1667 : i32 to index
      %get3A_1669 = tpu.vector_load %arg4[%get3A_1668] {strides = array<i32>} : memref<62528xf32, #tpu.memory_space<vmem>>, vector<16xf32>,
      %bitcast_convert_type3A_1670 = tpu.bitcast %get3A_1669 : vector<16xf32> -> vector<16xi32>
      %shift_right_logical3A_1671 = arith.constant 24 : i32
      %shift_right_logical3A_1672 = vector.broadcast %shift_right_logical3A_1671 : i32 to vector<16xi32>
      %shift_right_logical3A_1673 = arith.shrui %bitcast_convert_type3A_1670, %shift_right_logical3A_1672 : vector<16xi32>
      %eq3A_1674 = vector.broadcast %add3A_404 : i32 to vector<16xi32>
      %eq3A_1675 = arith.cmpi eq, %shift_right_logical3A_1673, %eq3A_1674 : vector<16xi32>
      %add3A_1676 = arith.constant 10 : i32
      %add3A_1677 = arith.addi %add3A_1555, %add3A_1676 : i32
      %mul3A_1678 = arith.constant 16 : i32
      %mul3A_1679 = arith.muli %add3A_1677, %mul3A_1678 : i32
      %get3A_1680 = arith.index_cast %mul3A_1679 : i32 to index
      %get3A_1681 = tpu.vector_load %arg4[%get3A_1680] {strides = array<i32>} : memref<62528xf32, #tpu.memory_space<vmem>>, vector<16xf32>,
      %bitcast_convert_type3A_1682 = tpu.bitcast %get3A_1681 : vector<16xf32> -> vector<16xi32>
      %shift_right_logical3A_1683 = arith.constant 24 : i32
      %shift_right_logical3A_1684 = vector.broadcast %shift_right_logical3A_1683 : i32 to vector<16xi32>
      %shift_right_logical3A_1685 = arith.shrui %bitcast_convert_type3A_1682, %shift_right_logical3A_1684 : vector<16xi32>
      %eq3A_1686 = vector.broadcast %add3A_404 : i32 to vector<16xi32>
      %eq3A_1687 = arith.cmpi eq, %shift_right_logical3A_1685, %eq3A_1686 : vector<16xi32>
      %or3A_1688 = arith.ori %eq3A_1567, %eq3A_1579 : vector<16xi1>
      %or3A_1689 = arith.ori %or3A_1688, %eq3A_1591 : vector<16xi1>
      %or3A_1690 = arith.ori %or3A_1689, %eq3A_1603 : vector<16xi1>
      %or3A_1691 = arith.ori %or3A_1690, %eq3A_1615 : vector<16xi1>
      %or3A_1692 = arith.ori %or3A_1691, %eq3A_1627 : vector<16xi1>
      %or3A_1693 = arith.ori %or3A_1692, %eq3A_1639 : vector<16xi1>
      %or3A_1694 = arith.ori %or3A_1693, %eq3A_1651 : vector<16xi1>
      %or3A_1695 = arith.ori %or3A_1694, %eq3A_1663 : vector<16xi1>
      %or3A_1696 = arith.ori %or3A_1695, %eq3A_1675 : vector<16xi1>
      %or3A_1697 = arith.ori %or3A_1696, %eq3A_1687 : vector<16xi1>
      %jit3A_1698 = arith.constant 1 : i32
      %jit3A_1699 = arith.constant 0 : i32
      %broadcast_in_dim3A_1700 = vector.broadcast %jit3A_1698 : i32 to vector<16xi32>
      %broadcast_in_dim3A_1701 = vector.broadcast %jit3A_1699 : i32 to vector<16xi32>
      %select_n3A_1702 = arith.select %or3A_1697, %broadcast_in_dim3A_1700, %broadcast_in_dim3A_1701 : vector<16xi1>, vector<16xi32>
      %reduce_max3A_1703 = arith.constant true
      %reduce_max3A_1704 = vector.broadcast %reduce_max3A_1703 : i1 to vector<16xi1>
      %reduce_max3A_1705 = arith.constant -2147483648 : i32
      %reduce_max3A_1706 = vector.broadcast %reduce_max3A_1705 : i32 to vector<16xi32>
      %reduce_max3A_1707 = arith.xori %select_n3A_1702, %reduce_max3A_1706 : vector<16xi32>
      %reduce_max3A_1708 = tpu.scan <max>, %reduce_max3A_1707 masked %reduce_max3A_1704 : vector<16xi32>, vector<16xi1> -> vector<16xi32>
      %reduce_max3A_1709 = arith.xori %reduce_max3A_1708, %reduce_max3A_1706 : vector<16xi32>
      %reduce_max3A_1710 = vector.extract %reduce_max3A_1709[15] : i32 from vector<16xi32>
      %gt3A = arith.constant 0 : i32
      %gt3A_1711 = arith.cmpi sgt, %reduce_max3A_1710, %gt3A : i32
      %convert_element_type3A_1712 = arith.extui %gt3A_1711 : i1 to i32
      %cond3A_1713 = arith.constant 0 : i32
      %cond3A_1714 = arith.cmpi ne, %convert_element_type3A_1712, %cond3A_1713 : i32
      scf.if %cond3A_1714 {
        %get3A_1716 = arith.constant 0 : i32
        %get3A_1717 = arith.index_cast %get3A_1716 : i32 to index
        %get3A_1718 = memref.load %arg10[%get3A_1717] : memref<1xi32, #tpu.memory_space<smem>>
        %jit3A_1719 = arith.constant 1 : i32
        %jit3A_1720 = arith.constant 0 : i32
        %broadcast_in_dim3A_1721 = vector.broadcast %jit3A_1719 : i32 to vector<16xi32>
        %broadcast_in_dim3A_1722 = vector.broadcast %jit3A_1720 : i32 to vector<16xi32>
        %select_n3A_1723 = arith.select %eq3A_1567, %broadcast_in_dim3A_1721, %broadcast_in_dim3A_1722 : vector<16xi1>, vector<16xi32>
        %broadcast_in_dim3A_1724 = arith.constant true
        %broadcast_in_dim3A_1725 = vector.broadcast %broadcast_in_dim3A_1724 : i1 to vector<16xi1>
        %masked_cumsum3A_1726 = tpu.scan <sum>, %select_n3A_1723 masked %broadcast_in_dim3A_1725 : vector<16xi32>, vector<16xi1> -> vector<16xi32>
        %add3A_1727 = vector.broadcast %get3A_1718 : i32 to vector<16xi32>
        %add3A_1728 = arith.addi %add3A_1727, %masked_cumsum3A_1726 : vector<16xi32>
        %sub3A_1729 = arith.subi %add3A_1728, %select_n3A_1723 : vector<16xi32>
        tpu.vector_store_idx %arg4[%sub3A_1729], %get3A_1561 masked %eq3A_1567 : memref<62528xf32, #tpu.memory_space<vmem>>[vector<16xi32>], vector<16xf32>, vector<16xi1>
        %reduce_max3A_1730 = arith.constant true
        %reduce_max3A_1731 = vector.broadcast %reduce_max3A_1730 : i1 to vector<16xi1>
        %reduce_max3A_1732 = arith.constant -2147483648 : i32
        %reduce_max3A_1733 = vector.broadcast %reduce_max3A_1732 : i32 to vector<16xi32>
        %reduce_max3A_1734 = arith.xori %masked_cumsum3A_1726, %reduce_max3A_1733 : vector<16xi32>
        %reduce_max3A_1735 = tpu.scan <max>, %reduce_max3A_1734 masked %reduce_max3A_1731 : vector<16xi32>, vector<16xi1> -> vector<16xi32>
        %reduce_max3A_1736 = arith.xori %reduce_max3A_1735, %reduce_max3A_1733 : vector<16xi32>
        %reduce_max3A_1737 = vector.extract %reduce_max3A_1736[15] : i32 from vector<16xi32>
        %add3A_1738 = arith.addi %get3A_1718, %reduce_max3A_1737 : i32
        %jit3A_1739 = arith.constant 1 : i32
        %jit3A_1740 = arith.constant 0 : i32
        %broadcast_in_dim3A_1741 = vector.broadcast %jit3A_1739 : i32 to vector<16xi32>
        %broadcast_in_dim3A_1742 = vector.broadcast %jit3A_1740 : i32 to vector<16xi32>
        %select_n3A_1743 = arith.select %eq3A_1579, %broadcast_in_dim3A_1741, %broadcast_in_dim3A_1742 : vector<16xi1>, vector<16xi32>
        %broadcast_in_dim3A_1744 = arith.constant true
        %broadcast_in_dim3A_1745 = vector.broadcast %broadcast_in_dim3A_1744 : i1 to vector<16xi1>
        %masked_cumsum3A_1746 = tpu.scan <sum>, %select_n3A_1743 masked %broadcast_in_dim3A_1745 : vector<16xi32>, vector<16xi1> -> vector<16xi32>
        %add3A_1747 = vector.broadcast %add3A_1738 : i32 to vector<16xi32>
        %add3A_1748 = arith.addi %add3A_1747, %masked_cumsum3A_1746 : vector<16xi32>
        %sub3A_1749 = arith.subi %add3A_1748, %select_n3A_1743 : vector<16xi32>
        tpu.vector_store_idx %arg4[%sub3A_1749], %get3A_1573 masked %eq3A_1579 : memref<62528xf32, #tpu.memory_space<vmem>>[vector<16xi32>], vector<16xf32>, vector<16xi1>
        %reduce_max3A_1750 = arith.constant true
        %reduce_max3A_1751 = vector.broadcast %reduce_max3A_1750 : i1 to vector<16xi1>
        %reduce_max3A_1752 = arith.constant -2147483648 : i32
        %reduce_max3A_1753 = vector.broadcast %reduce_max3A_1752 : i32 to vector<16xi32>
        %reduce_max3A_1754 = arith.xori %masked_cumsum3A_1746, %reduce_max3A_1753 : vector<16xi32>
        %reduce_max3A_1755 = tpu.scan <max>, %reduce_max3A_1754 masked %reduce_max3A_1751 : vector<16xi32>, vector<16xi1> -> vector<16xi32>
        %reduce_max3A_1756 = arith.xori %reduce_max3A_1755, %reduce_max3A_1753 : vector<16xi32>
        %reduce_max3A_1757 = vector.extract %reduce_max3A_1756[15] : i32 from vector<16xi32>
        %add3A_1758 = arith.addi %add3A_1738, %reduce_max3A_1757 : i32
        %jit3A_1759 = arith.constant 1 : i32
        %jit3A_1760 = arith.constant 0 : i32
        %broadcast_in_dim3A_1761 = vector.broadcast %jit3A_1759 : i32 to vector<16xi32>
        %broadcast_in_dim3A_1762 = vector.broadcast %jit3A_1760 : i32 to vector<16xi32>
        %select_n3A_1763 = arith.select %eq3A_1591, %broadcast_in_dim3A_1761, %broadcast_in_dim3A_1762 : vector<16xi1>, vector<16xi32>
        %broadcast_in_dim3A_1764 = arith.constant true
        %broadcast_in_dim3A_1765 = vector.broadcast %broadcast_in_dim3A_1764 : i1 to vector<16xi1>
        %masked_cumsum3A_1766 = tpu.scan <sum>, %select_n3A_1763 masked %broadcast_in_dim3A_1765 : vector<16xi32>, vector<16xi1> -> vector<16xi32>
        %add3A_1767 = vector.broadcast %add3A_1758 : i32 to vector<16xi32>
        %add3A_1768 = arith.addi %add3A_1767, %masked_cumsum3A_1766 : vector<16xi32>
        %sub3A_1769 = arith.subi %add3A_1768, %select_n3A_1763 : vector<16xi32>
        tpu.vector_store_idx %arg4[%sub3A_1769], %get3A_1585 masked %eq3A_1591 : memref<62528xf32, #tpu.memory_space<vmem>>[vector<16xi32>], vector<16xf32>, vector<16xi1>
        %reduce_max3A_1770 = arith.constant true
        %reduce_max3A_1771 = vector.broadcast %reduce_max3A_1770 : i1 to vector<16xi1>
        %reduce_max3A_1772 = arith.constant -2147483648 : i32
        %reduce_max3A_1773 = vector.broadcast %reduce_max3A_1772 : i32 to vector<16xi32>
        %reduce_max3A_1774 = arith.xori %masked_cumsum3A_1766, %reduce_max3A_1773 : vector<16xi32>
        %reduce_max3A_1775 = tpu.scan <max>, %reduce_max3A_1774 masked %reduce_max3A_1771 : vector<16xi32>, vector<16xi1> -> vector<16xi32>
        %reduce_max3A_1776 = arith.xori %reduce_max3A_1775, %reduce_max3A_1773 : vector<16xi32>
        %reduce_max3A_1777 = vector.extract %reduce_max3A_1776[15] : i32 from vector<16xi32>
        %add3A_1778 = arith.addi %add3A_1758, %reduce_max3A_1777 : i32
        %jit3A_1779 = arith.constant 1 : i32
        %jit3A_1780 = arith.constant 0 : i32
        %broadcast_in_dim3A_1781 = vector.broadcast %jit3A_1779 : i32 to vector<16xi32>
        %broadcast_in_dim3A_1782 = vector.broadcast %jit3A_1780 : i32 to vector<16xi32>
        %select_n3A_1783 = arith.select %eq3A_1603, %broadcast_in_dim3A_1781, %broadcast_in_dim3A_1782 : vector<16xi1>, vector<16xi32>
        %broadcast_in_dim3A_1784 = arith.constant true
        %broadcast_in_dim3A_1785 = vector.broadcast %broadcast_in_dim3A_1784 : i1 to vector<16xi1>
        %masked_cumsum3A_1786 = tpu.scan <sum>, %select_n3A_1783 masked %broadcast_in_dim3A_1785 : vector<16xi32>, vector<16xi1> -> vector<16xi32>
        %add3A_1787 = vector.broadcast %add3A_1778 : i32 to vector<16xi32>
        %add3A_1788 = arith.addi %add3A_1787, %masked_cumsum3A_1786 : vector<16xi32>
        %sub3A_1789 = arith.subi %add3A_1788, %select_n3A_1783 : vector<16xi32>
        tpu.vector_store_idx %arg4[%sub3A_1789], %get3A_1597 masked %eq3A_1603 : memref<62528xf32, #tpu.memory_space<vmem>>[vector<16xi32>], vector<16xf32>, vector<16xi1>
        %reduce_max3A_1790 = arith.constant true
        %reduce_max3A_1791 = vector.broadcast %reduce_max3A_1790 : i1 to vector<16xi1>
        %reduce_max3A_1792 = arith.constant -2147483648 : i32
        %reduce_max3A_1793 = vector.broadcast %reduce_max3A_1792 : i32 to vector<16xi32>
        %reduce_max3A_1794 = arith.xori %masked_cumsum3A_1786, %reduce_max3A_1793 : vector<16xi32>
        %reduce_max3A_1795 = tpu.scan <max>, %reduce_max3A_1794 masked %reduce_max3A_1791 : vector<16xi32>, vector<16xi1> -> vector<16xi32>
        %reduce_max3A_1796 = arith.xori %reduce_max3A_1795, %reduce_max3A_1793 : vector<16xi32>
        %reduce_max3A_1797 = vector.extract %reduce_max3A_1796[15] : i32 from vector<16xi32>
        %add3A_1798 = arith.addi %add3A_1778, %reduce_max3A_1797 : i32
        %jit3A_1799 = arith.constant 1 : i32
        %jit3A_1800 = arith.constant 0 : i32
        %broadcast_in_dim3A_1801 = vector.broadcast %jit3A_1799 : i32 to vector<16xi32>
        %broadcast_in_dim3A_1802 = vector.broadcast %jit3A_1800 : i32 to vector<16xi32>
        %select_n3A_1803 = arith.select %eq3A_1615, %broadcast_in_dim3A_1801, %broadcast_in_dim3A_1802 : vector<16xi1>, vector<16xi32>
        %broadcast_in_dim3A_1804 = arith.constant true
        %broadcast_in_dim3A_1805 = vector.broadcast %broadcast_in_dim3A_1804 : i1 to vector<16xi1>
        %masked_cumsum3A_1806 = tpu.scan <sum>, %select_n3A_1803 masked %broadcast_in_dim3A_1805 : vector<16xi32>, vector<16xi1> -> vector<16xi32>
        %add3A_1807 = vector.broadcast %add3A_1798 : i32 to vector<16xi32>
        %add3A_1808 = arith.addi %add3A_1807, %masked_cumsum3A_1806 : vector<16xi32>
        %sub3A_1809 = arith.subi %add3A_1808, %select_n3A_1803 : vector<16xi32>
        tpu.vector_store_idx %arg4[%sub3A_1809], %get3A_1609 masked %eq3A_1615 : memref<62528xf32, #tpu.memory_space<vmem>>[vector<16xi32>], vector<16xf32>, vector<16xi1>
        %reduce_max3A_1810 = arith.constant true
        %reduce_max3A_1811 = vector.broadcast %reduce_max3A_1810 : i1 to vector<16xi1>
        %reduce_max3A_1812 = arith.constant -2147483648 : i32
        %reduce_max3A_1813 = vector.broadcast %reduce_max3A_1812 : i32 to vector<16xi32>
        %reduce_max3A_1814 = arith.xori %masked_cumsum3A_1806, %reduce_max3A_1813 : vector<16xi32>
        %reduce_max3A_1815 = tpu.scan <max>, %reduce_max3A_1814 masked %reduce_max3A_1811 : vector<16xi32>, vector<16xi1> -> vector<16xi32>
        %reduce_max3A_1816 = arith.xori %reduce_max3A_1815, %reduce_max3A_1813 : vector<16xi32>
        %reduce_max3A_1817 = vector.extract %reduce_max3A_1816[15] : i32 from vector<16xi32>
        %add3A_1818 = arith.addi %add3A_1798, %reduce_max3A_1817 : i32
        %jit3A_1819 = arith.constant 1 : i32
        %jit3A_1820 = arith.constant 0 : i32
        %broadcast_in_dim3A_1821 = vector.broadcast %jit3A_1819 : i32 to vector<16xi32>
        %broadcast_in_dim3A_1822 = vector.broadcast %jit3A_1820 : i32 to vector<16xi32>
        %select_n3A_1823 = arith.select %eq3A_1627, %broadcast_in_dim3A_1821, %broadcast_in_dim3A_1822 : vector<16xi1>, vector<16xi32>
        %broadcast_in_dim3A_1824 = arith.constant true
        %broadcast_in_dim3A_1825 = vector.broadcast %broadcast_in_dim3A_1824 : i1 to vector<16xi1>
        %masked_cumsum3A_1826 = tpu.scan <sum>, %select_n3A_1823 masked %broadcast_in_dim3A_1825 : vector<16xi32>, vector<16xi1> -> vector<16xi32>
        %add3A_1827 = vector.broadcast %add3A_1818 : i32 to vector<16xi32>
        %add3A_1828 = arith.addi %add3A_1827, %masked_cumsum3A_1826 : vector<16xi32>
        %sub3A_1829 = arith.subi %add3A_1828, %select_n3A_1823 : vector<16xi32>
        tpu.vector_store_idx %arg4[%sub3A_1829], %get3A_1621 masked %eq3A_1627 : memref<62528xf32, #tpu.memory_space<vmem>>[vector<16xi32>], vector<16xf32>, vector<16xi1>
        %reduce_max3A_1830 = arith.constant true
        %reduce_max3A_1831 = vector.broadcast %reduce_max3A_1830 : i1 to vector<16xi1>
        %reduce_max3A_1832 = arith.constant -2147483648 : i32
        %reduce_max3A_1833 = vector.broadcast %reduce_max3A_1832 : i32 to vector<16xi32>
        %reduce_max3A_1834 = arith.xori %masked_cumsum3A_1826, %reduce_max3A_1833 : vector<16xi32>
        %reduce_max3A_1835 = tpu.scan <max>, %reduce_max3A_1834 masked %reduce_max3A_1831 : vector<16xi32>, vector<16xi1> -> vector<16xi32>
        %reduce_max3A_1836 = arith.xori %reduce_max3A_1835, %reduce_max3A_1833 : vector<16xi32>
        %reduce_max3A_1837 = vector.extract %reduce_max3A_1836[15] : i32 from vector<16xi32>
        %add3A_1838 = arith.addi %add3A_1818, %reduce_max3A_1837 : i32
        %jit3A_1839 = arith.constant 1 : i32
        %jit3A_1840 = arith.constant 0 : i32
        %broadcast_in_dim3A_1841 = vector.broadcast %jit3A_1839 : i32 to vector<16xi32>
        %broadcast_in_dim3A_1842 = vector.broadcast %jit3A_1840 : i32 to vector<16xi32>
        %select_n3A_1843 = arith.select %eq3A_1639, %broadcast_in_dim3A_1841, %broadcast_in_dim3A_1842 : vector<16xi1>, vector<16xi32>
        %broadcast_in_dim3A_1844 = arith.constant true
        %broadcast_in_dim3A_1845 = vector.broadcast %broadcast_in_dim3A_1844 : i1 to vector<16xi1>
        %masked_cumsum3A_1846 = tpu.scan <sum>, %select_n3A_1843 masked %broadcast_in_dim3A_1845 : vector<16xi32>, vector<16xi1> -> vector<16xi32>
        %add3A_1847 = vector.broadcast %add3A_1838 : i32 to vector<16xi32>
        %add3A_1848 = arith.addi %add3A_1847, %masked_cumsum3A_1846 : vector<16xi32>
        %sub3A_1849 = arith.subi %add3A_1848, %select_n3A_1843 : vector<16xi32>
        tpu.vector_store_idx %arg4[%sub3A_1849], %get3A_1633 masked %eq3A_1639 : memref<62528xf32, #tpu.memory_space<vmem>>[vector<16xi32>], vector<16xf32>, vector<16xi1>
        %reduce_max3A_1850 = arith.constant true
        %reduce_max3A_1851 = vector.broadcast %reduce_max3A_1850 : i1 to vector<16xi1>
        %reduce_max3A_1852 = arith.constant -2147483648 : i32
        %reduce_max3A_1853 = vector.broadcast %reduce_max3A_1852 : i32 to vector<16xi32>
        %reduce_max3A_1854 = arith.xori %masked_cumsum3A_1846, %reduce_max3A_1853 : vector<16xi32>
        %reduce_max3A_1855 = tpu.scan <max>, %reduce_max3A_1854 masked %reduce_max3A_1851 : vector<16xi32>, vector<16xi1> -> vector<16xi32>
        %reduce_max3A_1856 = arith.xori %reduce_max3A_1855, %reduce_max3A_1853 : vector<16xi32>
        %reduce_max3A_1857 = vector.extract %reduce_max3A_1856[15] : i32 from vector<16xi32>
        %add3A_1858 = arith.addi %add3A_1838, %reduce_max3A_1857 : i32
        %jit3A_1859 = arith.constant 1 : i32
        %jit3A_1860 = arith.constant 0 : i32
        %broadcast_in_dim3A_1861 = vector.broadcast %jit3A_1859 : i32 to vector<16xi32>
        %broadcast_in_dim3A_1862 = vector.broadcast %jit3A_1860 : i32 to vector<16xi32>
        %select_n3A_1863 = arith.select %eq3A_1651, %broadcast_in_dim3A_1861, %broadcast_in_dim3A_1862 : vector<16xi1>, vector<16xi32>
        %broadcast_in_dim3A_1864 = arith.constant true
        %broadcast_in_dim3A_1865 = vector.broadcast %broadcast_in_dim3A_1864 : i1 to vector<16xi1>
        %masked_cumsum3A_1866 = tpu.scan <sum>, %select_n3A_1863 masked %broadcast_in_dim3A_1865 : vector<16xi32>, vector<16xi1> -> vector<16xi32>
        %add3A_1867 = vector.broadcast %add3A_1858 : i32 to vector<16xi32>
        %add3A_1868 = arith.addi %add3A_1867, %masked_cumsum3A_1866 : vector<16xi32>
        %sub3A_1869 = arith.subi %add3A_1868, %select_n3A_1863 : vector<16xi32>
        tpu.vector_store_idx %arg4[%sub3A_1869], %get3A_1645 masked %eq3A_1651 : memref<62528xf32, #tpu.memory_space<vmem>>[vector<16xi32>], vector<16xf32>, vector<16xi1>
        %reduce_max3A_1870 = arith.constant true
        %reduce_max3A_1871 = vector.broadcast %reduce_max3A_1870 : i1 to vector<16xi1>
        %reduce_max3A_1872 = arith.constant -2147483648 : i32
        %reduce_max3A_1873 = vector.broadcast %reduce_max3A_1872 : i32 to vector<16xi32>
        %reduce_max3A_1874 = arith.xori %masked_cumsum3A_1866, %reduce_max3A_1873 : vector<16xi32>
        %reduce_max3A_1875 = tpu.scan <max>, %reduce_max3A_1874 masked %reduce_max3A_1871 : vector<16xi32>, vector<16xi1> -> vector<16xi32>
        %reduce_max3A_1876 = arith.xori %reduce_max3A_1875, %reduce_max3A_1873 : vector<16xi32>
        %reduce_max3A_1877 = vector.extract %reduce_max3A_1876[15] : i32 from vector<16xi32>
        %add3A_1878 = arith.addi %add3A_1858, %reduce_max3A_1877 : i32
        %jit3A_1879 = arith.constant 1 : i32
        %jit3A_1880 = arith.constant 0 : i32
        %broadcast_in_dim3A_1881 = vector.broadcast %jit3A_1879 : i32 to vector<16xi32>
        %broadcast_in_dim3A_1882 = vector.broadcast %jit3A_1880 : i32 to vector<16xi32>
        %select_n3A_1883 = arith.select %eq3A_1663, %broadcast_in_dim3A_1881, %broadcast_in_dim3A_1882 : vector<16xi1>, vector<16xi32>
        %broadcast_in_dim3A_1884 = arith.constant true
        %broadcast_in_dim3A_1885 = vector.broadcast %broadcast_in_dim3A_1884 : i1 to vector<16xi1>
        %masked_cumsum3A_1886 = tpu.scan <sum>, %select_n3A_1883 masked %broadcast_in_dim3A_1885 : vector<16xi32>, vector<16xi1> -> vector<16xi32>
        %add3A_1887 = vector.broadcast %add3A_1878 : i32 to vector<16xi32>
        %add3A_1888 = arith.addi %add3A_1887, %masked_cumsum3A_1886 : vector<16xi32>
        %sub3A_1889 = arith.subi %add3A_1888, %select_n3A_1883 : vector<16xi32>
        tpu.vector_store_idx %arg4[%sub3A_1889], %get3A_1657 masked %eq3A_1663 : memref<62528xf32, #tpu.memory_space<vmem>>[vector<16xi32>], vector<16xf32>, vector<16xi1>
        %reduce_max3A_1890 = arith.constant true
        %reduce_max3A_1891 = vector.broadcast %reduce_max3A_1890 : i1 to vector<16xi1>
        %reduce_max3A_1892 = arith.constant -2147483648 : i32
        %reduce_max3A_1893 = vector.broadcast %reduce_max3A_1892 : i32 to vector<16xi32>
        %reduce_max3A_1894 = arith.xori %masked_cumsum3A_1886, %reduce_max3A_1893 : vector<16xi32>
        %reduce_max3A_1895 = tpu.scan <max>, %reduce_max3A_1894 masked %reduce_max3A_1891 : vector<16xi32>, vector<16xi1> -> vector<16xi32>
        %reduce_max3A_1896 = arith.xori %reduce_max3A_1895, %reduce_max3A_1893 : vector<16xi32>
        %reduce_max3A_1897 = vector.extract %reduce_max3A_1896[15] : i32 from vector<16xi32>
        %add3A_1898 = arith.addi %add3A_1878, %reduce_max3A_1897 : i32
        %jit3A_1899 = arith.constant 1 : i32
        %jit3A_1900 = arith.constant 0 : i32
        %broadcast_in_dim3A_1901 = vector.broadcast %jit3A_1899 : i32 to vector<16xi32>
        %broadcast_in_dim3A_1902 = vector.broadcast %jit3A_1900 : i32 to vector<16xi32>
        %select_n3A_1903 = arith.select %eq3A_1675, %broadcast_in_dim3A_1901, %broadcast_in_dim3A_1902 : vector<16xi1>, vector<16xi32>
        %broadcast_in_dim3A_1904 = arith.constant true
        %broadcast_in_dim3A_1905 = vector.broadcast %broadcast_in_dim3A_1904 : i1 to vector<16xi1>
        %masked_cumsum3A_1906 = tpu.scan <sum>, %select_n3A_1903 masked %broadcast_in_dim3A_1905 : vector<16xi32>, vector<16xi1> -> vector<16xi32>
        %add3A_1907 = vector.broadcast %add3A_1898 : i32 to vector<16xi32>
        %add3A_1908 = arith.addi %add3A_1907, %masked_cumsum3A_1906 : vector<16xi32>
        %sub3A_1909 = arith.subi %add3A_1908, %select_n3A_1903 : vector<16xi32>
        tpu.vector_store_idx %arg4[%sub3A_1909], %get3A_1669 masked %eq3A_1675 : memref<62528xf32, #tpu.memory_space<vmem>>[vector<16xi32>], vector<16xf32>, vector<16xi1>
        %reduce_max3A_1910 = arith.constant true
        %reduce_max3A_1911 = vector.broadcast %reduce_max3A_1910 : i1 to vector<16xi1>
        %reduce_max3A_1912 = arith.constant -2147483648 : i32
        %reduce_max3A_1913 = vector.broadcast %reduce_max3A_1912 : i32 to vector<16xi32>
        %reduce_max3A_1914 = arith.xori %masked_cumsum3A_1906, %reduce_max3A_1913 : vector<16xi32>
        %reduce_max3A_1915 = tpu.scan <max>, %reduce_max3A_1914 masked %reduce_max3A_1911 : vector<16xi32>, vector<16xi1> -> vector<16xi32>
        %reduce_max3A_1916 = arith.xori %reduce_max3A_1915, %reduce_max3A_1913 : vector<16xi32>
        %reduce_max3A_1917 = vector.extract %reduce_max3A_1916[15] : i32 from vector<16xi32>
        %add3A_1918 = arith.addi %add3A_1898, %reduce_max3A_1917 : i32
        %jit3A_1919 = arith.constant 1 : i32
        %jit3A_1920 = arith.constant 0 : i32
        %broadcast_in_dim3A_1921 = vector.broadcast %jit3A_1919 : i32 to vector<16xi32>
        %broadcast_in_dim3A_1922 = vector.broadcast %jit3A_1920 : i32 to vector<16xi32>
        %select_n3A_1923 = arith.select %eq3A_1687, %broadcast_in_dim3A_1921, %broadcast_in_dim3A_1922 : vector<16xi1>, vector<16xi32>
        %broadcast_in_dim3A_1924 = arith.constant true
        %broadcast_in_dim3A_1925 = vector.broadcast %broadcast_in_dim3A_1924 : i1 to vector<16xi1>
        %masked_cumsum3A_1926 = tpu.scan <sum>, %select_n3A_1923 masked %broadcast_in_dim3A_1925 : vector<16xi32>, vector<16xi1> -> vector<16xi32>
        %add3A_1927 = vector.broadcast %add3A_1918 : i32 to vector<16xi32>
        %add3A_1928 = arith.addi %add3A_1927, %masked_cumsum3A_1926 : vector<16xi32>
        %sub3A_1929 = arith.subi %add3A_1928, %select_n3A_1923 : vector<16xi32>
        tpu.vector_store_idx %arg4[%sub3A_1929], %get3A_1681 masked %eq3A_1687 : memref<62528xf32, #tpu.memory_space<vmem>>[vector<16xi32>], vector<16xf32>, vector<16xi1>
        %reduce_max3A_1930 = arith.constant true
        %reduce_max3A_1931 = vector.broadcast %reduce_max3A_1930 : i1 to vector<16xi1>
        %reduce_max3A_1932 = arith.constant -2147483648 : i32
        %reduce_max3A_1933 = vector.broadcast %reduce_max3A_1932 : i32 to vector<16xi32>
        %reduce_max3A_1934 = arith.xori %masked_cumsum3A_1926, %reduce_max3A_1933 : vector<16xi32>
        %reduce_max3A_1935 = tpu.scan <max>, %reduce_max3A_1934 masked %reduce_max3A_1931 : vector<16xi32>, vector<16xi1> -> vector<16xi32>
        %reduce_max3A_1936 = arith.xori %reduce_max3A_1935, %reduce_max3A_1933 : vector<16xi32>
        %reduce_max3A_1937 = vector.extract %reduce_max3A_1936[15] : i32 from vector<16xi32>
        %add3A_1938 = arith.addi %add3A_1918, %reduce_max3A_1937 : i32
        %swap3A_1939 = arith.constant 0 : i32
        %swap3A_1940 = arith.index_cast %swap3A_1939 : i32 to index
        %swap3A_1941 = memref.load %arg10[%swap3A_1940] : memref<1xi32, #tpu.memory_space<smem>>
        memref.store %add3A_1938, %arg10[%swap3A_1940] : memref<1xi32, #tpu.memory_space<smem>>
      } else {
      }
      %while3A_1715 = arith.constant 0 : i32
      scf.yield %while3A_1715 : i32
    }
    %while3A_423 = arith.constant 1 : i32
    %while3A_424 = scf.for %while3A_1551 = %while3A_420 to %while3A_416 step %while3A_423 iter_args(%while3A_1552 = %while3A_422) -> (i32)  : i32 {
      %mul3A_1553 = arith.constant 11 : i32
      %mul3A_1554 = arith.muli %while3A_1551, %mul3A_1553 : i32
      %add3A_1555 = arith.addi %select_n3A_41, %mul3A_1554 : i32
      %add3A_1556 = arith.constant 0 : i32
      %add3A_1557 = arith.addi %add3A_1555, %add3A_1556 : i32
      %mul3A_1558 = arith.constant 16 : i32
      %mul3A_1559 = arith.muli %add3A_1557, %mul3A_1558 : i32
      %get3A_1560 = arith.index_cast %mul3A_1559 : i32 to index
      %get3A_1561 = tpu.vector_load %arg4[%get3A_1560] {strides = array<i32>} : memref<62528xf32, #tpu.memory_space<vmem>>, vector<16xf32>,
      %bitcast_convert_type3A_1562 = tpu.bitcast %get3A_1561 : vector<16xf32> -> vector<16xi32>
      %shift_right_logical3A_1563 = arith.constant 24 : i32
      %shift_right_logical3A_1564 = vector.broadcast %shift_right_logical3A_1563 : i32 to vector<16xi32>
      %shift_right_logical3A_1565 = arith.shrui %bitcast_convert_type3A_1562, %shift_right_logical3A_1564 : vector<16xi32>
      %eq3A_1566 = vector.broadcast %add3A_404 : i32 to vector<16xi32>
      %eq3A_1567 = arith.cmpi eq, %shift_right_logical3A_1565, %eq3A_1566 : vector<16xi32>
      %add3A_1568 = arith.constant 1 : i32
      %add3A_1569 = arith.addi %add3A_1555, %add3A_1568 : i32
      %mul3A_1570 = arith.constant 16 : i32
      %mul3A_1571 = arith.muli %add3A_1569, %mul3A_1570 : i32
      %get3A_1572 = arith.index_cast %mul3A_1571 : i32 to index
      %get3A_1573 = tpu.vector_load %arg4[%get3A_1572] {strides = array<i32>} : memref<62528xf32, #tpu.memory_space<vmem>>, vector<16xf32>,
      %bitcast_convert_type3A_1574 = tpu.bitcast %get3A_1573 : vector<16xf32> -> vector<16xi32>
      %shift_right_logical3A_1575 = arith.constant 24 : i32
      %shift_right_logical3A_1576 = vector.broadcast %shift_right_logical3A_1575 : i32 to vector<16xi32>
      %shift_right_logical3A_1577 = arith.shrui %bitcast_convert_type3A_1574, %shift_right_logical3A_1576 : vector<16xi32>
      %eq3A_1578 = vector.broadcast %add3A_404 : i32 to vector<16xi32>
      %eq3A_1579 = arith.cmpi eq, %shift_right_logical3A_1577, %eq3A_1578 : vector<16xi32>
      %add3A_1580 = arith.constant 2 : i32
      %add3A_1581 = arith.addi %add3A_1555, %add3A_1580 : i32
      %mul3A_1582 = arith.constant 16 : i32
      %mul3A_1583 = arith.muli %add3A_1581, %mul3A_1582 : i32
      %get3A_1584 = arith.index_cast %mul3A_1583 : i32 to index
      %get3A_1585 = tpu.vector_load %arg4[%get3A_1584] {strides = array<i32>} : memref<62528xf32, #tpu.memory_space<vmem>>, vector<16xf32>,
      %bitcast_convert_type3A_1586 = tpu.bitcast %get3A_1585 : vector<16xf32> -> vector<16xi32>
      %shift_right_logical3A_1587 = arith.constant 24 : i32
      %shift_right_logical3A_1588 = vector.broadcast %shift_right_logical3A_1587 : i32 to vector<16xi32>
      %shift_right_logical3A_1589 = arith.shrui %bitcast_convert_type3A_1586, %shift_right_logical3A_1588 : vector<16xi32>
      %eq3A_1590 = vector.broadcast %add3A_404 : i32 to vector<16xi32>
      %eq3A_1591 = arith.cmpi eq, %shift_right_logical3A_1589, %eq3A_1590 : vector<16xi32>
      %add3A_1592 = arith.constant 3 : i32
      %add3A_1593 = arith.addi %add3A_1555, %add3A_1592 : i32
      %mul3A_1594 = arith.constant 16 : i32
      %mul3A_1595 = arith.muli %add3A_1593, %mul3A_1594 : i32
      %get3A_1596 = arith.index_cast %mul3A_1595 : i32 to index
      %get3A_1597 = tpu.vector_load %arg4[%get3A_1596] {strides = array<i32>} : memref<62528xf32, #tpu.memory_space<vmem>>, vector<16xf32>,
      %bitcast_convert_type3A_1598 = tpu.bitcast %get3A_1597 : vector<16xf32> -> vector<16xi32>
      %shift_right_logical3A_1599 = arith.constant 24 : i32
      %shift_right_logical3A_1600 = vector.broadcast %shift_right_logical3A_1599 : i32 to vector<16xi32>
      %shift_right_logical3A_1601 = arith.shrui %bitcast_convert_type3A_1598, %shift_right_logical3A_1600 : vector<16xi32>
      %eq3A_1602 = vector.broadcast %add3A_404 : i32 to vector<16xi32>
      %eq3A_1603 = arith.cmpi eq, %shift_right_logical3A_1601, %eq3A_1602 : vector<16xi32>
      %add3A_1604 = arith.constant 4 : i32
      %add3A_1605 = arith.addi %add3A_1555, %add3A_1604 : i32
      %mul3A_1606 = arith.constant 16 : i32
      %mul3A_1607 = arith.muli %add3A_1605, %mul3A_1606 : i32
      %get3A_1608 = arith.index_cast %mul3A_1607 : i32 to index
      %get3A_1609 = tpu.vector_load %arg4[%get3A_1608] {strides = array<i32>} : memref<62528xf32, #tpu.memory_space<vmem>>, vector<16xf32>,
      %bitcast_convert_type3A_1610 = tpu.bitcast %get3A_1609 : vector<16xf32> -> vector<16xi32>
      %shift_right_logical3A_1611 = arith.constant 24 : i32
      %shift_right_logical3A_1612 = vector.broadcast %shift_right_logical3A_1611 : i32 to vector<16xi32>
      %shift_right_logical3A_1613 = arith.shrui %bitcast_convert_type3A_1610, %shift_right_logical3A_1612 : vector<16xi32>
      %eq3A_1614 = vector.broadcast %add3A_404 : i32 to vector<16xi32>
      %eq3A_1615 = arith.cmpi eq, %shift_right_logical3A_1613, %eq3A_1614 : vector<16xi32>
      %add3A_1616 = arith.constant 5 : i32
      %add3A_1617 = arith.addi %add3A_1555, %add3A_1616 : i32
      %mul3A_1618 = arith.constant 16 : i32
      %mul3A_1619 = arith.muli %add3A_1617, %mul3A_1618 : i32
      %get3A_1620 = arith.index_cast %mul3A_1619 : i32 to index
      %get3A_1621 = tpu.vector_load %arg4[%get3A_1620] {strides = array<i32>} : memref<62528xf32, #tpu.memory_space<vmem>>, vector<16xf32>,
      %bitcast_convert_type3A_1622 = tpu.bitcast %get3A_1621 : vector<16xf32> -> vector<16xi32>
      %shift_right_logical3A_1623 = arith.constant 24 : i32
      %shift_right_logical3A_1624 = vector.broadcast %shift_right_logical3A_1623 : i32 to vector<16xi32>
      %shift_right_logical3A_1625 = arith.shrui %bitcast_convert_type3A_1622, %shift_right_logical3A_1624 : vector<16xi32>
      %eq3A_1626 = vector.broadcast %add3A_404 : i32 to vector<16xi32>
      %eq3A_1627 = arith.cmpi eq, %shift_right_logical3A_1625, %eq3A_1626 : vector<16xi32>
      %add3A_1628 = arith.constant 6 : i32
      %add3A_1629 = arith.addi %add3A_1555, %add3A_1628 : i32
      %mul3A_1630 = arith.constant 16 : i32
      %mul3A_1631 = arith.muli %add3A_1629, %mul3A_1630 : i32
      %get3A_1632 = arith.index_cast %mul3A_1631 : i32 to index
      %get3A_1633 = tpu.vector_load %arg4[%get3A_1632] {strides = array<i32>} : memref<62528xf32, #tpu.memory_space<vmem>>, vector<16xf32>,
      %bitcast_convert_type3A_1634 = tpu.bitcast %get3A_1633 : vector<16xf32> -> vector<16xi32>
      %shift_right_logical3A_1635 = arith.constant 24 : i32
      %shift_right_logical3A_1636 = vector.broadcast %shift_right_logical3A_1635 : i32 to vector<16xi32>
      %shift_right_logical3A_1637 = arith.shrui %bitcast_convert_type3A_1634, %shift_right_logical3A_1636 : vector<16xi32>
      %eq3A_1638 = vector.broadcast %add3A_404 : i32 to vector<16xi32>
      %eq3A_1639 = arith.cmpi eq, %shift_right_logical3A_1637, %eq3A_1638 : vector<16xi32>
      %add3A_1640 = arith.constant 7 : i32
      %add3A_1641 = arith.addi %add3A_1555, %add3A_1640 : i32
      %mul3A_1642 = arith.constant 16 : i32
      %mul3A_1643 = arith.muli %add3A_1641, %mul3A_1642 : i32
      %get3A_1644 = arith.index_cast %mul3A_1643 : i32 to index
      %get3A_1645 = tpu.vector_load %arg4[%get3A_1644] {strides = array<i32>} : memref<62528xf32, #tpu.memory_space<vmem>>, vector<16xf32>,
      %bitcast_convert_type3A_1646 = tpu.bitcast %get3A_1645 : vector<16xf32> -> vector<16xi32>
      %shift_right_logical3A_1647 = arith.constant 24 : i32
      %shift_right_logical3A_1648 = vector.broadcast %shift_right_logical3A_1647 : i32 to vector<16xi32>
      %shift_right_logical3A_1649 = arith.shrui %bitcast_convert_type3A_1646, %shift_right_logical3A_1648 : vector<16xi32>
      %eq3A_1650 = vector.broadcast %add3A_404 : i32 to vector<16xi32>
      %eq3A_1651 = arith.cmpi eq, %shift_right_logical3A_1649, %eq3A_1650 : vector<16xi32>
      %add3A_1652 = arith.constant 8 : i32
      %add3A_1653 = arith.addi %add3A_1555, %add3A_1652 : i32
      %mul3A_1654 = arith.constant 16 : i32
      %mul3A_1655 = arith.muli %add3A_1653, %mul3A_1654 : i32
      %get3A_1656 = arith.index_cast %mul3A_1655 : i32 to index
      %get3A_1657 = tpu.vector_load %arg4[%get3A_1656] {strides = array<i32>} : memref<62528xf32, #tpu.memory_space<vmem>>, vector<16xf32>,
      %bitcast_convert_type3A_1658 = tpu.bitcast %get3A_1657 : vector<16xf32> -> vector<16xi32>
      %shift_right_logical3A_1659 = arith.constant 24 : i32
      %shift_right_logical3A_1660 = vector.broadcast %shift_right_logical3A_1659 : i32 to vector<16xi32>
      %shift_right_logical3A_1661 = arith.shrui %bitcast_convert_type3A_1658, %shift_right_logical3A_1660 : vector<16xi32>
      %eq3A_1662 = vector.broadcast %add3A_404 : i32 to vector<16xi32>
      %eq3A_1663 = arith.cmpi eq, %shift_right_logical3A_1661, %eq3A_1662 : vector<16xi32>
      %add3A_1664 = arith.constant 9 : i32
      %add3A_1665 = arith.addi %add3A_1555, %add3A_1664 : i32
      %mul3A_1666 = arith.constant 16 : i32
      %mul3A_1667 = arith.muli %add3A_1665, %mul3A_1666 : i32
      %get3A_1668 = arith.index_cast %mul3A_1667 : i32 to index
      %get3A_1669 = tpu.vector_load %arg4[%get3A_1668] {strides = array<i32>} : memref<62528xf32, #tpu.memory_space<vmem>>, vector<16xf32>,
      %bitcast_convert_type3A_1670 = tpu.bitcast %get3A_1669 : vector<16xf32> -> vector<16xi32>
      %shift_right_logical3A_1671 = arith.constant 24 : i32
      %shift_right_logical3A_1672 = vector.broadcast %shift_right_logical3A_1671 : i32 to vector<16xi32>
      %shift_right_logical3A_1673 = arith.shrui %bitcast_convert_type3A_1670, %shift_right_logical3A_1672 : vector<16xi32>
      %eq3A_1674 = vector.broadcast %add3A_404 : i32 to vector<16xi32>
      %eq3A_1675 = arith.cmpi eq, %shift_right_logical3A_1673, %eq3A_1674 : vector<16xi32>
      %add3A_1676 = arith.constant 10 : i32
      %add3A_1677 = arith.addi %add3A_1555, %add3A_1676 : i32
      %mul3A_1678 = arith.constant 16 : i32
      %mul3A_1679 = arith.muli %add3A_1677, %mul3A_1678 : i32
      %get3A_1680 = arith.index_cast %mul3A_1679 : i32 to index
      %get3A_1681 = tpu.vector_load %arg4[%get3A_1680] {strides = array<i32>} : memref<62528xf32, #tpu.memory_space<vmem>>, vector<16xf32>,
      %bitcast_convert_type3A_1682 = tpu.bitcast %get3A_1681 : vector<16xf32> -> vector<16xi32>
      %shift_right_logical3A_1683 = arith.constant 24 : i32
      %shift_right_logical3A_1684 = vector.broadcast %shift_right_logical3A_1683 : i32 to vector<16xi32>
      %shift_right_logical3A_1685 = arith.shrui %bitcast_convert_type3A_1682, %shift_right_logical3A_1684 : vector<16xi32>
      %eq3A_1686 = vector.broadcast %add3A_404 : i32 to vector<16xi32>
      %eq3A_1687 = arith.cmpi eq, %shift_right_logical3A_1685, %eq3A_1686 : vector<16xi32>
      %or3A_1688 = arith.ori %eq3A_1567, %eq3A_1579 : vector<16xi1>
      %or3A_1689 = arith.ori %or3A_1688, %eq3A_1591 : vector<16xi1>
      %or3A_1690 = arith.ori %or3A_1689, %eq3A_1603 : vector<16xi1>
      %or3A_1691 = arith.ori %or3A_1690, %eq3A_1615 : vector<16xi1>
      %or3A_1692 = arith.ori %or3A_1691, %eq3A_1627 : vector<16xi1>
      %or3A_1693 = arith.ori %or3A_1692, %eq3A_1639 : vector<16xi1>
      %or3A_1694 = arith.ori %or3A_1693, %eq3A_1651 : vector<16xi1>
      %or3A_1695 = arith.ori %or3A_1694, %eq3A_1663 : vector<16xi1>
      %or3A_1696 = arith.ori %or3A_1695, %eq3A_1675 : vector<16xi1>
      %or3A_1697 = arith.ori %or3A_1696, %eq3A_1687 : vector<16xi1>
      %jit3A_1698 = arith.constant 1 : i32
      %jit3A_1699 = arith.constant 0 : i32
      %broadcast_in_dim3A_1700 = vector.broadcast %jit3A_1698 : i32 to vector<16xi32>
      %broadcast_in_dim3A_1701 = vector.broadcast %jit3A_1699 : i32 to vector<16xi32>
      %select_n3A_1702 = arith.select %or3A_1697, %broadcast_in_dim3A_1700, %broadcast_in_dim3A_1701 : vector<16xi1>, vector<16xi32>
      %reduce_max3A_1703 = arith.constant true
      %reduce_max3A_1704 = vector.broadcast %reduce_max3A_1703 : i1 to vector<16xi1>
      %reduce_max3A_1705 = arith.constant -2147483648 : i32
      %reduce_max3A_1706 = vector.broadcast %reduce_max3A_1705 : i32 to vector<16xi32>
      %reduce_max3A_1707 = arith.xori %select_n3A_1702, %reduce_max3A_1706 : vector<16xi32>
      %reduce_max3A_1708 = tpu.scan <max>, %reduce_max3A_1707 masked %reduce_max3A_1704 : vector<16xi32>, vector<16xi1> -> vector<16xi32>
      %reduce_max3A_1709 = arith.xori %reduce_max3A_1708, %reduce_max3A_1706 : vector<16xi32>
      %reduce_max3A_1710 = vector.extract %reduce_max3A_1709[15] : i32 from vector<16xi32>
      %gt3A = arith.constant 0 : i32
      %gt3A_1711 = arith.cmpi sgt, %reduce_max3A_1710, %gt3A : i32
      %convert_element_type3A_1712 = arith.extui %gt3A_1711 : i1 to i32
      %cond3A_1713 = arith.constant 0 : i32
      %cond3A_1714 = arith.cmpi ne, %convert_element_type3A_1712, %cond3A_1713 : i32
      scf.if %cond3A_1714 {
        %get3A_1716 = arith.constant 0 : i32
        %get3A_1717 = arith.index_cast %get3A_1716 : i32 to index
        %get3A_1718 = memref.load %arg10[%get3A_1717] : memref<1xi32, #tpu.memory_space<smem>>
        %jit3A_1719 = arith.constant 1 : i32
        %jit3A_1720 = arith.constant 0 : i32
        %broadcast_in_dim3A_1721 = vector.broadcast %jit3A_1719 : i32 to vector<16xi32>
        %broadcast_in_dim3A_1722 = vector.broadcast %jit3A_1720 : i32 to vector<16xi32>
        %select_n3A_1723 = arith.select %eq3A_1567, %broadcast_in_dim3A_1721, %broadcast_in_dim3A_1722 : vector<16xi1>, vector<16xi32>
        %broadcast_in_dim3A_1724 = arith.constant true
        %broadcast_in_dim3A_1725 = vector.broadcast %broadcast_in_dim3A_1724 : i1 to vector<16xi1>
        %masked_cumsum3A_1726 = tpu.scan <sum>, %select_n3A_1723 masked %broadcast_in_dim3A_1725 : vector<16xi32>, vector<16xi1> -> vector<16xi32>
        %add3A_1727 = vector.broadcast %get3A_1718 : i32 to vector<16xi32>
        %add3A_1728 = arith.addi %add3A_1727, %masked_cumsum3A_1726 : vector<16xi32>
        %sub3A_1729 = arith.subi %add3A_1728, %select_n3A_1723 : vector<16xi32>
        tpu.vector_store_idx %arg4[%sub3A_1729], %get3A_1561 masked %eq3A_1567 : memref<62528xf32, #tpu.memory_space<vmem>>[vector<16xi32>], vector<16xf32>, vector<16xi1>
        %reduce_max3A_1730 = arith.constant true
        %reduce_max3A_1731 = vector.broadcast %reduce_max3A_1730 : i1 to vector<16xi1>
        %reduce_max3A_1732 = arith.constant -2147483648 : i32
        %reduce_max3A_1733 = vector.broadcast %reduce_max3A_1732 : i32 to vector<16xi32>
        %reduce_max3A_1734 = arith.xori %masked_cumsum3A_1726, %reduce_max3A_1733 : vector<16xi32>
        %reduce_max3A_1735 = tpu.scan <max>, %reduce_max3A_1734 masked %reduce_max3A_1731 : vector<16xi32>, vector<16xi1> -> vector<16xi32>
        %reduce_max3A_1736 = arith.xori %reduce_max3A_1735, %reduce_max3A_1733 : vector<16xi32>
        %reduce_max3A_1737 = vector.extract %reduce_max3A_1736[15] : i32 from vector<16xi32>
        %add3A_1738 = arith.addi %get3A_1718, %reduce_max3A_1737 : i32
        %jit3A_1739 = arith.constant 1 : i32
        %jit3A_1740 = arith.constant 0 : i32
        %broadcast_in_dim3A_1741 = vector.broadcast %jit3A_1739 : i32 to vector<16xi32>
        %broadcast_in_dim3A_1742 = vector.broadcast %jit3A_1740 : i32 to vector<16xi32>
        %select_n3A_1743 = arith.select %eq3A_1579, %broadcast_in_dim3A_1741, %broadcast_in_dim3A_1742 : vector<16xi1>, vector<16xi32>
        %broadcast_in_dim3A_1744 = arith.constant true
        %broadcast_in_dim3A_1745 = vector.broadcast %broadcast_in_dim3A_1744 : i1 to vector<16xi1>
        %masked_cumsum3A_1746 = tpu.scan <sum>, %select_n3A_1743 masked %broadcast_in_dim3A_1745 : vector<16xi32>, vector<16xi1> -> vector<16xi32>
        %add3A_1747 = vector.broadcast %add3A_1738 : i32 to vector<16xi32>
        %add3A_1748 = arith.addi %add3A_1747, %masked_cumsum3A_1746 : vector<16xi32>
        %sub3A_1749 = arith.subi %add3A_1748, %select_n3A_1743 : vector<16xi32>
        tpu.vector_store_idx %arg4[%sub3A_1749], %get3A_1573 masked %eq3A_1579 : memref<62528xf32, #tpu.memory_space<vmem>>[vector<16xi32>], vector<16xf32>, vector<16xi1>
        %reduce_max3A_1750 = arith.constant true
        %reduce_max3A_1751 = vector.broadcast %reduce_max3A_1750 : i1 to vector<16xi1>
        %reduce_max3A_1752 = arith.constant -2147483648 : i32
        %reduce_max3A_1753 = vector.broadcast %reduce_max3A_1752 : i32 to vector<16xi32>
        %reduce_max3A_1754 = arith.xori %masked_cumsum3A_1746, %reduce_max3A_1753 : vector<16xi32>
        %reduce_max3A_1755 = tpu.scan <max>, %reduce_max3A_1754 masked %reduce_max3A_1751 : vector<16xi32>, vector<16xi1> -> vector<16xi32>
        %reduce_max3A_1756 = arith.xori %reduce_max3A_1755, %reduce_max3A_1753 : vector<16xi32>
        %reduce_max3A_1757 = vector.extract %reduce_max3A_1756[15] : i32 from vector<16xi32>
        %add3A_1758 = arith.addi %add3A_1738, %reduce_max3A_1757 : i32
        %jit3A_1759 = arith.constant 1 : i32
        %jit3A_1760 = arith.constant 0 : i32
        %broadcast_in_dim3A_1761 = vector.broadcast %jit3A_1759 : i32 to vector<16xi32>
        %broadcast_in_dim3A_1762 = vector.broadcast %jit3A_1760 : i32 to vector<16xi32>
        %select_n3A_1763 = arith.select %eq3A_1591, %broadcast_in_dim3A_1761, %broadcast_in_dim3A_1762 : vector<16xi1>, vector<16xi32>
        %broadcast_in_dim3A_1764 = arith.constant true
        %broadcast_in_dim3A_1765 = vector.broadcast %broadcast_in_dim3A_1764 : i1 to vector<16xi1>
        %masked_cumsum3A_1766 = tpu.scan <sum>, %select_n3A_1763 masked %broadcast_in_dim3A_1765 : vector<16xi32>, vector<16xi1> -> vector<16xi32>
        %add3A_1767 = vector.broadcast %add3A_1758 : i32 to vector<16xi32>
        %add3A_1768 = arith.addi %add3A_1767, %masked_cumsum3A_1766 : vector<16xi32>
        %sub3A_1769 = arith.subi %add3A_1768, %select_n3A_1763 : vector<16xi32>
        tpu.vector_store_idx %arg4[%sub3A_1769], %get3A_1585 masked %eq3A_1591 : memref<62528xf32, #tpu.memory_space<vmem>>[vector<16xi32>], vector<16xf32>, vector<16xi1>
        %reduce_max3A_1770 = arith.constant true
        %reduce_max3A_1771 = vector.broadcast %reduce_max3A_1770 : i1 to vector<16xi1>
        %reduce_max3A_1772 = arith.constant -2147483648 : i32
        %reduce_max3A_1773 = vector.broadcast %reduce_max3A_1772 : i32 to vector<16xi32>
        %reduce_max3A_1774 = arith.xori %masked_cumsum3A_1766, %reduce_max3A_1773 : vector<16xi32>
        %reduce_max3A_1775 = tpu.scan <max>, %reduce_max3A_1774 masked %reduce_max3A_1771 : vector<16xi32>, vector<16xi1> -> vector<16xi32>
        %reduce_max3A_1776 = arith.xori %reduce_max3A_1775, %reduce_max3A_1773 : vector<16xi32>
        %reduce_max3A_1777 = vector.extract %reduce_max3A_1776[15] : i32 from vector<16xi32>
        %add3A_1778 = arith.addi %add3A_1758, %reduce_max3A_1777 : i32
        %jit3A_1779 = arith.constant 1 : i32
        %jit3A_1780 = arith.constant 0 : i32
        %broadcast_in_dim3A_1781 = vector.broadcast %jit3A_1779 : i32 to vector<16xi32>
        %broadcast_in_dim3A_1782 = vector.broadcast %jit3A_1780 : i32 to vector<16xi32>
        %select_n3A_1783 = arith.select %eq3A_1603, %broadcast_in_dim3A_1781, %broadcast_in_dim3A_1782 : vector<16xi1>, vector<16xi32>
        %broadcast_in_dim3A_1784 = arith.constant true
        %broadcast_in_dim3A_1785 = vector.broadcast %broadcast_in_dim3A_1784 : i1 to vector<16xi1>
        %masked_cumsum3A_1786 = tpu.scan <sum>, %select_n3A_1783 masked %broadcast_in_dim3A_1785 : vector<16xi32>, vector<16xi1> -> vector<16xi32>
        %add3A_1787 = vector.broadcast %add3A_1778 : i32 to vector<16xi32>
        %add3A_1788 = arith.addi %add3A_1787, %masked_cumsum3A_1786 : vector<16xi32>
        %sub3A_1789 = arith.subi %add3A_1788, %select_n3A_1783 : vector<16xi32>
        tpu.vector_store_idx %arg4[%sub3A_1789], %get3A_1597 masked %eq3A_1603 : memref<62528xf32, #tpu.memory_space<vmem>>[vector<16xi32>], vector<16xf32>, vector<16xi1>
        %reduce_max3A_1790 = arith.constant true
        %reduce_max3A_1791 = vector.broadcast %reduce_max3A_1790 : i1 to vector<16xi1>
        %reduce_max3A_1792 = arith.constant -2147483648 : i32
        %reduce_max3A_1793 = vector.broadcast %reduce_max3A_1792 : i32 to vector<16xi32>
        %reduce_max3A_1794 = arith.xori %masked_cumsum3A_1786, %reduce_max3A_1793 : vector<16xi32>
        %reduce_max3A_1795 = tpu.scan <max>, %reduce_max3A_1794 masked %reduce_max3A_1791 : vector<16xi32>, vector<16xi1> -> vector<16xi32>
        %reduce_max3A_1796 = arith.xori %reduce_max3A_1795, %reduce_max3A_1793 : vector<16xi32>
        %reduce_max3A_1797 = vector.extract %reduce_max3A_1796[15] : i32 from vector<16xi32>
        %add3A_1798 = arith.addi %add3A_1778, %reduce_max3A_1797 : i32
        %jit3A_1799 = arith.constant 1 : i32
        %jit3A_1800 = arith.constant 0 : i32
        %broadcast_in_dim3A_1801 = vector.broadcast %jit3A_1799 : i32 to vector<16xi32>
        %broadcast_in_dim3A_1802 = vector.broadcast %jit3A_1800 : i32 to vector<16xi32>
        %select_n3A_1803 = arith.select %eq3A_1615, %broadcast_in_dim3A_1801, %broadcast_in_dim3A_1802 : vector<16xi1>, vector<16xi32>
        %broadcast_in_dim3A_1804 = arith.constant true
        %broadcast_in_dim3A_1805 = vector.broadcast %broadcast_in_dim3A_1804 : i1 to vector<16xi1>
        %masked_cumsum3A_1806 = tpu.scan <sum>, %select_n3A_1803 masked %broadcast_in_dim3A_1805 : vector<16xi32>, vector<16xi1> -> vector<16xi32>
        %add3A_1807 = vector.broadcast %add3A_1798 : i32 to vector<16xi32>
        %add3A_1808 = arith.addi %add3A_1807, %masked_cumsum3A_1806 : vector<16xi32>
        %sub3A_1809 = arith.subi %add3A_1808, %select_n3A_1803 : vector<16xi32>
        tpu.vector_store_idx %arg4[%sub3A_1809], %get3A_1609 masked %eq3A_1615 : memref<62528xf32, #tpu.memory_space<vmem>>[vector<16xi32>], vector<16xf32>, vector<16xi1>
        %reduce_max3A_1810 = arith.constant true
        %reduce_max3A_1811 = vector.broadcast %reduce_max3A_1810 : i1 to vector<16xi1>
        %reduce_max3A_1812 = arith.constant -2147483648 : i32
        %reduce_max3A_1813 = vector.broadcast %reduce_max3A_1812 : i32 to vector<16xi32>
        %reduce_max3A_1814 = arith.xori %masked_cumsum3A_1806, %reduce_max3A_1813 : vector<16xi32>
        %reduce_max3A_1815 = tpu.scan <max>, %reduce_max3A_1814 masked %reduce_max3A_1811 : vector<16xi32>, vector<16xi1> -> vector<16xi32>
        %reduce_max3A_1816 = arith.xori %reduce_max3A_1815, %reduce_max3A_1813 : vector<16xi32>
        %reduce_max3A_1817 = vector.extract %reduce_max3A_1816[15] : i32 from vector<16xi32>
        %add3A_1818 = arith.addi %add3A_1798, %reduce_max3A_1817 : i32
        %jit3A_1819 = arith.constant 1 : i32
        %jit3A_1820 = arith.constant 0 : i32
        %broadcast_in_dim3A_1821 = vector.broadcast %jit3A_1819 : i32 to vector<16xi32>
        %broadcast_in_dim3A_1822 = vector.broadcast %jit3A_1820 : i32 to vector<16xi32>
        %select_n3A_1823 = arith.select %eq3A_1627, %broadcast_in_dim3A_1821, %broadcast_in_dim3A_1822 : vector<16xi1>, vector<16xi32>
        %broadcast_in_dim3A_1824 = arith.constant true
        %broadcast_in_dim3A_1825 = vector.broadcast %broadcast_in_dim3A_1824 : i1 to vector<16xi1>
        %masked_cumsum3A_1826 = tpu.scan <sum>, %select_n3A_1823 masked %broadcast_in_dim3A_1825 : vector<16xi32>, vector<16xi1> -> vector<16xi32>
        %add3A_1827 = vector.broadcast %add3A_1818 : i32 to vector<16xi32>
        %add3A_1828 = arith.addi %add3A_1827, %masked_cumsum3A_1826 : vector<16xi32>
        %sub3A_1829 = arith.subi %add3A_1828, %select_n3A_1823 : vector<16xi32>
        tpu.vector_store_idx %arg4[%sub3A_1829], %get3A_1621 masked %eq3A_1627 : memref<62528xf32, #tpu.memory_space<vmem>>[vector<16xi32>], vector<16xf32>, vector<16xi1>
        %reduce_max3A_1830 = arith.constant true
        %reduce_max3A_1831 = vector.broadcast %reduce_max3A_1830 : i1 to vector<16xi1>
        %reduce_max3A_1832 = arith.constant -2147483648 : i32
        %reduce_max3A_1833 = vector.broadcast %reduce_max3A_1832 : i32 to vector<16xi32>
        %reduce_max3A_1834 = arith.xori %masked_cumsum3A_1826, %reduce_max3A_1833 : vector<16xi32>
        %reduce_max3A_1835 = tpu.scan <max>, %reduce_max3A_1834 masked %reduce_max3A_1831 : vector<16xi32>, vector<16xi1> -> vector<16xi32>
        %reduce_max3A_1836 = arith.xori %reduce_max3A_1835, %reduce_max3A_1833 : vector<16xi32>
        %reduce_max3A_1837 = vector.extract %reduce_max3A_1836[15] : i32 from vector<16xi32>
        %add3A_1838 = arith.addi %add3A_1818, %reduce_max3A_1837 : i32
        %jit3A_1839 = arith.constant 1 : i32
        %jit3A_1840 = arith.constant 0 : i32
        %broadcast_in_dim3A_1841 = vector.broadcast %jit3A_1839 : i32 to vector<16xi32>
        %broadcast_in_dim3A_1842 = vector.broadcast %jit3A_1840 : i32 to vector<16xi32>
        %select_n3A_1843 = arith.select %eq3A_1639, %broadcast_in_dim3A_1841, %broadcast_in_dim3A_1842 : vector<16xi1>, vector<16xi32>
        %broadcast_in_dim3A_1844 = arith.constant true
        %broadcast_in_dim3A_1845 = vector.broadcast %broadcast_in_dim3A_1844 : i1 to vector<16xi1>
        %masked_cumsum3A_1846 = tpu.scan <sum>, %select_n3A_1843 masked %broadcast_in_dim3A_1845 : vector<16xi32>, vector<16xi1> -> vector<16xi32>
        %add3A_1847 = vector.broadcast %add3A_1838 : i32 to vector<16xi32>
        %add3A_1848 = arith.addi %add3A_1847, %masked_cumsum3A_1846 : vector<16xi32>
        %sub3A_1849 = arith.subi %add3A_1848, %select_n3A_1843 : vector<16xi32>
        tpu.vector_store_idx %arg4[%sub3A_1849], %get3A_1633 masked %eq3A_1639 : memref<62528xf32, #tpu.memory_space<vmem>>[vector<16xi32>], vector<16xf32>, vector<16xi1>
        %reduce_max3A_1850 = arith.constant true
        %reduce_max3A_1851 = vector.broadcast %reduce_max3A_1850 : i1 to vector<16xi1>
        %reduce_max3A_1852 = arith.constant -2147483648 : i32
        %reduce_max3A_1853 = vector.broadcast %reduce_max3A_1852 : i32 to vector<16xi32>
        %reduce_max3A_1854 = arith.xori %masked_cumsum3A_1846, %reduce_max3A_1853 : vector<16xi32>
        %reduce_max3A_1855 = tpu.scan <max>, %reduce_max3A_1854 masked %reduce_max3A_1851 : vector<16xi32>, vector<16xi1> -> vector<16xi32>
        %reduce_max3A_1856 = arith.xori %reduce_max3A_1855, %reduce_max3A_1853 : vector<16xi32>
        %reduce_max3A_1857 = vector.extract %reduce_max3A_1856[15] : i32 from vector<16xi32>
        %add3A_1858 = arith.addi %add3A_1838, %reduce_max3A_1857 : i32
        %jit3A_1859 = arith.constant 1 : i32
        %jit3A_1860 = arith.constant 0 : i32
        %broadcast_in_dim3A_1861 = vector.broadcast %jit3A_1859 : i32 to vector<16xi32>
        %broadcast_in_dim3A_1862 = vector.broadcast %jit3A_1860 : i32 to vector<16xi32>
        %select_n3A_1863 = arith.select %eq3A_1651, %broadcast_in_dim3A_1861, %broadcast_in_dim3A_1862 : vector<16xi1>, vector<16xi32>
        %broadcast_in_dim3A_1864 = arith.constant true
        %broadcast_in_dim3A_1865 = vector.broadcast %broadcast_in_dim3A_1864 : i1 to vector<16xi1>
        %masked_cumsum3A_1866 = tpu.scan <sum>, %select_n3A_1863 masked %broadcast_in_dim3A_1865 : vector<16xi32>, vector<16xi1> -> vector<16xi32>
        %add3A_1867 = vector.broadcast %add3A_1858 : i32 to vector<16xi32>
        %add3A_1868 = arith.addi %add3A_1867, %masked_cumsum3A_1866 : vector<16xi32>
        %sub3A_1869 = arith.subi %add3A_1868, %select_n3A_1863 : vector<16xi32>
        tpu.vector_store_idx %arg4[%sub3A_1869], %get3A_1645 masked %eq3A_1651 : memref<62528xf32, #tpu.memory_space<vmem>>[vector<16xi32>], vector<16xf32>, vector<16xi1>
        %reduce_max3A_1870 = arith.constant true
        %reduce_max3A_1871 = vector.broadcast %reduce_max3A_1870 : i1 to vector<16xi1>
        %reduce_max3A_1872 = arith.constant -2147483648 : i32
        %reduce_max3A_1873 = vector.broadcast %reduce_max3A_1872 : i32 to vector<16xi32>
        %reduce_max3A_1874 = arith.xori %masked_cumsum3A_1866, %reduce_max3A_1873 : vector<16xi32>
        %reduce_max3A_1875 = tpu.scan <max>, %reduce_max3A_1874 masked %reduce_max3A_1871 : vector<16xi32>, vector<16xi1> -> vector<16xi32>
        %reduce_max3A_1876 = arith.xori %reduce_max3A_1875, %reduce_max3A_1873 : vector<16xi32>
        %reduce_max3A_1877 = vector.extract %reduce_max3A_1876[15] : i32 from vector<16xi32>
        %add3A_1878 = arith.addi %add3A_1858, %reduce_max3A_1877 : i32
        %jit3A_1879 = arith.constant 1 : i32
        %jit3A_1880 = arith.constant 0 : i32
        %broadcast_in_dim3A_1881 = vector.broadcast %jit3A_1879 : i32 to vector<16xi32>
        %broadcast_in_dim3A_1882 = vector.broadcast %jit3A_1880 : i32 to vector<16xi32>
        %select_n3A_1883 = arith.select %eq3A_1663, %broadcast_in_dim3A_1881, %broadcast_in_dim3A_1882 : vector<16xi1>, vector<16xi32>
        %broadcast_in_dim3A_1884 = arith.constant true
        %broadcast_in_dim3A_1885 = vector.broadcast %broadcast_in_dim3A_1884 : i1 to vector<16xi1>
        %masked_cumsum3A_1886 = tpu.scan <sum>, %select_n3A_1883 masked %broadcast_in_dim3A_1885 : vector<16xi32>, vector<16xi1> -> vector<16xi32>
        %add3A_1887 = vector.broadcast %add3A_1878 : i32 to vector<16xi32>
        %add3A_1888 = arith.addi %add3A_1887, %masked_cumsum3A_1886 : vector<16xi32>
        %sub3A_1889 = arith.subi %add3A_1888, %select_n3A_1883 : vector<16xi32>
        tpu.vector_store_idx %arg4[%sub3A_1889], %get3A_1657 masked %eq3A_1663 : memref<62528xf32, #tpu.memory_space<vmem>>[vector<16xi32>], vector<16xf32>, vector<16xi1>
        %reduce_max3A_1890 = arith.constant true
        %reduce_max3A_1891 = vector.broadcast %reduce_max3A_1890 : i1 to vector<16xi1>
        %reduce_max3A_1892 = arith.constant -2147483648 : i32
        %reduce_max3A_1893 = vector.broadcast %reduce_max3A_1892 : i32 to vector<16xi32>
        %reduce_max3A_1894 = arith.xori %masked_cumsum3A_1886, %reduce_max3A_1893 : vector<16xi32>
        %reduce_max3A_1895 = tpu.scan <max>, %reduce_max3A_1894 masked %reduce_max3A_1891 : vector<16xi32>, vector<16xi1> -> vector<16xi32>
        %reduce_max3A_1896 = arith.xori %reduce_max3A_1895, %reduce_max3A_1893 : vector<16xi32>
        %reduce_max3A_1897 = vector.extract %reduce_max3A_1896[15] : i32 from vector<16xi32>
        %add3A_1898 = arith.addi %add3A_1878, %reduce_max3A_1897 : i32
        %jit3A_1899 = arith.constant 1 : i32
        %jit3A_1900 = arith.constant 0 : i32
        %broadcast_in_dim3A_1901 = vector.broadcast %jit3A_1899 : i32 to vector<16xi32>
        %broadcast_in_dim3A_1902 = vector.broadcast %jit3A_1900 : i32 to vector<16xi32>
        %select_n3A_1903 = arith.select %eq3A_1675, %broadcast_in_dim3A_1901, %broadcast_in_dim3A_1902 : vector<16xi1>, vector<16xi32>
        %broadcast_in_dim3A_1904 = arith.constant true
        %broadcast_in_dim3A_1905 = vector.broadcast %broadcast_in_dim3A_1904 : i1 to vector<16xi1>
        %masked_cumsum3A_1906 = tpu.scan <sum>, %select_n3A_1903 masked %broadcast_in_dim3A_1905 : vector<16xi32>, vector<16xi1> -> vector<16xi32>
        %add3A_1907 = vector.broadcast %add3A_1898 : i32 to vector<16xi32>
        %add3A_1908 = arith.addi %add3A_1907, %masked_cumsum3A_1906 : vector<16xi32>
        %sub3A_1909 = arith.subi %add3A_1908, %select_n3A_1903 : vector<16xi32>
        tpu.vector_store_idx %arg4[%sub3A_1909], %get3A_1669 masked %eq3A_1675 : memref<62528xf32, #tpu.memory_space<vmem>>[vector<16xi32>], vector<16xf32>, vector<16xi1>
        %reduce_max3A_1910 = arith.constant true
        %reduce_max3A_1911 = vector.broadcast %reduce_max3A_1910 : i1 to vector<16xi1>
        %reduce_max3A_1912 = arith.constant -2147483648 : i32
        %reduce_max3A_1913 = vector.broadcast %reduce_max3A_1912 : i32 to vector<16xi32>
        %reduce_max3A_1914 = arith.xori %masked_cumsum3A_1906, %reduce_max3A_1913 : vector<16xi32>
        %reduce_max3A_1915 = tpu.scan <max>, %reduce_max3A_1914 masked %reduce_max3A_1911 : vector<16xi32>, vector<16xi1> -> vector<16xi32>
        %reduce_max3A_1916 = arith.xori %reduce_max3A_1915, %reduce_max3A_1913 : vector<16xi32>
        %reduce_max3A_1917 = vector.extract %reduce_max3A_1916[15] : i32 from vector<16xi32>
        %add3A_1918 = arith.addi %add3A_1898, %reduce_max3A_1917 : i32
        %jit3A_1919 = arith.constant 1 : i32
        %jit3A_1920 = arith.constant 0 : i32
        %broadcast_in_dim3A_1921 = vector.broadcast %jit3A_1919 : i32 to vector<16xi32>
        %broadcast_in_dim3A_1922 = vector.broadcast %jit3A_1920 : i32 to vector<16xi32>
        %select_n3A_1923 = arith.select %eq3A_1687, %broadcast_in_dim3A_1921, %broadcast_in_dim3A_1922 : vector<16xi1>, vector<16xi32>
        %broadcast_in_dim3A_1924 = arith.constant true
        %broadcast_in_dim3A_1925 = vector.broadcast %broadcast_in_dim3A_1924 : i1 to vector<16xi1>
        %masked_cumsum3A_1926 = tpu.scan <sum>, %select_n3A_1923 masked %broadcast_in_dim3A_1925 : vector<16xi32>, vector<16xi1> -> vector<16xi32>
        %add3A_1927 = vector.broadcast %add3A_1918 : i32 to vector<16xi32>
        %add3A_1928 = arith.addi %add3A_1927, %masked_cumsum3A_1926 : vector<16xi32>
        %sub3A_1929 = arith.subi %add3A_1928, %select_n3A_1923 : vector<16xi32>
        tpu.vector_store_idx %arg4[%sub3A_1929], %get3A_1681 masked %eq3A_1687 : memref<62528xf32, #tpu.memory_space<vmem>>[vector<16xi32>], vector<16xf32>, vector<16xi1>
        %reduce_max3A_1930 = arith.constant true
        %reduce_max3A_1931 = vector.broadcast %reduce_max3A_1930 : i1 to vector<16xi1>
        %reduce_max3A_1932 = arith.constant -2147483648 : i32
        %reduce_max3A_1933 = vector.broadcast %reduce_max3A_1932 : i32 to vector<16xi32>
        %reduce_max3A_1934 = arith.xori %masked_cumsum3A_1926, %reduce_max3A_1933 : vector<16xi32>
        %reduce_max3A_1935 = tpu.scan <max>, %reduce_max3A_1934 masked %reduce_max3A_1931 : vector<16xi32>, vector<16xi1> -> vector<16xi32>
        %reduce_max3A_1936 = arith.xori %reduce_max3A_1935, %reduce_max3A_1933 : vector<16xi32>
        %reduce_max3A_1937 = vector.extract %reduce_max3A_1936[15] : i32 from vector<16xi32>
        %add3A_1938 = arith.addi %add3A_1918, %reduce_max3A_1937 : i32
        %swap3A_1939 = arith.constant 0 : i32
        %swap3A_1940 = arith.index_cast %swap3A_1939 : i32 to index
        %swap3A_1941 = memref.load %arg10[%swap3A_1940] : memref<1xi32, #tpu.memory_space<smem>>
        memref.store %add3A_1938, %arg10[%swap3A_1940] : memref<1xi32, #tpu.memory_space<smem>>
      } else {
      }
      %while3A_1715 = arith.constant 0 : i32
      scf.yield %while3A_1715 : i32
    }
    %mul3A_425 = arith.constant 11 : i32
    %mul3A_426 = arith.muli %div3A_408, %mul3A_425 : i32
    %add3A_427 = arith.addi %select_n3A_41, %mul3A_426 : i32
    %while3A_428 = arith.constant 0 : i32
    %while3A_429 = arith.subi %add3A_406, %add3A_427 : i32
    %while3A_430 = arith.addi %add3A_427, %while3A_429 : i32
    %while3A_431 = arith.constant 1 : i32
    %while3A_432 = arith.divsi %while3A_429, %while3A_431 : i32
    %while3A_433 = arith.muli %while3A_432, %while3A_431 : i32
    %while3A_434 = arith.addi %add3A_427, %while3A_433 : i32
    %while3A_435 = arith.constant 1 : i32
    %while3A_436 = scf.for %while3A_1551 = %add3A_427 to %while3A_434 step %while3A_435 iter_args(%while3A_1552 = %while3A_428) -> (i32)  : i32 {
      %mul3A_1553 = arith.constant 16 : i32
      %mul3A_1554 = arith.muli %while3A_1551, %mul3A_1553 : i32
      %get3A_1555 = arith.index_cast %mul3A_1554 : i32 to index
      %get3A_1556 = tpu.vector_load %arg4[%get3A_1555] {strides = array<i32>} : memref<62528xf32, #tpu.memory_space<vmem>>, vector<16xf32>,
      %bitcast_convert_type3A_1557 = tpu.bitcast %get3A_1556 : vector<16xf32> -> vector<16xi32>
      %shift_right_logical3A_1558 = arith.constant 24 : i32
      %shift_right_logical3A_1559 = vector.broadcast %shift_right_logical3A_1558 : i32 to vector<16xi32>
      %shift_right_logical3A_1560 = arith.shrui %bitcast_convert_type3A_1557, %shift_right_logical3A_1559 : vector<16xi32>
      %eq3A_1561 = vector.broadcast %add3A_404 : i32 to vector<16xi32>
      %eq3A_1562 = arith.cmpi eq, %shift_right_logical3A_1560, %eq3A_1561 : vector<16xi32>
      %jit3A_1563 = arith.constant 1 : i32
      %jit3A_1564 = arith.constant 0 : i32
      %broadcast_in_dim3A_1565 = vector.broadcast %jit3A_1563 : i32 to vector<16xi32>
      %broadcast_in_dim3A_1566 = vector.broadcast %jit3A_1564 : i32 to vector<16xi32>
      %select_n3A_1567 = arith.select %eq3A_1562, %broadcast_in_dim3A_1565, %broadcast_in_dim3A_1566 : vector<16xi1>, vector<16xi32>
      %reduce_max3A_1568 = arith.constant true
      %reduce_max3A_1569 = vector.broadcast %reduce_max3A_1568 : i1 to vector<16xi1>
      %reduce_max3A_1570 = arith.constant -2147483648 : i32
      %reduce_max3A_1571 = vector.broadcast %reduce_max3A_1570 : i32 to vector<16xi32>
      %reduce_max3A_1572 = arith.xori %select_n3A_1567, %reduce_max3A_1571 : vector<16xi32>
      %reduce_max3A_1573 = tpu.scan <max>, %reduce_max3A_1572 masked %reduce_max3A_1569 : vector<16xi32>, vector<16xi1> -> vector<16xi32>
      %reduce_max3A_1574 = arith.xori %reduce_max3A_1573, %reduce_max3A_1571 : vector<16xi32>
      %reduce_max3A_1575 = vector.extract %reduce_max3A_1574[15] : i32 from vector<16xi32>
      %gt3A = arith.constant 0 : i32
      %gt3A_1576 = arith.cmpi sgt, %reduce_max3A_1575, %gt3A : i32
      %convert_element_type3A_1577 = arith.extui %gt3A_1576 : i1 to i32
      %cond3A_1578 = arith.constant 0 : i32
      %cond3A_1579 = arith.cmpi ne, %convert_element_type3A_1577, %cond3A_1578 : i32
      scf.if %cond3A_1579 {
        %get3A_1581 = arith.constant 0 : i32
        %get3A_1582 = arith.index_cast %get3A_1581 : i32 to index
        %get3A_1583 = memref.load %arg10[%get3A_1582] : memref<1xi32, #tpu.memory_space<smem>>
        %jit3A_1584 = arith.constant 1 : i32
        %jit3A_1585 = arith.constant 0 : i32
        %broadcast_in_dim3A_1586 = vector.broadcast %jit3A_1584 : i32 to vector<16xi32>
        %broadcast_in_dim3A_1587 = vector.broadcast %jit3A_1585 : i32 to vector<16xi32>
        %select_n3A_1588 = arith.select %eq3A_1562, %broadcast_in_dim3A_1586, %broadcast_in_dim3A_1587 : vector<16xi1>, vector<16xi32>
        %broadcast_in_dim3A_1589 = arith.constant true
        %broadcast_in_dim3A_1590 = vector.broadcast %broadcast_in_dim3A_1589 : i1 to vector<16xi1>
        %masked_cumsum3A_1591 = tpu.scan <sum>, %select_n3A_1588 masked %broadcast_in_dim3A_1590 : vector<16xi32>, vector<16xi1> -> vector<16xi32>
        %add3A_1592 = vector.broadcast %get3A_1583 : i32 to vector<16xi32>
        %add3A_1593 = arith.addi %add3A_1592, %masked_cumsum3A_1591 : vector<16xi32>
        %sub3A_1594 = arith.subi %add3A_1593, %select_n3A_1588 : vector<16xi32>
        tpu.vector_store_idx %arg4[%sub3A_1594], %get3A_1556 masked %eq3A_1562 : memref<62528xf32, #tpu.memory_space<vmem>>[vector<16xi32>], vector<16xf32>, vector<16xi1>
        %reduce_max3A_1595 = arith.constant true
        %reduce_max3A_1596 = vector.broadcast %reduce_max3A_1595 : i1 to vector<16xi1>
        %reduce_max3A_1597 = arith.constant -2147483648 : i32
        %reduce_max3A_1598 = vector.broadcast %reduce_max3A_1597 : i32 to vector<16xi32>
        %reduce_max3A_1599 = arith.xori %masked_cumsum3A_1591, %reduce_max3A_1598 : vector<16xi32>
        %reduce_max3A_1600 = tpu.scan <max>, %reduce_max3A_1599 masked %reduce_max3A_1596 : vector<16xi32>, vector<16xi1> -> vector<16xi32>
        %reduce_max3A_1601 = arith.xori %reduce_max3A_1600, %reduce_max3A_1598 : vector<16xi32>
        %reduce_max3A_1602 = vector.extract %reduce_max3A_1601[15] : i32 from vector<16xi32>
        %add3A_1603 = arith.addi %get3A_1583, %reduce_max3A_1602 : i32
        %swap3A_1604 = arith.constant 0 : i32
        %swap3A_1605 = arith.index_cast %swap3A_1604 : i32 to index
        %swap3A_1606 = memref.load %arg10[%swap3A_1605] : memref<1xi32, #tpu.memory_space<smem>>
        memref.store %add3A_1603, %arg10[%swap3A_1605] : memref<1xi32, #tpu.memory_space<smem>>
      } else {
      }
      %while3A_1580 = arith.constant 0 : i32
      scf.yield %while3A_1580 : i32
    }
    %while3A_437 = arith.constant 1 : i32
    %while3A_438 = scf.for %while3A_1551 = %while3A_434 to %while3A_430 step %while3A_437 iter_args(%while3A_1552 = %while3A_436) -> (i32)  : i32 {
      %mul3A_1553 = arith.constant 16 : i32
      %mul3A_1554 = arith.muli %while3A_1551, %mul3A_1553 : i32
      %get3A_1555 = arith.index_cast %mul3A_1554 : i32 to index
      %get3A_1556 = tpu.vector_load %arg4[%get3A_1555] {strides = array<i32>} : memref<62528xf32, #tpu.memory_space<vmem>>, vector<16xf32>,
      %bitcast_convert_type3A_1557 = tpu.bitcast %get3A_1556 : vector<16xf32> -> vector<16xi32>
      %shift_right_logical3A_1558 = arith.constant 24 : i32
      %shift_right_logical3A_1559 = vector.broadcast %shift_right_logical3A_1558 : i32 to vector<16xi32>
      %shift_right_logical3A_1560 = arith.shrui %bitcast_convert_type3A_1557, %shift_right_logical3A_1559 : vector<16xi32>
      %eq3A_1561 = vector.broadcast %add3A_404 : i32 to vector<16xi32>
      %eq3A_1562 = arith.cmpi eq, %shift_right_logical3A_1560, %eq3A_1561 : vector<16xi32>
      %jit3A_1563 = arith.constant 1 : i32
      %jit3A_1564 = arith.constant 0 : i32
      %broadcast_in_dim3A_1565 = vector.broadcast %jit3A_1563 : i32 to vector<16xi32>
      %broadcast_in_dim3A_1566 = vector.broadcast %jit3A_1564 : i32 to vector<16xi32>
      %select_n3A_1567 = arith.select %eq3A_1562, %broadcast_in_dim3A_1565, %broadcast_in_dim3A_1566 : vector<16xi1>, vector<16xi32>
      %reduce_max3A_1568 = arith.constant true
      %reduce_max3A_1569 = vector.broadcast %reduce_max3A_1568 : i1 to vector<16xi1>
      %reduce_max3A_1570 = arith.constant -2147483648 : i32
      %reduce_max3A_1571 = vector.broadcast %reduce_max3A_1570 : i32 to vector<16xi32>
      %reduce_max3A_1572 = arith.xori %select_n3A_1567, %reduce_max3A_1571 : vector<16xi32>
      %reduce_max3A_1573 = tpu.scan <max>, %reduce_max3A_1572 masked %reduce_max3A_1569 : vector<16xi32>, vector<16xi1> -> vector<16xi32>
      %reduce_max3A_1574 = arith.xori %reduce_max3A_1573, %reduce_max3A_1571 : vector<16xi32>
      %reduce_max3A_1575 = vector.extract %reduce_max3A_1574[15] : i32 from vector<16xi32>
      %gt3A = arith.constant 0 : i32
      %gt3A_1576 = arith.cmpi sgt, %reduce_max3A_1575, %gt3A : i32
      %convert_element_type3A_1577 = arith.extui %gt3A_1576 : i1 to i32
      %cond3A_1578 = arith.constant 0 : i32
      %cond3A_1579 = arith.cmpi ne, %convert_element_type3A_1577, %cond3A_1578 : i32
      scf.if %cond3A_1579 {
        %get3A_1581 = arith.constant 0 : i32
        %get3A_1582 = arith.index_cast %get3A_1581 : i32 to index
        %get3A_1583 = memref.load %arg10[%get3A_1582] : memref<1xi32, #tpu.memory_space<smem>>
        %jit3A_1584 = arith.constant 1 : i32
        %jit3A_1585 = arith.constant 0 : i32
        %broadcast_in_dim3A_1586 = vector.broadcast %jit3A_1584 : i32 to vector<16xi32>
        %broadcast_in_dim3A_1587 = vector.broadcast %jit3A_1585 : i32 to vector<16xi32>
        %select_n3A_1588 = arith.select %eq3A_1562, %broadcast_in_dim3A_1586, %broadcast_in_dim3A_1587 : vector<16xi1>, vector<16xi32>
        %broadcast_in_dim3A_1589 = arith.constant true
        %broadcast_in_dim3A_1590 = vector.broadcast %broadcast_in_dim3A_1589 : i1 to vector<16xi1>
        %masked_cumsum3A_1591 = tpu.scan <sum>, %select_n3A_1588 masked %broadcast_in_dim3A_1590 : vector<16xi32>, vector<16xi1> -> vector<16xi32>
        %add3A_1592 = vector.broadcast %get3A_1583 : i32 to vector<16xi32>
        %add3A_1593 = arith.addi %add3A_1592, %masked_cumsum3A_1591 : vector<16xi32>
        %sub3A_1594 = arith.subi %add3A_1593, %select_n3A_1588 : vector<16xi32>
        tpu.vector_store_idx %arg4[%sub3A_1594], %get3A_1556 masked %eq3A_1562 : memref<62528xf32, #tpu.memory_space<vmem>>[vector<16xi32>], vector<16xf32>, vector<16xi1>
        %reduce_max3A_1595 = arith.constant true
        %reduce_max3A_1596 = vector.broadcast %reduce_max3A_1595 : i1 to vector<16xi1>
        %reduce_max3A_1597 = arith.constant -2147483648 : i32
        %reduce_max3A_1598 = vector.broadcast %reduce_max3A_1597 : i32 to vector<16xi32>
        %reduce_max3A_1599 = arith.xori %masked_cumsum3A_1591, %reduce_max3A_1598 : vector<16xi32>
        %reduce_max3A_1600 = tpu.scan <max>, %reduce_max3A_1599 masked %reduce_max3A_1596 : vector<16xi32>, vector<16xi1> -> vector<16xi32>
        %reduce_max3A_1601 = arith.xori %reduce_max3A_1600, %reduce_max3A_1598 : vector<16xi32>
        %reduce_max3A_1602 = vector.extract %reduce_max3A_1601[15] : i32 from vector<16xi32>
        %add3A_1603 = arith.addi %get3A_1583, %reduce_max3A_1602 : i32
        %swap3A_1604 = arith.constant 0 : i32
        %swap3A_1605 = arith.index_cast %swap3A_1604 : i32 to index
        %swap3A_1606 = memref.load %arg10[%swap3A_1605] : memref<1xi32, #tpu.memory_space<smem>>
        memref.store %add3A_1603, %arg10[%swap3A_1605] : memref<1xi32, #tpu.memory_space<smem>>
      } else {
      }
      %while3A_1580 = arith.constant 0 : i32
      scf.yield %while3A_1580 : i32
    }
    %get3A_439 = arith.constant 0 : i32
    %get3A_440 = arith.index_cast %get3A_439 : i32 to index
    %get3A_441 = memref.load %arg10[%get3A_440] : memref<1xi32, #tpu.memory_space<smem>>
    %scan3A_442 = arith.constant 0 : i32
    %scan3A_443 = arith.constant 0 : i32
    %scan3A_444 = arith.constant 32 : i32
    %scan3A_445 = arith.addi %scan3A_443, %scan3A_444 : i32
    %scan3A_446 = arith.constant 1 : i32
    %scan3A_447 = scf.for %scan3A_1551 = %scan3A_443 to %scan3A_445 step %scan3A_446 iter_args(%scan3A_1552 = %scan3A_442) -> (i32)  : i32 {
      %mul3A_1553 = arith.constant 128 : i32
      %mul3A_1554 = arith.muli %scan3A_1551, %mul3A_1553 : i32
      %add3A_1555 = arith.constant 0 : i32
      %add3A_1556 = arith.addi %mul3A_1554, %add3A_1555 : i32
      %swap3A_1557 = arith.index_cast %add3A_1556 : i32 to index
      %swap3A_1558 = tpu.vector_load %arg5[%swap3A_1557] {strides = array<i32>} : memref<45056xi32, #tpu.memory_space<vmem>>, vector<16xi32>,
      tpu.vector_store %arg5[%swap3A_1557], %broadcast_in_dim3A_2 {strides = array<i32>} : memref<45056xi32, #tpu.memory_space<vmem>>, vector<16xi32>,
      %mul3A_1559 = arith.constant 128 : i32
      %mul3A_1560 = arith.muli %scan3A_1551, %mul3A_1559 : i32
      %add3A_1561 = arith.constant 16 : i32
      %add3A_1562 = arith.addi %mul3A_1560, %add3A_1561 : i32
      %swap3A_1563 = arith.index_cast %add3A_1562 : i32 to index
      %swap3A_1564 = tpu.vector_load %arg5[%swap3A_1563] {strides = array<i32>} : memref<45056xi32, #tpu.memory_space<vmem>>, vector<16xi32>,
      tpu.vector_store %arg5[%swap3A_1563], %broadcast_in_dim3A_2 {strides = array<i32>} : memref<45056xi32, #tpu.memory_space<vmem>>, vector<16xi32>,
      %mul3A_1565 = arith.constant 128 : i32
      %mul3A_1566 = arith.muli %scan3A_1551, %mul3A_1565 : i32
      %add3A_1567 = arith.constant 32 : i32
      %add3A_1568 = arith.addi %mul3A_1566, %add3A_1567 : i32
      %swap3A_1569 = arith.index_cast %add3A_1568 : i32 to index
      %swap3A_1570 = tpu.vector_load %arg5[%swap3A_1569] {strides = array<i32>} : memref<45056xi32, #tpu.memory_space<vmem>>, vector<16xi32>,
      tpu.vector_store %arg5[%swap3A_1569], %broadcast_in_dim3A_2 {strides = array<i32>} : memref<45056xi32, #tpu.memory_space<vmem>>, vector<16xi32>,
      %mul3A_1571 = arith.constant 128 : i32
      %mul3A_1572 = arith.muli %scan3A_1551, %mul3A_1571 : i32
      %add3A_1573 = arith.constant 48 : i32
      %add3A_1574 = arith.addi %mul3A_1572, %add3A_1573 : i32
      %swap3A_1575 = arith.index_cast %add3A_1574 : i32 to index
      %swap3A_1576 = tpu.vector_load %arg5[%swap3A_1575] {strides = array<i32>} : memref<45056xi32, #tpu.memory_space<vmem>>, vector<16xi32>,
      tpu.vector_store %arg5[%swap3A_1575], %broadcast_in_dim3A_2 {strides = array<i32>} : memref<45056xi32, #tpu.memory_space<vmem>>, vector<16xi32>,
      %mul3A_1577 = arith.constant 128 : i32
      %mul3A_1578 = arith.muli %scan3A_1551, %mul3A_1577 : i32
      %add3A_1579 = arith.constant 64 : i32
      %add3A_1580 = arith.addi %mul3A_1578, %add3A_1579 : i32
      %swap3A_1581 = arith.index_cast %add3A_1580 : i32 to index
      %swap3A_1582 = tpu.vector_load %arg5[%swap3A_1581] {strides = array<i32>} : memref<45056xi32, #tpu.memory_space<vmem>>, vector<16xi32>,
      tpu.vector_store %arg5[%swap3A_1581], %broadcast_in_dim3A_2 {strides = array<i32>} : memref<45056xi32, #tpu.memory_space<vmem>>, vector<16xi32>,
      %mul3A_1583 = arith.constant 128 : i32
      %mul3A_1584 = arith.muli %scan3A_1551, %mul3A_1583 : i32
      %add3A_1585 = arith.constant 80 : i32
      %add3A_1586 = arith.addi %mul3A_1584, %add3A_1585 : i32
      %swap3A_1587 = arith.index_cast %add3A_1586 : i32 to index
      %swap3A_1588 = tpu.vector_load %arg5[%swap3A_1587] {strides = array<i32>} : memref<45056xi32, #tpu.memory_space<vmem>>, vector<16xi32>,
      tpu.vector_store %arg5[%swap3A_1587], %broadcast_in_dim3A_2 {strides = array<i32>} : memref<45056xi32, #tpu.memory_space<vmem>>, vector<16xi32>,
      %mul3A_1589 = arith.constant 128 : i32
      %mul3A_1590 = arith.muli %scan3A_1551, %mul3A_1589 : i32
      %add3A_1591 = arith.constant 96 : i32
      %add3A_1592 = arith.addi %mul3A_1590, %add3A_1591 : i32
      %swap3A_1593 = arith.index_cast %add3A_1592 : i32 to index
      %swap3A_1594 = tpu.vector_load %arg5[%swap3A_1593] {strides = array<i32>} : memref<45056xi32, #tpu.memory_space<vmem>>, vector<16xi32>,
      tpu.vector_store %arg5[%swap3A_1593], %broadcast_in_dim3A_2 {strides = array<i32>} : memref<45056xi32, #tpu.memory_space<vmem>>, vector<16xi32>,
      %mul3A_1595 = arith.constant 128 : i32
      %mul3A_1596 = arith.muli %scan3A_1551, %mul3A_1595 : i32
      %add3A_1597 = arith.constant 112 : i32
      %add3A_1598 = arith.addi %mul3A_1596, %add3A_1597 : i32
      %swap3A_1599 = arith.index_cast %add3A_1598 : i32 to index
      %swap3A_1600 = tpu.vector_load %arg5[%swap3A_1599] {strides = array<i32>} : memref<45056xi32, #tpu.memory_space<vmem>>, vector<16xi32>,
      tpu.vector_store %arg5[%swap3A_1599], %broadcast_in_dim3A_2 {strides = array<i32>} : memref<45056xi32, #tpu.memory_space<vmem>>, vector<16xi32>,
      %scan3A_1601 = arith.constant 0 : i32
      scf.yield %scan3A_1601 : i32
    }
    %scan3A_448 = arith.constant 32 : i32
    %shift_right_logical3A = arith.constant 4 : i32
    %shift_right_logical3A_449 = arith.shrui %get3A_441, %shift_right_logical3A : i32
    %shift_left3A = arith.constant 4 : i32
    %shift_left3A_450 = arith.shli %shift_right_logical3A_449, %shift_left3A : i32
    %sub3A_451 = arith.subi %get3A_441, %shift_left3A_450 : i32
    %while3A_452 = arith.constant 0 : i32
    %while3A_453 = arith.constant 0 : i32
    %while3A_454 = arith.subi %shift_right_logical3A_449, %while3A_452 : i32
    %while3A_455 = arith.addi %while3A_452, %while3A_454 : i32
    %while3A_456 = arith.constant 1 : i32
    %while3A_457 = arith.divsi %while3A_454, %while3A_456 : i32
    %while3A_458 = arith.muli %while3A_457, %while3A_456 : i32
    %while3A_459 = arith.addi %while3A_452, %while3A_458 : i32
    %while3A_460 = arith.constant 1 : i32
    %while3A_461 = scf.for %while3A_1551 = %while3A_452 to %while3A_459 step %while3A_460 iter_args(%while3A_1552 = %while3A_453) -> (i32)  : i32 {
      %mul3A_1553 = arith.constant 16 : i32
      %mul3A_1554 = arith.muli %while3A_1551, %mul3A_1553 : i32
      %get3A_1555 = arith.index_cast %mul3A_1554 : i32 to index
      %get3A_1556 = tpu.vector_load %arg4[%get3A_1555] {strides = array<i32>} : memref<62528xf32, #tpu.memory_space<vmem>>, vector<16xf32>,
      %bitcast_convert_type3A_1557 = tpu.bitcast %get3A_1556 : vector<16xf32> -> vector<16xi32>
      %shift_right_arithmetic3A_1558 = arith.constant 31 : i32
      %shift_right_arithmetic3A_1559 = vector.broadcast %shift_right_arithmetic3A_1558 : i32 to vector<16xi32>
      %shift_right_arithmetic3A_1560 = arith.shrsi %bitcast_convert_type3A_1557, %shift_right_arithmetic3A_1559 : vector<16xi32>
      %or3A_1561 = arith.constant -2147483648 : i32
      %or3A_1562 = vector.broadcast %or3A_1561 : i32 to vector<16xi32>
      %or3A_1563 = arith.ori %shift_right_arithmetic3A_1560, %or3A_1562 : vector<16xi32>
      %xor3A_1564 = arith.xori %bitcast_convert_type3A_1557, %or3A_1563 : vector<16xi32>
      %shift_right_logical3A_1565 = arith.constant 16 : i32
      %shift_right_logical3A_1566 = vector.broadcast %shift_right_logical3A_1565 : i32 to vector<16xi32>
      %shift_right_logical3A_1567 = arith.shrui %xor3A_1564, %shift_right_logical3A_1566 : vector<16xi32>
      %and3A_1568 = arith.constant 255 : i32
      %and3A_1569 = vector.broadcast %and3A_1568 : i32 to vector<16xi32>
      %and3A_1570 = arith.andi %shift_right_logical3A_1567, %and3A_1569 : vector<16xi32>
      %shift_left3A_1571 = arith.constant 4 : i32
      %shift_left3A_1572 = vector.broadcast %shift_left3A_1571 : i32 to vector<16xi32>
      %shift_left3A_1573 = arith.shli %and3A_1570, %shift_left3A_1572 : vector<16xi32>
      %or3A_1574 = arith.ori %shift_left3A_1573, %iota3A : vector<16xi32>
      tpu.vector_store_idx %arg5[%or3A_1574], %broadcast_in_dim3A_0 {add = true} : memref<45056xi32, #tpu.memory_space<vmem>>[vector<16xi32>], vector<16xi32>,
      %while3A_1575 = arith.constant 0 : i32
      scf.yield %while3A_1575 : i32
    }
    %while3A_462 = arith.constant 1 : i32
    %while3A_463 = scf.for %while3A_1551 = %while3A_459 to %while3A_455 step %while3A_462 iter_args(%while3A_1552 = %while3A_461) -> (i32)  : i32 {
      %mul3A_1553 = arith.constant 16 : i32
      %mul3A_1554 = arith.muli %while3A_1551, %mul3A_1553 : i32
      %get3A_1555 = arith.index_cast %mul3A_1554 : i32 to index
      %get3A_1556 = tpu.vector_load %arg4[%get3A_1555] {strides = array<i32>} : memref<62528xf32, #tpu.memory_space<vmem>>, vector<16xf32>,
      %bitcast_convert_type3A_1557 = tpu.bitcast %get3A_1556 : vector<16xf32> -> vector<16xi32>
      %shift_right_arithmetic3A_1558 = arith.constant 31 : i32
      %shift_right_arithmetic3A_1559 = vector.broadcast %shift_right_arithmetic3A_1558 : i32 to vector<16xi32>
      %shift_right_arithmetic3A_1560 = arith.shrsi %bitcast_convert_type3A_1557, %shift_right_arithmetic3A_1559 : vector<16xi32>
      %or3A_1561 = arith.constant -2147483648 : i32
      %or3A_1562 = vector.broadcast %or3A_1561 : i32 to vector<16xi32>
      %or3A_1563 = arith.ori %shift_right_arithmetic3A_1560, %or3A_1562 : vector<16xi32>
      %xor3A_1564 = arith.xori %bitcast_convert_type3A_1557, %or3A_1563 : vector<16xi32>
      %shift_right_logical3A_1565 = arith.constant 16 : i32
      %shift_right_logical3A_1566 = vector.broadcast %shift_right_logical3A_1565 : i32 to vector<16xi32>
      %shift_right_logical3A_1567 = arith.shrui %xor3A_1564, %shift_right_logical3A_1566 : vector<16xi32>
      %and3A_1568 = arith.constant 255 : i32
      %and3A_1569 = vector.broadcast %and3A_1568 : i32 to vector<16xi32>
      %and3A_1570 = arith.andi %shift_right_logical3A_1567, %and3A_1569 : vector<16xi32>
      %shift_left3A_1571 = arith.constant 4 : i32
      %shift_left3A_1572 = vector.broadcast %shift_left3A_1571 : i32 to vector<16xi32>
      %shift_left3A_1573 = arith.shli %and3A_1570, %shift_left3A_1572 : vector<16xi32>
      %or3A_1574 = arith.ori %shift_left3A_1573, %iota3A : vector<16xi32>
      tpu.vector_store_idx %arg5[%or3A_1574], %broadcast_in_dim3A_0 {add = true} : memref<45056xi32, #tpu.memory_space<vmem>>[vector<16xi32>], vector<16xi32>,
      %while3A_1575 = arith.constant 0 : i32
      scf.yield %while3A_1575 : i32
    }
    %mul3A_464 = arith.constant 16 : i32
    %mul3A_465 = arith.muli %shift_right_logical3A_449, %mul3A_464 : i32
    %get3A_466 = arith.index_cast %mul3A_465 : i32 to index
    %get3A_467 = tpu.vector_load %arg4[%get3A_466] {strides = array<i32>} : memref<62528xf32, #tpu.memory_space<vmem>>, vector<16xf32>,
    %bitcast_convert_type3A = tpu.bitcast %get3A_467 : vector<16xf32> -> vector<16xi32>
    %shift_right_arithmetic3A = arith.constant 31 : i32
    %shift_right_arithmetic3A_468 = vector.broadcast %shift_right_arithmetic3A : i32 to vector<16xi32>
    %shift_right_arithmetic3A_469 = arith.shrsi %bitcast_convert_type3A, %shift_right_arithmetic3A_468 : vector<16xi32>
    %or3A_470 = arith.constant -2147483648 : i32
    %or3A_471 = vector.broadcast %or3A_470 : i32 to vector<16xi32>
    %or3A_472 = arith.ori %shift_right_arithmetic3A_469, %or3A_471 : vector<16xi32>
    %xor3A = arith.xori %bitcast_convert_type3A, %or3A_472 : vector<16xi32>
    %shift_right_logical3A_473 = arith.constant 16 : i32
    %shift_right_logical3A_474 = vector.broadcast %shift_right_logical3A_473 : i32 to vector<16xi32>
    %shift_right_logical3A_475 = arith.shrui %xor3A, %shift_right_logical3A_474 : vector<16xi32>
    %and3A = arith.constant 255 : i32
    %and3A_476 = vector.broadcast %and3A : i32 to vector<16xi32>
    %and3A_477 = arith.andi %shift_right_logical3A_475, %and3A_476 : vector<16xi32>
    %shift_left3A_478 = arith.constant 4 : i32
    %shift_left3A_479 = vector.broadcast %shift_left3A_478 : i32 to vector<16xi32>
    %shift_left3A_480 = arith.shli %and3A_477, %shift_left3A_479 : vector<16xi32>
    %or3A_481 = arith.ori %shift_left3A_480, %iota3A : vector<16xi32>
    %lt3A_482 = vector.broadcast %sub3A_451 : i32 to vector<16xi32>
    %lt3A_483 = arith.cmpi slt, %iota3A, %lt3A_482 : vector<16xi32>
    tpu.vector_store_idx %arg5[%or3A_481], %broadcast_in_dim3A_0 masked %lt3A_483 {add = true} : memref<45056xi32, #tpu.memory_space<vmem>>[vector<16xi32>], vector<16xi32>, vector<16xi1>
    "tpu.region"() ({
      %run_scoped3A = tpu.sem_alloc : memref<!tpu.dma_semaphore, #tpu.memory_space<semaphore_mem>>
      %dma_start3A = arith.constant 0 : i32
      %dma_start3A_1551 = tpu.memref_slice %arg5[%dma_start3A] : memref<45056xi32, #tpu.memory_space<vmem>> -> memref<4096xi32, #tpu.memory_space<vmem>>
      %dma_start3A_1552 = arith.constant 0 : i32
      %dma_start3A_1553 = tpu.memref_slice %arg11[%arg1, %dma_start3A_1552] : memref<16x4096xi32, #tpu.memory_space<vmem_shared>> -> memref<1x4096xi32, #tpu.memory_space<vmem_shared>>
      %dma_start3A_1554 = tpu.memref_squeeze %dma_start3A_1553 : memref<1x4096xi32, #tpu.memory_space<vmem_shared>> -> memref<4096xi32, #tpu.memory_space<vmem_shared>>
      %dma_start3A_1555 = arith.constant 0 : i32
      %dma_start3A_1556 = tpu.memref_slice %arg11[%arg1, %dma_start3A_1555] : memref<16x4096xi32, #tpu.memory_space<vmem_shared>> -> memref<1x4096xi32, #tpu.memory_space<vmem_shared>>
      %dma_start3A_1557 = tpu.memref_squeeze %dma_start3A_1556 : memref<1x4096xi32, #tpu.memory_space<vmem_shared>> -> memref<4096xi32, #tpu.memory_space<vmem_shared>>
      %dma_start3A_1558 = arith.constant 0 : i32
      %dma_start3A_1559 = tpu.memref_slice %arg5[%dma_start3A_1558] : memref<45056xi32, #tpu.memory_space<vmem>> -> memref<4096xi32, #tpu.memory_space<vmem>>
      tpu.enqueue_dma source(%dma_start3A_1559 : memref<4096xi32, #tpu.memory_space<vmem>>) target(%dma_start3A_1557 : memref<4096xi32, #tpu.memory_space<vmem_shared>>) target_semaphore(%run_scoped3A : memref<!tpu.dma_semaphore, #tpu.memory_space<semaphore_mem>>)
      %dma_wait3A = arith.constant 0 : i32
      %dma_wait3A_1560 = tpu.memref_slice %arg5[%dma_wait3A] : memref<45056xi32, #tpu.memory_space<vmem>> -> memref<4096xi32, #tpu.memory_space<vmem>>
      %dma_wait3A_1561 = arith.constant 0 : i32
      %dma_wait3A_1562 = tpu.memref_slice %arg11[%arg1, %dma_wait3A_1561] : memref<16x4096xi32, #tpu.memory_space<vmem_shared>> -> memref<1x4096xi32, #tpu.memory_space<vmem_shared>>
      %dma_wait3A_1563 = tpu.memref_squeeze %dma_wait3A_1562 : memref<1x4096xi32, #tpu.memory_space<vmem_shared>> -> memref<4096xi32, #tpu.memory_space<vmem_shared>>
      %dma_wait3A_1564 = arith.constant 0 : i32
      %dma_wait3A_1565 = tpu.memref_slice %arg11[%arg1, %dma_wait3A_1564] : memref<16x4096xi32, #tpu.memory_space<vmem_shared>> -> memref<1x4096xi32, #tpu.memory_space<vmem_shared>>
      %dma_wait3A_1566 = tpu.memref_squeeze %dma_wait3A_1565 : memref<1x4096xi32, #tpu.memory_space<vmem_shared>> -> memref<4096xi32, #tpu.memory_space<vmem_shared>>
      %dma_wait3A_1567 = arith.constant 0 : i32
      %dma_wait3A_1568 = tpu.memref_slice %arg5[%dma_wait3A_1567] : memref<45056xi32, #tpu.memory_space<vmem>> -> memref<4096xi32, #tpu.memory_space<vmem>>
      tpu.wait_dma2 semaphore(%run_scoped3A : memref<!tpu.dma_semaphore, #tpu.memory_space<semaphore_mem>>) src(%dma_wait3A_1568 : memref<4096xi32, #tpu.memory_space<vmem>>) dst(%dma_wait3A_1566 : memref<4096xi32, #tpu.memory_space<vmem_shared>>)
      tpu.yield
    }) : () -> ()
    %barrier3A_484 = arith.constant 0 : index
    tpu.barrier barrier_id(%barrier3A_484)
    %mul3A_485 = arith.constant 256 : i32
    %mul3A_486 = arith.muli %arg1, %mul3A_485 : i32
    "tpu.region"() ({
      %run_scoped3A = tpu.sem_alloc : memref<!tpu.dma_semaphore, #tpu.memory_space<semaphore_mem>>
      %dma_start3A = arith.constant 0 : i32
      %dma_start3A_1551 = tpu.memref_slice %arg11[%dma_start3A, %mul3A_486] : memref<16x4096xi32, #tpu.memory_space<vmem_shared>> -> memref<16x256xi32, #tpu.memory_space<vmem_shared>>
      %dma_start3A_1552 = arith.constant 0 : i32
      %dma_start3A_1553 = tpu.memref_slice %arg11[%dma_start3A_1552, %mul3A_486] : memref<16x4096xi32, #tpu.memory_space<vmem_shared>> -> memref<16x256xi32, #tpu.memory_space<vmem_shared>>
      tpu.enqueue_dma source(%dma_start3A_1553 : memref<16x256xi32, #tpu.memory_space<vmem_shared>>) target(%arg6 : memref<16x256xi32, #tpu.memory_space<vmem>>) target_semaphore(%run_scoped3A : memref<!tpu.dma_semaphore, #tpu.memory_space<semaphore_mem>>)
      %dma_wait3A = arith.constant 0 : i32
      %dma_wait3A_1554 = tpu.memref_slice %arg11[%dma_wait3A, %mul3A_486] : memref<16x4096xi32, #tpu.memory_space<vmem_shared>> -> memref<16x256xi32, #tpu.memory_space<vmem_shared>>
      %dma_wait3A_1555 = arith.constant 0 : i32
      %dma_wait3A_1556 = tpu.memref_slice %arg11[%dma_wait3A_1555, %mul3A_486] : memref<16x4096xi32, #tpu.memory_space<vmem_shared>> -> memref<16x256xi32, #tpu.memory_space<vmem_shared>>
      tpu.wait_dma2 semaphore(%run_scoped3A : memref<!tpu.dma_semaphore, #tpu.memory_space<semaphore_mem>>) src(%dma_wait3A_1556 : memref<16x256xi32, #tpu.memory_space<vmem_shared>>) dst(%arg6 : memref<16x256xi32, #tpu.memory_space<vmem>>)
      tpu.yield
    }) : () -> ()
    %scan3A_487 = arith.constant 0 : i32
    %scan3A_488 = arith.constant 16 : i32
    %scan3A_489 = arith.addi %scan3A_487, %scan3A_488 : i32
    %scan3A_490 = arith.constant 1 : i32
    %scan3A_491 = scf.for %scan3A_1551 = %scan3A_487 to %scan3A_489 step %scan3A_490 iter_args(%scan3A_1552 = %broadcast_in_dim3A_2) -> (vector<16xi32>)  : i32 {
      %mul3A_1553 = arith.constant 16 : i32
      %mul3A_1554 = arith.muli %scan3A_1551, %mul3A_1553 : i32
      %get3A_1555 = arith.constant 0 : i32
      %get3A_1556 = arith.index_cast %get3A_1555 : i32 to index
      %get3A_1557 = arith.index_cast %mul3A_1554 : i32 to index
      %get3A_1558 = tpu.vector_load %arg6[%get3A_1556, %get3A_1557] {strides = array<i32>} : memref<16x256xi32, #tpu.memory_space<vmem>>, vector<16xi32>,
      %mul3A_1559 = arith.constant 16 : i32
      %mul3A_1560 = arith.muli %scan3A_1551, %mul3A_1559 : i32
      %get3A_1561 = arith.constant 1 : i32
      %get3A_1562 = arith.index_cast %get3A_1561 : i32 to index
      %get3A_1563 = arith.index_cast %mul3A_1560 : i32 to index
      %get3A_1564 = tpu.vector_load %arg6[%get3A_1562, %get3A_1563] {strides = array<i32>} : memref<16x256xi32, #tpu.memory_space<vmem>>, vector<16xi32>,
      %add3A_1565 = arith.addi %get3A_1558, %get3A_1564 : vector<16xi32>
      %mul3A_1566 = arith.constant 16 : i32
      %mul3A_1567 = arith.muli %scan3A_1551, %mul3A_1566 : i32
      %get3A_1568 = arith.constant 2 : i32
      %get3A_1569 = arith.index_cast %get3A_1568 : i32 to index
      %get3A_1570 = arith.index_cast %mul3A_1567 : i32 to index
      %get3A_1571 = tpu.vector_load %arg6[%get3A_1569, %get3A_1570] {strides = array<i32>} : memref<16x256xi32, #tpu.memory_space<vmem>>, vector<16xi32>,
      %add3A_1572 = arith.addi %add3A_1565, %get3A_1571 : vector<16xi32>
      %mul3A_1573 = arith.constant 16 : i32
      %mul3A_1574 = arith.muli %scan3A_1551, %mul3A_1573 : i32
      %get3A_1575 = arith.constant 3 : i32
      %get3A_1576 = arith.index_cast %get3A_1575 : i32 to index
      %get3A_1577 = arith.index_cast %mul3A_1574 : i32 to index
      %get3A_1578 = tpu.vector_load %arg6[%get3A_1576, %get3A_1577] {strides = array<i32>} : memref<16x256xi32, #tpu.memory_space<vmem>>, vector<16xi32>,
      %add3A_1579 = arith.addi %add3A_1572, %get3A_1578 : vector<16xi32>
      %mul3A_1580 = arith.constant 16 : i32
      %mul3A_1581 = arith.muli %scan3A_1551, %mul3A_1580 : i32
      %get3A_1582 = arith.constant 4 : i32
      %get3A_1583 = arith.index_cast %get3A_1582 : i32 to index
      %get3A_1584 = arith.index_cast %mul3A_1581 : i32 to index
      %get3A_1585 = tpu.vector_load %arg6[%get3A_1583, %get3A_1584] {strides = array<i32>} : memref<16x256xi32, #tpu.memory_space<vmem>>, vector<16xi32>,
      %add3A_1586 = arith.addi %add3A_1579, %get3A_1585 : vector<16xi32>
      %mul3A_1587 = arith.constant 16 : i32
      %mul3A_1588 = arith.muli %scan3A_1551, %mul3A_1587 : i32
      %get3A_1589 = arith.constant 5 : i32
      %get3A_1590 = arith.index_cast %get3A_1589 : i32 to index
      %get3A_1591 = arith.index_cast %mul3A_1588 : i32 to index
      %get3A_1592 = tpu.vector_load %arg6[%get3A_1590, %get3A_1591] {strides = array<i32>} : memref<16x256xi32, #tpu.memory_space<vmem>>, vector<16xi32>,
      %add3A_1593 = arith.addi %add3A_1586, %get3A_1592 : vector<16xi32>
      %mul3A_1594 = arith.constant 16 : i32
      %mul3A_1595 = arith.muli %scan3A_1551, %mul3A_1594 : i32
      %get3A_1596 = arith.constant 6 : i32
      %get3A_1597 = arith.index_cast %get3A_1596 : i32 to index
      %get3A_1598 = arith.index_cast %mul3A_1595 : i32 to index
      %get3A_1599 = tpu.vector_load %arg6[%get3A_1597, %get3A_1598] {strides = array<i32>} : memref<16x256xi32, #tpu.memory_space<vmem>>, vector<16xi32>,
      %add3A_1600 = arith.addi %add3A_1593, %get3A_1599 : vector<16xi32>
      %mul3A_1601 = arith.constant 16 : i32
      %mul3A_1602 = arith.muli %scan3A_1551, %mul3A_1601 : i32
      %get3A_1603 = arith.constant 7 : i32
      %get3A_1604 = arith.index_cast %get3A_1603 : i32 to index
      %get3A_1605 = arith.index_cast %mul3A_1602 : i32 to index
      %get3A_1606 = tpu.vector_load %arg6[%get3A_1604, %get3A_1605] {strides = array<i32>} : memref<16x256xi32, #tpu.memory_space<vmem>>, vector<16xi32>,
      %add3A_1607 = arith.addi %add3A_1600, %get3A_1606 : vector<16xi32>
      %mul3A_1608 = arith.constant 16 : i32
      %mul3A_1609 = arith.muli %scan3A_1551, %mul3A_1608 : i32
      %get3A_1610 = arith.constant 8 : i32
      %get3A_1611 = arith.index_cast %get3A_1610 : i32 to index
      %get3A_1612 = arith.index_cast %mul3A_1609 : i32 to index
      %get3A_1613 = tpu.vector_load %arg6[%get3A_1611, %get3A_1612] {strides = array<i32>} : memref<16x256xi32, #tpu.memory_space<vmem>>, vector<16xi32>,
      %add3A_1614 = arith.addi %add3A_1607, %get3A_1613 : vector<16xi32>
      %mul3A_1615 = arith.constant 16 : i32
      %mul3A_1616 = arith.muli %scan3A_1551, %mul3A_1615 : i32
      %get3A_1617 = arith.constant 9 : i32
      %get3A_1618 = arith.index_cast %get3A_1617 : i32 to index
      %get3A_1619 = arith.index_cast %mul3A_1616 : i32 to index
      %get3A_1620 = tpu.vector_load %arg6[%get3A_1618, %get3A_1619] {strides = array<i32>} : memref<16x256xi32, #tpu.memory_space<vmem>>, vector<16xi32>,
      %add3A_1621 = arith.addi %add3A_1614, %get3A_1620 : vector<16xi32>
      %mul3A_1622 = arith.constant 16 : i32
      %mul3A_1623 = arith.muli %scan3A_1551, %mul3A_1622 : i32
      %get3A_1624 = arith.constant 10 : i32
      %get3A_1625 = arith.index_cast %get3A_1624 : i32 to index
      %get3A_1626 = arith.index_cast %mul3A_1623 : i32 to index
      %get3A_1627 = tpu.vector_load %arg6[%get3A_1625, %get3A_1626] {strides = array<i32>} : memref<16x256xi32, #tpu.memory_space<vmem>>, vector<16xi32>,
      %add3A_1628 = arith.addi %add3A_1621, %get3A_1627 : vector<16xi32>
      %mul3A_1629 = arith.constant 16 : i32
      %mul3A_1630 = arith.muli %scan3A_1551, %mul3A_1629 : i32
      %get3A_1631 = arith.constant 11 : i32
      %get3A_1632 = arith.index_cast %get3A_1631 : i32 to index
      %get3A_1633 = arith.index_cast %mul3A_1630 : i32 to index
      %get3A_1634 = tpu.vector_load %arg6[%get3A_1632, %get3A_1633] {strides = array<i32>} : memref<16x256xi32, #tpu.memory_space<vmem>>, vector<16xi32>,
      %add3A_1635 = arith.addi %add3A_1628, %get3A_1634 : vector<16xi32>
      %mul3A_1636 = arith.constant 16 : i32
      %mul3A_1637 = arith.muli %scan3A_1551, %mul3A_1636 : i32
      %get3A_1638 = arith.constant 12 : i32
      %get3A_1639 = arith.index_cast %get3A_1638 : i32 to index
      %get3A_1640 = arith.index_cast %mul3A_1637 : i32 to index
      %get3A_1641 = tpu.vector_load %arg6[%get3A_1639, %get3A_1640] {strides = array<i32>} : memref<16x256xi32, #tpu.memory_space<vmem>>, vector<16xi32>,
      %add3A_1642 = arith.addi %add3A_1635, %get3A_1641 : vector<16xi32>
      %mul3A_1643 = arith.constant 16 : i32
      %mul3A_1644 = arith.muli %scan3A_1551, %mul3A_1643 : i32
      %get3A_1645 = arith.constant 13 : i32
      %get3A_1646 = arith.index_cast %get3A_1645 : i32 to index
      %get3A_1647 = arith.index_cast %mul3A_1644 : i32 to index
      %get3A_1648 = tpu.vector_load %arg6[%get3A_1646, %get3A_1647] {strides = array<i32>} : memref<16x256xi32, #tpu.memory_space<vmem>>, vector<16xi32>,
      %add3A_1649 = arith.addi %add3A_1642, %get3A_1648 : vector<16xi32>
      %mul3A_1650 = arith.constant 16 : i32
      %mul3A_1651 = arith.muli %scan3A_1551, %mul3A_1650 : i32
      %get3A_1652 = arith.constant 14 : i32
      %get3A_1653 = arith.index_cast %get3A_1652 : i32 to index
      %get3A_1654 = arith.index_cast %mul3A_1651 : i32 to index
      %get3A_1655 = tpu.vector_load %arg6[%get3A_1653, %get3A_1654] {strides = array<i32>} : memref<16x256xi32, #tpu.memory_space<vmem>>, vector<16xi32>,
      %add3A_1656 = arith.addi %add3A_1649, %get3A_1655 : vector<16xi32>
      %mul3A_1657 = arith.constant 16 : i32
      %mul3A_1658 = arith.muli %scan3A_1551, %mul3A_1657 : i32
      %get3A_1659 = arith.constant 15 : i32
      %get3A_1660 = arith.index_cast %get3A_1659 : i32 to index
      %get3A_1661 = arith.index_cast %mul3A_1658 : i32 to index
      %get3A_1662 = tpu.vector_load %arg6[%get3A_1660, %get3A_1661] {strides = array<i32>} : memref<16x256xi32, #tpu.memory_space<vmem>>, vector<16xi32>,
      %add3A_1663 = arith.addi %add3A_1656, %get3A_1662 : vector<16xi32>
      %reduce_sum3A_1664 = arith.constant true
      %reduce_sum3A_1665 = vector.broadcast %reduce_sum3A_1664 : i1 to vector<16xi1>
      %reduce_sum3A_1666 = tpu.scan <sum>, %add3A_1663 masked %reduce_sum3A_1665 : vector<16xi32>, vector<16xi1> -> vector<16xi32>
      %reduce_sum3A_1667 = vector.extract %reduce_sum3A_1666[15] : i32 from vector<16xi32>
      %eq3A_1668 = vector.broadcast %scan3A_1551 : i32 to vector<16xi32>
      %eq3A_1669 = arith.cmpi eq, %iota3A, %eq3A_1668 : vector<16xi32>
      %broadcast_in_dim3A_1670 = vector.broadcast %reduce_sum3A_1667 : i32 to vector<16xi32>
      %select_n3A_1671 = arith.select %eq3A_1669, %broadcast_in_dim3A_1670, %scan3A_1552 : vector<16xi1>, vector<16xi32>
      scf.yield %select_n3A_1671 : vector<16xi32>
    }
    %scan3A_492 = arith.constant 16 : i32
    %swap3A_493 = arith.constant 0 : index
    %swap3A_494 = tpu.vector_load %arg9[%swap3A_493] {strides = array<i32>} : memref<16xi32, #tpu.memory_space<vmem>>, vector<16xi32>,
    tpu.vector_store %arg9[%swap3A_493], %scan3A_491 {strides = array<i32>} : memref<16xi32, #tpu.memory_space<vmem>>, vector<16xi32>,
    %mul3A_495 = arith.constant 16 : i32
    %mul3A_496 = arith.muli %arg1, %mul3A_495 : i32
    "tpu.region"() ({
      %run_scoped3A = tpu.sem_alloc : memref<!tpu.dma_semaphore, #tpu.memory_space<semaphore_mem>>
      %dma_start3A = tpu.memref_slice %arg12[%mul3A_496] : memref<256xi32, #tpu.memory_space<vmem_shared>> -> memref<16xi32, #tpu.memory_space<vmem_shared>>
      %dma_start3A_1551 = tpu.memref_slice %arg12[%mul3A_496] : memref<256xi32, #tpu.memory_space<vmem_shared>> -> memref<16xi32, #tpu.memory_space<vmem_shared>>
      tpu.enqueue_dma source(%arg9 : memref<16xi32, #tpu.memory_space<vmem>>) target(%dma_start3A_1551 : memref<16xi32, #tpu.memory_space<vmem_shared>>) target_semaphore(%run_scoped3A : memref<!tpu.dma_semaphore, #tpu.memory_space<semaphore_mem>>)
      %dma_wait3A = tpu.memref_slice %arg12[%mul3A_496] : memref<256xi32, #tpu.memory_space<vmem_shared>> -> memref<16xi32, #tpu.memory_space<vmem_shared>>
      %dma_wait3A_1552 = tpu.memref_slice %arg12[%mul3A_496] : memref<256xi32, #tpu.memory_space<vmem_shared>> -> memref<16xi32, #tpu.memory_space<vmem_shared>>
      tpu.wait_dma2 semaphore(%run_scoped3A : memref<!tpu.dma_semaphore, #tpu.memory_space<semaphore_mem>>) src(%arg9 : memref<16xi32, #tpu.memory_space<vmem>>) dst(%dma_wait3A_1552 : memref<16xi32, #tpu.memory_space<vmem_shared>>)
      tpu.yield
    }) : () -> ()
    %barrier3A_497 = arith.constant 0 : index
    tpu.barrier barrier_id(%barrier3A_497)
    "tpu.region"() ({
      %run_scoped3A = tpu.sem_alloc : memref<!tpu.dma_semaphore, #tpu.memory_space<semaphore_mem>>
      tpu.enqueue_dma source(%arg12 : memref<256xi32, #tpu.memory_space<vmem_shared>>) target(%arg7 : memref<256xi32, #tpu.memory_space<vmem>>) target_semaphore(%run_scoped3A : memref<!tpu.dma_semaphore, #tpu.memory_space<semaphore_mem>>)
      tpu.wait_dma2 semaphore(%run_scoped3A : memref<!tpu.dma_semaphore, #tpu.memory_space<semaphore_mem>>) src(%arg12 : memref<256xi32, #tpu.memory_space<vmem_shared>>) dst(%arg7 : memref<256xi32, #tpu.memory_space<vmem>>)
      tpu.yield
    }) : () -> ()
    %get3A_498 = arith.constant 0 : index
    %get3A_499 = tpu.vector_load %arg7[%get3A_498] {strides = array<i32>} : memref<256xi32, #tpu.memory_space<vmem>>, vector<16xi32>,
    %reduce_sum3A_500 = arith.constant true
    %reduce_sum3A_501 = vector.broadcast %reduce_sum3A_500 : i1 to vector<16xi1>
    %reduce_sum3A_502 = tpu.scan <sum>, %get3A_499 masked %reduce_sum3A_501 : vector<16xi32>, vector<16xi1> -> vector<16xi32>
    %reduce_sum3A_503 = vector.extract %reduce_sum3A_502[15] : i32 from vector<16xi32>
    %eq3A_504 = arith.constant 0 : i32
    %eq3A_505 = vector.broadcast %eq3A_504 : i32 to vector<16xi32>
    %eq3A_506 = arith.cmpi eq, %iota3A, %eq3A_505 : vector<16xi32>
    %broadcast_in_dim3A_507 = vector.broadcast %reduce_sum3A_503 : i32 to vector<16xi32>
    %select_n3A_508 = arith.select %eq3A_506, %broadcast_in_dim3A_507, %broadcast_in_dim3A_2 : vector<16xi1>, vector<16xi32>
    %get3A_509 = arith.constant 16 : index
    %get3A_510 = tpu.vector_load %arg7[%get3A_509] {strides = array<i32>} : memref<256xi32, #tpu.memory_space<vmem>>, vector<16xi32>,
    %reduce_sum3A_511 = arith.constant true
    %reduce_sum3A_512 = vector.broadcast %reduce_sum3A_511 : i1 to vector<16xi1>
    %reduce_sum3A_513 = tpu.scan <sum>, %get3A_510 masked %reduce_sum3A_512 : vector<16xi32>, vector<16xi1> -> vector<16xi32>
    %reduce_sum3A_514 = vector.extract %reduce_sum3A_513[15] : i32 from vector<16xi32>
    %eq3A_515 = arith.constant 1 : i32
    %eq3A_516 = vector.broadcast %eq3A_515 : i32 to vector<16xi32>
    %eq3A_517 = arith.cmpi eq, %iota3A, %eq3A_516 : vector<16xi32>
    %broadcast_in_dim3A_518 = vector.broadcast %reduce_sum3A_514 : i32 to vector<16xi32>
    %select_n3A_519 = arith.select %eq3A_517, %broadcast_in_dim3A_518, %select_n3A_508 : vector<16xi1>, vector<16xi32>
    %get3A_520 = arith.constant 32 : index
    %get3A_521 = tpu.vector_load %arg7[%get3A_520] {strides = array<i32>} : memref<256xi32, #tpu.memory_space<vmem>>, vector<16xi32>,
    %reduce_sum3A_522 = arith.constant true
    %reduce_sum3A_523 = vector.broadcast %reduce_sum3A_522 : i1 to vector<16xi1>
    %reduce_sum3A_524 = tpu.scan <sum>, %get3A_521 masked %reduce_sum3A_523 : vector<16xi32>, vector<16xi1> -> vector<16xi32>
    %reduce_sum3A_525 = vector.extract %reduce_sum3A_524[15] : i32 from vector<16xi32>
    %eq3A_526 = arith.constant 2 : i32
    %eq3A_527 = vector.broadcast %eq3A_526 : i32 to vector<16xi32>
    %eq3A_528 = arith.cmpi eq, %iota3A, %eq3A_527 : vector<16xi32>
    %broadcast_in_dim3A_529 = vector.broadcast %reduce_sum3A_525 : i32 to vector<16xi32>
    %select_n3A_530 = arith.select %eq3A_528, %broadcast_in_dim3A_529, %select_n3A_519 : vector<16xi1>, vector<16xi32>
    %get3A_531 = arith.constant 48 : index
    %get3A_532 = tpu.vector_load %arg7[%get3A_531] {strides = array<i32>} : memref<256xi32, #tpu.memory_space<vmem>>, vector<16xi32>,
    %reduce_sum3A_533 = arith.constant true
    %reduce_sum3A_534 = vector.broadcast %reduce_sum3A_533 : i1 to vector<16xi1>
    %reduce_sum3A_535 = tpu.scan <sum>, %get3A_532 masked %reduce_sum3A_534 : vector<16xi32>, vector<16xi1> -> vector<16xi32>
    %reduce_sum3A_536 = vector.extract %reduce_sum3A_535[15] : i32 from vector<16xi32>
    %eq3A_537 = arith.constant 3 : i32
    %eq3A_538 = vector.broadcast %eq3A_537 : i32 to vector<16xi32>
    %eq3A_539 = arith.cmpi eq, %iota3A, %eq3A_538 : vector<16xi32>
    %broadcast_in_dim3A_540 = vector.broadcast %reduce_sum3A_536 : i32 to vector<16xi32>
    %select_n3A_541 = arith.select %eq3A_539, %broadcast_in_dim3A_540, %select_n3A_530 : vector<16xi1>, vector<16xi32>
    %get3A_542 = arith.constant 64 : index
    %get3A_543 = tpu.vector_load %arg7[%get3A_542] {strides = array<i32>} : memref<256xi32, #tpu.memory_space<vmem>>, vector<16xi32>,
    %reduce_sum3A_544 = arith.constant true
    %reduce_sum3A_545 = vector.broadcast %reduce_sum3A_544 : i1 to vector<16xi1>
    %reduce_sum3A_546 = tpu.scan <sum>, %get3A_543 masked %reduce_sum3A_545 : vector<16xi32>, vector<16xi1> -> vector<16xi32>
    %reduce_sum3A_547 = vector.extract %reduce_sum3A_546[15] : i32 from vector<16xi32>
    %eq3A_548 = arith.constant 4 : i32
    %eq3A_549 = vector.broadcast %eq3A_548 : i32 to vector<16xi32>
    %eq3A_550 = arith.cmpi eq, %iota3A, %eq3A_549 : vector<16xi32>
    %broadcast_in_dim3A_551 = vector.broadcast %reduce_sum3A_547 : i32 to vector<16xi32>
    %select_n3A_552 = arith.select %eq3A_550, %broadcast_in_dim3A_551, %select_n3A_541 : vector<16xi1>, vector<16xi32>
    %get3A_553 = arith.constant 80 : index
    %get3A_554 = tpu.vector_load %arg7[%get3A_553] {strides = array<i32>} : memref<256xi32, #tpu.memory_space<vmem>>, vector<16xi32>,
    %reduce_sum3A_555 = arith.constant true
    %reduce_sum3A_556 = vector.broadcast %reduce_sum3A_555 : i1 to vector<16xi1>
    %reduce_sum3A_557 = tpu.scan <sum>, %get3A_554 masked %reduce_sum3A_556 : vector<16xi32>, vector<16xi1> -> vector<16xi32>
    %reduce_sum3A_558 = vector.extract %reduce_sum3A_557[15] : i32 from vector<16xi32>
    %eq3A_559 = arith.constant 5 : i32
    %eq3A_560 = vector.broadcast %eq3A_559 : i32 to vector<16xi32>
    %eq3A_561 = arith.cmpi eq, %iota3A, %eq3A_560 : vector<16xi32>
    %broadcast_in_dim3A_562 = vector.broadcast %reduce_sum3A_558 : i32 to vector<16xi32>
    %select_n3A_563 = arith.select %eq3A_561, %broadcast_in_dim3A_562, %select_n3A_552 : vector<16xi1>, vector<16xi32>
    %get3A_564 = arith.constant 96 : index
    %get3A_565 = tpu.vector_load %arg7[%get3A_564] {strides = array<i32>} : memref<256xi32, #tpu.memory_space<vmem>>, vector<16xi32>,
    %reduce_sum3A_566 = arith.constant true
    %reduce_sum3A_567 = vector.broadcast %reduce_sum3A_566 : i1 to vector<16xi1>
    %reduce_sum3A_568 = tpu.scan <sum>, %get3A_565 masked %reduce_sum3A_567 : vector<16xi32>, vector<16xi1> -> vector<16xi32>
    %reduce_sum3A_569 = vector.extract %reduce_sum3A_568[15] : i32 from vector<16xi32>
    %eq3A_570 = arith.constant 6 : i32
    %eq3A_571 = vector.broadcast %eq3A_570 : i32 to vector<16xi32>
    %eq3A_572 = arith.cmpi eq, %iota3A, %eq3A_571 : vector<16xi32>
    %broadcast_in_dim3A_573 = vector.broadcast %reduce_sum3A_569 : i32 to vector<16xi32>
    %select_n3A_574 = arith.select %eq3A_572, %broadcast_in_dim3A_573, %select_n3A_563 : vector<16xi1>, vector<16xi32>
    %get3A_575 = arith.constant 112 : index
    %get3A_576 = tpu.vector_load %arg7[%get3A_575] {strides = array<i32>} : memref<256xi32, #tpu.memory_space<vmem>>, vector<16xi32>,
    %reduce_sum3A_577 = arith.constant true
    %reduce_sum3A_578 = vector.broadcast %reduce_sum3A_577 : i1 to vector<16xi1>
    %reduce_sum3A_579 = tpu.scan <sum>, %get3A_576 masked %reduce_sum3A_578 : vector<16xi32>, vector<16xi1> -> vector<16xi32>
    %reduce_sum3A_580 = vector.extract %reduce_sum3A_579[15] : i32 from vector<16xi32>
    %eq3A_581 = arith.constant 7 : i32
    %eq3A_582 = vector.broadcast %eq3A_581 : i32 to vector<16xi32>
    %eq3A_583 = arith.cmpi eq, %iota3A, %eq3A_582 : vector<16xi32>
    %broadcast_in_dim3A_584 = vector.broadcast %reduce_sum3A_580 : i32 to vector<16xi32>
    %select_n3A_585 = arith.select %eq3A_583, %broadcast_in_dim3A_584, %select_n3A_574 : vector<16xi1>, vector<16xi32>
    %get3A_586 = arith.constant 128 : index
    %get3A_587 = tpu.vector_load %arg7[%get3A_586] {strides = array<i32>} : memref<256xi32, #tpu.memory_space<vmem>>, vector<16xi32>,
    %reduce_sum3A_588 = arith.constant true
    %reduce_sum3A_589 = vector.broadcast %reduce_sum3A_588 : i1 to vector<16xi1>
    %reduce_sum3A_590 = tpu.scan <sum>, %get3A_587 masked %reduce_sum3A_589 : vector<16xi32>, vector<16xi1> -> vector<16xi32>
    %reduce_sum3A_591 = vector.extract %reduce_sum3A_590[15] : i32 from vector<16xi32>
    %eq3A_592 = arith.constant 8 : i32
    %eq3A_593 = vector.broadcast %eq3A_592 : i32 to vector<16xi32>
    %eq3A_594 = arith.cmpi eq, %iota3A, %eq3A_593 : vector<16xi32>
    %broadcast_in_dim3A_595 = vector.broadcast %reduce_sum3A_591 : i32 to vector<16xi32>
    %select_n3A_596 = arith.select %eq3A_594, %broadcast_in_dim3A_595, %select_n3A_585 : vector<16xi1>, vector<16xi32>
    %get3A_597 = arith.constant 144 : index
    %get3A_598 = tpu.vector_load %arg7[%get3A_597] {strides = array<i32>} : memref<256xi32, #tpu.memory_space<vmem>>, vector<16xi32>,
    %reduce_sum3A_599 = arith.constant true
    %reduce_sum3A_600 = vector.broadcast %reduce_sum3A_599 : i1 to vector<16xi1>
    %reduce_sum3A_601 = tpu.scan <sum>, %get3A_598 masked %reduce_sum3A_600 : vector<16xi32>, vector<16xi1> -> vector<16xi32>
    %reduce_sum3A_602 = vector.extract %reduce_sum3A_601[15] : i32 from vector<16xi32>
    %eq3A_603 = arith.constant 9 : i32
    %eq3A_604 = vector.broadcast %eq3A_603 : i32 to vector<16xi32>
    %eq3A_605 = arith.cmpi eq, %iota3A, %eq3A_604 : vector<16xi32>
    %broadcast_in_dim3A_606 = vector.broadcast %reduce_sum3A_602 : i32 to vector<16xi32>
    %select_n3A_607 = arith.select %eq3A_605, %broadcast_in_dim3A_606, %select_n3A_596 : vector<16xi1>, vector<16xi32>
    %get3A_608 = arith.constant 160 : index
    %get3A_609 = tpu.vector_load %arg7[%get3A_608] {strides = array<i32>} : memref<256xi32, #tpu.memory_space<vmem>>, vector<16xi32>,
    %reduce_sum3A_610 = arith.constant true
    %reduce_sum3A_611 = vector.broadcast %reduce_sum3A_610 : i1 to vector<16xi1>
    %reduce_sum3A_612 = tpu.scan <sum>, %get3A_609 masked %reduce_sum3A_611 : vector<16xi32>, vector<16xi1> -> vector<16xi32>
    %reduce_sum3A_613 = vector.extract %reduce_sum3A_612[15] : i32 from vector<16xi32>
    %eq3A_614 = arith.constant 10 : i32
    %eq3A_615 = vector.broadcast %eq3A_614 : i32 to vector<16xi32>
    %eq3A_616 = arith.cmpi eq, %iota3A, %eq3A_615 : vector<16xi32>
    %broadcast_in_dim3A_617 = vector.broadcast %reduce_sum3A_613 : i32 to vector<16xi32>
    %select_n3A_618 = arith.select %eq3A_616, %broadcast_in_dim3A_617, %select_n3A_607 : vector<16xi1>, vector<16xi32>
    %get3A_619 = arith.constant 176 : index
    %get3A_620 = tpu.vector_load %arg7[%get3A_619] {strides = array<i32>} : memref<256xi32, #tpu.memory_space<vmem>>, vector<16xi32>,
    %reduce_sum3A_621 = arith.constant true
    %reduce_sum3A_622 = vector.broadcast %reduce_sum3A_621 : i1 to vector<16xi1>
    %reduce_sum3A_623 = tpu.scan <sum>, %get3A_620 masked %reduce_sum3A_622 : vector<16xi32>, vector<16xi1> -> vector<16xi32>
    %reduce_sum3A_624 = vector.extract %reduce_sum3A_623[15] : i32 from vector<16xi32>
    %eq3A_625 = arith.constant 11 : i32
    %eq3A_626 = vector.broadcast %eq3A_625 : i32 to vector<16xi32>
    %eq3A_627 = arith.cmpi eq, %iota3A, %eq3A_626 : vector<16xi32>
    %broadcast_in_dim3A_628 = vector.broadcast %reduce_sum3A_624 : i32 to vector<16xi32>
    %select_n3A_629 = arith.select %eq3A_627, %broadcast_in_dim3A_628, %select_n3A_618 : vector<16xi1>, vector<16xi32>
    %get3A_630 = arith.constant 192 : index
    %get3A_631 = tpu.vector_load %arg7[%get3A_630] {strides = array<i32>} : memref<256xi32, #tpu.memory_space<vmem>>, vector<16xi32>,
    %reduce_sum3A_632 = arith.constant true
    %reduce_sum3A_633 = vector.broadcast %reduce_sum3A_632 : i1 to vector<16xi1>
    %reduce_sum3A_634 = tpu.scan <sum>, %get3A_631 masked %reduce_sum3A_633 : vector<16xi32>, vector<16xi1> -> vector<16xi32>
    %reduce_sum3A_635 = vector.extract %reduce_sum3A_634[15] : i32 from vector<16xi32>
    %eq3A_636 = arith.constant 12 : i32
    %eq3A_637 = vector.broadcast %eq3A_636 : i32 to vector<16xi32>
    %eq3A_638 = arith.cmpi eq, %iota3A, %eq3A_637 : vector<16xi32>
    %broadcast_in_dim3A_639 = vector.broadcast %reduce_sum3A_635 : i32 to vector<16xi32>
    %select_n3A_640 = arith.select %eq3A_638, %broadcast_in_dim3A_639, %select_n3A_629 : vector<16xi1>, vector<16xi32>
    %get3A_641 = arith.constant 208 : index
    %get3A_642 = tpu.vector_load %arg7[%get3A_641] {strides = array<i32>} : memref<256xi32, #tpu.memory_space<vmem>>, vector<16xi32>,
    %reduce_sum3A_643 = arith.constant true
    %reduce_sum3A_644 = vector.broadcast %reduce_sum3A_643 : i1 to vector<16xi1>
    %reduce_sum3A_645 = tpu.scan <sum>, %get3A_642 masked %reduce_sum3A_644 : vector<16xi32>, vector<16xi1> -> vector<16xi32>
    %reduce_sum3A_646 = vector.extract %reduce_sum3A_645[15] : i32 from vector<16xi32>
    %eq3A_647 = arith.constant 13 : i32
    %eq3A_648 = vector.broadcast %eq3A_647 : i32 to vector<16xi32>
    %eq3A_649 = arith.cmpi eq, %iota3A, %eq3A_648 : vector<16xi32>
    %broadcast_in_dim3A_650 = vector.broadcast %reduce_sum3A_646 : i32 to vector<16xi32>
    %select_n3A_651 = arith.select %eq3A_649, %broadcast_in_dim3A_650, %select_n3A_640 : vector<16xi1>, vector<16xi32>
    %get3A_652 = arith.constant 224 : index
    %get3A_653 = tpu.vector_load %arg7[%get3A_652] {strides = array<i32>} : memref<256xi32, #tpu.memory_space<vmem>>, vector<16xi32>,
    %reduce_sum3A_654 = arith.constant true
    %reduce_sum3A_655 = vector.broadcast %reduce_sum3A_654 : i1 to vector<16xi1>
    %reduce_sum3A_656 = tpu.scan <sum>, %get3A_653 masked %reduce_sum3A_655 : vector<16xi32>, vector<16xi1> -> vector<16xi32>
    %reduce_sum3A_657 = vector.extract %reduce_sum3A_656[15] : i32 from vector<16xi32>
    %eq3A_658 = arith.constant 14 : i32
    %eq3A_659 = vector.broadcast %eq3A_658 : i32 to vector<16xi32>
    %eq3A_660 = arith.cmpi eq, %iota3A, %eq3A_659 : vector<16xi32>
    %broadcast_in_dim3A_661 = vector.broadcast %reduce_sum3A_657 : i32 to vector<16xi32>
    %select_n3A_662 = arith.select %eq3A_660, %broadcast_in_dim3A_661, %select_n3A_651 : vector<16xi1>, vector<16xi32>
    %get3A_663 = arith.constant 240 : index
    %get3A_664 = tpu.vector_load %arg7[%get3A_663] {strides = array<i32>} : memref<256xi32, #tpu.memory_space<vmem>>, vector<16xi32>,
    %reduce_sum3A_665 = arith.constant true
    %reduce_sum3A_666 = vector.broadcast %reduce_sum3A_665 : i1 to vector<16xi1>
    %reduce_sum3A_667 = tpu.scan <sum>, %get3A_664 masked %reduce_sum3A_666 : vector<16xi32>, vector<16xi1> -> vector<16xi32>
    %reduce_sum3A_668 = vector.extract %reduce_sum3A_667[15] : i32 from vector<16xi32>
    %eq3A_669 = arith.constant 15 : i32
    %eq3A_670 = vector.broadcast %eq3A_669 : i32 to vector<16xi32>
    %eq3A_671 = arith.cmpi eq, %iota3A, %eq3A_670 : vector<16xi32>
    %broadcast_in_dim3A_672 = vector.broadcast %reduce_sum3A_668 : i32 to vector<16xi32>
    %select_n3A_673 = arith.select %eq3A_671, %broadcast_in_dim3A_672, %select_n3A_662 : vector<16xi1>, vector<16xi32>
    %rev3A_674 = arith.constant 15 : i32
    %rev3A_675 = vector.broadcast %rev3A_674 : i32 to vector<16xi32>
    %rev3A_676 = tpu.iota {dimensions = array<i32: 0>} : vector<16xi32>
    %rev3A_677 = arith.subi %rev3A_675, %rev3A_676 : vector<16xi32>
    %rev3A_678 = tpu.dynamic_gather %select_n3A_673[%rev3A_677] in [0] : vector<16xi32>, vector<16xi32> -> vector<16xi32>
    %broadcast_in_dim3A_679 = arith.constant true
    %broadcast_in_dim3A_680 = vector.broadcast %broadcast_in_dim3A_679 : i1 to vector<16xi1>
    %masked_cumsum3A_681 = tpu.scan <sum>, %rev3A_678 masked %broadcast_in_dim3A_680 : vector<16xi32>, vector<16xi1> -> vector<16xi32>
    %rev3A_682 = arith.constant 15 : i32
    %rev3A_683 = vector.broadcast %rev3A_682 : i32 to vector<16xi32>
    %rev3A_684 = tpu.iota {dimensions = array<i32: 0>} : vector<16xi32>
    %rev3A_685 = arith.subi %rev3A_683, %rev3A_684 : vector<16xi32>
    %rev3A_686 = tpu.dynamic_gather %masked_cumsum3A_681[%rev3A_685] in [0] : vector<16xi32>, vector<16xi32> -> vector<16xi32>
    %ge3A_687 = vector.broadcast %sub3A_405 : i32 to vector<16xi32>
    %ge3A_688 = arith.cmpi sge, %rev3A_686, %ge3A_687 : vector<16xi32>
    %jit3A_689 = arith.constant -1 : i32
    %broadcast_in_dim3A_690 = vector.broadcast %jit3A_689 : i32 to vector<16xi32>
    %select_n3A_691 = arith.select %ge3A_688, %iota3A, %broadcast_in_dim3A_690 : vector<16xi1>, vector<16xi32>
    %reduce_max3A_692 = arith.constant true
    %reduce_max3A_693 = vector.broadcast %reduce_max3A_692 : i1 to vector<16xi1>
    %reduce_max3A_694 = arith.constant -2147483648 : i32
    %reduce_max3A_695 = vector.broadcast %reduce_max3A_694 : i32 to vector<16xi32>
    %reduce_max3A_696 = arith.xori %select_n3A_691, %reduce_max3A_695 : vector<16xi32>
    %reduce_max3A_697 = tpu.scan <max>, %reduce_max3A_696 masked %reduce_max3A_693 : vector<16xi32>, vector<16xi1> -> vector<16xi32>
    %reduce_max3A_698 = arith.xori %reduce_max3A_697, %reduce_max3A_695 : vector<16xi32>
    %reduce_max3A_699 = vector.extract %reduce_max3A_698[15] : i32 from vector<16xi32>
    %eq3A_700 = vector.broadcast %reduce_max3A_699 : i32 to vector<16xi32>
    %eq3A_701 = arith.cmpi eq, %iota3A, %eq3A_700 : vector<16xi32>
    %jit3A_702 = arith.constant -2147483648 : i32
    %broadcast_in_dim3A_703 = vector.broadcast %jit3A_702 : i32 to vector<16xi32>
    %select_n3A_704 = arith.select %eq3A_701, %rev3A_686, %broadcast_in_dim3A_703 : vector<16xi1>, vector<16xi32>
    %reduce_max3A_705 = arith.constant true
    %reduce_max3A_706 = vector.broadcast %reduce_max3A_705 : i1 to vector<16xi1>
    %reduce_max3A_707 = arith.constant -2147483648 : i32
    %reduce_max3A_708 = vector.broadcast %reduce_max3A_707 : i32 to vector<16xi32>
    %reduce_max3A_709 = arith.xori %select_n3A_704, %reduce_max3A_708 : vector<16xi32>
    %reduce_max3A_710 = tpu.scan <max>, %reduce_max3A_709 masked %reduce_max3A_706 : vector<16xi32>, vector<16xi1> -> vector<16xi32>
    %reduce_max3A_711 = arith.xori %reduce_max3A_710, %reduce_max3A_708 : vector<16xi32>
    %reduce_max3A_712 = vector.extract %reduce_max3A_711[15] : i32 from vector<16xi32>
    %eq3A_713 = vector.broadcast %reduce_max3A_699 : i32 to vector<16xi32>
    %eq3A_714 = arith.cmpi eq, %iota3A, %eq3A_713 : vector<16xi32>
    %jit3A_715 = arith.constant -2147483648 : i32
    %broadcast_in_dim3A_716 = vector.broadcast %jit3A_715 : i32 to vector<16xi32>
    %select_n3A_717 = arith.select %eq3A_714, %select_n3A_673, %broadcast_in_dim3A_716 : vector<16xi1>, vector<16xi32>
    %reduce_max3A_718 = arith.constant true
    %reduce_max3A_719 = vector.broadcast %reduce_max3A_718 : i1 to vector<16xi1>
    %reduce_max3A_720 = arith.constant -2147483648 : i32
    %reduce_max3A_721 = vector.broadcast %reduce_max3A_720 : i32 to vector<16xi32>
    %reduce_max3A_722 = arith.xori %select_n3A_717, %reduce_max3A_721 : vector<16xi32>
    %reduce_max3A_723 = tpu.scan <max>, %reduce_max3A_722 masked %reduce_max3A_719 : vector<16xi32>, vector<16xi1> -> vector<16xi32>
    %reduce_max3A_724 = arith.xori %reduce_max3A_723, %reduce_max3A_721 : vector<16xi32>
    %reduce_max3A_725 = vector.extract %reduce_max3A_724[15] : i32 from vector<16xi32>
    %sub3A_726 = arith.subi %reduce_max3A_712, %reduce_max3A_725 : i32
    %sub3A_727 = arith.subi %sub3A_405, %sub3A_726 : i32
    %mul3A_728 = arith.constant 16 : i32
    %mul3A_729 = arith.muli %reduce_max3A_699, %mul3A_728 : i32
    %get3A_730 = arith.index_cast %mul3A_729 : i32 to index
    %get3A_731 = tpu.vector_load %arg7[%get3A_730] {strides = array<i32>} : memref<256xi32, #tpu.memory_space<vmem>>, vector<16xi32>,
    %rev3A_732 = arith.constant 15 : i32
    %rev3A_733 = vector.broadcast %rev3A_732 : i32 to vector<16xi32>
    %rev3A_734 = tpu.iota {dimensions = array<i32: 0>} : vector<16xi32>
    %rev3A_735 = arith.subi %rev3A_733, %rev3A_734 : vector<16xi32>
    %rev3A_736 = tpu.dynamic_gather %get3A_731[%rev3A_735] in [0] : vector<16xi32>, vector<16xi32> -> vector<16xi32>
    %broadcast_in_dim3A_737 = arith.constant true
    %broadcast_in_dim3A_738 = vector.broadcast %broadcast_in_dim3A_737 : i1 to vector<16xi1>
    %masked_cumsum3A_739 = tpu.scan <sum>, %rev3A_736 masked %broadcast_in_dim3A_738 : vector<16xi32>, vector<16xi1> -> vector<16xi32>
    %rev3A_740 = arith.constant 15 : i32
    %rev3A_741 = vector.broadcast %rev3A_740 : i32 to vector<16xi32>
    %rev3A_742 = tpu.iota {dimensions = array<i32: 0>} : vector<16xi32>
    %rev3A_743 = arith.subi %rev3A_741, %rev3A_742 : vector<16xi32>
    %rev3A_744 = tpu.dynamic_gather %masked_cumsum3A_739[%rev3A_743] in [0] : vector<16xi32>, vector<16xi32> -> vector<16xi32>
    %ge3A_745 = vector.broadcast %sub3A_727 : i32 to vector<16xi32>
    %ge3A_746 = arith.cmpi sge, %rev3A_744, %ge3A_745 : vector<16xi32>
    %jit3A_747 = arith.constant -1 : i32
    %broadcast_in_dim3A_748 = vector.broadcast %jit3A_747 : i32 to vector<16xi32>
    %select_n3A_749 = arith.select %ge3A_746, %iota3A, %broadcast_in_dim3A_748 : vector<16xi1>, vector<16xi32>
    %reduce_max3A_750 = arith.constant true
    %reduce_max3A_751 = vector.broadcast %reduce_max3A_750 : i1 to vector<16xi1>
    %reduce_max3A_752 = arith.constant -2147483648 : i32
    %reduce_max3A_753 = vector.broadcast %reduce_max3A_752 : i32 to vector<16xi32>
    %reduce_max3A_754 = arith.xori %select_n3A_749, %reduce_max3A_753 : vector<16xi32>
    %reduce_max3A_755 = tpu.scan <max>, %reduce_max3A_754 masked %reduce_max3A_751 : vector<16xi32>, vector<16xi1> -> vector<16xi32>
    %reduce_max3A_756 = arith.xori %reduce_max3A_755, %reduce_max3A_753 : vector<16xi32>
    %reduce_max3A_757 = vector.extract %reduce_max3A_756[15] : i32 from vector<16xi32>
    %eq3A_758 = vector.broadcast %reduce_max3A_757 : i32 to vector<16xi32>
    %eq3A_759 = arith.cmpi eq, %iota3A, %eq3A_758 : vector<16xi32>
    %jit3A_760 = arith.constant -2147483648 : i32
    %broadcast_in_dim3A_761 = vector.broadcast %jit3A_760 : i32 to vector<16xi32>
    %select_n3A_762 = arith.select %eq3A_759, %rev3A_744, %broadcast_in_dim3A_761 : vector<16xi1>, vector<16xi32>
    %reduce_max3A_763 = arith.constant true
    %reduce_max3A_764 = vector.broadcast %reduce_max3A_763 : i1 to vector<16xi1>
    %reduce_max3A_765 = arith.constant -2147483648 : i32
    %reduce_max3A_766 = vector.broadcast %reduce_max3A_765 : i32 to vector<16xi32>
    %reduce_max3A_767 = arith.xori %select_n3A_762, %reduce_max3A_766 : vector<16xi32>
    %reduce_max3A_768 = tpu.scan <max>, %reduce_max3A_767 masked %reduce_max3A_764 : vector<16xi32>, vector<16xi1> -> vector<16xi32>
    %reduce_max3A_769 = arith.xori %reduce_max3A_768, %reduce_max3A_766 : vector<16xi32>
    %reduce_max3A_770 = vector.extract %reduce_max3A_769[15] : i32 from vector<16xi32>
    %eq3A_771 = vector.broadcast %reduce_max3A_757 : i32 to vector<16xi32>
    %eq3A_772 = arith.cmpi eq, %iota3A, %eq3A_771 : vector<16xi32>
    %jit3A_773 = arith.constant -2147483648 : i32
    %broadcast_in_dim3A_774 = vector.broadcast %jit3A_773 : i32 to vector<16xi32>
    %select_n3A_775 = arith.select %eq3A_772, %get3A_731, %broadcast_in_dim3A_774 : vector<16xi1>, vector<16xi32>
    %reduce_max3A_776 = arith.constant true
    %reduce_max3A_777 = vector.broadcast %reduce_max3A_776 : i1 to vector<16xi1>
    %reduce_max3A_778 = arith.constant -2147483648 : i32
    %reduce_max3A_779 = vector.broadcast %reduce_max3A_778 : i32 to vector<16xi32>
    %reduce_max3A_780 = arith.xori %select_n3A_775, %reduce_max3A_779 : vector<16xi32>
    %reduce_max3A_781 = tpu.scan <max>, %reduce_max3A_780 masked %reduce_max3A_777 : vector<16xi32>, vector<16xi1> -> vector<16xi32>
    %reduce_max3A_782 = arith.xori %reduce_max3A_781, %reduce_max3A_779 : vector<16xi32>
    %reduce_max3A_783 = vector.extract %reduce_max3A_782[15] : i32 from vector<16xi32>
    %sub3A_784 = arith.subi %reduce_max3A_770, %reduce_max3A_783 : i32
    %mul3A_785 = arith.constant 16 : i32
    %mul3A_786 = arith.muli %reduce_max3A_699, %mul3A_785 : i32
    %add3A_787 = arith.addi %mul3A_786, %reduce_max3A_757 : i32
    %sub3A_788 = arith.subi %sub3A_727, %sub3A_784 : i32
    %add3A_789 = arith.constant 15 : i32
    %add3A_790 = arith.addi %get3A_441, %add3A_789 : i32
    %shift_right_logical3A_791 = arith.constant 4 : i32
    %shift_right_logical3A_792 = arith.shrui %add3A_790, %shift_right_logical3A_791 : i32
    %while3A_793 = arith.constant 0 : i32
    %while3A_794 = arith.constant 0 : i32
    %while3A_795 = arith.subi %shift_right_logical3A_792, %while3A_793 : i32
    %while3A_796 = arith.addi %while3A_793, %while3A_795 : i32
    %while3A_797 = arith.constant 1 : i32
    %while3A_798 = arith.divsi %while3A_795, %while3A_797 : i32
    %while3A_799 = arith.muli %while3A_798, %while3A_797 : i32
    %while3A_800 = arith.addi %while3A_793, %while3A_799 : i32
    %while3A_801 = arith.constant 1 : i32
    %while3A_802 = scf.for %while3A_1551 = %while3A_793 to %while3A_800 step %while3A_801 iter_args(%while3A_1552 = %while3A_794) -> (i32)  : i32 {
      %mul3A_1553 = arith.constant 16 : i32
      %mul3A_1554 = arith.muli %while3A_1551, %mul3A_1553 : i32
      %get3A_1555 = arith.index_cast %mul3A_1554 : i32 to index
      %get3A_1556 = tpu.vector_load %arg4[%get3A_1555] {strides = array<i32>} : memref<62528xf32, #tpu.memory_space<vmem>>, vector<16xf32>,
      %bitcast_convert_type3A_1557 = tpu.bitcast %get3A_1556 : vector<16xf32> -> vector<16xi32>
      %shift_right_arithmetic3A_1558 = arith.constant 31 : i32
      %shift_right_arithmetic3A_1559 = vector.broadcast %shift_right_arithmetic3A_1558 : i32 to vector<16xi32>
      %shift_right_arithmetic3A_1560 = arith.shrsi %bitcast_convert_type3A_1557, %shift_right_arithmetic3A_1559 : vector<16xi32>
      %or3A_1561 = arith.constant -2147483648 : i32
      %or3A_1562 = vector.broadcast %or3A_1561 : i32 to vector<16xi32>
      %or3A_1563 = arith.ori %shift_right_arithmetic3A_1560, %or3A_1562 : vector<16xi32>
      %xor3A_1564 = arith.xori %bitcast_convert_type3A_1557, %or3A_1563 : vector<16xi32>
      %shift_right_logical3A_1565 = arith.constant 16 : i32
      %shift_right_logical3A_1566 = vector.broadcast %shift_right_logical3A_1565 : i32 to vector<16xi32>
      %shift_right_logical3A_1567 = arith.shrui %xor3A_1564, %shift_right_logical3A_1566 : vector<16xi32>
      %and3A_1568 = arith.constant 255 : i32
      %and3A_1569 = vector.broadcast %and3A_1568 : i32 to vector<16xi32>
      %and3A_1570 = arith.andi %shift_right_logical3A_1567, %and3A_1569 : vector<16xi32>
      %mul3A_1571 = arith.constant 16 : i32
      %mul3A_1572 = arith.muli %while3A_1551, %mul3A_1571 : i32
      %add3A_1573 = vector.broadcast %mul3A_1572 : i32 to vector<16xi32>
      %add3A_1574 = arith.addi %add3A_1573, %iota3A : vector<16xi32>
      %lt3A_1575 = vector.broadcast %get3A_441 : i32 to vector<16xi32>
      %lt3A_1576 = arith.cmpi slt, %add3A_1574, %lt3A_1575 : vector<16xi32>
      %eq3A_1577 = vector.broadcast %add3A_787 : i32 to vector<16xi32>
      %eq3A_1578 = arith.cmpi eq, %and3A_1570, %eq3A_1577 : vector<16xi32>
      %and3A_1579 = arith.andi %eq3A_1578, %lt3A_1576 : vector<16xi1>
      %jit3A_1580 = arith.constant 1 : i32
      %jit3A_1581 = arith.constant 0 : i32
      %broadcast_in_dim3A_1582 = vector.broadcast %jit3A_1580 : i32 to vector<16xi32>
      %broadcast_in_dim3A_1583 = vector.broadcast %jit3A_1581 : i32 to vector<16xi32>
      %select_n3A_1584 = arith.select %and3A_1579, %broadcast_in_dim3A_1582, %broadcast_in_dim3A_1583 : vector<16xi1>, vector<16xi32>
      %broadcast_in_dim3A_1585 = arith.constant true
      %broadcast_in_dim3A_1586 = vector.broadcast %broadcast_in_dim3A_1585 : i1 to vector<16xi1>
      %masked_cumsum3A_1587 = tpu.scan <sum>, %select_n3A_1584 masked %broadcast_in_dim3A_1586 : vector<16xi32>, vector<16xi1> -> vector<16xi32>
      %add3A_1588 = vector.broadcast %while3A_1552 : i32 to vector<16xi32>
      %add3A_1589 = arith.addi %add3A_1588, %masked_cumsum3A_1587 : vector<16xi32>
      %sub3A_1590 = arith.subi %add3A_1589, %select_n3A_1584 : vector<16xi32>
      tpu.vector_store_idx %arg4[%sub3A_1590], %get3A_1556 masked %and3A_1579 : memref<62528xf32, #tpu.memory_space<vmem>>[vector<16xi32>], vector<16xf32>, vector<16xi1>
      %reduce_max3A_1591 = arith.constant true
      %reduce_max3A_1592 = vector.broadcast %reduce_max3A_1591 : i1 to vector<16xi1>
      %reduce_max3A_1593 = arith.constant -2147483648 : i32
      %reduce_max3A_1594 = vector.broadcast %reduce_max3A_1593 : i32 to vector<16xi32>
      %reduce_max3A_1595 = arith.xori %masked_cumsum3A_1587, %reduce_max3A_1594 : vector<16xi32>
      %reduce_max3A_1596 = tpu.scan <max>, %reduce_max3A_1595 masked %reduce_max3A_1592 : vector<16xi32>, vector<16xi1> -> vector<16xi32>
      %reduce_max3A_1597 = arith.xori %reduce_max3A_1596, %reduce_max3A_1594 : vector<16xi32>
      %reduce_max3A_1598 = vector.extract %reduce_max3A_1597[15] : i32 from vector<16xi32>
      %add3A_1599 = arith.addi %while3A_1552, %reduce_max3A_1598 : i32
      scf.yield %add3A_1599 : i32
    }
    %while3A_803 = arith.constant 1 : i32
    %while3A_804 = scf.for %while3A_1551 = %while3A_800 to %while3A_796 step %while3A_803 iter_args(%while3A_1552 = %while3A_802) -> (i32)  : i32 {
      %mul3A_1553 = arith.constant 16 : i32
      %mul3A_1554 = arith.muli %while3A_1551, %mul3A_1553 : i32
      %get3A_1555 = arith.index_cast %mul3A_1554 : i32 to index
      %get3A_1556 = tpu.vector_load %arg4[%get3A_1555] {strides = array<i32>} : memref<62528xf32, #tpu.memory_space<vmem>>, vector<16xf32>,
      %bitcast_convert_type3A_1557 = tpu.bitcast %get3A_1556 : vector<16xf32> -> vector<16xi32>
      %shift_right_arithmetic3A_1558 = arith.constant 31 : i32
      %shift_right_arithmetic3A_1559 = vector.broadcast %shift_right_arithmetic3A_1558 : i32 to vector<16xi32>
      %shift_right_arithmetic3A_1560 = arith.shrsi %bitcast_convert_type3A_1557, %shift_right_arithmetic3A_1559 : vector<16xi32>
      %or3A_1561 = arith.constant -2147483648 : i32
      %or3A_1562 = vector.broadcast %or3A_1561 : i32 to vector<16xi32>
      %or3A_1563 = arith.ori %shift_right_arithmetic3A_1560, %or3A_1562 : vector<16xi32>
      %xor3A_1564 = arith.xori %bitcast_convert_type3A_1557, %or3A_1563 : vector<16xi32>
      %shift_right_logical3A_1565 = arith.constant 16 : i32
      %shift_right_logical3A_1566 = vector.broadcast %shift_right_logical3A_1565 : i32 to vector<16xi32>
      %shift_right_logical3A_1567 = arith.shrui %xor3A_1564, %shift_right_logical3A_1566 : vector<16xi32>
      %and3A_1568 = arith.constant 255 : i32
      %and3A_1569 = vector.broadcast %and3A_1568 : i32 to vector<16xi32>
      %and3A_1570 = arith.andi %shift_right_logical3A_1567, %and3A_1569 : vector<16xi32>
      %mul3A_1571 = arith.constant 16 : i32
      %mul3A_1572 = arith.muli %while3A_1551, %mul3A_1571 : i32
      %add3A_1573 = vector.broadcast %mul3A_1572 : i32 to vector<16xi32>
      %add3A_1574 = arith.addi %add3A_1573, %iota3A : vector<16xi32>
      %lt3A_1575 = vector.broadcast %get3A_441 : i32 to vector<16xi32>
      %lt3A_1576 = arith.cmpi slt, %add3A_1574, %lt3A_1575 : vector<16xi32>
      %eq3A_1577 = vector.broadcast %add3A_787 : i32 to vector<16xi32>
      %eq3A_1578 = arith.cmpi eq, %and3A_1570, %eq3A_1577 : vector<16xi32>
      %and3A_1579 = arith.andi %eq3A_1578, %lt3A_1576 : vector<16xi1>
      %jit3A_1580 = arith.constant 1 : i32
      %jit3A_1581 = arith.constant 0 : i32
      %broadcast_in_dim3A_1582 = vector.broadcast %jit3A_1580 : i32 to vector<16xi32>
      %broadcast_in_dim3A_1583 = vector.broadcast %jit3A_1581 : i32 to vector<16xi32>
      %select_n3A_1584 = arith.select %and3A_1579, %broadcast_in_dim3A_1582, %broadcast_in_dim3A_1583 : vector<16xi1>, vector<16xi32>
      %broadcast_in_dim3A_1585 = arith.constant true
      %broadcast_in_dim3A_1586 = vector.broadcast %broadcast_in_dim3A_1585 : i1 to vector<16xi1>
      %masked_cumsum3A_1587 = tpu.scan <sum>, %select_n3A_1584 masked %broadcast_in_dim3A_1586 : vector<16xi32>, vector<16xi1> -> vector<16xi32>
      %add3A_1588 = vector.broadcast %while3A_1552 : i32 to vector<16xi32>
      %add3A_1589 = arith.addi %add3A_1588, %masked_cumsum3A_1587 : vector<16xi32>
      %sub3A_1590 = arith.subi %add3A_1589, %select_n3A_1584 : vector<16xi32>
      tpu.vector_store_idx %arg4[%sub3A_1590], %get3A_1556 masked %and3A_1579 : memref<62528xf32, #tpu.memory_space<vmem>>[vector<16xi32>], vector<16xf32>, vector<16xi1>
      %reduce_max3A_1591 = arith.constant true
      %reduce_max3A_1592 = vector.broadcast %reduce_max3A_1591 : i1 to vector<16xi1>
      %reduce_max3A_1593 = arith.constant -2147483648 : i32
      %reduce_max3A_1594 = vector.broadcast %reduce_max3A_1593 : i32 to vector<16xi32>
      %reduce_max3A_1595 = arith.xori %masked_cumsum3A_1587, %reduce_max3A_1594 : vector<16xi32>
      %reduce_max3A_1596 = tpu.scan <max>, %reduce_max3A_1595 masked %reduce_max3A_1592 : vector<16xi32>, vector<16xi1> -> vector<16xi32>
      %reduce_max3A_1597 = arith.xori %reduce_max3A_1596, %reduce_max3A_1594 : vector<16xi32>
      %reduce_max3A_1598 = vector.extract %reduce_max3A_1597[15] : i32 from vector<16xi32>
      %add3A_1599 = arith.addi %while3A_1552, %reduce_max3A_1598 : i32
      scf.yield %add3A_1599 : i32
    }
    %scan3A_805 = arith.constant 0 : i32
    %scan3A_806 = arith.constant 0 : i32
    %scan3A_807 = arith.constant 32 : i32
    %scan3A_808 = arith.addi %scan3A_806, %scan3A_807 : i32
    %scan3A_809 = arith.constant 1 : i32
    %scan3A_810 = scf.for %scan3A_1551 = %scan3A_806 to %scan3A_808 step %scan3A_809 iter_args(%scan3A_1552 = %scan3A_805) -> (i32)  : i32 {
      %mul3A_1553 = arith.constant 128 : i32
      %mul3A_1554 = arith.muli %scan3A_1551, %mul3A_1553 : i32
      %add3A_1555 = arith.constant 0 : i32
      %add3A_1556 = arith.addi %mul3A_1554, %add3A_1555 : i32
      %swap3A_1557 = arith.index_cast %add3A_1556 : i32 to index
      %swap3A_1558 = tpu.vector_load %arg5[%swap3A_1557] {strides = array<i32>} : memref<45056xi32, #tpu.memory_space<vmem>>, vector<16xi32>,
      tpu.vector_store %arg5[%swap3A_1557], %broadcast_in_dim3A_2 {strides = array<i32>} : memref<45056xi32, #tpu.memory_space<vmem>>, vector<16xi32>,
      %mul3A_1559 = arith.constant 128 : i32
      %mul3A_1560 = arith.muli %scan3A_1551, %mul3A_1559 : i32
      %add3A_1561 = arith.constant 16 : i32
      %add3A_1562 = arith.addi %mul3A_1560, %add3A_1561 : i32
      %swap3A_1563 = arith.index_cast %add3A_1562 : i32 to index
      %swap3A_1564 = tpu.vector_load %arg5[%swap3A_1563] {strides = array<i32>} : memref<45056xi32, #tpu.memory_space<vmem>>, vector<16xi32>,
      tpu.vector_store %arg5[%swap3A_1563], %broadcast_in_dim3A_2 {strides = array<i32>} : memref<45056xi32, #tpu.memory_space<vmem>>, vector<16xi32>,
      %mul3A_1565 = arith.constant 128 : i32
      %mul3A_1566 = arith.muli %scan3A_1551, %mul3A_1565 : i32
      %add3A_1567 = arith.constant 32 : i32
      %add3A_1568 = arith.addi %mul3A_1566, %add3A_1567 : i32
      %swap3A_1569 = arith.index_cast %add3A_1568 : i32 to index
      %swap3A_1570 = tpu.vector_load %arg5[%swap3A_1569] {strides = array<i32>} : memref<45056xi32, #tpu.memory_space<vmem>>, vector<16xi32>,
      tpu.vector_store %arg5[%swap3A_1569], %broadcast_in_dim3A_2 {strides = array<i32>} : memref<45056xi32, #tpu.memory_space<vmem>>, vector<16xi32>,
      %mul3A_1571 = arith.constant 128 : i32
      %mul3A_1572 = arith.muli %scan3A_1551, %mul3A_1571 : i32
      %add3A_1573 = arith.constant 48 : i32
      %add3A_1574 = arith.addi %mul3A_1572, %add3A_1573 : i32
      %swap3A_1575 = arith.index_cast %add3A_1574 : i32 to index
      %swap3A_1576 = tpu.vector_load %arg5[%swap3A_1575] {strides = array<i32>} : memref<45056xi32, #tpu.memory_space<vmem>>, vector<16xi32>,
      tpu.vector_store %arg5[%swap3A_1575], %broadcast_in_dim3A_2 {strides = array<i32>} : memref<45056xi32, #tpu.memory_space<vmem>>, vector<16xi32>,
      %mul3A_1577 = arith.constant 128 : i32
      %mul3A_1578 = arith.muli %scan3A_1551, %mul3A_1577 : i32
      %add3A_1579 = arith.constant 64 : i32
      %add3A_1580 = arith.addi %mul3A_1578, %add3A_1579 : i32
      %swap3A_1581 = arith.index_cast %add3A_1580 : i32 to index
      %swap3A_1582 = tpu.vector_load %arg5[%swap3A_1581] {strides = array<i32>} : memref<45056xi32, #tpu.memory_space<vmem>>, vector<16xi32>,
      tpu.vector_store %arg5[%swap3A_1581], %broadcast_in_dim3A_2 {strides = array<i32>} : memref<45056xi32, #tpu.memory_space<vmem>>, vector<16xi32>,
      %mul3A_1583 = arith.constant 128 : i32
      %mul3A_1584 = arith.muli %scan3A_1551, %mul3A_1583 : i32
      %add3A_1585 = arith.constant 80 : i32
      %add3A_1586 = arith.addi %mul3A_1584, %add3A_1585 : i32
      %swap3A_1587 = arith.index_cast %add3A_1586 : i32 to index
      %swap3A_1588 = tpu.vector_load %arg5[%swap3A_1587] {strides = array<i32>} : memref<45056xi32, #tpu.memory_space<vmem>>, vector<16xi32>,
      tpu.vector_store %arg5[%swap3A_1587], %broadcast_in_dim3A_2 {strides = array<i32>} : memref<45056xi32, #tpu.memory_space<vmem>>, vector<16xi32>,
      %mul3A_1589 = arith.constant 128 : i32
      %mul3A_1590 = arith.muli %scan3A_1551, %mul3A_1589 : i32
      %add3A_1591 = arith.constant 96 : i32
      %add3A_1592 = arith.addi %mul3A_1590, %add3A_1591 : i32
      %swap3A_1593 = arith.index_cast %add3A_1592 : i32 to index
      %swap3A_1594 = tpu.vector_load %arg5[%swap3A_1593] {strides = array<i32>} : memref<45056xi32, #tpu.memory_space<vmem>>, vector<16xi32>,
      tpu.vector_store %arg5[%swap3A_1593], %broadcast_in_dim3A_2 {strides = array<i32>} : memref<45056xi32, #tpu.memory_space<vmem>>, vector<16xi32>,
      %mul3A_1595 = arith.constant 128 : i32
      %mul3A_1596 = arith.muli %scan3A_1551, %mul3A_1595 : i32
      %add3A_1597 = arith.constant 112 : i32
      %add3A_1598 = arith.addi %mul3A_1596, %add3A_1597 : i32
      %swap3A_1599 = arith.index_cast %add3A_1598 : i32 to index
      %swap3A_1600 = tpu.vector_load %arg5[%swap3A_1599] {strides = array<i32>} : memref<45056xi32, #tpu.memory_space<vmem>>, vector<16xi32>,
      tpu.vector_store %arg5[%swap3A_1599], %broadcast_in_dim3A_2 {strides = array<i32>} : memref<45056xi32, #tpu.memory_space<vmem>>, vector<16xi32>,
      %scan3A_1601 = arith.constant 0 : i32
      scf.yield %scan3A_1601 : i32
    }
    %scan3A_811 = arith.constant 32 : i32
    %shift_right_logical3A_812 = arith.constant 4 : i32
    %shift_right_logical3A_813 = arith.shrui %while3A_804, %shift_right_logical3A_812 : i32
    %shift_left3A_814 = arith.constant 4 : i32
    %shift_left3A_815 = arith.shli %shift_right_logical3A_813, %shift_left3A_814 : i32
    %sub3A_816 = arith.subi %while3A_804, %shift_left3A_815 : i32
    %while3A_817 = arith.constant 0 : i32
    %while3A_818 = arith.constant 0 : i32
    %while3A_819 = arith.subi %shift_right_logical3A_813, %while3A_817 : i32
    %while3A_820 = arith.addi %while3A_817, %while3A_819 : i32
    %while3A_821 = arith.constant 1 : i32
    %while3A_822 = arith.divsi %while3A_819, %while3A_821 : i32
    %while3A_823 = arith.muli %while3A_822, %while3A_821 : i32
    %while3A_824 = arith.addi %while3A_817, %while3A_823 : i32
    %while3A_825 = arith.constant 1 : i32
    %while3A_826 = scf.for %while3A_1551 = %while3A_817 to %while3A_824 step %while3A_825 iter_args(%while3A_1552 = %while3A_818) -> (i32)  : i32 {
      %mul3A_1553 = arith.constant 16 : i32
      %mul3A_1554 = arith.muli %while3A_1551, %mul3A_1553 : i32
      %get3A_1555 = arith.index_cast %mul3A_1554 : i32 to index
      %get3A_1556 = tpu.vector_load %arg4[%get3A_1555] {strides = array<i32>} : memref<62528xf32, #tpu.memory_space<vmem>>, vector<16xf32>,
      %bitcast_convert_type3A_1557 = tpu.bitcast %get3A_1556 : vector<16xf32> -> vector<16xi32>
      %shift_right_arithmetic3A_1558 = arith.constant 31 : i32
      %shift_right_arithmetic3A_1559 = vector.broadcast %shift_right_arithmetic3A_1558 : i32 to vector<16xi32>
      %shift_right_arithmetic3A_1560 = arith.shrsi %bitcast_convert_type3A_1557, %shift_right_arithmetic3A_1559 : vector<16xi32>
      %or3A_1561 = arith.constant -2147483648 : i32
      %or3A_1562 = vector.broadcast %or3A_1561 : i32 to vector<16xi32>
      %or3A_1563 = arith.ori %shift_right_arithmetic3A_1560, %or3A_1562 : vector<16xi32>
      %xor3A_1564 = arith.xori %bitcast_convert_type3A_1557, %or3A_1563 : vector<16xi32>
      %shift_right_logical3A_1565 = arith.constant 8 : i32
      %shift_right_logical3A_1566 = vector.broadcast %shift_right_logical3A_1565 : i32 to vector<16xi32>
      %shift_right_logical3A_1567 = arith.shrui %xor3A_1564, %shift_right_logical3A_1566 : vector<16xi32>
      %and3A_1568 = arith.constant 255 : i32
      %and3A_1569 = vector.broadcast %and3A_1568 : i32 to vector<16xi32>
      %and3A_1570 = arith.andi %shift_right_logical3A_1567, %and3A_1569 : vector<16xi32>
      %shift_left3A_1571 = arith.constant 4 : i32
      %shift_left3A_1572 = vector.broadcast %shift_left3A_1571 : i32 to vector<16xi32>
      %shift_left3A_1573 = arith.shli %and3A_1570, %shift_left3A_1572 : vector<16xi32>
      %or3A_1574 = arith.ori %shift_left3A_1573, %iota3A : vector<16xi32>
      tpu.vector_store_idx %arg5[%or3A_1574], %broadcast_in_dim3A_0 {add = true} : memref<45056xi32, #tpu.memory_space<vmem>>[vector<16xi32>], vector<16xi32>,
      %while3A_1575 = arith.constant 0 : i32
      scf.yield %while3A_1575 : i32
    }
    %while3A_827 = arith.constant 1 : i32
    %while3A_828 = scf.for %while3A_1551 = %while3A_824 to %while3A_820 step %while3A_827 iter_args(%while3A_1552 = %while3A_826) -> (i32)  : i32 {
      %mul3A_1553 = arith.constant 16 : i32
      %mul3A_1554 = arith.muli %while3A_1551, %mul3A_1553 : i32
      %get3A_1555 = arith.index_cast %mul3A_1554 : i32 to index
      %get3A_1556 = tpu.vector_load %arg4[%get3A_1555] {strides = array<i32>} : memref<62528xf32, #tpu.memory_space<vmem>>, vector<16xf32>,
      %bitcast_convert_type3A_1557 = tpu.bitcast %get3A_1556 : vector<16xf32> -> vector<16xi32>
      %shift_right_arithmetic3A_1558 = arith.constant 31 : i32
      %shift_right_arithmetic3A_1559 = vector.broadcast %shift_right_arithmetic3A_1558 : i32 to vector<16xi32>
      %shift_right_arithmetic3A_1560 = arith.shrsi %bitcast_convert_type3A_1557, %shift_right_arithmetic3A_1559 : vector<16xi32>
      %or3A_1561 = arith.constant -2147483648 : i32
      %or3A_1562 = vector.broadcast %or3A_1561 : i32 to vector<16xi32>
      %or3A_1563 = arith.ori %shift_right_arithmetic3A_1560, %or3A_1562 : vector<16xi32>
      %xor3A_1564 = arith.xori %bitcast_convert_type3A_1557, %or3A_1563 : vector<16xi32>
      %shift_right_logical3A_1565 = arith.constant 8 : i32
      %shift_right_logical3A_1566 = vector.broadcast %shift_right_logical3A_1565 : i32 to vector<16xi32>
      %shift_right_logical3A_1567 = arith.shrui %xor3A_1564, %shift_right_logical3A_1566 : vector<16xi32>
      %and3A_1568 = arith.constant 255 : i32
      %and3A_1569 = vector.broadcast %and3A_1568 : i32 to vector<16xi32>
      %and3A_1570 = arith.andi %shift_right_logical3A_1567, %and3A_1569 : vector<16xi32>
      %shift_left3A_1571 = arith.constant 4 : i32
      %shift_left3A_1572 = vector.broadcast %shift_left3A_1571 : i32 to vector<16xi32>
      %shift_left3A_1573 = arith.shli %and3A_1570, %shift_left3A_1572 : vector<16xi32>
      %or3A_1574 = arith.ori %shift_left3A_1573, %iota3A : vector<16xi32>
      tpu.vector_store_idx %arg5[%or3A_1574], %broadcast_in_dim3A_0 {add = true} : memref<45056xi32, #tpu.memory_space<vmem>>[vector<16xi32>], vector<16xi32>,
      %while3A_1575 = arith.constant 0 : i32
      scf.yield %while3A_1575 : i32
    }
    %mul3A_829 = arith.constant 16 : i32
    %mul3A_830 = arith.muli %shift_right_logical3A_813, %mul3A_829 : i32
    %get3A_831 = arith.index_cast %mul3A_830 : i32 to index
    %get3A_832 = tpu.vector_load %arg4[%get3A_831] {strides = array<i32>} : memref<62528xf32, #tpu.memory_space<vmem>>, vector<16xf32>,
    %bitcast_convert_type3A_833 = tpu.bitcast %get3A_832 : vector<16xf32> -> vector<16xi32>
    %shift_right_arithmetic3A_834 = arith.constant 31 : i32
    %shift_right_arithmetic3A_835 = vector.broadcast %shift_right_arithmetic3A_834 : i32 to vector<16xi32>
    %shift_right_arithmetic3A_836 = arith.shrsi %bitcast_convert_type3A_833, %shift_right_arithmetic3A_835 : vector<16xi32>
    %or3A_837 = arith.constant -2147483648 : i32
    %or3A_838 = vector.broadcast %or3A_837 : i32 to vector<16xi32>
    %or3A_839 = arith.ori %shift_right_arithmetic3A_836, %or3A_838 : vector<16xi32>
    %xor3A_840 = arith.xori %bitcast_convert_type3A_833, %or3A_839 : vector<16xi32>
    %shift_right_logical3A_841 = arith.constant 8 : i32
    %shift_right_logical3A_842 = vector.broadcast %shift_right_logical3A_841 : i32 to vector<16xi32>
    %shift_right_logical3A_843 = arith.shrui %xor3A_840, %shift_right_logical3A_842 : vector<16xi32>
    %and3A_844 = arith.constant 255 : i32
    %and3A_845 = vector.broadcast %and3A_844 : i32 to vector<16xi32>
    %and3A_846 = arith.andi %shift_right_logical3A_843, %and3A_845 : vector<16xi32>
    %shift_left3A_847 = arith.constant 4 : i32
    %shift_left3A_848 = vector.broadcast %shift_left3A_847 : i32 to vector<16xi32>
    %shift_left3A_849 = arith.shli %and3A_846, %shift_left3A_848 : vector<16xi32>
    %or3A_850 = arith.ori %shift_left3A_849, %iota3A : vector<16xi32>
    %lt3A_851 = vector.broadcast %sub3A_816 : i32 to vector<16xi32>
    %lt3A_852 = arith.cmpi slt, %iota3A, %lt3A_851 : vector<16xi32>
    tpu.vector_store_idx %arg5[%or3A_850], %broadcast_in_dim3A_0 masked %lt3A_852 {add = true} : memref<45056xi32, #tpu.memory_space<vmem>>[vector<16xi32>], vector<16xi32>, vector<16xi1>
    "tpu.region"() ({
      %run_scoped3A = tpu.sem_alloc : memref<!tpu.dma_semaphore, #tpu.memory_space<semaphore_mem>>
      %dma_start3A = arith.constant 0 : i32
      %dma_start3A_1551 = tpu.memref_slice %arg5[%dma_start3A] : memref<45056xi32, #tpu.memory_space<vmem>> -> memref<4096xi32, #tpu.memory_space<vmem>>
      %dma_start3A_1552 = arith.constant 0 : i32
      %dma_start3A_1553 = tpu.memref_slice %arg11[%arg1, %dma_start3A_1552] : memref<16x4096xi32, #tpu.memory_space<vmem_shared>> -> memref<1x4096xi32, #tpu.memory_space<vmem_shared>>
      %dma_start3A_1554 = tpu.memref_squeeze %dma_start3A_1553 : memref<1x4096xi32, #tpu.memory_space<vmem_shared>> -> memref<4096xi32, #tpu.memory_space<vmem_shared>>
      %dma_start3A_1555 = arith.constant 0 : i32
      %dma_start3A_1556 = tpu.memref_slice %arg11[%arg1, %dma_start3A_1555] : memref<16x4096xi32, #tpu.memory_space<vmem_shared>> -> memref<1x4096xi32, #tpu.memory_space<vmem_shared>>
      %dma_start3A_1557 = tpu.memref_squeeze %dma_start3A_1556 : memref<1x4096xi32, #tpu.memory_space<vmem_shared>> -> memref<4096xi32, #tpu.memory_space<vmem_shared>>
      %dma_start3A_1558 = arith.constant 0 : i32
      %dma_start3A_1559 = tpu.memref_slice %arg5[%dma_start3A_1558] : memref<45056xi32, #tpu.memory_space<vmem>> -> memref<4096xi32, #tpu.memory_space<vmem>>
      tpu.enqueue_dma source(%dma_start3A_1559 : memref<4096xi32, #tpu.memory_space<vmem>>) target(%dma_start3A_1557 : memref<4096xi32, #tpu.memory_space<vmem_shared>>) target_semaphore(%run_scoped3A : memref<!tpu.dma_semaphore, #tpu.memory_space<semaphore_mem>>)
      %dma_wait3A = arith.constant 0 : i32
      %dma_wait3A_1560 = tpu.memref_slice %arg5[%dma_wait3A] : memref<45056xi32, #tpu.memory_space<vmem>> -> memref<4096xi32, #tpu.memory_space<vmem>>
      %dma_wait3A_1561 = arith.constant 0 : i32
      %dma_wait3A_1562 = tpu.memref_slice %arg11[%arg1, %dma_wait3A_1561] : memref<16x4096xi32, #tpu.memory_space<vmem_shared>> -> memref<1x4096xi32, #tpu.memory_space<vmem_shared>>
      %dma_wait3A_1563 = tpu.memref_squeeze %dma_wait3A_1562 : memref<1x4096xi32, #tpu.memory_space<vmem_shared>> -> memref<4096xi32, #tpu.memory_space<vmem_shared>>
      %dma_wait3A_1564 = arith.constant 0 : i32
      %dma_wait3A_1565 = tpu.memref_slice %arg11[%arg1, %dma_wait3A_1564] : memref<16x4096xi32, #tpu.memory_space<vmem_shared>> -> memref<1x4096xi32, #tpu.memory_space<vmem_shared>>
      %dma_wait3A_1566 = tpu.memref_squeeze %dma_wait3A_1565 : memref<1x4096xi32, #tpu.memory_space<vmem_shared>> -> memref<4096xi32, #tpu.memory_space<vmem_shared>>
      %dma_wait3A_1567 = arith.constant 0 : i32
      %dma_wait3A_1568 = tpu.memref_slice %arg5[%dma_wait3A_1567] : memref<45056xi32, #tpu.memory_space<vmem>> -> memref<4096xi32, #tpu.memory_space<vmem>>
      tpu.wait_dma2 semaphore(%run_scoped3A : memref<!tpu.dma_semaphore, #tpu.memory_space<semaphore_mem>>) src(%dma_wait3A_1568 : memref<4096xi32, #tpu.memory_space<vmem>>) dst(%dma_wait3A_1566 : memref<4096xi32, #tpu.memory_space<vmem_shared>>)
      tpu.yield
    }) : () -> ()
    %barrier3A_853 = arith.constant 0 : index
    tpu.barrier barrier_id(%barrier3A_853)
    %mul3A_854 = arith.constant 256 : i32
    %mul3A_855 = arith.muli %arg1, %mul3A_854 : i32
    "tpu.region"() ({
      %run_scoped3A = tpu.sem_alloc : memref<!tpu.dma_semaphore, #tpu.memory_space<semaphore_mem>>
      %dma_start3A = arith.constant 0 : i32
      %dma_start3A_1551 = tpu.memref_slice %arg11[%dma_start3A, %mul3A_855] : memref<16x4096xi32, #tpu.memory_space<vmem_shared>> -> memref<16x256xi32, #tpu.memory_space<vmem_shared>>
      %dma_start3A_1552 = arith.constant 0 : i32
      %dma_start3A_1553 = tpu.memref_slice %arg11[%dma_start3A_1552, %mul3A_855] : memref<16x4096xi32, #tpu.memory_space<vmem_shared>> -> memref<16x256xi32, #tpu.memory_space<vmem_shared>>
      tpu.enqueue_dma source(%dma_start3A_1553 : memref<16x256xi32, #tpu.memory_space<vmem_shared>>) target(%arg6 : memref<16x256xi32, #tpu.memory_space<vmem>>) target_semaphore(%run_scoped3A : memref<!tpu.dma_semaphore, #tpu.memory_space<semaphore_mem>>)
      %dma_wait3A = arith.constant 0 : i32
      %dma_wait3A_1554 = tpu.memref_slice %arg11[%dma_wait3A, %mul3A_855] : memref<16x4096xi32, #tpu.memory_space<vmem_shared>> -> memref<16x256xi32, #tpu.memory_space<vmem_shared>>
      %dma_wait3A_1555 = arith.constant 0 : i32
      %dma_wait3A_1556 = tpu.memref_slice %arg11[%dma_wait3A_1555, %mul3A_855] : memref<16x4096xi32, #tpu.memory_space<vmem_shared>> -> memref<16x256xi32, #tpu.memory_space<vmem_shared>>
      tpu.wait_dma2 semaphore(%run_scoped3A : memref<!tpu.dma_semaphore, #tpu.memory_space<semaphore_mem>>) src(%dma_wait3A_1556 : memref<16x256xi32, #tpu.memory_space<vmem_shared>>) dst(%arg6 : memref<16x256xi32, #tpu.memory_space<vmem>>)
      tpu.yield
    }) : () -> ()
    %scan3A_856 = arith.constant 0 : i32
    %scan3A_857 = arith.constant 16 : i32
    %scan3A_858 = arith.addi %scan3A_856, %scan3A_857 : i32
    %scan3A_859 = arith.constant 1 : i32
    %scan3A_860 = scf.for %scan3A_1551 = %scan3A_856 to %scan3A_858 step %scan3A_859 iter_args(%scan3A_1552 = %broadcast_in_dim3A_2) -> (vector<16xi32>)  : i32 {
      %mul3A_1553 = arith.constant 16 : i32
      %mul3A_1554 = arith.muli %scan3A_1551, %mul3A_1553 : i32
      %get3A_1555 = arith.constant 0 : i32
      %get3A_1556 = arith.index_cast %get3A_1555 : i32 to index
      %get3A_1557 = arith.index_cast %mul3A_1554 : i32 to index
      %get3A_1558 = tpu.vector_load %arg6[%get3A_1556, %get3A_1557] {strides = array<i32>} : memref<16x256xi32, #tpu.memory_space<vmem>>, vector<16xi32>,
      %mul3A_1559 = arith.constant 16 : i32
      %mul3A_1560 = arith.muli %scan3A_1551, %mul3A_1559 : i32
      %get3A_1561 = arith.constant 1 : i32
      %get3A_1562 = arith.index_cast %get3A_1561 : i32 to index
      %get3A_1563 = arith.index_cast %mul3A_1560 : i32 to index
      %get3A_1564 = tpu.vector_load %arg6[%get3A_1562, %get3A_1563] {strides = array<i32>} : memref<16x256xi32, #tpu.memory_space<vmem>>, vector<16xi32>,
      %add3A_1565 = arith.addi %get3A_1558, %get3A_1564 : vector<16xi32>
      %mul3A_1566 = arith.constant 16 : i32
      %mul3A_1567 = arith.muli %scan3A_1551, %mul3A_1566 : i32
      %get3A_1568 = arith.constant 2 : i32
      %get3A_1569 = arith.index_cast %get3A_1568 : i32 to index
      %get3A_1570 = arith.index_cast %mul3A_1567 : i32 to index
      %get3A_1571 = tpu.vector_load %arg6[%get3A_1569, %get3A_1570] {strides = array<i32>} : memref<16x256xi32, #tpu.memory_space<vmem>>, vector<16xi32>,
      %add3A_1572 = arith.addi %add3A_1565, %get3A_1571 : vector<16xi32>
      %mul3A_1573 = arith.constant 16 : i32
      %mul3A_1574 = arith.muli %scan3A_1551, %mul3A_1573 : i32
      %get3A_1575 = arith.constant 3 : i32
      %get3A_1576 = arith.index_cast %get3A_1575 : i32 to index
      %get3A_1577 = arith.index_cast %mul3A_1574 : i32 to index
      %get3A_1578 = tpu.vector_load %arg6[%get3A_1576, %get3A_1577] {strides = array<i32>} : memref<16x256xi32, #tpu.memory_space<vmem>>, vector<16xi32>,
      %add3A_1579 = arith.addi %add3A_1572, %get3A_1578 : vector<16xi32>
      %mul3A_1580 = arith.constant 16 : i32
      %mul3A_1581 = arith.muli %scan3A_1551, %mul3A_1580 : i32
      %get3A_1582 = arith.constant 4 : i32
      %get3A_1583 = arith.index_cast %get3A_1582 : i32 to index
      %get3A_1584 = arith.index_cast %mul3A_1581 : i32 to index
      %get3A_1585 = tpu.vector_load %arg6[%get3A_1583, %get3A_1584] {strides = array<i32>} : memref<16x256xi32, #tpu.memory_space<vmem>>, vector<16xi32>,
      %add3A_1586 = arith.addi %add3A_1579, %get3A_1585 : vector<16xi32>
      %mul3A_1587 = arith.constant 16 : i32
      %mul3A_1588 = arith.muli %scan3A_1551, %mul3A_1587 : i32
      %get3A_1589 = arith.constant 5 : i32
      %get3A_1590 = arith.index_cast %get3A_1589 : i32 to index
      %get3A_1591 = arith.index_cast %mul3A_1588 : i32 to index
      %get3A_1592 = tpu.vector_load %arg6[%get3A_1590, %get3A_1591] {strides = array<i32>} : memref<16x256xi32, #tpu.memory_space<vmem>>, vector<16xi32>,
      %add3A_1593 = arith.addi %add3A_1586, %get3A_1592 : vector<16xi32>
      %mul3A_1594 = arith.constant 16 : i32
      %mul3A_1595 = arith.muli %scan3A_1551, %mul3A_1594 : i32
      %get3A_1596 = arith.constant 6 : i32
      %get3A_1597 = arith.index_cast %get3A_1596 : i32 to index
      %get3A_1598 = arith.index_cast %mul3A_1595 : i32 to index
      %get3A_1599 = tpu.vector_load %arg6[%get3A_1597, %get3A_1598] {strides = array<i32>} : memref<16x256xi32, #tpu.memory_space<vmem>>, vector<16xi32>,
      %add3A_1600 = arith.addi %add3A_1593, %get3A_1599 : vector<16xi32>
      %mul3A_1601 = arith.constant 16 : i32
      %mul3A_1602 = arith.muli %scan3A_1551, %mul3A_1601 : i32
      %get3A_1603 = arith.constant 7 : i32
      %get3A_1604 = arith.index_cast %get3A_1603 : i32 to index
      %get3A_1605 = arith.index_cast %mul3A_1602 : i32 to index
      %get3A_1606 = tpu.vector_load %arg6[%get3A_1604, %get3A_1605] {strides = array<i32>} : memref<16x256xi32, #tpu.memory_space<vmem>>, vector<16xi32>,
      %add3A_1607 = arith.addi %add3A_1600, %get3A_1606 : vector<16xi32>
      %mul3A_1608 = arith.constant 16 : i32
      %mul3A_1609 = arith.muli %scan3A_1551, %mul3A_1608 : i32
      %get3A_1610 = arith.constant 8 : i32
      %get3A_1611 = arith.index_cast %get3A_1610 : i32 to index
      %get3A_1612 = arith.index_cast %mul3A_1609 : i32 to index
      %get3A_1613 = tpu.vector_load %arg6[%get3A_1611, %get3A_1612] {strides = array<i32>} : memref<16x256xi32, #tpu.memory_space<vmem>>, vector<16xi32>,
      %add3A_1614 = arith.addi %add3A_1607, %get3A_1613 : vector<16xi32>
      %mul3A_1615 = arith.constant 16 : i32
      %mul3A_1616 = arith.muli %scan3A_1551, %mul3A_1615 : i32
      %get3A_1617 = arith.constant 9 : i32
      %get3A_1618 = arith.index_cast %get3A_1617 : i32 to index
      %get3A_1619 = arith.index_cast %mul3A_1616 : i32 to index
      %get3A_1620 = tpu.vector_load %arg6[%get3A_1618, %get3A_1619] {strides = array<i32>} : memref<16x256xi32, #tpu.memory_space<vmem>>, vector<16xi32>,
      %add3A_1621 = arith.addi %add3A_1614, %get3A_1620 : vector<16xi32>
      %mul3A_1622 = arith.constant 16 : i32
      %mul3A_1623 = arith.muli %scan3A_1551, %mul3A_1622 : i32
      %get3A_1624 = arith.constant 10 : i32
      %get3A_1625 = arith.index_cast %get3A_1624 : i32 to index
      %get3A_1626 = arith.index_cast %mul3A_1623 : i32 to index
      %get3A_1627 = tpu.vector_load %arg6[%get3A_1625, %get3A_1626] {strides = array<i32>} : memref<16x256xi32, #tpu.memory_space<vmem>>, vector<16xi32>,
      %add3A_1628 = arith.addi %add3A_1621, %get3A_1627 : vector<16xi32>
      %mul3A_1629 = arith.constant 16 : i32
      %mul3A_1630 = arith.muli %scan3A_1551, %mul3A_1629 : i32
      %get3A_1631 = arith.constant 11 : i32
      %get3A_1632 = arith.index_cast %get3A_1631 : i32 to index
      %get3A_1633 = arith.index_cast %mul3A_1630 : i32 to index
      %get3A_1634 = tpu.vector_load %arg6[%get3A_1632, %get3A_1633] {strides = array<i32>} : memref<16x256xi32, #tpu.memory_space<vmem>>, vector<16xi32>,
      %add3A_1635 = arith.addi %add3A_1628, %get3A_1634 : vector<16xi32>
      %mul3A_1636 = arith.constant 16 : i32
      %mul3A_1637 = arith.muli %scan3A_1551, %mul3A_1636 : i32
      %get3A_1638 = arith.constant 12 : i32
      %get3A_1639 = arith.index_cast %get3A_1638 : i32 to index
      %get3A_1640 = arith.index_cast %mul3A_1637 : i32 to index
      %get3A_1641 = tpu.vector_load %arg6[%get3A_1639, %get3A_1640] {strides = array<i32>} : memref<16x256xi32, #tpu.memory_space<vmem>>, vector<16xi32>,
      %add3A_1642 = arith.addi %add3A_1635, %get3A_1641 : vector<16xi32>
      %mul3A_1643 = arith.constant 16 : i32
      %mul3A_1644 = arith.muli %scan3A_1551, %mul3A_1643 : i32
      %get3A_1645 = arith.constant 13 : i32
      %get3A_1646 = arith.index_cast %get3A_1645 : i32 to index
      %get3A_1647 = arith.index_cast %mul3A_1644 : i32 to index
      %get3A_1648 = tpu.vector_load %arg6[%get3A_1646, %get3A_1647] {strides = array<i32>} : memref<16x256xi32, #tpu.memory_space<vmem>>, vector<16xi32>,
      %add3A_1649 = arith.addi %add3A_1642, %get3A_1648 : vector<16xi32>
      %mul3A_1650 = arith.constant 16 : i32
      %mul3A_1651 = arith.muli %scan3A_1551, %mul3A_1650 : i32
      %get3A_1652 = arith.constant 14 : i32
      %get3A_1653 = arith.index_cast %get3A_1652 : i32 to index
      %get3A_1654 = arith.index_cast %mul3A_1651 : i32 to index
      %get3A_1655 = tpu.vector_load %arg6[%get3A_1653, %get3A_1654] {strides = array<i32>} : memref<16x256xi32, #tpu.memory_space<vmem>>, vector<16xi32>,
      %add3A_1656 = arith.addi %add3A_1649, %get3A_1655 : vector<16xi32>
      %mul3A_1657 = arith.constant 16 : i32
      %mul3A_1658 = arith.muli %scan3A_1551, %mul3A_1657 : i32
      %get3A_1659 = arith.constant 15 : i32
      %get3A_1660 = arith.index_cast %get3A_1659 : i32 to index
      %get3A_1661 = arith.index_cast %mul3A_1658 : i32 to index
      %get3A_1662 = tpu.vector_load %arg6[%get3A_1660, %get3A_1661] {strides = array<i32>} : memref<16x256xi32, #tpu.memory_space<vmem>>, vector<16xi32>,
      %add3A_1663 = arith.addi %add3A_1656, %get3A_1662 : vector<16xi32>
      %reduce_sum3A_1664 = arith.constant true
      %reduce_sum3A_1665 = vector.broadcast %reduce_sum3A_1664 : i1 to vector<16xi1>
      %reduce_sum3A_1666 = tpu.scan <sum>, %add3A_1663 masked %reduce_sum3A_1665 : vector<16xi32>, vector<16xi1> -> vector<16xi32>
      %reduce_sum3A_1667 = vector.extract %reduce_sum3A_1666[15] : i32 from vector<16xi32>
      %eq3A_1668 = vector.broadcast %scan3A_1551 : i32 to vector<16xi32>
      %eq3A_1669 = arith.cmpi eq, %iota3A, %eq3A_1668 : vector<16xi32>
      %broadcast_in_dim3A_1670 = vector.broadcast %reduce_sum3A_1667 : i32 to vector<16xi32>
      %select_n3A_1671 = arith.select %eq3A_1669, %broadcast_in_dim3A_1670, %scan3A_1552 : vector<16xi1>, vector<16xi32>
      scf.yield %select_n3A_1671 : vector<16xi32>
    }
    %scan3A_861 = arith.constant 16 : i32
    %swap3A_862 = arith.constant 0 : index
    %swap3A_863 = tpu.vector_load %arg9[%swap3A_862] {strides = array<i32>} : memref<16xi32, #tpu.memory_space<vmem>>, vector<16xi32>,
    tpu.vector_store %arg9[%swap3A_862], %scan3A_860 {strides = array<i32>} : memref<16xi32, #tpu.memory_space<vmem>>, vector<16xi32>,
    %mul3A_864 = arith.constant 16 : i32
    %mul3A_865 = arith.muli %arg1, %mul3A_864 : i32
    "tpu.region"() ({
      %run_scoped3A = tpu.sem_alloc : memref<!tpu.dma_semaphore, #tpu.memory_space<semaphore_mem>>
      %dma_start3A = tpu.memref_slice %arg12[%mul3A_865] : memref<256xi32, #tpu.memory_space<vmem_shared>> -> memref<16xi32, #tpu.memory_space<vmem_shared>>
      %dma_start3A_1551 = tpu.memref_slice %arg12[%mul3A_865] : memref<256xi32, #tpu.memory_space<vmem_shared>> -> memref<16xi32, #tpu.memory_space<vmem_shared>>
      tpu.enqueue_dma source(%arg9 : memref<16xi32, #tpu.memory_space<vmem>>) target(%dma_start3A_1551 : memref<16xi32, #tpu.memory_space<vmem_shared>>) target_semaphore(%run_scoped3A : memref<!tpu.dma_semaphore, #tpu.memory_space<semaphore_mem>>)
      %dma_wait3A = tpu.memref_slice %arg12[%mul3A_865] : memref<256xi32, #tpu.memory_space<vmem_shared>> -> memref<16xi32, #tpu.memory_space<vmem_shared>>
      %dma_wait3A_1552 = tpu.memref_slice %arg12[%mul3A_865] : memref<256xi32, #tpu.memory_space<vmem_shared>> -> memref<16xi32, #tpu.memory_space<vmem_shared>>
      tpu.wait_dma2 semaphore(%run_scoped3A : memref<!tpu.dma_semaphore, #tpu.memory_space<semaphore_mem>>) src(%arg9 : memref<16xi32, #tpu.memory_space<vmem>>) dst(%dma_wait3A_1552 : memref<16xi32, #tpu.memory_space<vmem_shared>>)
      tpu.yield
    }) : () -> ()
    %barrier3A_866 = arith.constant 0 : index
    tpu.barrier barrier_id(%barrier3A_866)
    "tpu.region"() ({
      %run_scoped3A = tpu.sem_alloc : memref<!tpu.dma_semaphore, #tpu.memory_space<semaphore_mem>>
      tpu.enqueue_dma source(%arg12 : memref<256xi32, #tpu.memory_space<vmem_shared>>) target(%arg7 : memref<256xi32, #tpu.memory_space<vmem>>) target_semaphore(%run_scoped3A : memref<!tpu.dma_semaphore, #tpu.memory_space<semaphore_mem>>)
      tpu.wait_dma2 semaphore(%run_scoped3A : memref<!tpu.dma_semaphore, #tpu.memory_space<semaphore_mem>>) src(%arg12 : memref<256xi32, #tpu.memory_space<vmem_shared>>) dst(%arg7 : memref<256xi32, #tpu.memory_space<vmem>>)
      tpu.yield
    }) : () -> ()
    %get3A_867 = arith.constant 0 : index
    %get3A_868 = tpu.vector_load %arg7[%get3A_867] {strides = array<i32>} : memref<256xi32, #tpu.memory_space<vmem>>, vector<16xi32>,
    %reduce_sum3A_869 = arith.constant true
    %reduce_sum3A_870 = vector.broadcast %reduce_sum3A_869 : i1 to vector<16xi1>
    %reduce_sum3A_871 = tpu.scan <sum>, %get3A_868 masked %reduce_sum3A_870 : vector<16xi32>, vector<16xi1> -> vector<16xi32>
    %reduce_sum3A_872 = vector.extract %reduce_sum3A_871[15] : i32 from vector<16xi32>
    %eq3A_873 = arith.constant 0 : i32
    %eq3A_874 = vector.broadcast %eq3A_873 : i32 to vector<16xi32>
    %eq3A_875 = arith.cmpi eq, %iota3A, %eq3A_874 : vector<16xi32>
    %broadcast_in_dim3A_876 = vector.broadcast %reduce_sum3A_872 : i32 to vector<16xi32>
    %select_n3A_877 = arith.select %eq3A_875, %broadcast_in_dim3A_876, %broadcast_in_dim3A_2 : vector<16xi1>, vector<16xi32>
    %get3A_878 = arith.constant 16 : index
    %get3A_879 = tpu.vector_load %arg7[%get3A_878] {strides = array<i32>} : memref<256xi32, #tpu.memory_space<vmem>>, vector<16xi32>,
    %reduce_sum3A_880 = arith.constant true
    %reduce_sum3A_881 = vector.broadcast %reduce_sum3A_880 : i1 to vector<16xi1>
    %reduce_sum3A_882 = tpu.scan <sum>, %get3A_879 masked %reduce_sum3A_881 : vector<16xi32>, vector<16xi1> -> vector<16xi32>
    %reduce_sum3A_883 = vector.extract %reduce_sum3A_882[15] : i32 from vector<16xi32>
    %eq3A_884 = arith.constant 1 : i32
    %eq3A_885 = vector.broadcast %eq3A_884 : i32 to vector<16xi32>
    %eq3A_886 = arith.cmpi eq, %iota3A, %eq3A_885 : vector<16xi32>
    %broadcast_in_dim3A_887 = vector.broadcast %reduce_sum3A_883 : i32 to vector<16xi32>
    %select_n3A_888 = arith.select %eq3A_886, %broadcast_in_dim3A_887, %select_n3A_877 : vector<16xi1>, vector<16xi32>
    %get3A_889 = arith.constant 32 : index
    %get3A_890 = tpu.vector_load %arg7[%get3A_889] {strides = array<i32>} : memref<256xi32, #tpu.memory_space<vmem>>, vector<16xi32>,
    %reduce_sum3A_891 = arith.constant true
    %reduce_sum3A_892 = vector.broadcast %reduce_sum3A_891 : i1 to vector<16xi1>
    %reduce_sum3A_893 = tpu.scan <sum>, %get3A_890 masked %reduce_sum3A_892 : vector<16xi32>, vector<16xi1> -> vector<16xi32>
    %reduce_sum3A_894 = vector.extract %reduce_sum3A_893[15] : i32 from vector<16xi32>
    %eq3A_895 = arith.constant 2 : i32
    %eq3A_896 = vector.broadcast %eq3A_895 : i32 to vector<16xi32>
    %eq3A_897 = arith.cmpi eq, %iota3A, %eq3A_896 : vector<16xi32>
    %broadcast_in_dim3A_898 = vector.broadcast %reduce_sum3A_894 : i32 to vector<16xi32>
    %select_n3A_899 = arith.select %eq3A_897, %broadcast_in_dim3A_898, %select_n3A_888 : vector<16xi1>, vector<16xi32>
    %get3A_900 = arith.constant 48 : index
    %get3A_901 = tpu.vector_load %arg7[%get3A_900] {strides = array<i32>} : memref<256xi32, #tpu.memory_space<vmem>>, vector<16xi32>,
    %reduce_sum3A_902 = arith.constant true
    %reduce_sum3A_903 = vector.broadcast %reduce_sum3A_902 : i1 to vector<16xi1>
    %reduce_sum3A_904 = tpu.scan <sum>, %get3A_901 masked %reduce_sum3A_903 : vector<16xi32>, vector<16xi1> -> vector<16xi32>
    %reduce_sum3A_905 = vector.extract %reduce_sum3A_904[15] : i32 from vector<16xi32>
    %eq3A_906 = arith.constant 3 : i32
    %eq3A_907 = vector.broadcast %eq3A_906 : i32 to vector<16xi32>
    %eq3A_908 = arith.cmpi eq, %iota3A, %eq3A_907 : vector<16xi32>
    %broadcast_in_dim3A_909 = vector.broadcast %reduce_sum3A_905 : i32 to vector<16xi32>
    %select_n3A_910 = arith.select %eq3A_908, %broadcast_in_dim3A_909, %select_n3A_899 : vector<16xi1>, vector<16xi32>
    %get3A_911 = arith.constant 64 : index
    %get3A_912 = tpu.vector_load %arg7[%get3A_911] {strides = array<i32>} : memref<256xi32, #tpu.memory_space<vmem>>, vector<16xi32>,
    %reduce_sum3A_913 = arith.constant true
    %reduce_sum3A_914 = vector.broadcast %reduce_sum3A_913 : i1 to vector<16xi1>
    %reduce_sum3A_915 = tpu.scan <sum>, %get3A_912 masked %reduce_sum3A_914 : vector<16xi32>, vector<16xi1> -> vector<16xi32>
    %reduce_sum3A_916 = vector.extract %reduce_sum3A_915[15] : i32 from vector<16xi32>
    %eq3A_917 = arith.constant 4 : i32
    %eq3A_918 = vector.broadcast %eq3A_917 : i32 to vector<16xi32>
    %eq3A_919 = arith.cmpi eq, %iota3A, %eq3A_918 : vector<16xi32>
    %broadcast_in_dim3A_920 = vector.broadcast %reduce_sum3A_916 : i32 to vector<16xi32>
    %select_n3A_921 = arith.select %eq3A_919, %broadcast_in_dim3A_920, %select_n3A_910 : vector<16xi1>, vector<16xi32>
    %get3A_922 = arith.constant 80 : index
    %get3A_923 = tpu.vector_load %arg7[%get3A_922] {strides = array<i32>} : memref<256xi32, #tpu.memory_space<vmem>>, vector<16xi32>,
    %reduce_sum3A_924 = arith.constant true
    %reduce_sum3A_925 = vector.broadcast %reduce_sum3A_924 : i1 to vector<16xi1>
    %reduce_sum3A_926 = tpu.scan <sum>, %get3A_923 masked %reduce_sum3A_925 : vector<16xi32>, vector<16xi1> -> vector<16xi32>
    %reduce_sum3A_927 = vector.extract %reduce_sum3A_926[15] : i32 from vector<16xi32>
    %eq3A_928 = arith.constant 5 : i32
    %eq3A_929 = vector.broadcast %eq3A_928 : i32 to vector<16xi32>
    %eq3A_930 = arith.cmpi eq, %iota3A, %eq3A_929 : vector<16xi32>
    %broadcast_in_dim3A_931 = vector.broadcast %reduce_sum3A_927 : i32 to vector<16xi32>
    %select_n3A_932 = arith.select %eq3A_930, %broadcast_in_dim3A_931, %select_n3A_921 : vector<16xi1>, vector<16xi32>
    %get3A_933 = arith.constant 96 : index
    %get3A_934 = tpu.vector_load %arg7[%get3A_933] {strides = array<i32>} : memref<256xi32, #tpu.memory_space<vmem>>, vector<16xi32>,
    %reduce_sum3A_935 = arith.constant true
    %reduce_sum3A_936 = vector.broadcast %reduce_sum3A_935 : i1 to vector<16xi1>
    %reduce_sum3A_937 = tpu.scan <sum>, %get3A_934 masked %reduce_sum3A_936 : vector<16xi32>, vector<16xi1> -> vector<16xi32>
    %reduce_sum3A_938 = vector.extract %reduce_sum3A_937[15] : i32 from vector<16xi32>
    %eq3A_939 = arith.constant 6 : i32
    %eq3A_940 = vector.broadcast %eq3A_939 : i32 to vector<16xi32>
    %eq3A_941 = arith.cmpi eq, %iota3A, %eq3A_940 : vector<16xi32>
    %broadcast_in_dim3A_942 = vector.broadcast %reduce_sum3A_938 : i32 to vector<16xi32>
    %select_n3A_943 = arith.select %eq3A_941, %broadcast_in_dim3A_942, %select_n3A_932 : vector<16xi1>, vector<16xi32>
    %get3A_944 = arith.constant 112 : index
    %get3A_945 = tpu.vector_load %arg7[%get3A_944] {strides = array<i32>} : memref<256xi32, #tpu.memory_space<vmem>>, vector<16xi32>,
    %reduce_sum3A_946 = arith.constant true
    %reduce_sum3A_947 = vector.broadcast %reduce_sum3A_946 : i1 to vector<16xi1>
    %reduce_sum3A_948 = tpu.scan <sum>, %get3A_945 masked %reduce_sum3A_947 : vector<16xi32>, vector<16xi1> -> vector<16xi32>
    %reduce_sum3A_949 = vector.extract %reduce_sum3A_948[15] : i32 from vector<16xi32>
    %eq3A_950 = arith.constant 7 : i32
    %eq3A_951 = vector.broadcast %eq3A_950 : i32 to vector<16xi32>
    %eq3A_952 = arith.cmpi eq, %iota3A, %eq3A_951 : vector<16xi32>
    %broadcast_in_dim3A_953 = vector.broadcast %reduce_sum3A_949 : i32 to vector<16xi32>
    %select_n3A_954 = arith.select %eq3A_952, %broadcast_in_dim3A_953, %select_n3A_943 : vector<16xi1>, vector<16xi32>
    %get3A_955 = arith.constant 128 : index
    %get3A_956 = tpu.vector_load %arg7[%get3A_955] {strides = array<i32>} : memref<256xi32, #tpu.memory_space<vmem>>, vector<16xi32>,
    %reduce_sum3A_957 = arith.constant true
    %reduce_sum3A_958 = vector.broadcast %reduce_sum3A_957 : i1 to vector<16xi1>
    %reduce_sum3A_959 = tpu.scan <sum>, %get3A_956 masked %reduce_sum3A_958 : vector<16xi32>, vector<16xi1> -> vector<16xi32>
    %reduce_sum3A_960 = vector.extract %reduce_sum3A_959[15] : i32 from vector<16xi32>
    %eq3A_961 = arith.constant 8 : i32
    %eq3A_962 = vector.broadcast %eq3A_961 : i32 to vector<16xi32>
    %eq3A_963 = arith.cmpi eq, %iota3A, %eq3A_962 : vector<16xi32>
    %broadcast_in_dim3A_964 = vector.broadcast %reduce_sum3A_960 : i32 to vector<16xi32>
    %select_n3A_965 = arith.select %eq3A_963, %broadcast_in_dim3A_964, %select_n3A_954 : vector<16xi1>, vector<16xi32>
    %get3A_966 = arith.constant 144 : index
    %get3A_967 = tpu.vector_load %arg7[%get3A_966] {strides = array<i32>} : memref<256xi32, #tpu.memory_space<vmem>>, vector<16xi32>,
    %reduce_sum3A_968 = arith.constant true
    %reduce_sum3A_969 = vector.broadcast %reduce_sum3A_968 : i1 to vector<16xi1>
    %reduce_sum3A_970 = tpu.scan <sum>, %get3A_967 masked %reduce_sum3A_969 : vector<16xi32>, vector<16xi1> -> vector<16xi32>
    %reduce_sum3A_971 = vector.extract %reduce_sum3A_970[15] : i32 from vector<16xi32>
    %eq3A_972 = arith.constant 9 : i32
    %eq3A_973 = vector.broadcast %eq3A_972 : i32 to vector<16xi32>
    %eq3A_974 = arith.cmpi eq, %iota3A, %eq3A_973 : vector<16xi32>
    %broadcast_in_dim3A_975 = vector.broadcast %reduce_sum3A_971 : i32 to vector<16xi32>
    %select_n3A_976 = arith.select %eq3A_974, %broadcast_in_dim3A_975, %select_n3A_965 : vector<16xi1>, vector<16xi32>
    %get3A_977 = arith.constant 160 : index
    %get3A_978 = tpu.vector_load %arg7[%get3A_977] {strides = array<i32>} : memref<256xi32, #tpu.memory_space<vmem>>, vector<16xi32>,
    %reduce_sum3A_979 = arith.constant true
    %reduce_sum3A_980 = vector.broadcast %reduce_sum3A_979 : i1 to vector<16xi1>
    %reduce_sum3A_981 = tpu.scan <sum>, %get3A_978 masked %reduce_sum3A_980 : vector<16xi32>, vector<16xi1> -> vector<16xi32>
    %reduce_sum3A_982 = vector.extract %reduce_sum3A_981[15] : i32 from vector<16xi32>
    %eq3A_983 = arith.constant 10 : i32
    %eq3A_984 = vector.broadcast %eq3A_983 : i32 to vector<16xi32>
    %eq3A_985 = arith.cmpi eq, %iota3A, %eq3A_984 : vector<16xi32>
    %broadcast_in_dim3A_986 = vector.broadcast %reduce_sum3A_982 : i32 to vector<16xi32>
    %select_n3A_987 = arith.select %eq3A_985, %broadcast_in_dim3A_986, %select_n3A_976 : vector<16xi1>, vector<16xi32>
    %get3A_988 = arith.constant 176 : index
    %get3A_989 = tpu.vector_load %arg7[%get3A_988] {strides = array<i32>} : memref<256xi32, #tpu.memory_space<vmem>>, vector<16xi32>,
    %reduce_sum3A_990 = arith.constant true
    %reduce_sum3A_991 = vector.broadcast %reduce_sum3A_990 : i1 to vector<16xi1>
    %reduce_sum3A_992 = tpu.scan <sum>, %get3A_989 masked %reduce_sum3A_991 : vector<16xi32>, vector<16xi1> -> vector<16xi32>
    %reduce_sum3A_993 = vector.extract %reduce_sum3A_992[15] : i32 from vector<16xi32>
    %eq3A_994 = arith.constant 11 : i32
    %eq3A_995 = vector.broadcast %eq3A_994 : i32 to vector<16xi32>
    %eq3A_996 = arith.cmpi eq, %iota3A, %eq3A_995 : vector<16xi32>
    %broadcast_in_dim3A_997 = vector.broadcast %reduce_sum3A_993 : i32 to vector<16xi32>
    %select_n3A_998 = arith.select %eq3A_996, %broadcast_in_dim3A_997, %select_n3A_987 : vector<16xi1>, vector<16xi32>
    %get3A_999 = arith.constant 192 : index
    %get3A_1000 = tpu.vector_load %arg7[%get3A_999] {strides = array<i32>} : memref<256xi32, #tpu.memory_space<vmem>>, vector<16xi32>,
    %reduce_sum3A_1001 = arith.constant true
    %reduce_sum3A_1002 = vector.broadcast %reduce_sum3A_1001 : i1 to vector<16xi1>
    %reduce_sum3A_1003 = tpu.scan <sum>, %get3A_1000 masked %reduce_sum3A_1002 : vector<16xi32>, vector<16xi1> -> vector<16xi32>
    %reduce_sum3A_1004 = vector.extract %reduce_sum3A_1003[15] : i32 from vector<16xi32>
    %eq3A_1005 = arith.constant 12 : i32
    %eq3A_1006 = vector.broadcast %eq3A_1005 : i32 to vector<16xi32>
    %eq3A_1007 = arith.cmpi eq, %iota3A, %eq3A_1006 : vector<16xi32>
    %broadcast_in_dim3A_1008 = vector.broadcast %reduce_sum3A_1004 : i32 to vector<16xi32>
    %select_n3A_1009 = arith.select %eq3A_1007, %broadcast_in_dim3A_1008, %select_n3A_998 : vector<16xi1>, vector<16xi32>
    %get3A_1010 = arith.constant 208 : index
    %get3A_1011 = tpu.vector_load %arg7[%get3A_1010] {strides = array<i32>} : memref<256xi32, #tpu.memory_space<vmem>>, vector<16xi32>,
    %reduce_sum3A_1012 = arith.constant true
    %reduce_sum3A_1013 = vector.broadcast %reduce_sum3A_1012 : i1 to vector<16xi1>
    %reduce_sum3A_1014 = tpu.scan <sum>, %get3A_1011 masked %reduce_sum3A_1013 : vector<16xi32>, vector<16xi1> -> vector<16xi32>
    %reduce_sum3A_1015 = vector.extract %reduce_sum3A_1014[15] : i32 from vector<16xi32>
    %eq3A_1016 = arith.constant 13 : i32
    %eq3A_1017 = vector.broadcast %eq3A_1016 : i32 to vector<16xi32>
    %eq3A_1018 = arith.cmpi eq, %iota3A, %eq3A_1017 : vector<16xi32>
    %broadcast_in_dim3A_1019 = vector.broadcast %reduce_sum3A_1015 : i32 to vector<16xi32>
    %select_n3A_1020 = arith.select %eq3A_1018, %broadcast_in_dim3A_1019, %select_n3A_1009 : vector<16xi1>, vector<16xi32>
    %get3A_1021 = arith.constant 224 : index
    %get3A_1022 = tpu.vector_load %arg7[%get3A_1021] {strides = array<i32>} : memref<256xi32, #tpu.memory_space<vmem>>, vector<16xi32>,
    %reduce_sum3A_1023 = arith.constant true
    %reduce_sum3A_1024 = vector.broadcast %reduce_sum3A_1023 : i1 to vector<16xi1>
    %reduce_sum3A_1025 = tpu.scan <sum>, %get3A_1022 masked %reduce_sum3A_1024 : vector<16xi32>, vector<16xi1> -> vector<16xi32>
    %reduce_sum3A_1026 = vector.extract %reduce_sum3A_1025[15] : i32 from vector<16xi32>
    %eq3A_1027 = arith.constant 14 : i32
    %eq3A_1028 = vector.broadcast %eq3A_1027 : i32 to vector<16xi32>
    %eq3A_1029 = arith.cmpi eq, %iota3A, %eq3A_1028 : vector<16xi32>
    %broadcast_in_dim3A_1030 = vector.broadcast %reduce_sum3A_1026 : i32 to vector<16xi32>
    %select_n3A_1031 = arith.select %eq3A_1029, %broadcast_in_dim3A_1030, %select_n3A_1020 : vector<16xi1>, vector<16xi32>
    %get3A_1032 = arith.constant 240 : index
    %get3A_1033 = tpu.vector_load %arg7[%get3A_1032] {strides = array<i32>} : memref<256xi32, #tpu.memory_space<vmem>>, vector<16xi32>,
    %reduce_sum3A_1034 = arith.constant true
    %reduce_sum3A_1035 = vector.broadcast %reduce_sum3A_1034 : i1 to vector<16xi1>
    %reduce_sum3A_1036 = tpu.scan <sum>, %get3A_1033 masked %reduce_sum3A_1035 : vector<16xi32>, vector<16xi1> -> vector<16xi32>
    %reduce_sum3A_1037 = vector.extract %reduce_sum3A_1036[15] : i32 from vector<16xi32>
    %eq3A_1038 = arith.constant 15 : i32
    %eq3A_1039 = vector.broadcast %eq3A_1038 : i32 to vector<16xi32>
    %eq3A_1040 = arith.cmpi eq, %iota3A, %eq3A_1039 : vector<16xi32>
    %broadcast_in_dim3A_1041 = vector.broadcast %reduce_sum3A_1037 : i32 to vector<16xi32>
    %select_n3A_1042 = arith.select %eq3A_1040, %broadcast_in_dim3A_1041, %select_n3A_1031 : vector<16xi1>, vector<16xi32>
    %rev3A_1043 = arith.constant 15 : i32
    %rev3A_1044 = vector.broadcast %rev3A_1043 : i32 to vector<16xi32>
    %rev3A_1045 = tpu.iota {dimensions = array<i32: 0>} : vector<16xi32>
    %rev3A_1046 = arith.subi %rev3A_1044, %rev3A_1045 : vector<16xi32>
    %rev3A_1047 = tpu.dynamic_gather %select_n3A_1042[%rev3A_1046] in [0] : vector<16xi32>, vector<16xi32> -> vector<16xi32>
    %broadcast_in_dim3A_1048 = arith.constant true
    %broadcast_in_dim3A_1049 = vector.broadcast %broadcast_in_dim3A_1048 : i1 to vector<16xi1>
    %masked_cumsum3A_1050 = tpu.scan <sum>, %rev3A_1047 masked %broadcast_in_dim3A_1049 : vector<16xi32>, vector<16xi1> -> vector<16xi32>
    %rev3A_1051 = arith.constant 15 : i32
    %rev3A_1052 = vector.broadcast %rev3A_1051 : i32 to vector<16xi32>
    %rev3A_1053 = tpu.iota {dimensions = array<i32: 0>} : vector<16xi32>
    %rev3A_1054 = arith.subi %rev3A_1052, %rev3A_1053 : vector<16xi32>
    %rev3A_1055 = tpu.dynamic_gather %masked_cumsum3A_1050[%rev3A_1054] in [0] : vector<16xi32>, vector<16xi32> -> vector<16xi32>
    %ge3A_1056 = vector.broadcast %sub3A_788 : i32 to vector<16xi32>
    %ge3A_1057 = arith.cmpi sge, %rev3A_1055, %ge3A_1056 : vector<16xi32>
    %jit3A_1058 = arith.constant -1 : i32
    %broadcast_in_dim3A_1059 = vector.broadcast %jit3A_1058 : i32 to vector<16xi32>
    %select_n3A_1060 = arith.select %ge3A_1057, %iota3A, %broadcast_in_dim3A_1059 : vector<16xi1>, vector<16xi32>
    %reduce_max3A_1061 = arith.constant true
    %reduce_max3A_1062 = vector.broadcast %reduce_max3A_1061 : i1 to vector<16xi1>
    %reduce_max3A_1063 = arith.constant -2147483648 : i32
    %reduce_max3A_1064 = vector.broadcast %reduce_max3A_1063 : i32 to vector<16xi32>
    %reduce_max3A_1065 = arith.xori %select_n3A_1060, %reduce_max3A_1064 : vector<16xi32>
    %reduce_max3A_1066 = tpu.scan <max>, %reduce_max3A_1065 masked %reduce_max3A_1062 : vector<16xi32>, vector<16xi1> -> vector<16xi32>
    %reduce_max3A_1067 = arith.xori %reduce_max3A_1066, %reduce_max3A_1064 : vector<16xi32>
    %reduce_max3A_1068 = vector.extract %reduce_max3A_1067[15] : i32 from vector<16xi32>
    %eq3A_1069 = vector.broadcast %reduce_max3A_1068 : i32 to vector<16xi32>
    %eq3A_1070 = arith.cmpi eq, %iota3A, %eq3A_1069 : vector<16xi32>
    %jit3A_1071 = arith.constant -2147483648 : i32
    %broadcast_in_dim3A_1072 = vector.broadcast %jit3A_1071 : i32 to vector<16xi32>
    %select_n3A_1073 = arith.select %eq3A_1070, %rev3A_1055, %broadcast_in_dim3A_1072 : vector<16xi1>, vector<16xi32>
    %reduce_max3A_1074 = arith.constant true
    %reduce_max3A_1075 = vector.broadcast %reduce_max3A_1074 : i1 to vector<16xi1>
    %reduce_max3A_1076 = arith.constant -2147483648 : i32
    %reduce_max3A_1077 = vector.broadcast %reduce_max3A_1076 : i32 to vector<16xi32>
    %reduce_max3A_1078 = arith.xori %select_n3A_1073, %reduce_max3A_1077 : vector<16xi32>
    %reduce_max3A_1079 = tpu.scan <max>, %reduce_max3A_1078 masked %reduce_max3A_1075 : vector<16xi32>, vector<16xi1> -> vector<16xi32>
    %reduce_max3A_1080 = arith.xori %reduce_max3A_1079, %reduce_max3A_1077 : vector<16xi32>
    %reduce_max3A_1081 = vector.extract %reduce_max3A_1080[15] : i32 from vector<16xi32>
    %eq3A_1082 = vector.broadcast %reduce_max3A_1068 : i32 to vector<16xi32>
    %eq3A_1083 = arith.cmpi eq, %iota3A, %eq3A_1082 : vector<16xi32>
    %jit3A_1084 = arith.constant -2147483648 : i32
    %broadcast_in_dim3A_1085 = vector.broadcast %jit3A_1084 : i32 to vector<16xi32>
    %select_n3A_1086 = arith.select %eq3A_1083, %select_n3A_1042, %broadcast_in_dim3A_1085 : vector<16xi1>, vector<16xi32>
    %reduce_max3A_1087 = arith.constant true
    %reduce_max3A_1088 = vector.broadcast %reduce_max3A_1087 : i1 to vector<16xi1>
    %reduce_max3A_1089 = arith.constant -2147483648 : i32
    %reduce_max3A_1090 = vector.broadcast %reduce_max3A_1089 : i32 to vector<16xi32>
    %reduce_max3A_1091 = arith.xori %select_n3A_1086, %reduce_max3A_1090 : vector<16xi32>
    %reduce_max3A_1092 = tpu.scan <max>, %reduce_max3A_1091 masked %reduce_max3A_1088 : vector<16xi32>, vector<16xi1> -> vector<16xi32>
    %reduce_max3A_1093 = arith.xori %reduce_max3A_1092, %reduce_max3A_1090 : vector<16xi32>
    %reduce_max3A_1094 = vector.extract %reduce_max3A_1093[15] : i32 from vector<16xi32>
    %sub3A_1095 = arith.subi %reduce_max3A_1081, %reduce_max3A_1094 : i32
    %sub3A_1096 = arith.subi %sub3A_788, %sub3A_1095 : i32
    %mul3A_1097 = arith.constant 16 : i32
    %mul3A_1098 = arith.muli %reduce_max3A_1068, %mul3A_1097 : i32
    %get3A_1099 = arith.index_cast %mul3A_1098 : i32 to index
    %get3A_1100 = tpu.vector_load %arg7[%get3A_1099] {strides = array<i32>} : memref<256xi32, #tpu.memory_space<vmem>>, vector<16xi32>,
    %rev3A_1101 = arith.constant 15 : i32
    %rev3A_1102 = vector.broadcast %rev3A_1101 : i32 to vector<16xi32>
    %rev3A_1103 = tpu.iota {dimensions = array<i32: 0>} : vector<16xi32>
    %rev3A_1104 = arith.subi %rev3A_1102, %rev3A_1103 : vector<16xi32>
    %rev3A_1105 = tpu.dynamic_gather %get3A_1100[%rev3A_1104] in [0] : vector<16xi32>, vector<16xi32> -> vector<16xi32>
    %broadcast_in_dim3A_1106 = arith.constant true
    %broadcast_in_dim3A_1107 = vector.broadcast %broadcast_in_dim3A_1106 : i1 to vector<16xi1>
    %masked_cumsum3A_1108 = tpu.scan <sum>, %rev3A_1105 masked %broadcast_in_dim3A_1107 : vector<16xi32>, vector<16xi1> -> vector<16xi32>
    %rev3A_1109 = arith.constant 15 : i32
    %rev3A_1110 = vector.broadcast %rev3A_1109 : i32 to vector<16xi32>
    %rev3A_1111 = tpu.iota {dimensions = array<i32: 0>} : vector<16xi32>
    %rev3A_1112 = arith.subi %rev3A_1110, %rev3A_1111 : vector<16xi32>
    %rev3A_1113 = tpu.dynamic_gather %masked_cumsum3A_1108[%rev3A_1112] in [0] : vector<16xi32>, vector<16xi32> -> vector<16xi32>
    %ge3A_1114 = vector.broadcast %sub3A_1096 : i32 to vector<16xi32>
    %ge3A_1115 = arith.cmpi sge, %rev3A_1113, %ge3A_1114 : vector<16xi32>
    %jit3A_1116 = arith.constant -1 : i32
    %broadcast_in_dim3A_1117 = vector.broadcast %jit3A_1116 : i32 to vector<16xi32>
    %select_n3A_1118 = arith.select %ge3A_1115, %iota3A, %broadcast_in_dim3A_1117 : vector<16xi1>, vector<16xi32>
    %reduce_max3A_1119 = arith.constant true
    %reduce_max3A_1120 = vector.broadcast %reduce_max3A_1119 : i1 to vector<16xi1>
    %reduce_max3A_1121 = arith.constant -2147483648 : i32
    %reduce_max3A_1122 = vector.broadcast %reduce_max3A_1121 : i32 to vector<16xi32>
    %reduce_max3A_1123 = arith.xori %select_n3A_1118, %reduce_max3A_1122 : vector<16xi32>
    %reduce_max3A_1124 = tpu.scan <max>, %reduce_max3A_1123 masked %reduce_max3A_1120 : vector<16xi32>, vector<16xi1> -> vector<16xi32>
    %reduce_max3A_1125 = arith.xori %reduce_max3A_1124, %reduce_max3A_1122 : vector<16xi32>
    %reduce_max3A_1126 = vector.extract %reduce_max3A_1125[15] : i32 from vector<16xi32>
    %eq3A_1127 = vector.broadcast %reduce_max3A_1126 : i32 to vector<16xi32>
    %eq3A_1128 = arith.cmpi eq, %iota3A, %eq3A_1127 : vector<16xi32>
    %jit3A_1129 = arith.constant -2147483648 : i32
    %broadcast_in_dim3A_1130 = vector.broadcast %jit3A_1129 : i32 to vector<16xi32>
    %select_n3A_1131 = arith.select %eq3A_1128, %rev3A_1113, %broadcast_in_dim3A_1130 : vector<16xi1>, vector<16xi32>
    %reduce_max3A_1132 = arith.constant true
    %reduce_max3A_1133 = vector.broadcast %reduce_max3A_1132 : i1 to vector<16xi1>
    %reduce_max3A_1134 = arith.constant -2147483648 : i32
    %reduce_max3A_1135 = vector.broadcast %reduce_max3A_1134 : i32 to vector<16xi32>
    %reduce_max3A_1136 = arith.xori %select_n3A_1131, %reduce_max3A_1135 : vector<16xi32>
    %reduce_max3A_1137 = tpu.scan <max>, %reduce_max3A_1136 masked %reduce_max3A_1133 : vector<16xi32>, vector<16xi1> -> vector<16xi32>
    %reduce_max3A_1138 = arith.xori %reduce_max3A_1137, %reduce_max3A_1135 : vector<16xi32>
    %reduce_max3A_1139 = vector.extract %reduce_max3A_1138[15] : i32 from vector<16xi32>
    %eq3A_1140 = vector.broadcast %reduce_max3A_1126 : i32 to vector<16xi32>
    %eq3A_1141 = arith.cmpi eq, %iota3A, %eq3A_1140 : vector<16xi32>
    %jit3A_1142 = arith.constant -2147483648 : i32
    %broadcast_in_dim3A_1143 = vector.broadcast %jit3A_1142 : i32 to vector<16xi32>
    %select_n3A_1144 = arith.select %eq3A_1141, %get3A_1100, %broadcast_in_dim3A_1143 : vector<16xi1>, vector<16xi32>
    %reduce_max3A_1145 = arith.constant true
    %reduce_max3A_1146 = vector.broadcast %reduce_max3A_1145 : i1 to vector<16xi1>
    %reduce_max3A_1147 = arith.constant -2147483648 : i32
    %reduce_max3A_1148 = vector.broadcast %reduce_max3A_1147 : i32 to vector<16xi32>
    %reduce_max3A_1149 = arith.xori %select_n3A_1144, %reduce_max3A_1148 : vector<16xi32>
    %reduce_max3A_1150 = tpu.scan <max>, %reduce_max3A_1149 masked %reduce_max3A_1146 : vector<16xi32>, vector<16xi1> -> vector<16xi32>
    %reduce_max3A_1151 = arith.xori %reduce_max3A_1150, %reduce_max3A_1148 : vector<16xi32>
    %reduce_max3A_1152 = vector.extract %reduce_max3A_1151[15] : i32 from vector<16xi32>
    %sub3A_1153 = arith.subi %reduce_max3A_1139, %reduce_max3A_1152 : i32
    %mul3A_1154 = arith.constant 16 : i32
    %mul3A_1155 = arith.muli %reduce_max3A_1068, %mul3A_1154 : i32
    %add3A_1156 = arith.addi %mul3A_1155, %reduce_max3A_1126 : i32
    %sub3A_1157 = arith.subi %sub3A_1096, %sub3A_1153 : i32
    %add3A_1158 = arith.constant 15 : i32
    %add3A_1159 = arith.addi %while3A_804, %add3A_1158 : i32
    %shift_right_logical3A_1160 = arith.constant 4 : i32
    %shift_right_logical3A_1161 = arith.shrui %add3A_1159, %shift_right_logical3A_1160 : i32
    %while3A_1162 = arith.constant 0 : i32
    %while3A_1163 = arith.constant 0 : i32
    %while3A_1164 = arith.subi %shift_right_logical3A_1161, %while3A_1162 : i32
    %while3A_1165 = arith.addi %while3A_1162, %while3A_1164 : i32
    %while3A_1166 = arith.constant 1 : i32
    %while3A_1167 = arith.divsi %while3A_1164, %while3A_1166 : i32
    %while3A_1168 = arith.muli %while3A_1167, %while3A_1166 : i32
    %while3A_1169 = arith.addi %while3A_1162, %while3A_1168 : i32
    %while3A_1170 = arith.constant 1 : i32
    %while3A_1171 = scf.for %while3A_1551 = %while3A_1162 to %while3A_1169 step %while3A_1170 iter_args(%while3A_1552 = %while3A_1163) -> (i32)  : i32 {
      %mul3A_1553 = arith.constant 16 : i32
      %mul3A_1554 = arith.muli %while3A_1551, %mul3A_1553 : i32
      %get3A_1555 = arith.index_cast %mul3A_1554 : i32 to index
      %get3A_1556 = tpu.vector_load %arg4[%get3A_1555] {strides = array<i32>} : memref<62528xf32, #tpu.memory_space<vmem>>, vector<16xf32>,
      %bitcast_convert_type3A_1557 = tpu.bitcast %get3A_1556 : vector<16xf32> -> vector<16xi32>
      %shift_right_arithmetic3A_1558 = arith.constant 31 : i32
      %shift_right_arithmetic3A_1559 = vector.broadcast %shift_right_arithmetic3A_1558 : i32 to vector<16xi32>
      %shift_right_arithmetic3A_1560 = arith.shrsi %bitcast_convert_type3A_1557, %shift_right_arithmetic3A_1559 : vector<16xi32>
      %or3A_1561 = arith.constant -2147483648 : i32
      %or3A_1562 = vector.broadcast %or3A_1561 : i32 to vector<16xi32>
      %or3A_1563 = arith.ori %shift_right_arithmetic3A_1560, %or3A_1562 : vector<16xi32>
      %xor3A_1564 = arith.xori %bitcast_convert_type3A_1557, %or3A_1563 : vector<16xi32>
      %shift_right_logical3A_1565 = arith.constant 8 : i32
      %shift_right_logical3A_1566 = vector.broadcast %shift_right_logical3A_1565 : i32 to vector<16xi32>
      %shift_right_logical3A_1567 = arith.shrui %xor3A_1564, %shift_right_logical3A_1566 : vector<16xi32>
      %and3A_1568 = arith.constant 255 : i32
      %and3A_1569 = vector.broadcast %and3A_1568 : i32 to vector<16xi32>
      %and3A_1570 = arith.andi %shift_right_logical3A_1567, %and3A_1569 : vector<16xi32>
      %mul3A_1571 = arith.constant 16 : i32
      %mul3A_1572 = arith.muli %while3A_1551, %mul3A_1571 : i32
      %add3A_1573 = vector.broadcast %mul3A_1572 : i32 to vector<16xi32>
      %add3A_1574 = arith.addi %add3A_1573, %iota3A : vector<16xi32>
      %lt3A_1575 = vector.broadcast %while3A_804 : i32 to vector<16xi32>
      %lt3A_1576 = arith.cmpi slt, %add3A_1574, %lt3A_1575 : vector<16xi32>
      %eq3A_1577 = vector.broadcast %add3A_1156 : i32 to vector<16xi32>
      %eq3A_1578 = arith.cmpi eq, %and3A_1570, %eq3A_1577 : vector<16xi32>
      %and3A_1579 = arith.andi %eq3A_1578, %lt3A_1576 : vector<16xi1>
      %jit3A_1580 = arith.constant 1 : i32
      %jit3A_1581 = arith.constant 0 : i32
      %broadcast_in_dim3A_1582 = vector.broadcast %jit3A_1580 : i32 to vector<16xi32>
      %broadcast_in_dim3A_1583 = vector.broadcast %jit3A_1581 : i32 to vector<16xi32>
      %select_n3A_1584 = arith.select %and3A_1579, %broadcast_in_dim3A_1582, %broadcast_in_dim3A_1583 : vector<16xi1>, vector<16xi32>
      %broadcast_in_dim3A_1585 = arith.constant true
      %broadcast_in_dim3A_1586 = vector.broadcast %broadcast_in_dim3A_1585 : i1 to vector<16xi1>
      %masked_cumsum3A_1587 = tpu.scan <sum>, %select_n3A_1584 masked %broadcast_in_dim3A_1586 : vector<16xi32>, vector<16xi1> -> vector<16xi32>
      %add3A_1588 = vector.broadcast %while3A_1552 : i32 to vector<16xi32>
      %add3A_1589 = arith.addi %add3A_1588, %masked_cumsum3A_1587 : vector<16xi32>
      %sub3A_1590 = arith.subi %add3A_1589, %select_n3A_1584 : vector<16xi32>
      tpu.vector_store_idx %arg4[%sub3A_1590], %get3A_1556 masked %and3A_1579 : memref<62528xf32, #tpu.memory_space<vmem>>[vector<16xi32>], vector<16xf32>, vector<16xi1>
      %reduce_max3A_1591 = arith.constant true
      %reduce_max3A_1592 = vector.broadcast %reduce_max3A_1591 : i1 to vector<16xi1>
      %reduce_max3A_1593 = arith.constant -2147483648 : i32
      %reduce_max3A_1594 = vector.broadcast %reduce_max3A_1593 : i32 to vector<16xi32>
      %reduce_max3A_1595 = arith.xori %masked_cumsum3A_1587, %reduce_max3A_1594 : vector<16xi32>
      %reduce_max3A_1596 = tpu.scan <max>, %reduce_max3A_1595 masked %reduce_max3A_1592 : vector<16xi32>, vector<16xi1> -> vector<16xi32>
      %reduce_max3A_1597 = arith.xori %reduce_max3A_1596, %reduce_max3A_1594 : vector<16xi32>
      %reduce_max3A_1598 = vector.extract %reduce_max3A_1597[15] : i32 from vector<16xi32>
      %add3A_1599 = arith.addi %while3A_1552, %reduce_max3A_1598 : i32
      scf.yield %add3A_1599 : i32
    }
    %while3A_1172 = arith.constant 1 : i32
    %while3A_1173 = scf.for %while3A_1551 = %while3A_1169 to %while3A_1165 step %while3A_1172 iter_args(%while3A_1552 = %while3A_1171) -> (i32)  : i32 {
      %mul3A_1553 = arith.constant 16 : i32
      %mul3A_1554 = arith.muli %while3A_1551, %mul3A_1553 : i32
      %get3A_1555 = arith.index_cast %mul3A_1554 : i32 to index
      %get3A_1556 = tpu.vector_load %arg4[%get3A_1555] {strides = array<i32>} : memref<62528xf32, #tpu.memory_space<vmem>>, vector<16xf32>,
      %bitcast_convert_type3A_1557 = tpu.bitcast %get3A_1556 : vector<16xf32> -> vector<16xi32>
      %shift_right_arithmetic3A_1558 = arith.constant 31 : i32
      %shift_right_arithmetic3A_1559 = vector.broadcast %shift_right_arithmetic3A_1558 : i32 to vector<16xi32>
      %shift_right_arithmetic3A_1560 = arith.shrsi %bitcast_convert_type3A_1557, %shift_right_arithmetic3A_1559 : vector<16xi32>
      %or3A_1561 = arith.constant -2147483648 : i32
      %or3A_1562 = vector.broadcast %or3A_1561 : i32 to vector<16xi32>
      %or3A_1563 = arith.ori %shift_right_arithmetic3A_1560, %or3A_1562 : vector<16xi32>
      %xor3A_1564 = arith.xori %bitcast_convert_type3A_1557, %or3A_1563 : vector<16xi32>
      %shift_right_logical3A_1565 = arith.constant 8 : i32
      %shift_right_logical3A_1566 = vector.broadcast %shift_right_logical3A_1565 : i32 to vector<16xi32>
      %shift_right_logical3A_1567 = arith.shrui %xor3A_1564, %shift_right_logical3A_1566 : vector<16xi32>
      %and3A_1568 = arith.constant 255 : i32
      %and3A_1569 = vector.broadcast %and3A_1568 : i32 to vector<16xi32>
      %and3A_1570 = arith.andi %shift_right_logical3A_1567, %and3A_1569 : vector<16xi32>
      %mul3A_1571 = arith.constant 16 : i32
      %mul3A_1572 = arith.muli %while3A_1551, %mul3A_1571 : i32
      %add3A_1573 = vector.broadcast %mul3A_1572 : i32 to vector<16xi32>
      %add3A_1574 = arith.addi %add3A_1573, %iota3A : vector<16xi32>
      %lt3A_1575 = vector.broadcast %while3A_804 : i32 to vector<16xi32>
      %lt3A_1576 = arith.cmpi slt, %add3A_1574, %lt3A_1575 : vector<16xi32>
      %eq3A_1577 = vector.broadcast %add3A_1156 : i32 to vector<16xi32>
      %eq3A_1578 = arith.cmpi eq, %and3A_1570, %eq3A_1577 : vector<16xi32>
      %and3A_1579 = arith.andi %eq3A_1578, %lt3A_1576 : vector<16xi1>
      %jit3A_1580 = arith.constant 1 : i32
      %jit3A_1581 = arith.constant 0 : i32
      %broadcast_in_dim3A_1582 = vector.broadcast %jit3A_1580 : i32 to vector<16xi32>
      %broadcast_in_dim3A_1583 = vector.broadcast %jit3A_1581 : i32 to vector<16xi32>
      %select_n3A_1584 = arith.select %and3A_1579, %broadcast_in_dim3A_1582, %broadcast_in_dim3A_1583 : vector<16xi1>, vector<16xi32>
      %broadcast_in_dim3A_1585 = arith.constant true
      %broadcast_in_dim3A_1586 = vector.broadcast %broadcast_in_dim3A_1585 : i1 to vector<16xi1>
      %masked_cumsum3A_1587 = tpu.scan <sum>, %select_n3A_1584 masked %broadcast_in_dim3A_1586 : vector<16xi32>, vector<16xi1> -> vector<16xi32>
      %add3A_1588 = vector.broadcast %while3A_1552 : i32 to vector<16xi32>
      %add3A_1589 = arith.addi %add3A_1588, %masked_cumsum3A_1587 : vector<16xi32>
      %sub3A_1590 = arith.subi %add3A_1589, %select_n3A_1584 : vector<16xi32>
      tpu.vector_store_idx %arg4[%sub3A_1590], %get3A_1556 masked %and3A_1579 : memref<62528xf32, #tpu.memory_space<vmem>>[vector<16xi32>], vector<16xf32>, vector<16xi1>
      %reduce_max3A_1591 = arith.constant true
      %reduce_max3A_1592 = vector.broadcast %reduce_max3A_1591 : i1 to vector<16xi1>
      %reduce_max3A_1593 = arith.constant -2147483648 : i32
      %reduce_max3A_1594 = vector.broadcast %reduce_max3A_1593 : i32 to vector<16xi32>
      %reduce_max3A_1595 = arith.xori %masked_cumsum3A_1587, %reduce_max3A_1594 : vector<16xi32>
      %reduce_max3A_1596 = tpu.scan <max>, %reduce_max3A_1595 masked %reduce_max3A_1592 : vector<16xi32>, vector<16xi1> -> vector<16xi32>
      %reduce_max3A_1597 = arith.xori %reduce_max3A_1596, %reduce_max3A_1594 : vector<16xi32>
      %reduce_max3A_1598 = vector.extract %reduce_max3A_1597[15] : i32 from vector<16xi32>
      %add3A_1599 = arith.addi %while3A_1552, %reduce_max3A_1598 : i32
      scf.yield %add3A_1599 : i32
    }
    %scan3A_1174 = arith.constant 0 : i32
    %scan3A_1175 = arith.constant 0 : i32
    %scan3A_1176 = arith.constant 32 : i32
    %scan3A_1177 = arith.addi %scan3A_1175, %scan3A_1176 : i32
    %scan3A_1178 = arith.constant 1 : i32
    %scan3A_1179 = scf.for %scan3A_1551 = %scan3A_1175 to %scan3A_1177 step %scan3A_1178 iter_args(%scan3A_1552 = %scan3A_1174) -> (i32)  : i32 {
      %mul3A_1553 = arith.constant 128 : i32
      %mul3A_1554 = arith.muli %scan3A_1551, %mul3A_1553 : i32
      %add3A_1555 = arith.constant 0 : i32
      %add3A_1556 = arith.addi %mul3A_1554, %add3A_1555 : i32
      %swap3A_1557 = arith.index_cast %add3A_1556 : i32 to index
      %swap3A_1558 = tpu.vector_load %arg5[%swap3A_1557] {strides = array<i32>} : memref<45056xi32, #tpu.memory_space<vmem>>, vector<16xi32>,
      tpu.vector_store %arg5[%swap3A_1557], %broadcast_in_dim3A_2 {strides = array<i32>} : memref<45056xi32, #tpu.memory_space<vmem>>, vector<16xi32>,
      %mul3A_1559 = arith.constant 128 : i32
      %mul3A_1560 = arith.muli %scan3A_1551, %mul3A_1559 : i32
      %add3A_1561 = arith.constant 16 : i32
      %add3A_1562 = arith.addi %mul3A_1560, %add3A_1561 : i32
      %swap3A_1563 = arith.index_cast %add3A_1562 : i32 to index
      %swap3A_1564 = tpu.vector_load %arg5[%swap3A_1563] {strides = array<i32>} : memref<45056xi32, #tpu.memory_space<vmem>>, vector<16xi32>,
      tpu.vector_store %arg5[%swap3A_1563], %broadcast_in_dim3A_2 {strides = array<i32>} : memref<45056xi32, #tpu.memory_space<vmem>>, vector<16xi32>,
      %mul3A_1565 = arith.constant 128 : i32
      %mul3A_1566 = arith.muli %scan3A_1551, %mul3A_1565 : i32
      %add3A_1567 = arith.constant 32 : i32
      %add3A_1568 = arith.addi %mul3A_1566, %add3A_1567 : i32
      %swap3A_1569 = arith.index_cast %add3A_1568 : i32 to index
      %swap3A_1570 = tpu.vector_load %arg5[%swap3A_1569] {strides = array<i32>} : memref<45056xi32, #tpu.memory_space<vmem>>, vector<16xi32>,
      tpu.vector_store %arg5[%swap3A_1569], %broadcast_in_dim3A_2 {strides = array<i32>} : memref<45056xi32, #tpu.memory_space<vmem>>, vector<16xi32>,
      %mul3A_1571 = arith.constant 128 : i32
      %mul3A_1572 = arith.muli %scan3A_1551, %mul3A_1571 : i32
      %add3A_1573 = arith.constant 48 : i32
      %add3A_1574 = arith.addi %mul3A_1572, %add3A_1573 : i32
      %swap3A_1575 = arith.index_cast %add3A_1574 : i32 to index
      %swap3A_1576 = tpu.vector_load %arg5[%swap3A_1575] {strides = array<i32>} : memref<45056xi32, #tpu.memory_space<vmem>>, vector<16xi32>,
      tpu.vector_store %arg5[%swap3A_1575], %broadcast_in_dim3A_2 {strides = array<i32>} : memref<45056xi32, #tpu.memory_space<vmem>>, vector<16xi32>,
      %mul3A_1577 = arith.constant 128 : i32
      %mul3A_1578 = arith.muli %scan3A_1551, %mul3A_1577 : i32
      %add3A_1579 = arith.constant 64 : i32
      %add3A_1580 = arith.addi %mul3A_1578, %add3A_1579 : i32
      %swap3A_1581 = arith.index_cast %add3A_1580 : i32 to index
      %swap3A_1582 = tpu.vector_load %arg5[%swap3A_1581] {strides = array<i32>} : memref<45056xi32, #tpu.memory_space<vmem>>, vector<16xi32>,
      tpu.vector_store %arg5[%swap3A_1581], %broadcast_in_dim3A_2 {strides = array<i32>} : memref<45056xi32, #tpu.memory_space<vmem>>, vector<16xi32>,
      %mul3A_1583 = arith.constant 128 : i32
      %mul3A_1584 = arith.muli %scan3A_1551, %mul3A_1583 : i32
      %add3A_1585 = arith.constant 80 : i32
      %add3A_1586 = arith.addi %mul3A_1584, %add3A_1585 : i32
      %swap3A_1587 = arith.index_cast %add3A_1586 : i32 to index
      %swap3A_1588 = tpu.vector_load %arg5[%swap3A_1587] {strides = array<i32>} : memref<45056xi32, #tpu.memory_space<vmem>>, vector<16xi32>,
      tpu.vector_store %arg5[%swap3A_1587], %broadcast_in_dim3A_2 {strides = array<i32>} : memref<45056xi32, #tpu.memory_space<vmem>>, vector<16xi32>,
      %mul3A_1589 = arith.constant 128 : i32
      %mul3A_1590 = arith.muli %scan3A_1551, %mul3A_1589 : i32
      %add3A_1591 = arith.constant 96 : i32
      %add3A_1592 = arith.addi %mul3A_1590, %add3A_1591 : i32
      %swap3A_1593 = arith.index_cast %add3A_1592 : i32 to index
      %swap3A_1594 = tpu.vector_load %arg5[%swap3A_1593] {strides = array<i32>} : memref<45056xi32, #tpu.memory_space<vmem>>, vector<16xi32>,
      tpu.vector_store %arg5[%swap3A_1593], %broadcast_in_dim3A_2 {strides = array<i32>} : memref<45056xi32, #tpu.memory_space<vmem>>, vector<16xi32>,
      %mul3A_1595 = arith.constant 128 : i32
      %mul3A_1596 = arith.muli %scan3A_1551, %mul3A_1595 : i32
      %add3A_1597 = arith.constant 112 : i32
      %add3A_1598 = arith.addi %mul3A_1596, %add3A_1597 : i32
      %swap3A_1599 = arith.index_cast %add3A_1598 : i32 to index
      %swap3A_1600 = tpu.vector_load %arg5[%swap3A_1599] {strides = array<i32>} : memref<45056xi32, #tpu.memory_space<vmem>>, vector<16xi32>,
      tpu.vector_store %arg5[%swap3A_1599], %broadcast_in_dim3A_2 {strides = array<i32>} : memref<45056xi32, #tpu.memory_space<vmem>>, vector<16xi32>,
      %scan3A_1601 = arith.constant 0 : i32
      scf.yield %scan3A_1601 : i32
    }
    %scan3A_1180 = arith.constant 32 : i32
    %shift_right_logical3A_1181 = arith.constant 4 : i32
    %shift_right_logical3A_1182 = arith.shrui %while3A_1173, %shift_right_logical3A_1181 : i32
    %shift_left3A_1183 = arith.constant 4 : i32
    %shift_left3A_1184 = arith.shli %shift_right_logical3A_1182, %shift_left3A_1183 : i32
    %sub3A_1185 = arith.subi %while3A_1173, %shift_left3A_1184 : i32
    %while3A_1186 = arith.constant 0 : i32
    %while3A_1187 = arith.constant 0 : i32
    %while3A_1188 = arith.subi %shift_right_logical3A_1182, %while3A_1186 : i32
    %while3A_1189 = arith.addi %while3A_1186, %while3A_1188 : i32
    %while3A_1190 = arith.constant 1 : i32
    %while3A_1191 = arith.divsi %while3A_1188, %while3A_1190 : i32
    %while3A_1192 = arith.muli %while3A_1191, %while3A_1190 : i32
    %while3A_1193 = arith.addi %while3A_1186, %while3A_1192 : i32
    %while3A_1194 = arith.constant 1 : i32
    %while3A_1195 = scf.for %while3A_1551 = %while3A_1186 to %while3A_1193 step %while3A_1194 iter_args(%while3A_1552 = %while3A_1187) -> (i32)  : i32 {
      %mul3A_1553 = arith.constant 16 : i32
      %mul3A_1554 = arith.muli %while3A_1551, %mul3A_1553 : i32
      %get3A_1555 = arith.index_cast %mul3A_1554 : i32 to index
      %get3A_1556 = tpu.vector_load %arg4[%get3A_1555] {strides = array<i32>} : memref<62528xf32, #tpu.memory_space<vmem>>, vector<16xf32>,
      %bitcast_convert_type3A_1557 = tpu.bitcast %get3A_1556 : vector<16xf32> -> vector<16xi32>
      %shift_right_arithmetic3A_1558 = arith.constant 31 : i32
      %shift_right_arithmetic3A_1559 = vector.broadcast %shift_right_arithmetic3A_1558 : i32 to vector<16xi32>
      %shift_right_arithmetic3A_1560 = arith.shrsi %bitcast_convert_type3A_1557, %shift_right_arithmetic3A_1559 : vector<16xi32>
      %or3A_1561 = arith.constant -2147483648 : i32
      %or3A_1562 = vector.broadcast %or3A_1561 : i32 to vector<16xi32>
      %or3A_1563 = arith.ori %shift_right_arithmetic3A_1560, %or3A_1562 : vector<16xi32>
      %xor3A_1564 = arith.xori %bitcast_convert_type3A_1557, %or3A_1563 : vector<16xi32>
      %shift_right_logical3A_1565 = arith.constant 0 : i32
      %shift_right_logical3A_1566 = vector.broadcast %shift_right_logical3A_1565 : i32 to vector<16xi32>
      %shift_right_logical3A_1567 = arith.shrui %xor3A_1564, %shift_right_logical3A_1566 : vector<16xi32>
      %and3A_1568 = arith.constant 255 : i32
      %and3A_1569 = vector.broadcast %and3A_1568 : i32 to vector<16xi32>
      %and3A_1570 = arith.andi %shift_right_logical3A_1567, %and3A_1569 : vector<16xi32>
      %shift_left3A_1571 = arith.constant 4 : i32
      %shift_left3A_1572 = vector.broadcast %shift_left3A_1571 : i32 to vector<16xi32>
      %shift_left3A_1573 = arith.shli %and3A_1570, %shift_left3A_1572 : vector<16xi32>
      %or3A_1574 = arith.ori %shift_left3A_1573, %iota3A : vector<16xi32>
      tpu.vector_store_idx %arg5[%or3A_1574], %broadcast_in_dim3A_0 {add = true} : memref<45056xi32, #tpu.memory_space<vmem>>[vector<16xi32>], vector<16xi32>,
      %while3A_1575 = arith.constant 0 : i32
      scf.yield %while3A_1575 : i32
    }
    %while3A_1196 = arith.constant 1 : i32
    %while3A_1197 = scf.for %while3A_1551 = %while3A_1193 to %while3A_1189 step %while3A_1196 iter_args(%while3A_1552 = %while3A_1195) -> (i32)  : i32 {
      %mul3A_1553 = arith.constant 16 : i32
      %mul3A_1554 = arith.muli %while3A_1551, %mul3A_1553 : i32
      %get3A_1555 = arith.index_cast %mul3A_1554 : i32 to index
      %get3A_1556 = tpu.vector_load %arg4[%get3A_1555] {strides = array<i32>} : memref<62528xf32, #tpu.memory_space<vmem>>, vector<16xf32>,
      %bitcast_convert_type3A_1557 = tpu.bitcast %get3A_1556 : vector<16xf32> -> vector<16xi32>
      %shift_right_arithmetic3A_1558 = arith.constant 31 : i32
      %shift_right_arithmetic3A_1559 = vector.broadcast %shift_right_arithmetic3A_1558 : i32 to vector<16xi32>
      %shift_right_arithmetic3A_1560 = arith.shrsi %bitcast_convert_type3A_1557, %shift_right_arithmetic3A_1559 : vector<16xi32>
      %or3A_1561 = arith.constant -2147483648 : i32
      %or3A_1562 = vector.broadcast %or3A_1561 : i32 to vector<16xi32>
      %or3A_1563 = arith.ori %shift_right_arithmetic3A_1560, %or3A_1562 : vector<16xi32>
      %xor3A_1564 = arith.xori %bitcast_convert_type3A_1557, %or3A_1563 : vector<16xi32>
      %shift_right_logical3A_1565 = arith.constant 0 : i32
      %shift_right_logical3A_1566 = vector.broadcast %shift_right_logical3A_1565 : i32 to vector<16xi32>
      %shift_right_logical3A_1567 = arith.shrui %xor3A_1564, %shift_right_logical3A_1566 : vector<16xi32>
      %and3A_1568 = arith.constant 255 : i32
      %and3A_1569 = vector.broadcast %and3A_1568 : i32 to vector<16xi32>
      %and3A_1570 = arith.andi %shift_right_logical3A_1567, %and3A_1569 : vector<16xi32>
      %shift_left3A_1571 = arith.constant 4 : i32
      %shift_left3A_1572 = vector.broadcast %shift_left3A_1571 : i32 to vector<16xi32>
      %shift_left3A_1573 = arith.shli %and3A_1570, %shift_left3A_1572 : vector<16xi32>
      %or3A_1574 = arith.ori %shift_left3A_1573, %iota3A : vector<16xi32>
      tpu.vector_store_idx %arg5[%or3A_1574], %broadcast_in_dim3A_0 {add = true} : memref<45056xi32, #tpu.memory_space<vmem>>[vector<16xi32>], vector<16xi32>,
      %while3A_1575 = arith.constant 0 : i32
      scf.yield %while3A_1575 : i32
    }
    %mul3A_1198 = arith.constant 16 : i32
    %mul3A_1199 = arith.muli %shift_right_logical3A_1182, %mul3A_1198 : i32
    %get3A_1200 = arith.index_cast %mul3A_1199 : i32 to index
    %get3A_1201 = tpu.vector_load %arg4[%get3A_1200] {strides = array<i32>} : memref<62528xf32, #tpu.memory_space<vmem>>, vector<16xf32>,
    %bitcast_convert_type3A_1202 = tpu.bitcast %get3A_1201 : vector<16xf32> -> vector<16xi32>
    %shift_right_arithmetic3A_1203 = arith.constant 31 : i32
    %shift_right_arithmetic3A_1204 = vector.broadcast %shift_right_arithmetic3A_1203 : i32 to vector<16xi32>
    %shift_right_arithmetic3A_1205 = arith.shrsi %bitcast_convert_type3A_1202, %shift_right_arithmetic3A_1204 : vector<16xi32>
    %or3A_1206 = arith.constant -2147483648 : i32
    %or3A_1207 = vector.broadcast %or3A_1206 : i32 to vector<16xi32>
    %or3A_1208 = arith.ori %shift_right_arithmetic3A_1205, %or3A_1207 : vector<16xi32>
    %xor3A_1209 = arith.xori %bitcast_convert_type3A_1202, %or3A_1208 : vector<16xi32>
    %shift_right_logical3A_1210 = arith.constant 0 : i32
    %shift_right_logical3A_1211 = vector.broadcast %shift_right_logical3A_1210 : i32 to vector<16xi32>
    %shift_right_logical3A_1212 = arith.shrui %xor3A_1209, %shift_right_logical3A_1211 : vector<16xi32>
    %and3A_1213 = arith.constant 255 : i32
    %and3A_1214 = vector.broadcast %and3A_1213 : i32 to vector<16xi32>
    %and3A_1215 = arith.andi %shift_right_logical3A_1212, %and3A_1214 : vector<16xi32>
    %shift_left3A_1216 = arith.constant 4 : i32
    %shift_left3A_1217 = vector.broadcast %shift_left3A_1216 : i32 to vector<16xi32>
    %shift_left3A_1218 = arith.shli %and3A_1215, %shift_left3A_1217 : vector<16xi32>
    %or3A_1219 = arith.ori %shift_left3A_1218, %iota3A : vector<16xi32>
    %lt3A_1220 = vector.broadcast %sub3A_1185 : i32 to vector<16xi32>
    %lt3A_1221 = arith.cmpi slt, %iota3A, %lt3A_1220 : vector<16xi32>
    tpu.vector_store_idx %arg5[%or3A_1219], %broadcast_in_dim3A_0 masked %lt3A_1221 {add = true} : memref<45056xi32, #tpu.memory_space<vmem>>[vector<16xi32>], vector<16xi32>, vector<16xi1>
    "tpu.region"() ({
      %run_scoped3A = tpu.sem_alloc : memref<!tpu.dma_semaphore, #tpu.memory_space<semaphore_mem>>
      %dma_start3A = arith.constant 0 : i32
      %dma_start3A_1551 = tpu.memref_slice %arg5[%dma_start3A] : memref<45056xi32, #tpu.memory_space<vmem>> -> memref<4096xi32, #tpu.memory_space<vmem>>
      %dma_start3A_1552 = arith.constant 0 : i32
      %dma_start3A_1553 = tpu.memref_slice %arg11[%arg1, %dma_start3A_1552] : memref<16x4096xi32, #tpu.memory_space<vmem_shared>> -> memref<1x4096xi32, #tpu.memory_space<vmem_shared>>
      %dma_start3A_1554 = tpu.memref_squeeze %dma_start3A_1553 : memref<1x4096xi32, #tpu.memory_space<vmem_shared>> -> memref<4096xi32, #tpu.memory_space<vmem_shared>>
      %dma_start3A_1555 = arith.constant 0 : i32
      %dma_start3A_1556 = tpu.memref_slice %arg11[%arg1, %dma_start3A_1555] : memref<16x4096xi32, #tpu.memory_space<vmem_shared>> -> memref<1x4096xi32, #tpu.memory_space<vmem_shared>>
      %dma_start3A_1557 = tpu.memref_squeeze %dma_start3A_1556 : memref<1x4096xi32, #tpu.memory_space<vmem_shared>> -> memref<4096xi32, #tpu.memory_space<vmem_shared>>
      %dma_start3A_1558 = arith.constant 0 : i32
      %dma_start3A_1559 = tpu.memref_slice %arg5[%dma_start3A_1558] : memref<45056xi32, #tpu.memory_space<vmem>> -> memref<4096xi32, #tpu.memory_space<vmem>>
      tpu.enqueue_dma source(%dma_start3A_1559 : memref<4096xi32, #tpu.memory_space<vmem>>) target(%dma_start3A_1557 : memref<4096xi32, #tpu.memory_space<vmem_shared>>) target_semaphore(%run_scoped3A : memref<!tpu.dma_semaphore, #tpu.memory_space<semaphore_mem>>)
      %dma_wait3A = arith.constant 0 : i32
      %dma_wait3A_1560 = tpu.memref_slice %arg5[%dma_wait3A] : memref<45056xi32, #tpu.memory_space<vmem>> -> memref<4096xi32, #tpu.memory_space<vmem>>
      %dma_wait3A_1561 = arith.constant 0 : i32
      %dma_wait3A_1562 = tpu.memref_slice %arg11[%arg1, %dma_wait3A_1561] : memref<16x4096xi32, #tpu.memory_space<vmem_shared>> -> memref<1x4096xi32, #tpu.memory_space<vmem_shared>>
      %dma_wait3A_1563 = tpu.memref_squeeze %dma_wait3A_1562 : memref<1x4096xi32, #tpu.memory_space<vmem_shared>> -> memref<4096xi32, #tpu.memory_space<vmem_shared>>
      %dma_wait3A_1564 = arith.constant 0 : i32
      %dma_wait3A_1565 = tpu.memref_slice %arg11[%arg1, %dma_wait3A_1564] : memref<16x4096xi32, #tpu.memory_space<vmem_shared>> -> memref<1x4096xi32, #tpu.memory_space<vmem_shared>>
      %dma_wait3A_1566 = tpu.memref_squeeze %dma_wait3A_1565 : memref<1x4096xi32, #tpu.memory_space<vmem_shared>> -> memref<4096xi32, #tpu.memory_space<vmem_shared>>
      %dma_wait3A_1567 = arith.constant 0 : i32
      %dma_wait3A_1568 = tpu.memref_slice %arg5[%dma_wait3A_1567] : memref<45056xi32, #tpu.memory_space<vmem>> -> memref<4096xi32, #tpu.memory_space<vmem>>
      tpu.wait_dma2 semaphore(%run_scoped3A : memref<!tpu.dma_semaphore, #tpu.memory_space<semaphore_mem>>) src(%dma_wait3A_1568 : memref<4096xi32, #tpu.memory_space<vmem>>) dst(%dma_wait3A_1566 : memref<4096xi32, #tpu.memory_space<vmem_shared>>)
      tpu.yield
    }) : () -> ()
    %barrier3A_1222 = arith.constant 0 : index
    tpu.barrier barrier_id(%barrier3A_1222)
    %mul3A_1223 = arith.constant 256 : i32
    %mul3A_1224 = arith.muli %arg1, %mul3A_1223 : i32
    "tpu.region"() ({
      %run_scoped3A = tpu.sem_alloc : memref<!tpu.dma_semaphore, #tpu.memory_space<semaphore_mem>>
      %dma_start3A = arith.constant 0 : i32
      %dma_start3A_1551 = tpu.memref_slice %arg11[%dma_start3A, %mul3A_1224] : memref<16x4096xi32, #tpu.memory_space<vmem_shared>> -> memref<16x256xi32, #tpu.memory_space<vmem_shared>>
      %dma_start3A_1552 = arith.constant 0 : i32
      %dma_start3A_1553 = tpu.memref_slice %arg11[%dma_start3A_1552, %mul3A_1224] : memref<16x4096xi32, #tpu.memory_space<vmem_shared>> -> memref<16x256xi32, #tpu.memory_space<vmem_shared>>
      tpu.enqueue_dma source(%dma_start3A_1553 : memref<16x256xi32, #tpu.memory_space<vmem_shared>>) target(%arg6 : memref<16x256xi32, #tpu.memory_space<vmem>>) target_semaphore(%run_scoped3A : memref<!tpu.dma_semaphore, #tpu.memory_space<semaphore_mem>>)
      %dma_wait3A = arith.constant 0 : i32
      %dma_wait3A_1554 = tpu.memref_slice %arg11[%dma_wait3A, %mul3A_1224] : memref<16x4096xi32, #tpu.memory_space<vmem_shared>> -> memref<16x256xi32, #tpu.memory_space<vmem_shared>>
      %dma_wait3A_1555 = arith.constant 0 : i32
      %dma_wait3A_1556 = tpu.memref_slice %arg11[%dma_wait3A_1555, %mul3A_1224] : memref<16x4096xi32, #tpu.memory_space<vmem_shared>> -> memref<16x256xi32, #tpu.memory_space<vmem_shared>>
      tpu.wait_dma2 semaphore(%run_scoped3A : memref<!tpu.dma_semaphore, #tpu.memory_space<semaphore_mem>>) src(%dma_wait3A_1556 : memref<16x256xi32, #tpu.memory_space<vmem_shared>>) dst(%arg6 : memref<16x256xi32, #tpu.memory_space<vmem>>)
      tpu.yield
    }) : () -> ()
    %scan3A_1225 = arith.constant 0 : i32
    %scan3A_1226 = arith.constant 16 : i32
    %scan3A_1227 = arith.addi %scan3A_1225, %scan3A_1226 : i32
    %scan3A_1228 = arith.constant 1 : i32
    %scan3A_1229 = scf.for %scan3A_1551 = %scan3A_1225 to %scan3A_1227 step %scan3A_1228 iter_args(%scan3A_1552 = %broadcast_in_dim3A_2) -> (vector<16xi32>)  : i32 {
      %mul3A_1553 = arith.constant 16 : i32
      %mul3A_1554 = arith.muli %scan3A_1551, %mul3A_1553 : i32
      %get3A_1555 = arith.constant 0 : i32
      %get3A_1556 = arith.index_cast %get3A_1555 : i32 to index
      %get3A_1557 = arith.index_cast %mul3A_1554 : i32 to index
      %get3A_1558 = tpu.vector_load %arg6[%get3A_1556, %get3A_1557] {strides = array<i32>} : memref<16x256xi32, #tpu.memory_space<vmem>>, vector<16xi32>,
      %mul3A_1559 = arith.constant 16 : i32
      %mul3A_1560 = arith.muli %scan3A_1551, %mul3A_1559 : i32
      %get3A_1561 = arith.constant 1 : i32
      %get3A_1562 = arith.index_cast %get3A_1561 : i32 to index
      %get3A_1563 = arith.index_cast %mul3A_1560 : i32 to index
      %get3A_1564 = tpu.vector_load %arg6[%get3A_1562, %get3A_1563] {strides = array<i32>} : memref<16x256xi32, #tpu.memory_space<vmem>>, vector<16xi32>,
      %add3A_1565 = arith.addi %get3A_1558, %get3A_1564 : vector<16xi32>
      %mul3A_1566 = arith.constant 16 : i32
      %mul3A_1567 = arith.muli %scan3A_1551, %mul3A_1566 : i32
      %get3A_1568 = arith.constant 2 : i32
      %get3A_1569 = arith.index_cast %get3A_1568 : i32 to index
      %get3A_1570 = arith.index_cast %mul3A_1567 : i32 to index
      %get3A_1571 = tpu.vector_load %arg6[%get3A_1569, %get3A_1570] {strides = array<i32>} : memref<16x256xi32, #tpu.memory_space<vmem>>, vector<16xi32>,
      %add3A_1572 = arith.addi %add3A_1565, %get3A_1571 : vector<16xi32>
      %mul3A_1573 = arith.constant 16 : i32
      %mul3A_1574 = arith.muli %scan3A_1551, %mul3A_1573 : i32
      %get3A_1575 = arith.constant 3 : i32
      %get3A_1576 = arith.index_cast %get3A_1575 : i32 to index
      %get3A_1577 = arith.index_cast %mul3A_1574 : i32 to index
      %get3A_1578 = tpu.vector_load %arg6[%get3A_1576, %get3A_1577] {strides = array<i32>} : memref<16x256xi32, #tpu.memory_space<vmem>>, vector<16xi32>,
      %add3A_1579 = arith.addi %add3A_1572, %get3A_1578 : vector<16xi32>
      %mul3A_1580 = arith.constant 16 : i32
      %mul3A_1581 = arith.muli %scan3A_1551, %mul3A_1580 : i32
      %get3A_1582 = arith.constant 4 : i32
      %get3A_1583 = arith.index_cast %get3A_1582 : i32 to index
      %get3A_1584 = arith.index_cast %mul3A_1581 : i32 to index
      %get3A_1585 = tpu.vector_load %arg6[%get3A_1583, %get3A_1584] {strides = array<i32>} : memref<16x256xi32, #tpu.memory_space<vmem>>, vector<16xi32>,
      %add3A_1586 = arith.addi %add3A_1579, %get3A_1585 : vector<16xi32>
      %mul3A_1587 = arith.constant 16 : i32
      %mul3A_1588 = arith.muli %scan3A_1551, %mul3A_1587 : i32
      %get3A_1589 = arith.constant 5 : i32
      %get3A_1590 = arith.index_cast %get3A_1589 : i32 to index
      %get3A_1591 = arith.index_cast %mul3A_1588 : i32 to index
      %get3A_1592 = tpu.vector_load %arg6[%get3A_1590, %get3A_1591] {strides = array<i32>} : memref<16x256xi32, #tpu.memory_space<vmem>>, vector<16xi32>,
      %add3A_1593 = arith.addi %add3A_1586, %get3A_1592 : vector<16xi32>
      %mul3A_1594 = arith.constant 16 : i32
      %mul3A_1595 = arith.muli %scan3A_1551, %mul3A_1594 : i32
      %get3A_1596 = arith.constant 6 : i32
      %get3A_1597 = arith.index_cast %get3A_1596 : i32 to index
      %get3A_1598 = arith.index_cast %mul3A_1595 : i32 to index
      %get3A_1599 = tpu.vector_load %arg6[%get3A_1597, %get3A_1598] {strides = array<i32>} : memref<16x256xi32, #tpu.memory_space<vmem>>, vector<16xi32>,
      %add3A_1600 = arith.addi %add3A_1593, %get3A_1599 : vector<16xi32>
      %mul3A_1601 = arith.constant 16 : i32
      %mul3A_1602 = arith.muli %scan3A_1551, %mul3A_1601 : i32
      %get3A_1603 = arith.constant 7 : i32
      %get3A_1604 = arith.index_cast %get3A_1603 : i32 to index
      %get3A_1605 = arith.index_cast %mul3A_1602 : i32 to index
      %get3A_1606 = tpu.vector_load %arg6[%get3A_1604, %get3A_1605] {strides = array<i32>} : memref<16x256xi32, #tpu.memory_space<vmem>>, vector<16xi32>,
      %add3A_1607 = arith.addi %add3A_1600, %get3A_1606 : vector<16xi32>
      %mul3A_1608 = arith.constant 16 : i32
      %mul3A_1609 = arith.muli %scan3A_1551, %mul3A_1608 : i32
      %get3A_1610 = arith.constant 8 : i32
      %get3A_1611 = arith.index_cast %get3A_1610 : i32 to index
      %get3A_1612 = arith.index_cast %mul3A_1609 : i32 to index
      %get3A_1613 = tpu.vector_load %arg6[%get3A_1611, %get3A_1612] {strides = array<i32>} : memref<16x256xi32, #tpu.memory_space<vmem>>, vector<16xi32>,
      %add3A_1614 = arith.addi %add3A_1607, %get3A_1613 : vector<16xi32>
      %mul3A_1615 = arith.constant 16 : i32
      %mul3A_1616 = arith.muli %scan3A_1551, %mul3A_1615 : i32
      %get3A_1617 = arith.constant 9 : i32
      %get3A_1618 = arith.index_cast %get3A_1617 : i32 to index
      %get3A_1619 = arith.index_cast %mul3A_1616 : i32 to index
      %get3A_1620 = tpu.vector_load %arg6[%get3A_1618, %get3A_1619] {strides = array<i32>} : memref<16x256xi32, #tpu.memory_space<vmem>>, vector<16xi32>,
      %add3A_1621 = arith.addi %add3A_1614, %get3A_1620 : vector<16xi32>
      %mul3A_1622 = arith.constant 16 : i32
      %mul3A_1623 = arith.muli %scan3A_1551, %mul3A_1622 : i32
      %get3A_1624 = arith.constant 10 : i32
      %get3A_1625 = arith.index_cast %get3A_1624 : i32 to index
      %get3A_1626 = arith.index_cast %mul3A_1623 : i32 to index
      %get3A_1627 = tpu.vector_load %arg6[%get3A_1625, %get3A_1626] {strides = array<i32>} : memref<16x256xi32, #tpu.memory_space<vmem>>, vector<16xi32>,
      %add3A_1628 = arith.addi %add3A_1621, %get3A_1627 : vector<16xi32>
      %mul3A_1629 = arith.constant 16 : i32
      %mul3A_1630 = arith.muli %scan3A_1551, %mul3A_1629 : i32
      %get3A_1631 = arith.constant 11 : i32
      %get3A_1632 = arith.index_cast %get3A_1631 : i32 to index
      %get3A_1633 = arith.index_cast %mul3A_1630 : i32 to index
      %get3A_1634 = tpu.vector_load %arg6[%get3A_1632, %get3A_1633] {strides = array<i32>} : memref<16x256xi32, #tpu.memory_space<vmem>>, vector<16xi32>,
      %add3A_1635 = arith.addi %add3A_1628, %get3A_1634 : vector<16xi32>
      %mul3A_1636 = arith.constant 16 : i32
      %mul3A_1637 = arith.muli %scan3A_1551, %mul3A_1636 : i32
      %get3A_1638 = arith.constant 12 : i32
      %get3A_1639 = arith.index_cast %get3A_1638 : i32 to index
      %get3A_1640 = arith.index_cast %mul3A_1637 : i32 to index
      %get3A_1641 = tpu.vector_load %arg6[%get3A_1639, %get3A_1640] {strides = array<i32>} : memref<16x256xi32, #tpu.memory_space<vmem>>, vector<16xi32>,
      %add3A_1642 = arith.addi %add3A_1635, %get3A_1641 : vector<16xi32>
      %mul3A_1643 = arith.constant 16 : i32
      %mul3A_1644 = arith.muli %scan3A_1551, %mul3A_1643 : i32
      %get3A_1645 = arith.constant 13 : i32
      %get3A_1646 = arith.index_cast %get3A_1645 : i32 to index
      %get3A_1647 = arith.index_cast %mul3A_1644 : i32 to index
      %get3A_1648 = tpu.vector_load %arg6[%get3A_1646, %get3A_1647] {strides = array<i32>} : memref<16x256xi32, #tpu.memory_space<vmem>>, vector<16xi32>,
      %add3A_1649 = arith.addi %add3A_1642, %get3A_1648 : vector<16xi32>
      %mul3A_1650 = arith.constant 16 : i32
      %mul3A_1651 = arith.muli %scan3A_1551, %mul3A_1650 : i32
      %get3A_1652 = arith.constant 14 : i32
      %get3A_1653 = arith.index_cast %get3A_1652 : i32 to index
      %get3A_1654 = arith.index_cast %mul3A_1651 : i32 to index
      %get3A_1655 = tpu.vector_load %arg6[%get3A_1653, %get3A_1654] {strides = array<i32>} : memref<16x256xi32, #tpu.memory_space<vmem>>, vector<16xi32>,
      %add3A_1656 = arith.addi %add3A_1649, %get3A_1655 : vector<16xi32>
      %mul3A_1657 = arith.constant 16 : i32
      %mul3A_1658 = arith.muli %scan3A_1551, %mul3A_1657 : i32
      %get3A_1659 = arith.constant 15 : i32
      %get3A_1660 = arith.index_cast %get3A_1659 : i32 to index
      %get3A_1661 = arith.index_cast %mul3A_1658 : i32 to index
      %get3A_1662 = tpu.vector_load %arg6[%get3A_1660, %get3A_1661] {strides = array<i32>} : memref<16x256xi32, #tpu.memory_space<vmem>>, vector<16xi32>,
      %add3A_1663 = arith.addi %add3A_1656, %get3A_1662 : vector<16xi32>
      %reduce_sum3A_1664 = arith.constant true
      %reduce_sum3A_1665 = vector.broadcast %reduce_sum3A_1664 : i1 to vector<16xi1>
      %reduce_sum3A_1666 = tpu.scan <sum>, %add3A_1663 masked %reduce_sum3A_1665 : vector<16xi32>, vector<16xi1> -> vector<16xi32>
      %reduce_sum3A_1667 = vector.extract %reduce_sum3A_1666[15] : i32 from vector<16xi32>
      %eq3A_1668 = vector.broadcast %scan3A_1551 : i32 to vector<16xi32>
      %eq3A_1669 = arith.cmpi eq, %iota3A, %eq3A_1668 : vector<16xi32>
      %broadcast_in_dim3A_1670 = vector.broadcast %reduce_sum3A_1667 : i32 to vector<16xi32>
      %select_n3A_1671 = arith.select %eq3A_1669, %broadcast_in_dim3A_1670, %scan3A_1552 : vector<16xi1>, vector<16xi32>
      scf.yield %select_n3A_1671 : vector<16xi32>
    }
    %scan3A_1230 = arith.constant 16 : i32
    %swap3A_1231 = arith.constant 0 : index
    %swap3A_1232 = tpu.vector_load %arg9[%swap3A_1231] {strides = array<i32>} : memref<16xi32, #tpu.memory_space<vmem>>, vector<16xi32>,
    tpu.vector_store %arg9[%swap3A_1231], %scan3A_1229 {strides = array<i32>} : memref<16xi32, #tpu.memory_space<vmem>>, vector<16xi32>,
    %mul3A_1233 = arith.constant 16 : i32
    %mul3A_1234 = arith.muli %arg1, %mul3A_1233 : i32
    "tpu.region"() ({
      %run_scoped3A = tpu.sem_alloc : memref<!tpu.dma_semaphore, #tpu.memory_space<semaphore_mem>>
      %dma_start3A = tpu.memref_slice %arg12[%mul3A_1234] : memref<256xi32, #tpu.memory_space<vmem_shared>> -> memref<16xi32, #tpu.memory_space<vmem_shared>>
      %dma_start3A_1551 = tpu.memref_slice %arg12[%mul3A_1234] : memref<256xi32, #tpu.memory_space<vmem_shared>> -> memref<16xi32, #tpu.memory_space<vmem_shared>>
      tpu.enqueue_dma source(%arg9 : memref<16xi32, #tpu.memory_space<vmem>>) target(%dma_start3A_1551 : memref<16xi32, #tpu.memory_space<vmem_shared>>) target_semaphore(%run_scoped3A : memref<!tpu.dma_semaphore, #tpu.memory_space<semaphore_mem>>)
      %dma_wait3A = tpu.memref_slice %arg12[%mul3A_1234] : memref<256xi32, #tpu.memory_space<vmem_shared>> -> memref<16xi32, #tpu.memory_space<vmem_shared>>
      %dma_wait3A_1552 = tpu.memref_slice %arg12[%mul3A_1234] : memref<256xi32, #tpu.memory_space<vmem_shared>> -> memref<16xi32, #tpu.memory_space<vmem_shared>>
      tpu.wait_dma2 semaphore(%run_scoped3A : memref<!tpu.dma_semaphore, #tpu.memory_space<semaphore_mem>>) src(%arg9 : memref<16xi32, #tpu.memory_space<vmem>>) dst(%dma_wait3A_1552 : memref<16xi32, #tpu.memory_space<vmem_shared>>)
      tpu.yield
    }) : () -> ()
    %barrier3A_1235 = arith.constant 0 : index
    tpu.barrier barrier_id(%barrier3A_1235)
    "tpu.region"() ({
      %run_scoped3A = tpu.sem_alloc : memref<!tpu.dma_semaphore, #tpu.memory_space<semaphore_mem>>
      tpu.enqueue_dma source(%arg12 : memref<256xi32, #tpu.memory_space<vmem_shared>>) target(%arg7 : memref<256xi32, #tpu.memory_space<vmem>>) target_semaphore(%run_scoped3A : memref<!tpu.dma_semaphore, #tpu.memory_space<semaphore_mem>>)
      tpu.wait_dma2 semaphore(%run_scoped3A : memref<!tpu.dma_semaphore, #tpu.memory_space<semaphore_mem>>) src(%arg12 : memref<256xi32, #tpu.memory_space<vmem_shared>>) dst(%arg7 : memref<256xi32, #tpu.memory_space<vmem>>)
      tpu.yield
    }) : () -> ()
    %get3A_1236 = arith.constant 0 : index
    %get3A_1237 = tpu.vector_load %arg7[%get3A_1236] {strides = array<i32>} : memref<256xi32, #tpu.memory_space<vmem>>, vector<16xi32>,
    %reduce_sum3A_1238 = arith.constant true
    %reduce_sum3A_1239 = vector.broadcast %reduce_sum3A_1238 : i1 to vector<16xi1>
    %reduce_sum3A_1240 = tpu.scan <sum>, %get3A_1237 masked %reduce_sum3A_1239 : vector<16xi32>, vector<16xi1> -> vector<16xi32>
    %reduce_sum3A_1241 = vector.extract %reduce_sum3A_1240[15] : i32 from vector<16xi32>
    %eq3A_1242 = arith.constant 0 : i32
    %eq3A_1243 = vector.broadcast %eq3A_1242 : i32 to vector<16xi32>
    %eq3A_1244 = arith.cmpi eq, %iota3A, %eq3A_1243 : vector<16xi32>
    %broadcast_in_dim3A_1245 = vector.broadcast %reduce_sum3A_1241 : i32 to vector<16xi32>
    %select_n3A_1246 = arith.select %eq3A_1244, %broadcast_in_dim3A_1245, %broadcast_in_dim3A_2 : vector<16xi1>, vector<16xi32>
    %get3A_1247 = arith.constant 16 : index
    %get3A_1248 = tpu.vector_load %arg7[%get3A_1247] {strides = array<i32>} : memref<256xi32, #tpu.memory_space<vmem>>, vector<16xi32>,
    %reduce_sum3A_1249 = arith.constant true
    %reduce_sum3A_1250 = vector.broadcast %reduce_sum3A_1249 : i1 to vector<16xi1>
    %reduce_sum3A_1251 = tpu.scan <sum>, %get3A_1248 masked %reduce_sum3A_1250 : vector<16xi32>, vector<16xi1> -> vector<16xi32>
    %reduce_sum3A_1252 = vector.extract %reduce_sum3A_1251[15] : i32 from vector<16xi32>
    %eq3A_1253 = arith.constant 1 : i32
    %eq3A_1254 = vector.broadcast %eq3A_1253 : i32 to vector<16xi32>
    %eq3A_1255 = arith.cmpi eq, %iota3A, %eq3A_1254 : vector<16xi32>
    %broadcast_in_dim3A_1256 = vector.broadcast %reduce_sum3A_1252 : i32 to vector<16xi32>
    %select_n3A_1257 = arith.select %eq3A_1255, %broadcast_in_dim3A_1256, %select_n3A_1246 : vector<16xi1>, vector<16xi32>
    %get3A_1258 = arith.constant 32 : index
    %get3A_1259 = tpu.vector_load %arg7[%get3A_1258] {strides = array<i32>} : memref<256xi32, #tpu.memory_space<vmem>>, vector<16xi32>,
    %reduce_sum3A_1260 = arith.constant true
    %reduce_sum3A_1261 = vector.broadcast %reduce_sum3A_1260 : i1 to vector<16xi1>
    %reduce_sum3A_1262 = tpu.scan <sum>, %get3A_1259 masked %reduce_sum3A_1261 : vector<16xi32>, vector<16xi1> -> vector<16xi32>
    %reduce_sum3A_1263 = vector.extract %reduce_sum3A_1262[15] : i32 from vector<16xi32>
    %eq3A_1264 = arith.constant 2 : i32
    %eq3A_1265 = vector.broadcast %eq3A_1264 : i32 to vector<16xi32>
    %eq3A_1266 = arith.cmpi eq, %iota3A, %eq3A_1265 : vector<16xi32>
    %broadcast_in_dim3A_1267 = vector.broadcast %reduce_sum3A_1263 : i32 to vector<16xi32>
    %select_n3A_1268 = arith.select %eq3A_1266, %broadcast_in_dim3A_1267, %select_n3A_1257 : vector<16xi1>, vector<16xi32>
    %get3A_1269 = arith.constant 48 : index
    %get3A_1270 = tpu.vector_load %arg7[%get3A_1269] {strides = array<i32>} : memref<256xi32, #tpu.memory_space<vmem>>, vector<16xi32>,
    %reduce_sum3A_1271 = arith.constant true
    %reduce_sum3A_1272 = vector.broadcast %reduce_sum3A_1271 : i1 to vector<16xi1>
    %reduce_sum3A_1273 = tpu.scan <sum>, %get3A_1270 masked %reduce_sum3A_1272 : vector<16xi32>, vector<16xi1> -> vector<16xi32>
    %reduce_sum3A_1274 = vector.extract %reduce_sum3A_1273[15] : i32 from vector<16xi32>
    %eq3A_1275 = arith.constant 3 : i32
    %eq3A_1276 = vector.broadcast %eq3A_1275 : i32 to vector<16xi32>
    %eq3A_1277 = arith.cmpi eq, %iota3A, %eq3A_1276 : vector<16xi32>
    %broadcast_in_dim3A_1278 = vector.broadcast %reduce_sum3A_1274 : i32 to vector<16xi32>
    %select_n3A_1279 = arith.select %eq3A_1277, %broadcast_in_dim3A_1278, %select_n3A_1268 : vector<16xi1>, vector<16xi32>
    %get3A_1280 = arith.constant 64 : index
    %get3A_1281 = tpu.vector_load %arg7[%get3A_1280] {strides = array<i32>} : memref<256xi32, #tpu.memory_space<vmem>>, vector<16xi32>,
    %reduce_sum3A_1282 = arith.constant true
    %reduce_sum3A_1283 = vector.broadcast %reduce_sum3A_1282 : i1 to vector<16xi1>
    %reduce_sum3A_1284 = tpu.scan <sum>, %get3A_1281 masked %reduce_sum3A_1283 : vector<16xi32>, vector<16xi1> -> vector<16xi32>
    %reduce_sum3A_1285 = vector.extract %reduce_sum3A_1284[15] : i32 from vector<16xi32>
    %eq3A_1286 = arith.constant 4 : i32
    %eq3A_1287 = vector.broadcast %eq3A_1286 : i32 to vector<16xi32>
    %eq3A_1288 = arith.cmpi eq, %iota3A, %eq3A_1287 : vector<16xi32>
    %broadcast_in_dim3A_1289 = vector.broadcast %reduce_sum3A_1285 : i32 to vector<16xi32>
    %select_n3A_1290 = arith.select %eq3A_1288, %broadcast_in_dim3A_1289, %select_n3A_1279 : vector<16xi1>, vector<16xi32>
    %get3A_1291 = arith.constant 80 : index
    %get3A_1292 = tpu.vector_load %arg7[%get3A_1291] {strides = array<i32>} : memref<256xi32, #tpu.memory_space<vmem>>, vector<16xi32>,
    %reduce_sum3A_1293 = arith.constant true
    %reduce_sum3A_1294 = vector.broadcast %reduce_sum3A_1293 : i1 to vector<16xi1>
    %reduce_sum3A_1295 = tpu.scan <sum>, %get3A_1292 masked %reduce_sum3A_1294 : vector<16xi32>, vector<16xi1> -> vector<16xi32>
    %reduce_sum3A_1296 = vector.extract %reduce_sum3A_1295[15] : i32 from vector<16xi32>
    %eq3A_1297 = arith.constant 5 : i32
    %eq3A_1298 = vector.broadcast %eq3A_1297 : i32 to vector<16xi32>
    %eq3A_1299 = arith.cmpi eq, %iota3A, %eq3A_1298 : vector<16xi32>
    %broadcast_in_dim3A_1300 = vector.broadcast %reduce_sum3A_1296 : i32 to vector<16xi32>
    %select_n3A_1301 = arith.select %eq3A_1299, %broadcast_in_dim3A_1300, %select_n3A_1290 : vector<16xi1>, vector<16xi32>
    %get3A_1302 = arith.constant 96 : index
    %get3A_1303 = tpu.vector_load %arg7[%get3A_1302] {strides = array<i32>} : memref<256xi32, #tpu.memory_space<vmem>>, vector<16xi32>,
    %reduce_sum3A_1304 = arith.constant true
    %reduce_sum3A_1305 = vector.broadcast %reduce_sum3A_1304 : i1 to vector<16xi1>
    %reduce_sum3A_1306 = tpu.scan <sum>, %get3A_1303 masked %reduce_sum3A_1305 : vector<16xi32>, vector<16xi1> -> vector<16xi32>
    %reduce_sum3A_1307 = vector.extract %reduce_sum3A_1306[15] : i32 from vector<16xi32>
    %eq3A_1308 = arith.constant 6 : i32
    %eq3A_1309 = vector.broadcast %eq3A_1308 : i32 to vector<16xi32>
    %eq3A_1310 = arith.cmpi eq, %iota3A, %eq3A_1309 : vector<16xi32>
    %broadcast_in_dim3A_1311 = vector.broadcast %reduce_sum3A_1307 : i32 to vector<16xi32>
    %select_n3A_1312 = arith.select %eq3A_1310, %broadcast_in_dim3A_1311, %select_n3A_1301 : vector<16xi1>, vector<16xi32>
    %get3A_1313 = arith.constant 112 : index
    %get3A_1314 = tpu.vector_load %arg7[%get3A_1313] {strides = array<i32>} : memref<256xi32, #tpu.memory_space<vmem>>, vector<16xi32>,
    %reduce_sum3A_1315 = arith.constant true
    %reduce_sum3A_1316 = vector.broadcast %reduce_sum3A_1315 : i1 to vector<16xi1>
    %reduce_sum3A_1317 = tpu.scan <sum>, %get3A_1314 masked %reduce_sum3A_1316 : vector<16xi32>, vector<16xi1> -> vector<16xi32>
    %reduce_sum3A_1318 = vector.extract %reduce_sum3A_1317[15] : i32 from vector<16xi32>
    %eq3A_1319 = arith.constant 7 : i32
    %eq3A_1320 = vector.broadcast %eq3A_1319 : i32 to vector<16xi32>
    %eq3A_1321 = arith.cmpi eq, %iota3A, %eq3A_1320 : vector<16xi32>
    %broadcast_in_dim3A_1322 = vector.broadcast %reduce_sum3A_1318 : i32 to vector<16xi32>
    %select_n3A_1323 = arith.select %eq3A_1321, %broadcast_in_dim3A_1322, %select_n3A_1312 : vector<16xi1>, vector<16xi32>
    %get3A_1324 = arith.constant 128 : index
    %get3A_1325 = tpu.vector_load %arg7[%get3A_1324] {strides = array<i32>} : memref<256xi32, #tpu.memory_space<vmem>>, vector<16xi32>,
    %reduce_sum3A_1326 = arith.constant true
    %reduce_sum3A_1327 = vector.broadcast %reduce_sum3A_1326 : i1 to vector<16xi1>
    %reduce_sum3A_1328 = tpu.scan <sum>, %get3A_1325 masked %reduce_sum3A_1327 : vector<16xi32>, vector<16xi1> -> vector<16xi32>
    %reduce_sum3A_1329 = vector.extract %reduce_sum3A_1328[15] : i32 from vector<16xi32>
    %eq3A_1330 = arith.constant 8 : i32
    %eq3A_1331 = vector.broadcast %eq3A_1330 : i32 to vector<16xi32>
    %eq3A_1332 = arith.cmpi eq, %iota3A, %eq3A_1331 : vector<16xi32>
    %broadcast_in_dim3A_1333 = vector.broadcast %reduce_sum3A_1329 : i32 to vector<16xi32>
    %select_n3A_1334 = arith.select %eq3A_1332, %broadcast_in_dim3A_1333, %select_n3A_1323 : vector<16xi1>, vector<16xi32>
    %get3A_1335 = arith.constant 144 : index
    %get3A_1336 = tpu.vector_load %arg7[%get3A_1335] {strides = array<i32>} : memref<256xi32, #tpu.memory_space<vmem>>, vector<16xi32>,
    %reduce_sum3A_1337 = arith.constant true
    %reduce_sum3A_1338 = vector.broadcast %reduce_sum3A_1337 : i1 to vector<16xi1>
    %reduce_sum3A_1339 = tpu.scan <sum>, %get3A_1336 masked %reduce_sum3A_1338 : vector<16xi32>, vector<16xi1> -> vector<16xi32>
    %reduce_sum3A_1340 = vector.extract %reduce_sum3A_1339[15] : i32 from vector<16xi32>
    %eq3A_1341 = arith.constant 9 : i32
    %eq3A_1342 = vector.broadcast %eq3A_1341 : i32 to vector<16xi32>
    %eq3A_1343 = arith.cmpi eq, %iota3A, %eq3A_1342 : vector<16xi32>
    %broadcast_in_dim3A_1344 = vector.broadcast %reduce_sum3A_1340 : i32 to vector<16xi32>
    %select_n3A_1345 = arith.select %eq3A_1343, %broadcast_in_dim3A_1344, %select_n3A_1334 : vector<16xi1>, vector<16xi32>
    %get3A_1346 = arith.constant 160 : index
    %get3A_1347 = tpu.vector_load %arg7[%get3A_1346] {strides = array<i32>} : memref<256xi32, #tpu.memory_space<vmem>>, vector<16xi32>,
    %reduce_sum3A_1348 = arith.constant true
    %reduce_sum3A_1349 = vector.broadcast %reduce_sum3A_1348 : i1 to vector<16xi1>
    %reduce_sum3A_1350 = tpu.scan <sum>, %get3A_1347 masked %reduce_sum3A_1349 : vector<16xi32>, vector<16xi1> -> vector<16xi32>
    %reduce_sum3A_1351 = vector.extract %reduce_sum3A_1350[15] : i32 from vector<16xi32>
    %eq3A_1352 = arith.constant 10 : i32
    %eq3A_1353 = vector.broadcast %eq3A_1352 : i32 to vector<16xi32>
    %eq3A_1354 = arith.cmpi eq, %iota3A, %eq3A_1353 : vector<16xi32>
    %broadcast_in_dim3A_1355 = vector.broadcast %reduce_sum3A_1351 : i32 to vector<16xi32>
    %select_n3A_1356 = arith.select %eq3A_1354, %broadcast_in_dim3A_1355, %select_n3A_1345 : vector<16xi1>, vector<16xi32>
    %get3A_1357 = arith.constant 176 : index
    %get3A_1358 = tpu.vector_load %arg7[%get3A_1357] {strides = array<i32>} : memref<256xi32, #tpu.memory_space<vmem>>, vector<16xi32>,
    %reduce_sum3A_1359 = arith.constant true
    %reduce_sum3A_1360 = vector.broadcast %reduce_sum3A_1359 : i1 to vector<16xi1>
    %reduce_sum3A_1361 = tpu.scan <sum>, %get3A_1358 masked %reduce_sum3A_1360 : vector<16xi32>, vector<16xi1> -> vector<16xi32>
    %reduce_sum3A_1362 = vector.extract %reduce_sum3A_1361[15] : i32 from vector<16xi32>
    %eq3A_1363 = arith.constant 11 : i32
    %eq3A_1364 = vector.broadcast %eq3A_1363 : i32 to vector<16xi32>
    %eq3A_1365 = arith.cmpi eq, %iota3A, %eq3A_1364 : vector<16xi32>
    %broadcast_in_dim3A_1366 = vector.broadcast %reduce_sum3A_1362 : i32 to vector<16xi32>
    %select_n3A_1367 = arith.select %eq3A_1365, %broadcast_in_dim3A_1366, %select_n3A_1356 : vector<16xi1>, vector<16xi32>
    %get3A_1368 = arith.constant 192 : index
    %get3A_1369 = tpu.vector_load %arg7[%get3A_1368] {strides = array<i32>} : memref<256xi32, #tpu.memory_space<vmem>>, vector<16xi32>,
    %reduce_sum3A_1370 = arith.constant true
    %reduce_sum3A_1371 = vector.broadcast %reduce_sum3A_1370 : i1 to vector<16xi1>
    %reduce_sum3A_1372 = tpu.scan <sum>, %get3A_1369 masked %reduce_sum3A_1371 : vector<16xi32>, vector<16xi1> -> vector<16xi32>
    %reduce_sum3A_1373 = vector.extract %reduce_sum3A_1372[15] : i32 from vector<16xi32>
    %eq3A_1374 = arith.constant 12 : i32
    %eq3A_1375 = vector.broadcast %eq3A_1374 : i32 to vector<16xi32>
    %eq3A_1376 = arith.cmpi eq, %iota3A, %eq3A_1375 : vector<16xi32>
    %broadcast_in_dim3A_1377 = vector.broadcast %reduce_sum3A_1373 : i32 to vector<16xi32>
    %select_n3A_1378 = arith.select %eq3A_1376, %broadcast_in_dim3A_1377, %select_n3A_1367 : vector<16xi1>, vector<16xi32>
    %get3A_1379 = arith.constant 208 : index
    %get3A_1380 = tpu.vector_load %arg7[%get3A_1379] {strides = array<i32>} : memref<256xi32, #tpu.memory_space<vmem>>, vector<16xi32>,
    %reduce_sum3A_1381 = arith.constant true
    %reduce_sum3A_1382 = vector.broadcast %reduce_sum3A_1381 : i1 to vector<16xi1>
    %reduce_sum3A_1383 = tpu.scan <sum>, %get3A_1380 masked %reduce_sum3A_1382 : vector<16xi32>, vector<16xi1> -> vector<16xi32>
    %reduce_sum3A_1384 = vector.extract %reduce_sum3A_1383[15] : i32 from vector<16xi32>
    %eq3A_1385 = arith.constant 13 : i32
    %eq3A_1386 = vector.broadcast %eq3A_1385 : i32 to vector<16xi32>
    %eq3A_1387 = arith.cmpi eq, %iota3A, %eq3A_1386 : vector<16xi32>
    %broadcast_in_dim3A_1388 = vector.broadcast %reduce_sum3A_1384 : i32 to vector<16xi32>
    %select_n3A_1389 = arith.select %eq3A_1387, %broadcast_in_dim3A_1388, %select_n3A_1378 : vector<16xi1>, vector<16xi32>
    %get3A_1390 = arith.constant 224 : index
    %get3A_1391 = tpu.vector_load %arg7[%get3A_1390] {strides = array<i32>} : memref<256xi32, #tpu.memory_space<vmem>>, vector<16xi32>,
    %reduce_sum3A_1392 = arith.constant true
    %reduce_sum3A_1393 = vector.broadcast %reduce_sum3A_1392 : i1 to vector<16xi1>
    %reduce_sum3A_1394 = tpu.scan <sum>, %get3A_1391 masked %reduce_sum3A_1393 : vector<16xi32>, vector<16xi1> -> vector<16xi32>
    %reduce_sum3A_1395 = vector.extract %reduce_sum3A_1394[15] : i32 from vector<16xi32>
    %eq3A_1396 = arith.constant 14 : i32
    %eq3A_1397 = vector.broadcast %eq3A_1396 : i32 to vector<16xi32>
    %eq3A_1398 = arith.cmpi eq, %iota3A, %eq3A_1397 : vector<16xi32>
    %broadcast_in_dim3A_1399 = vector.broadcast %reduce_sum3A_1395 : i32 to vector<16xi32>
    %select_n3A_1400 = arith.select %eq3A_1398, %broadcast_in_dim3A_1399, %select_n3A_1389 : vector<16xi1>, vector<16xi32>
    %get3A_1401 = arith.constant 240 : index
    %get3A_1402 = tpu.vector_load %arg7[%get3A_1401] {strides = array<i32>} : memref<256xi32, #tpu.memory_space<vmem>>, vector<16xi32>,
    %reduce_sum3A_1403 = arith.constant true
    %reduce_sum3A_1404 = vector.broadcast %reduce_sum3A_1403 : i1 to vector<16xi1>
    %reduce_sum3A_1405 = tpu.scan <sum>, %get3A_1402 masked %reduce_sum3A_1404 : vector<16xi32>, vector<16xi1> -> vector<16xi32>
    %reduce_sum3A_1406 = vector.extract %reduce_sum3A_1405[15] : i32 from vector<16xi32>
    %eq3A_1407 = arith.constant 15 : i32
    %eq3A_1408 = vector.broadcast %eq3A_1407 : i32 to vector<16xi32>
    %eq3A_1409 = arith.cmpi eq, %iota3A, %eq3A_1408 : vector<16xi32>
    %broadcast_in_dim3A_1410 = vector.broadcast %reduce_sum3A_1406 : i32 to vector<16xi32>
    %select_n3A_1411 = arith.select %eq3A_1409, %broadcast_in_dim3A_1410, %select_n3A_1400 : vector<16xi1>, vector<16xi32>
    %rev3A_1412 = arith.constant 15 : i32
    %rev3A_1413 = vector.broadcast %rev3A_1412 : i32 to vector<16xi32>
    %rev3A_1414 = tpu.iota {dimensions = array<i32: 0>} : vector<16xi32>
    %rev3A_1415 = arith.subi %rev3A_1413, %rev3A_1414 : vector<16xi32>
    %rev3A_1416 = tpu.dynamic_gather %select_n3A_1411[%rev3A_1415] in [0] : vector<16xi32>, vector<16xi32> -> vector<16xi32>
    %broadcast_in_dim3A_1417 = arith.constant true
    %broadcast_in_dim3A_1418 = vector.broadcast %broadcast_in_dim3A_1417 : i1 to vector<16xi1>
    %masked_cumsum3A_1419 = tpu.scan <sum>, %rev3A_1416 masked %broadcast_in_dim3A_1418 : vector<16xi32>, vector<16xi1> -> vector<16xi32>
    %rev3A_1420 = arith.constant 15 : i32
    %rev3A_1421 = vector.broadcast %rev3A_1420 : i32 to vector<16xi32>
    %rev3A_1422 = tpu.iota {dimensions = array<i32: 0>} : vector<16xi32>
    %rev3A_1423 = arith.subi %rev3A_1421, %rev3A_1422 : vector<16xi32>
    %rev3A_1424 = tpu.dynamic_gather %masked_cumsum3A_1419[%rev3A_1423] in [0] : vector<16xi32>, vector<16xi32> -> vector<16xi32>
    %ge3A_1425 = vector.broadcast %sub3A_1157 : i32 to vector<16xi32>
    %ge3A_1426 = arith.cmpi sge, %rev3A_1424, %ge3A_1425 : vector<16xi32>
    %jit3A_1427 = arith.constant -1 : i32
    %broadcast_in_dim3A_1428 = vector.broadcast %jit3A_1427 : i32 to vector<16xi32>
    %select_n3A_1429 = arith.select %ge3A_1426, %iota3A, %broadcast_in_dim3A_1428 : vector<16xi1>, vector<16xi32>
    %reduce_max3A_1430 = arith.constant true
    %reduce_max3A_1431 = vector.broadcast %reduce_max3A_1430 : i1 to vector<16xi1>
    %reduce_max3A_1432 = arith.constant -2147483648 : i32
    %reduce_max3A_1433 = vector.broadcast %reduce_max3A_1432 : i32 to vector<16xi32>
    %reduce_max3A_1434 = arith.xori %select_n3A_1429, %reduce_max3A_1433 : vector<16xi32>
    %reduce_max3A_1435 = tpu.scan <max>, %reduce_max3A_1434 masked %reduce_max3A_1431 : vector<16xi32>, vector<16xi1> -> vector<16xi32>
    %reduce_max3A_1436 = arith.xori %reduce_max3A_1435, %reduce_max3A_1433 : vector<16xi32>
    %reduce_max3A_1437 = vector.extract %reduce_max3A_1436[15] : i32 from vector<16xi32>
    %eq3A_1438 = vector.broadcast %reduce_max3A_1437 : i32 to vector<16xi32>
    %eq3A_1439 = arith.cmpi eq, %iota3A, %eq3A_1438 : vector<16xi32>
    %jit3A_1440 = arith.constant -2147483648 : i32
    %broadcast_in_dim3A_1441 = vector.broadcast %jit3A_1440 : i32 to vector<16xi32>
    %select_n3A_1442 = arith.select %eq3A_1439, %rev3A_1424, %broadcast_in_dim3A_1441 : vector<16xi1>, vector<16xi32>
    %reduce_max3A_1443 = arith.constant true
    %reduce_max3A_1444 = vector.broadcast %reduce_max3A_1443 : i1 to vector<16xi1>
    %reduce_max3A_1445 = arith.constant -2147483648 : i32
    %reduce_max3A_1446 = vector.broadcast %reduce_max3A_1445 : i32 to vector<16xi32>
    %reduce_max3A_1447 = arith.xori %select_n3A_1442, %reduce_max3A_1446 : vector<16xi32>
    %reduce_max3A_1448 = tpu.scan <max>, %reduce_max3A_1447 masked %reduce_max3A_1444 : vector<16xi32>, vector<16xi1> -> vector<16xi32>
    %reduce_max3A_1449 = arith.xori %reduce_max3A_1448, %reduce_max3A_1446 : vector<16xi32>
    %reduce_max3A_1450 = vector.extract %reduce_max3A_1449[15] : i32 from vector<16xi32>
    %eq3A_1451 = vector.broadcast %reduce_max3A_1437 : i32 to vector<16xi32>
    %eq3A_1452 = arith.cmpi eq, %iota3A, %eq3A_1451 : vector<16xi32>
    %jit3A_1453 = arith.constant -2147483648 : i32
    %broadcast_in_dim3A_1454 = vector.broadcast %jit3A_1453 : i32 to vector<16xi32>
    %select_n3A_1455 = arith.select %eq3A_1452, %select_n3A_1411, %broadcast_in_dim3A_1454 : vector<16xi1>, vector<16xi32>
    %reduce_max3A_1456 = arith.constant true
    %reduce_max3A_1457 = vector.broadcast %reduce_max3A_1456 : i1 to vector<16xi1>
    %reduce_max3A_1458 = arith.constant -2147483648 : i32
    %reduce_max3A_1459 = vector.broadcast %reduce_max3A_1458 : i32 to vector<16xi32>
    %reduce_max3A_1460 = arith.xori %select_n3A_1455, %reduce_max3A_1459 : vector<16xi32>
    %reduce_max3A_1461 = tpu.scan <max>, %reduce_max3A_1460 masked %reduce_max3A_1457 : vector<16xi32>, vector<16xi1> -> vector<16xi32>
    %reduce_max3A_1462 = arith.xori %reduce_max3A_1461, %reduce_max3A_1459 : vector<16xi32>
    %reduce_max3A_1463 = vector.extract %reduce_max3A_1462[15] : i32 from vector<16xi32>
    %sub3A_1464 = arith.subi %reduce_max3A_1450, %reduce_max3A_1463 : i32
    %sub3A_1465 = arith.subi %sub3A_1157, %sub3A_1464 : i32
    %mul3A_1466 = arith.constant 16 : i32
    %mul3A_1467 = arith.muli %reduce_max3A_1437, %mul3A_1466 : i32
    %get3A_1468 = arith.index_cast %mul3A_1467 : i32 to index
    %get3A_1469 = tpu.vector_load %arg7[%get3A_1468] {strides = array<i32>} : memref<256xi32, #tpu.memory_space<vmem>>, vector<16xi32>,
    %rev3A_1470 = arith.constant 15 : i32
    %rev3A_1471 = vector.broadcast %rev3A_1470 : i32 to vector<16xi32>
    %rev3A_1472 = tpu.iota {dimensions = array<i32: 0>} : vector<16xi32>
    %rev3A_1473 = arith.subi %rev3A_1471, %rev3A_1472 : vector<16xi32>
    %rev3A_1474 = tpu.dynamic_gather %get3A_1469[%rev3A_1473] in [0] : vector<16xi32>, vector<16xi32> -> vector<16xi32>
    %broadcast_in_dim3A_1475 = arith.constant true
    %broadcast_in_dim3A_1476 = vector.broadcast %broadcast_in_dim3A_1475 : i1 to vector<16xi1>
    %masked_cumsum3A_1477 = tpu.scan <sum>, %rev3A_1474 masked %broadcast_in_dim3A_1476 : vector<16xi32>, vector<16xi1> -> vector<16xi32>
    %rev3A_1478 = arith.constant 15 : i32
    %rev3A_1479 = vector.broadcast %rev3A_1478 : i32 to vector<16xi32>
    %rev3A_1480 = tpu.iota {dimensions = array<i32: 0>} : vector<16xi32>
    %rev3A_1481 = arith.subi %rev3A_1479, %rev3A_1480 : vector<16xi32>
    %rev3A_1482 = tpu.dynamic_gather %masked_cumsum3A_1477[%rev3A_1481] in [0] : vector<16xi32>, vector<16xi32> -> vector<16xi32>
    %ge3A_1483 = vector.broadcast %sub3A_1465 : i32 to vector<16xi32>
    %ge3A_1484 = arith.cmpi sge, %rev3A_1482, %ge3A_1483 : vector<16xi32>
    %jit3A_1485 = arith.constant -1 : i32
    %broadcast_in_dim3A_1486 = vector.broadcast %jit3A_1485 : i32 to vector<16xi32>
    %select_n3A_1487 = arith.select %ge3A_1484, %iota3A, %broadcast_in_dim3A_1486 : vector<16xi1>, vector<16xi32>
    %reduce_max3A_1488 = arith.constant true
    %reduce_max3A_1489 = vector.broadcast %reduce_max3A_1488 : i1 to vector<16xi1>
    %reduce_max3A_1490 = arith.constant -2147483648 : i32
    %reduce_max3A_1491 = vector.broadcast %reduce_max3A_1490 : i32 to vector<16xi32>
    %reduce_max3A_1492 = arith.xori %select_n3A_1487, %reduce_max3A_1491 : vector<16xi32>
    %reduce_max3A_1493 = tpu.scan <max>, %reduce_max3A_1492 masked %reduce_max3A_1489 : vector<16xi32>, vector<16xi1> -> vector<16xi32>
    %reduce_max3A_1494 = arith.xori %reduce_max3A_1493, %reduce_max3A_1491 : vector<16xi32>
    %reduce_max3A_1495 = vector.extract %reduce_max3A_1494[15] : i32 from vector<16xi32>
    %eq3A_1496 = vector.broadcast %reduce_max3A_1495 : i32 to vector<16xi32>
    %eq3A_1497 = arith.cmpi eq, %iota3A, %eq3A_1496 : vector<16xi32>
    %jit3A_1498 = arith.constant -2147483648 : i32
    %broadcast_in_dim3A_1499 = vector.broadcast %jit3A_1498 : i32 to vector<16xi32>
    %select_n3A_1500 = arith.select %eq3A_1497, %rev3A_1482, %broadcast_in_dim3A_1499 : vector<16xi1>, vector<16xi32>
    %reduce_max3A_1501 = arith.constant true
    %reduce_max3A_1502 = vector.broadcast %reduce_max3A_1501 : i1 to vector<16xi1>
    %reduce_max3A_1503 = arith.constant -2147483648 : i32
    %reduce_max3A_1504 = vector.broadcast %reduce_max3A_1503 : i32 to vector<16xi32>
    %reduce_max3A_1505 = arith.xori %select_n3A_1500, %reduce_max3A_1504 : vector<16xi32>
    %reduce_max3A_1506 = tpu.scan <max>, %reduce_max3A_1505 masked %reduce_max3A_1502 : vector<16xi32>, vector<16xi1> -> vector<16xi32>
    %reduce_max3A_1507 = arith.xori %reduce_max3A_1506, %reduce_max3A_1504 : vector<16xi32>
    %reduce_max3A_1508 = vector.extract %reduce_max3A_1507[15] : i32 from vector<16xi32>
    %eq3A_1509 = vector.broadcast %reduce_max3A_1495 : i32 to vector<16xi32>
    %eq3A_1510 = arith.cmpi eq, %iota3A, %eq3A_1509 : vector<16xi32>
    %jit3A_1511 = arith.constant -2147483648 : i32
    %broadcast_in_dim3A_1512 = vector.broadcast %jit3A_1511 : i32 to vector<16xi32>
    %select_n3A_1513 = arith.select %eq3A_1510, %get3A_1469, %broadcast_in_dim3A_1512 : vector<16xi1>, vector<16xi32>
    %reduce_max3A_1514 = arith.constant true
    %reduce_max3A_1515 = vector.broadcast %reduce_max3A_1514 : i1 to vector<16xi1>
    %reduce_max3A_1516 = arith.constant -2147483648 : i32
    %reduce_max3A_1517 = vector.broadcast %reduce_max3A_1516 : i32 to vector<16xi32>
    %reduce_max3A_1518 = arith.xori %select_n3A_1513, %reduce_max3A_1517 : vector<16xi32>
    %reduce_max3A_1519 = tpu.scan <max>, %reduce_max3A_1518 masked %reduce_max3A_1515 : vector<16xi32>, vector<16xi1> -> vector<16xi32>
    %reduce_max3A_1520 = arith.xori %reduce_max3A_1519, %reduce_max3A_1517 : vector<16xi32>
    %reduce_max3A_1521 = vector.extract %reduce_max3A_1520[15] : i32 from vector<16xi32>
    %sub3A_1522 = arith.subi %reduce_max3A_1508, %reduce_max3A_1521 : i32
    %mul3A_1523 = arith.constant 16 : i32
    %mul3A_1524 = arith.muli %reduce_max3A_1437, %mul3A_1523 : i32
    %add3A_1525 = arith.addi %mul3A_1524, %reduce_max3A_1495 : i32
    %sub3A_1526 = arith.subi %sub3A_1465, %sub3A_1522 : i32
    %shift_left3A_1527 = arith.constant 24 : i32
    %shift_left3A_1528 = arith.shli %add3A_396, %shift_left3A_1527 : i32
    %shift_left3A_1529 = arith.constant 16 : i32
    %shift_left3A_1530 = arith.shli %add3A_787, %shift_left3A_1529 : i32
    %or3A_1531 = arith.ori %shift_left3A_1528, %shift_left3A_1530 : i32
    %shift_left3A_1532 = arith.constant 8 : i32
    %shift_left3A_1533 = arith.shli %add3A_1156, %shift_left3A_1532 : i32
    %or3A_1534 = arith.ori %or3A_1531, %shift_left3A_1533 : i32
    %or3A_1535 = arith.ori %or3A_1534, %add3A_1525 : i32
    %broadcast_in_dim3A_1536 = vector.broadcast %or3A_1535 : i32 to vector<16xi32>
    %lt3A_1537 = arith.constant 0 : i32
    %lt3A_1538 = vector.broadcast %lt3A_1537 : i32 to vector<16xi32>
    %lt3A_1539 = arith.cmpi slt, %broadcast_in_dim3A_1536, %lt3A_1538 : vector<16xi32>
    %xor3A_1540 = arith.constant -2147483648 : i32
    %xor3A_1541 = vector.broadcast %xor3A_1540 : i32 to vector<16xi32>
    %xor3A_1542 = arith.xori %broadcast_in_dim3A_1536, %xor3A_1541 : vector<16xi32>
    %not3A = arith.constant dense<-1> : vector<16xi32>
    %not3A_1543 = arith.xori %broadcast_in_dim3A_1536, %not3A : vector<16xi32>
    %select_n3A_1544 = arith.select %lt3A_1539, %xor3A_1542, %not3A_1543 : vector<16xi1>, vector<16xi32>
    %bitcast_convert_type3A_1545 = tpu.bitcast %select_n3A_1544 : vector<16xi32> -> vector<16xf32>
    %swap3A_1546 = arith.constant 0 : index
    %swap3A_1547 = tpu.vector_load %arg8[%swap3A_1546] {strides = array<i32>} : memref<16xf32, #tpu.memory_space<vmem>>, vector<16xf32>,
    tpu.vector_store %arg8[%swap3A_1546], %bitcast_convert_type3A_1545 {strides = array<i32>} : memref<16xf32, #tpu.memory_space<vmem>>, vector<16xf32>,
    %eq3A_1548 = arith.constant 0 : i32
    %eq3A_1549 = arith.cmpi eq, %arg1, %eq3A_1548 : i32
    %convert_element_type3A = arith.extui %eq3A_1549 : i1 to i32
    %cond3A = arith.constant 0 : i32
    %cond3A_1550 = arith.cmpi ne, %convert_element_type3A, %cond3A : i32
    scf.if %cond3A_1550 {
      "tpu.region"() ({
        %run_scoped3A = tpu.sem_alloc : memref<!tpu.dma_semaphore, #tpu.memory_space<semaphore_mem>>
        tpu.enqueue_dma source(%arg8 : memref<16xf32, #tpu.memory_space<vmem>>) target(%arg3 : memref<16xf32, #tpu.memory_space<hbm>>) target_semaphore(%run_scoped3A : memref<!tpu.dma_semaphore, #tpu.memory_space<semaphore_mem>>)
        tpu.wait_dma2 semaphore(%run_scoped3A : memref<!tpu.dma_semaphore, #tpu.memory_space<semaphore_mem>>) src(%arg8 : memref<16xf32, #tpu.memory_space<vmem>>) dst(%arg3 : memref<16xf32, #tpu.memory_space<hbm>>)
        tpu.yield
      }) : () -> ()
    } else {
    }
    return
  }
}

module attributes {stable_mosaic.version = 14 : i64} {
  func.func @_mask_body(%arg0: i32, %arg1: memref<1xf32, #tpu.memory_space<smem>>, %arg2: memref<200x1000xf32, #tpu.memory_space<vmem>>, %arg3: memref<200x1000xf32, #tpu.memory_space<vmem>>) attributes {dimension_semantics = [#tpu.dimension_semantics<arbitrary>], iteration_bounds = array<i64: 5>, scalar_prefetch = 0 : i64, scratch_operands = 0 : i64, tpu.core_type = #tpu.core_type<tc>, window_params = [{transform_indices = @transform_0, window_bounds = array<i64: 1>}, {transform_indices = @transform_1, window_bounds = array<i64: 200, 1000>}, {transform_indices = @transform_2, window_bounds = array<i64: 200, 1000>}]} {
    %get3A = arith.constant 0 : index
    %get3A_0 = memref.load %arg1[%get3A] : memref<1xf32, #tpu.memory_space<smem>>
    %get3A_1 = arith.constant 0 : index
    %get3A_2 = arith.constant 0 : index
    %get3A_3 = vector.load %arg2[%get3A_1, %get3A_2] : memref<200x1000xf32, #tpu.memory_space<vmem>>, vector<200x1000xf32>
    %ge3A = vector.broadcast %get3A_0 : f32 to vector<200x1000xf32>
    %ge3A_4 = arith.cmpf oge, %get3A_3, %ge3A : vector<200x1000xf32>
    %jit3A = arith.constant 0.000000e+00 : f32
    %broadcast_in_dim3A = vector.broadcast %jit3A : f32 to vector<200x1000xf32>
    %select_n3A = arith.select %ge3A_4, %get3A_3, %broadcast_in_dim3A : vector<200x1000xi1>, vector<200x1000xf32>
    %swap3A = arith.constant 0 : index
    %swap3A_5 = arith.constant 0 : index
    %swap3A_6 = vector.load %arg3[%swap3A, %swap3A_5] : memref<200x1000xf32, #tpu.memory_space<vmem>>, vector<200x1000xf32>
    tpu.vector_store %arg3[%swap3A, %swap3A_5], %select_n3A {strides = array<i32>} : memref<200x1000xf32, #tpu.memory_space<vmem>>, vector<200x1000xf32>,
    return
  }
  func.func @transform_0(%arg0: i32) -> i32 {
    %c0_i32 = arith.constant 0 : i32
    %c0_i32_0 = arith.constant 0 : i32
    return %c0_i32 : i32
  }
  func.func @transform_1(%arg0: i32) -> (i32, i32) {
    %c0_i32 = arith.constant 0 : i32
    %c0_i32_0 = arith.constant 0 : i32
    return %arg0, %c0_i32 : i32, i32
  }
  func.func @transform_2(%arg0: i32) -> (i32, i32) {
    %c0_i32 = arith.constant 0 : i32
    %c0_i32_0 = arith.constant 0 : i32
    return %arg0, %c0_i32 : i32, i32
  }
}

</mosaic_0001>

<sc_bundles>
// kernel: kernel.4.cloned.1.call-start
scs
__scs_entry_jumppad:
0x0: {  	(pc) =	sbr.rel $0x88, $3  }
0x1: {  	(tag) =	ssettag $0x0;
	lr =	simm.s32 $0x1  }
0x2: {  	[smem:$0x3FA0] =	sst lr;
	_ =	strace $0xD0000000  }
0x3: {  	_ = 	snop  }
0x4: {  	_ = 	snop  }
0x5: {  	_ = 	snop  }
0x6: {  	_ = 	snop  }
0x7: {  	_ = 	snop  }
__scs_overlays_trampoline_lowered:
0x8: {  	[smem:$0x3FAF] =	sst s0  }
0x9: {  	[smem:$0x3FB0] =	sst s1  }
0xa: {  	[smem:$0x3FB1] =	sst s2  }
0xb: {  	[smem:$0x3FB2] =	sst s3  }
0xc: {  	[smem:$0x3FB3] =	sst s4  }
0xd: {  	[smem:$0x3FB4] =	sst s5  }
0xe: {  	[smem:$0x3FB5] =	sst s6  }
0xf: {  	[smem:$0x3FB6] =	sst s7  }
0x10: {  	[smem:$0x3FB7] =	sst s8  }
0x11: {  	[smem:$0x3FB8] =	sst s9;
	s0 =	simm.s32 @!p0 $0x0  }
0x12: {  	s1 =	sld [smem:$0x3F9E];
	s0 =	simm.s32 @p0 $0x1  }
0x13: {  	[smem:$0x3FB9] =	sst s0;
	s0 =	simm.s32 @!p1 $0x0  }
0x14: {  	s2 =	sld [smem:$0x3F9D];
	s0 =	simm.s32 @p1 $0x1  }
0x15: {  	[smem:$0x3FBA] =	sst s0;
	s0 =	simm.s32 @!p2 $0x0  }
0x16: {  	s3 =	sld [smem:$0x3FDB];
	s0 =	simm.s32 @p2 $0x1  }
0x17: {  	s4 =	simm.s32 $0x1BF5;
	[smem:$0x3FBC] =	sst s0  }
0x18: {  	s0 =	sld [smem:$0x3F9F];
	_ =	swait.ge [sflag:s4], $0x0  }
0x19: {  	s7 =	sld [smem:$0x3FA0]  }
0x1a: {  	s8 =	sadd.s32 $0xFFFFE003, lr  }
0x1b: {  	s9 =	sadd.s32 $0xFFFFFEF7, lr;
	s5 =	simm.s32 $0xFFFFFFFF;
	p2 =	slt.u32 s8, $0xFFFFF086  }
0x1c: {  	p1 =	slt.u32 s9, $0xF7A;
	s5 =	simm.s32 @!p2 $0x0  }
0x1d: {  	s5 =	simm.s32 @p1 $0x1;
	p0 =	seq.s32 s7, s2  }
0x1e: {  	s7 =	smul.u32 @!p0 $0xF7A, s2;
	p2 =	seq.s32 @!p0 s5, $0x0  }
0x1f: {  	s9 =	smul.u32 $0xF7A, s1;
	s8 =	simm.s32 @!p0 $0x1BF5;
	p2 =	por !p2, p0  }
0x20: {  	[sflag:s8] =	ssyncset.s32 @!p0 $0xFFFFF086;
	s6 =	sadd.s32 @!p0 s3, s7;
	s7 =	simm.s32 @!p0 $0x108  }
0x21: {  	s3 =	sadd.s32 s3, s9;
	s6 =	sadd.s32 @!p0 $0x88, s6;
	s7 =	simm.s32 @p2 $0x1082  }
0x22: {  	[simem:s7], [sflag:s8] =	dma.local @!p0 [hbm:s6], $0xF7A  }
0x23: {  	s9 =	sor.u32 $0xD0000000, s2;
	s6 =	simm.s32 $0x108;
	_ =	swait.ge @!p0 [sflag:s8], $0x0  }
0x24: {  	s3 =	sadd.s32 $0x88, s3;
	s6 =	simm.s32 @!p1 $0x1082;
	[sflag:s4] =	ssyncset.s32 $0xFFFFF086  }
0x25: {  	[simem:s6], [sflag:s4] =	dma.local [hbm:s3], $0xF7A  }
0x26: {  	[smem:$0x3FA0] =	sst s1;
	(tag) =	ssettag s2;
	_ =	strace s9  }
0x27: {  	s1 =	sld [smem:$0x3FB0]  }
0x28: {  	s2 =	sld [smem:$0x3FB1]  }
0x29: {  	s4 =	sld [smem:$0x3FB3]  }
0x2a: {  	p0 =	seq.s32 s5, $0x0;
	s5 =	sld [smem:$0x3FB4]  }
0x2b: {  	s6 =	sld [smem:$0x3FB5]  }
0x2c: {  	s7 =	sld [smem:$0x3FB6]  }
0x2d: {  	s3 =	simm.s32 $0x108;
	s8 =	sld [smem:$0x3FB7]  }
0x2e: {  	s3 =	simm.s32 @!p0 $0x1082;
	s9 =	sld [smem:$0x3FB8]  }
0x2f: {  	lr =	sadd.s32 s0, s3;
	s0 =	sld [smem:$0x3FAF]  }
0x30: {  	s3 =	sld [smem:$0x3FB2]  }
0x31: {  	[smem:$0x3FBB] =	sst s10  }
0x32: {  	s10 =	sld [smem:$0x3FB9];
	_ =	sdelay $0x3  }
0x33: {  	p0 =	seq.s32 s10, $0x1;
	s10 =	sld [smem:$0x3FBB];
	_ =	sdelay $0x3  }
0x34: {  	[smem:$0x3FBB] =	sst s10  }
0x35: {  	s10 =	sld [smem:$0x3FBA];
	_ =	sdelay $0x3  }
0x36: {  	p1 =	seq.s32 s10, $0x1;
	s10 =	sld [smem:$0x3FBB];
	_ =	sdelay $0x3  }
0x37: {  	[smem:$0x3FBB] =	sst s10  }
0x38: {  	s10 =	sld [smem:$0x3FBC]  }
0x39: {  	_ = 	snop;
	(pc) =	sbr.ind lr, $3  }
0x3a: {  	_ = 	snop  }
0x3b: {  	_ = 	snop  }
0x3c: {  	p2 =	seq.s32 s10, $0x1;
	s10 =	sld [smem:$0x3FBB]  }
0x3d: {  	_ =	shalt  }
0x3e: {  	_ =	shalt  }
0x3f: {  	_ =	shalt  }
0x40: {  	_ =	shalt  }
0x41: {  	_ =	shalt  }
0x42: {  	_ =	shalt  }
0x43: {  	_ =	shalt  }
0x44: {  	_ =	shalt  }
0x45: {  	_ =	shalt  }
0x46: {  	_ =	shalt  }
0x47: {  	_ =	shalt  }
0x48: {  	_ =	shalt  }
0x49: {  	_ =	shalt  }
0x4a: {  	_ =	shalt  }
0x4b: {  	_ =	shalt  }
0x4c: {  	_ =	shalt  }
0x4d: {  	_ =	shalt  }
0x4e: {  	_ =	shalt  }
0x4f: {  	_ =	shalt  }
0x50: {  	_ =	shalt  }
0x51: {  	_ =	shalt  }
0x52: {  	_ =	shalt  }
0x53: {  	_ =	shalt  }
0x54: {  	_ =	shalt  }
0x55: {  	_ =	shalt  }
0x56: {  	_ =	shalt  }
0x57: {  	_ =	shalt  }
0x58: {  	_ =	shalt  }
0x59: {  	_ =	shalt  }
0x5a: {  	_ =	shalt  }
0x5b: {  	_ =	shalt  }
0x5c: {  	_ =	shalt  }
0x5d: {  	_ =	shalt  }
0x5e: {  	_ =	shalt  }
0x5f: {  	_ =	shalt  }
0x60: {  	_ =	shalt  }
0x61: {  	_ =	shalt  }
0x62: {  	_ =	shalt  }
0x63: {  	_ =	shalt  }
0x64: {  	_ =	shalt  }
0x65: {  	_ =	shalt  }
0x66: {  	_ =	shalt  }
0x67: {  	_ =	shalt  }
0x68: {  	_ =	shalt  }
0x69: {  	_ =	shalt  }
0x6a: {  	_ =	shalt  }
0x6b: {  	_ =	shalt  }
0x6c: {  	_ =	shalt  }
0x6d: {  	_ =	shalt  }
0x6e: {  	_ =	shalt  }
0x6f: {  	_ =	shalt  }
0x70: {  	_ =	shalt  }
0x71: {  	_ =	shalt  }
0x72: {  	_ =	shalt  }
0x73: {  	_ =	shalt  }
0x74: {  	_ =	shalt  }
0x75: {  	_ =	shalt  }
0x76: {  	_ =	shalt  }
0x77: {  	_ =	shalt  }
0x78: {  	_ =	shalt  }
0x79: {  	_ =	shalt  }
0x7a: {  	_ =	shalt  }
0x7b: {  	_ =	shalt  }
0x7c: {  	_ =	shalt  }
0x7d: {  	_ =	shalt  }
0x7e: {  	_ =	shalt  }
0x7f: {  	_ =	shalt  }
0x80: {  	_ =	shalt  }
0x81: {  	_ =	shalt  }
0x82: {  	_ =	shalt  }
0x83: {  	_ =	shalt  }
0x84: {  	_ =	shalt  }
0x85: {  	_ =	shalt  }
0x86: {  	_ =	shalt  }
0x87: {  	_ =	shalt  }
.Lfunc_end0:
.L_simem_size_0:
called_computation_lowered:
.L_overlay_start_0:
0x88: {  	s0 =	sld [smem:$0x3FD9]  }
0x89: {  	s1 =	sld [smem:$0x3FFE];
	_ =	sdelay $0x3  }
0x8a: {  	s0 =	sadd.s32 s1, s0  }
0x8b: {  	[smem:$0x3FC7] =	sst s0  }
0x8c: {  	_ = 	snop  }
0x8d: {  	s0 =	sld [smem:$0x3FC9]  }
0x8e: {  	s17 =	sld [smem:$0x3FD0];
	(tm) =	ssettm $0x1  }
0x8f: {  	s2 =	sld [smem:$0x3FFB];
	_ =	sdelay $0x3  }
0x90: {  	_ =	strace s2  }
0x91: {  	s2 =	sld [smem:$0x3FFC];
	_ =	sdelay $0x3  }
0x92: {  	_ =	strace s2  }
0x93: {  	s2 =	sld [smem:$0x3FFD];
	_ =	sdelay $0x3  }
0x94: {  	_ =	strace s2  }
0x95: {  	_ =	strace $0x8FFFFFFF  }
0x96: {  	s18 =	sld [smem:$0x3FDB];
	_ =	sdelay $0x1  }
0x97: {  	s3 =	simm.s32 $_scs_section_size  }
0x98: {  	s4 =	simm.s32 $_size__tile_overlayer_lowered;
	s5 =	simm.s32 $_tile_overlayer_lowered  }
0x99: {  	s21 =	simm.s32 $0x1BFF;
	s20 =	sshll.u32 s5, $0x1;
	s2 =	sadd.s32 s3, s18  }
0x9a: {  	s6 =	simm.s32 $0x0;
	s19 =	sshll.u32 s4, $0x1;
	s4 =	sadd.s32 s20, s2  }
0x9b: {  	[timem:s6], [sflag:s21] =	dma.local [hbm:s4], s19  }
0x9c: {  	_ =	swait.ge [sflag:s21], s19  }
0x9d: {  	s3 =	ssub.s32 $0x0, s19;
	[sflag:s21] =	ssyncset.done $0x0  }
0x9e: {  	[sflag:s21] =	ssyncadd.s32 s3;
	_ =	sdelay $0x1  }
0x9f: {  	s22 =	simm.s32 $0x1B8B  }
0xa0: {  	_ =	swait.ge [sflag:s22], $0x1  }
0xa1: {  	[sflag:s22] =	ssyncset.done $0x0  }
0xa2: {  	s23 =	simm.s32 $0x1B8E;
	[sflag:s22] =	ssyncadd.s32 $0xFFFFFFFF  }
0xa3: {  	s24 =	simm.s32 $execute0_lowered;
	[smem:$0x3FD2] =	sst s23  }
0xa4: {  	s3 =	sshll.u32 s24, $0x1;
	_ =	strace $0x80000046;
	[dreg:$0x1] =	wrdreg $0xFFFFFFFF  }
0xa5: {  	s25 =	simm.s32 $_size_execute0_lowered;
	s2 =	sadd.s32 s2, s3;
	[dreg:$0x0] =	wrdreg $0x0  }
0xa6: {  	s3 =	sshll.u32 s25, $0x1;
	[dreg:$0x2] =	wrdreg s2  }
0xa7: {  	[dreg:$0x3] =	wrdreg s3  }
0xa8: {  	[dreg:$0x4] =	wrdreg $0xC0  }
0xa9: {  	_ =	task [dreg:s6], $0x5FFFF  }
0xaa: {  	[dreg:$0x1] =	wrdreg $0xFFFFFFFF  }
0xab: {  	[dreg:$0x0] =	wrdreg $0x60  }
0xac: {  	[dreg:$0x2] =	wrdreg s0  }
0xad: {  	[dreg:$0x3] =	wrdreg s17  }
0xae: {  	[dreg:$0x4] =	wrdreg $0x1B6800  }
0xaf: {  	[dreg:$0x5] =	wrdreg $0x1C6800  }
0xb0: {  	[dreg:$0x6] =	wrdreg $0x9  }
0xb1: {  	_ =	task.clear_ibuf [dreg:s6], $0x7FFFF;
	_ =	strace $0x90000046  }
0xb2: {  	s26 =	simm.s32 $0x9;
	_ =	strace $0x80000048  }
0xb3: {  	_ =	swait.ge [sflag:s26], $0x1  }
0xb4: {  	[sflag:s26] =	ssyncadd.s32 $0xFFFFFFFF  }
0xb5: {  	_ =	strace $0x90000048  }
0xb6: {  	_ =	sfence  }
0xb7: {  	s28 =	sld [smem:$0x0];
	_ =	sdelay $0x1  }
0xb8: {  	s29 =	srdreg.scid  }
0xb9: {  	s30 =	sshll.u32 s29, $0xD;
	s31 =	sshrl.u32 s29, $0x2  }
0xba: {  	s1 =	sand.u32 $0x1, s29;
	s2 =	sand.u32 $0x4000, s30;
	s0 =	sadd.s32 s31, s28  }
0xbb: {  	s1 =	sor.u32 s2, s1;
	s0 =	sshll.u32 s0, $0x11  }
0xbc: {  	s0 =	sor.u32 s0, s1  }
0xbd: {  	s0 =	sadd.s32 $0x8F2B, s0  }
0xbe: {  	[sflag:s0] =	ssyncadd.remote.s32 $0x1  }
0xbf: {  	_ =	sfence.sel $0xFFFF  }
0xc0: {  	[dreg:$0x0] =	wrdreg $0xFFFFFFFF;
	(pc) =	sbr.abs _section_cstart, $3  }
0xc1: {  	[dreg:$0x1] =	wrdreg $0xFFFFFFFF  }
0xc2: {  	_ =	task.clear_ibuf [dreg:s6], $0x2FFFF;
	_ =	strace $0x9FFFFFFF  }
0xc3: {  	(tm) =	ssettm $0x7FFFFFFF  }
tec
execute0_lowered:
.L_overlay_start_1:
0x0: {  	(tag) =	ssettag $0x1  }
0x1: {  	s5 =	rddreg [dreg:$0x0]  }
0x2: {  	s1 =	rddreg [dreg:$0x1]  }
0x3: {  	s4 =	rddreg [dreg:$0x2];
	s2 =	stileid.u32  }
0x4: {  	s3 =	rddreg [dreg:$0x3];
	s6 =	smul.u32 $0x1E86, s2  }
0x5: {  	s0 =	rddreg [dreg:$0x4];
	s7 =	simm.s32 $0x0;
	p0 =	seq.s32 s2, $0xF  }
0x6: {  	[smem:$0x7FF] =	sst s7;
	s6 =	simm.s32 @p0 $0x1C9C2  }
0x7: {  	s31 =	simm.s32 $0x1;
	_ =	strace $0x80000047;
	s5 =	sadd.s32 s5, s6  }
0x8: {  	[tilespmem:s7], [sflag:$0x1] =	stream.linear.gather [hbm4b:s5+s7], $0xF430, $0x38;
	[tilespmem:$0x1C690] =	vst v63  }
0x9: {  	_ =	swait.ge [sflag:s31], $0xF430  }
0xa: {  	[sflag:s31] =	ssyncset.done $0x0  }
0xb: {  	v6 =	vimm.s32 $0x0;
	s6 =	simm.s32 $0x200;
	s5 =	simm.s32 $0x0;
	[sflag:s31] =	ssyncadd.s32 $0xFFFF0BD0  }
.LBB2_1:
0xc: {  	p1 =	sne.s32 s6, $0x2BE00;
	[tilespmem:s5+$0xF4F0] =	vst v6  }
0xd: {  	[tilespmem:s5+$0xF480] =	vst v6  }
0xe: {  	[tilespmem:s5+$0xF490] =	vst v6  }
.Ltmp0:
0xf: {  	[tilespmem:s5+$0xF4A0] =	vst v6;
	(pc) =	sbr.rel @p1 .LBB2_1-.Ltmp0, $4  }
0x10: {  	[tilespmem:s5+$0xF4B0] =	vst v6  }
0x11: {  	[tilespmem:s5+$0xF4C0] =	vst v6  }
0x12: {  	[tilespmem:s5+$0xF4D0] =	vst v6  }
0x13: {  	[tilespmem:s5+$0xF4E0] =	vst v6;
	s5 =	sshra.s32 s6, $0x2;
	s6 =	sadd.s32 $0x200, s6  }
0x14: {  	[tilespmem:s5+$0xF4F0] =	vst v6  }
0x15: {  	[tilespmem:s5+$0xF480] =	vst v6  }
0x16: {  	[tilespmem:s5+$0xF490] =	vst v6;
	s11 =	simm.s32 $0xC  }
0x17: {  	[tilespmem:s5+$0xF4A0] =	vst v6;
	s11 =	simm.s32 @!p0 $0x0  }
0x18: {  	[tilespmem:s5+$0xF4B0] =	vst v6;
	v0 =	vlaneseq.u32;
	s6 =	ssub.s32 $0xF43, s11  }
0x19: {  	[tilespmem:s5+$0xF4C0] =	vst v6;
	v1 =	vimm.s32 $0x1;
	v2 =	vor.u32 $0x1000, v0;
	s6 =	smul.u32 $0x1746, s6  }
0x1a: {  	[tilespmem:s5+$0xF4D0] =	vst v6;
	v3 =	vor.u32 $0x2000, v0;
	v4 =	vor.u32 $0x3000, v0;
	v5 =	vor.u32 $0x4000, v0  }
0x1b: {  	[tilespmem:s5+$0xF4E0] =	vst v6;
	v6 =	vor.u32 $0x5000, v0;
	v7 =	vor.u32 $0x6000, v0;
	v8 =	vor.u32 $0x7000, v0;
	s5 =	sshll.u32 s11, $0x4;
	s12 =	sshrl.u32 s6, $0x10  }
0x1c: {  	s8 =	simm.s32 $0xF480;
	v9 =	vor.u32 $0x8000, v0;
	v10 =	vor.u32 $0x9000, v0;
	v11 =	vor.u32 $0xA000, v0;
	s7 =	sadd.s32 $0x50, s5;
	s6 =	smul.u32 $0xB0, s12  }
.LBB2_3:
0x1d: {  	v12 =	vld [tilespmem:s7+$0xFFFFFFB0];
	_ =	sdelay $0x4  }
0x1e: {  	v12 =	vshrl.u32 v12, $0x14  }
0x1f: {  	v12 =	vand.u32 $0xFF0, v12  }
0x20: {  	v12 =	vor.u32 v0, v12;
	_ =	sdelay $0x4  }
0x21: {  	[tilespmem:v12+s8+$0x0] =	vst.idx.add.s32.msk $0xffff, v1  }
0x22: {  	v12 =	vld [tilespmem:s7+$0xFFFFFFC0];
	_ =	sdelay $0x4  }
0x23: {  	v12 =	vshrl.u32 v12, $0x14  }
0x24: {  	v12 =	vand.u32 $0xFF0, v12  }
0x25: {  	v12 =	vor.u32 v2, v12;
	_ =	sdelay $0x4  }
0x26: {  	[tilespmem:v12+s8+$0x0] =	vst.idx.add.s32.msk $0xffff, v1  }
0x27: {  	v12 =	vld [tilespmem:s7+$0xFFFFFFD0];
	_ =	sdelay $0x4  }
0x28: {  	v12 =	vshrl.u32 v12, $0x14  }
0x29: {  	v12 =	vand.u32 $0xFF0, v12  }
0x2a: {  	v12 =	vor.u32 v3, v12;
	_ =	sdelay $0x4  }
0x2b: {  	[tilespmem:v12+s8+$0x0] =	vst.idx.add.s32.msk $0xffff, v1  }
0x2c: {  	v12 =	vld [tilespmem:s7+$0xFFFFFFE0];
	_ =	sdelay $0x4  }
0x2d: {  	v12 =	vshrl.u32 v12, $0x14  }
0x2e: {  	v12 =	vand.u32 $0xFF0, v12  }
0x2f: {  	v12 =	vor.u32 v4, v12;
	_ =	sdelay $0x4  }
0x30: {  	[tilespmem:v12+s8+$0x0] =	vst.idx.add.s32.msk $0xffff, v1  }
0x31: {  	v12 =	vld [tilespmem:s7+$0xFFFFFFF0];
	_ =	sdelay $0x4  }
0x32: {  	v12 =	vshrl.u32 v12, $0x14  }
0x33: {  	v12 =	vand.u32 $0xFF0, v12  }
0x34: {  	v12 =	vor.u32 v5, v12;
	_ =	sdelay $0x4  }
0x35: {  	[tilespmem:v12+s8+$0x0] =	vst.idx.add.s32.msk $0xffff, v1  }
0x36: {  	v12 =	vld [tilespmem:s7+$0x0];
	_ =	sdelay $0x4  }
0x37: {  	v12 =	vshrl.u32 v12, $0x14  }
0x38: {  	v12 =	vand.u32 $0xFF0, v12  }
0x39: {  	v12 =	vor.u32 v6, v12;
	_ =	sdelay $0x4  }
0x3a: {  	[tilespmem:v12+s8+$0x0] =	vst.idx.add.s32.msk $0xffff, v1  }
0x3b: {  	v12 =	vld [tilespmem:s7+$0x10];
	_ =	sdelay $0x4  }
0x3c: {  	v12 =	vshrl.u32 v12, $0x14  }
0x3d: {  	v12 =	vand.u32 $0xFF0, v12  }
0x3e: {  	v12 =	vor.u32 v7, v12;
	_ =	sdelay $0x4  }
0x3f: {  	[tilespmem:v12+s8+$0x0] =	vst.idx.add.s32.msk $0xffff, v1  }
0x40: {  	v12 =	vld [tilespmem:s7+$0x20];
	_ =	sdelay $0x4  }
0x41: {  	v12 =	vshrl.u32 v12, $0x14  }
0x42: {  	v12 =	vand.u32 $0xFF0, v12  }
0x43: {  	v12 =	vor.u32 v8, v12;
	_ =	sdelay $0x4  }
0x44: {  	s9 =	sand.u32 $0xFFFFFFF0, s5;
	[tilespmem:v12+s8+$0x0] =	vst.idx.add.s32.msk $0xffff, v1  }
0x45: {  	v12 =	vld [tilespmem:s9+$0x80];
	_ =	sdelay $0x4  }
0x46: {  	v12 =	vshrl.u32 v12, $0x14  }
0x47: {  	v12 =	vand.u32 $0xFF0, v12  }
0x48: {  	v12 =	vor.u32 v9, v12;
	_ =	sdelay $0x4  }
0x49: {  	[tilespmem:v12+s8+$0x0] =	vst.idx.add.s32.msk $0xffff, v1  }
0x4a: {  	v12 =	vld [tilespmem:s7+$0x40];
	_ =	sdelay $0x4  }
0x4b: {  	v12 =	vshrl.u32 v12, $0x14  }
0x4c: {  	v12 =	vand.u32 $0xFF0, v12  }
0x4d: {  	v12 =	vor.u32 v10, v12;
	_ =	sdelay $0x4  }
0x4e: {  	[tilespmem:v12+s8+$0x0] =	vst.idx.add.s32.msk $0xffff, v1  }
0x4f: {  	v12 =	vld [tilespmem:s7+$0x50];
	_ =	sdelay $0x4  }
0x50: {  	v12 =	vshrl.u32 v12, $0x14  }
0x51: {  	v12 =	vand.u32 $0xFF0, v12  }
0x52: {  	p0 =	sne.s32 s6, $0xB0;
	v12 =	vor.u32 v11, v12  }
.Ltmp1:
0x53: {  	_ = 	snop;
	(pc) =	sbr.rel @p0 .LBB2_3-.Ltmp1, $2  }
0x54: {  	_ =	sdelay $0x2  }
0x55: {  	s5 =	sadd.s32 $0xB0, s5;
	s6 =	sadd.s32 $0xFFFFFF50, s6;
	s7 =	sadd.s32 $0xB0, s7;
	[tilespmem:v12+s8+$0x0] =	vst.idx.add.s32.msk $0xffff, v1  }
0x56: {  	s7 =	smul.u32 $0xB, s12;
	_ =	sdelay $0x1  }
0x57: {  	s5 =	sadd.s32 s11, s7  }
0x58: {  	p0 =	sgt.u32 s5, $0xF42  }
.Ltmp2:
0x59: {  	_ = 	snop;
	(pc) =	sbr.rel @p0 .LBB2_8-.Ltmp2, $4  }
0x5a: {  	s6 =	sshll.u32 s2, $0xC;
	s31 =	sshll.u32 s2, $0x7;
	s8 =	smul.u32 $0x2C0, s12  }
0x5b: {  	s14 =	sshll.u32 s2, $0xB;
	s10 =	sshll.u32 s11, $0x6;
	s6 =	sand.u32 $0x8000, s6  }
0x5c: {  	s15 =	sshll.u32 s2, $0x4;
	s6 =	sadd.s32 s6, s4;
	s7 =	sadd.s32 s7, s11  }
0x5d: {  	s10 =	sadd.s32 s10, s8;
	s5 =	sand.u32 $0x380, s31;
	s9 =	ssub.s32 $0xF43, s7  }
0x5e: {  	p1 =	sne.s32 s9, $0x1  }
.Ltmp3:
0x5f: {  	_ = 	snop;
	(pc) =	sbr.rel @!p1 .LBB2_7-.Ltmp3, $3  }
0x60: {  	_ =	sdelay $0x1  }
0x61: {  	s8 =	sshrl.u32 s10, $0x2  }
0x62: {  	v0 =	vlaneseq.u32;
	v1 =	vimm.s32 $0x1;
	s7 =	simm.s32 $0xF480;
	s13 =	sadd.s32 $0xFFFFFFFF, s9;
	v2 =	vld [tilespmem:s8+$0x0]  }
.LBB2_6:
0x63: {  	p1 =	sne.s32 s13, $0x1;
	_ =	sdelay $0x3  }
0x64: {  	v2 =	vshrl.u32 v2, $0x14  }
0x65: {  	v2 =	vand.u32 $0xFF0, v2  }
0x66: {  	v2 =	vor.u32 v0, v2;
	_ =	sdelay $0x1  }
.Ltmp4:
0x67: {  	(pc) =	sbr.rel @p1 .LBB2_6-.Ltmp4, $3  }
0x68: {  	_ =	sdelay $0x1  }
0x69: {  	s8 =	sadd.s32 $0x10, s8;
	[tilespmem:v2+s7+$0x0] =	vst.idx.add.s32.msk $0xffff, v1  }
0x6a: {  	s13 =	sadd.s32 $0xFFFFFFFF, s13;
	v2 =	vld [tilespmem:s8+$0x0]  }
.LBB2_7:
0x6b: {  	_ =	sdelay $0x3  }
0x6c: {  	v2 =	vshrl.u32 v2, $0x14  }
0x6d: {  	v2 =	vand.u32 $0xFF0, v2  }
0x6e: {  	v0 =	vor.u32 v0, v2;
	_ =	sdelay $0x4  }
0x6f: {  	[tilespmem:v0+s7+$0x0] =	vst.idx.add.s32.msk $0xffff, v1  }
.LBB2_8:
0x70: {  	s7 =	simm.s32 $0x0  }
0x71: {  	v1 =	vld [tilespmem:s7+$0x19490]  }
0x72: {  	v0 =	vld [tilespmem:s7+$0x194A0]  }
0x73: {  	v2 =	vld [tilespmem:s7+$0x194B0]  }
0x74: {  	v3 =	vld [tilespmem:s7+$0x18490]  }
0x75: {  	v5 =	vld [tilespmem:s7+$0x184B0]  }
0x76: {  	v8 =	vld [tilespmem:s7+$0x17490]  }
0x77: {  	v11 =	vld [tilespmem:s7+$0x174B0]  }
0x78: {  	v13 =	vld [tilespmem:s7+$0x16490]  }
0x79: {  	v14 =	vld [tilespmem:s7+$0x164B0]  }
0x7a: {  	v15 =	vld [tilespmem:s7+$0x15490]  }
0x7b: {  	v16 =	vld [tilespmem:s7+$0x154B0]  }
0x7c: {  	v17 =	vld [tilespmem:s7+$0x14490]  }
0x7d: {  	v18 =	vld [tilespmem:s7+$0x144B0]  }
0x7e: {  	v19 =	vld [tilespmem:s7+$0x13490]  }
0x7f: {  	v20 =	vld [tilespmem:s7+$0x134B0]  }
0x80: {  	v21 =	vld [tilespmem:s7+$0x12490]  }
0x81: {  	v22 =	vld [tilespmem:s7+$0x124B0]  }
0x82: {  	v23 =	vld [tilespmem:s7+$0x11490]  }
0x83: {  	v24 =	vld [tilespmem:s7+$0x114B0]  }
0x84: {  	v25 =	vld [tilespmem:s7+$0xF490]  }
0x85: {  	s8 =	simm.s32 $0x0;
	v26 =	vld [tilespmem:s7+$0x10490]  }
0x86: {  	s13 =	sand.u32 $0xFC0, s8;
	v27 =	vld [tilespmem:s7+$0xF4B0]  }
0x87: {  	v12 =	vld [tilespmem:s13+$0x13480]  }
0x88: {  	v10 =	vld [tilespmem:s13+$0x14480]  }
0x89: {  	v9 =	vld [tilespmem:s13+$0x15480]  }
0x8a: {  	v7 =	vld [tilespmem:s13+$0x17480]  }
0x8b: {  	s6 =	sadd.s32 s5, s6;
	v6 =	vld [tilespmem:s13+$0x18480]  }
0x8c: {  	s5 =	sadd.s32 s14, s4;
	s4 =	sadd.s32 s15, s3;
	s14 =	simm.s32 $0x100;
	v4 =	vld [tilespmem:s13+$0x19480]  }
.LBB2_9:
0x8d: {  	p1 =	sne.s32 s14, $0x3F00;
	v28 =	vld [tilespmem:s7+$0x104B0]  }
0x8e: {  	v29 =	vld [tilespmem:s7+$0xF4A0]  }
0x8f: {  	v30 =	vld [tilespmem:s7+$0x104A0]  }
0x90: {  	v31 =	vld [tilespmem:s7+$0x114A0]  }
0x91: {  	v32 =	vld [tilespmem:s7+$0x124A0]  }
0x92: {  	v33 =	vld [tilespmem:s7+$0x134A0];
	v27 =	vadd.s32 v27, v28  }
0x93: {  	v25 =	vadd.s32 v25, v26;
	v26 =	vld [tilespmem:s7+$0x144A0];
	v24 =	vadd.s32 v24, v27  }
0x94: {  	v23 =	vadd.s32 v23, v25;
	v25 =	vadd.s32 v29, v30;
	v27 =	vld [tilespmem:s7+$0x154A0];
	v22 =	vadd.s32 v22, v24  }
0x95: {  	v21 =	vadd.s32 v21, v23;
	v23 =	vadd.s32 v31, v25;
	v24 =	vld [tilespmem:s7+$0x164A0];
	v20 =	vadd.s32 v20, v22  }
0x96: {  	v19 =	vadd.s32 v19, v21;
	v21 =	vadd.s32 v32, v23;
	v22 =	vld [tilespmem:s7+$0x174A0];
	v18 =	vadd.s32 v18, v20  }
0x97: {  	v17 =	vadd.s32 v17, v19;
	v19 =	vadd.s32 v33, v21;
	v20 =	vld [tilespmem:s7+$0x184A0];
	v16 =	vadd.s32 v16, v18  }
0x98: {  	v15 =	vadd.s32 v15, v17;
	v18 =	vld [tilespmem:s7+$0xF480];
	v17 =	vadd.s32 v26, v19;
	v14 =	vadd.s32 v14, v16  }
0x99: {  	v13 =	vadd.s32 v13, v15;
	v19 =	vld [tilespmem:s13+$0x16480];
	v15 =	vadd.s32 v27, v17;
	v11 =	vadd.s32 v11, v14  }
0x9a: {  	v8 =	vadd.s32 v8, v13;
	v14 =	vld [tilespmem:s13+$0x12480];
	v13 =	vadd.s32 v24, v15;
	v5 =	vadd.s32 v5, v11  }
0x9b: {  	v3 =	vadd.s32 v3, v8;
	v11 =	vld [tilespmem:s13+$0x11480];
	v8 =	vadd.s32 v22, v13;
	v2 =	vadd.s32 v2, v5  }
0x9c: {  	s15 =	sshra.s32 s14, $0x2;
	v3 =	vadd.s32 v1, v3;
	v13 =	vld [tilespmem:s13+$0x10480];
	v5 =	vadd.s32 v20, v8;
	[tilespmem:s7+$0xF4B0] =	vst v2  }
0x9d: {  	v1 =	vld [tilespmem:s15+$0x19490];
	[tilespmem:s7+$0xF490] =	vst v3;
	v2 =	vadd.s32 v0, v5  }
0x9e: {  	v0 =	vld [tilespmem:s15+$0x194A0];
	[tilespmem:s7+$0xF4A0] =	vst v2  }
0x9f: {  	v2 =	vld [tilespmem:s15+$0x194B0]  }
0xa0: {  	v3 =	vld [tilespmem:s15+$0x18490]  }
0xa1: {  	v5 =	vld [tilespmem:s15+$0x184B0];
	v13 =	vadd.s32 v18, v13  }
0xa2: {  	v8 =	vld [tilespmem:s15+$0x17490];
	v13 =	vadd.s32 v11, v13  }
0xa3: {  	v11 =	vld [tilespmem:s15+$0x174B0];
	v14 =	vadd.s32 v14, v13  }
0xa4: {  	v13 =	vld [tilespmem:s15+$0x16490];
	v12 =	vadd.s32 v12, v14  }
0xa5: {  	v14 =	vld [tilespmem:s15+$0x164B0];
	v10 =	vadd.s32 v10, v12  }
0xa6: {  	v15 =	vld [tilespmem:s15+$0x15490];
	v9 =	vadd.s32 v9, v10  }
0xa7: {  	v16 =	vld [tilespmem:s15+$0x154B0];
	v9 =	vadd.s32 v19, v9  }
0xa8: {  	v17 =	vld [tilespmem:s15+$0x14490];
	v7 =	vadd.s32 v7, v9  }
0xa9: {  	v18 =	vld [tilespmem:s15+$0x144B0];
	v6 =	vadd.s32 v6, v7  }
0xaa: {  	s8 =	sadd.s32 $0x40, s8;
	v19 =	vld [tilespmem:s15+$0x13490];
	v4 =	vadd.s32 v4, v6  }
0xab: {  	s13 =	sand.u32 $0xFC0, s8;
	v20 =	vld [tilespmem:s15+$0x134B0];
	[tilespmem:s7+$0xF480] =	vst v4;
	s7 =	smov.u32 s15  }
0xac: {  	v12 =	vld [tilespmem:s13+$0x13480]  }
0xad: {  	v10 =	vld [tilespmem:s13+$0x14480]  }
0xae: {  	v9 =	vld [tilespmem:s13+$0x15480]  }
0xaf: {  	v7 =	vld [tilespmem:s13+$0x17480]  }
0xb0: {  	v6 =	vld [tilespmem:s13+$0x18480]  }
0xb1: {  	v4 =	vld [tilespmem:s13+$0x19480]  }
0xb2: {  	v21 =	vld [tilespmem:s7+$0x12490]  }
0xb3: {  	v22 =	vld [tilespmem:s7+$0x124B0]  }
.Ltmp5:
0xb4: {  	v23 =	vld [tilespmem:s7+$0x11490];
	(pc) =	sbr.rel @p1 .LBB2_9-.Ltmp5, $4  }
0xb5: {  	v24 =	vld [tilespmem:s7+$0x114B0]  }
0xb6: {  	v25 =	vld [tilespmem:s7+$0xF490]  }
0xb7: {  	v26 =	vld [tilespmem:s7+$0x10490]  }
0xb8: {  	s14 =	sadd.s32 $0x100, s14;
	v27 =	vld [tilespmem:s7+$0xF4B0]  }
0xb9: {  	v28 =	vld [tilespmem:s7+$0x104B0]  }
0xba: {  	v29 =	vld [tilespmem:s7+$0xF4A0]  }
0xbb: {  	v30 =	vld [tilespmem:s7+$0x104A0]  }
0xbc: {  	v31 =	vld [tilespmem:s7+$0x114A0]  }
0xbd: {  	v32 =	vld [tilespmem:s7+$0x124A0]  }
0xbe: {  	v35 =	vld [tilespmem:s7+$0xF480]  }
0xbf: {  	v47 =	vld [tilespmem:s13+$0x10480]  }
0xc0: {  	v33 =	vld [tilespmem:s7+$0x134A0]  }
0xc1: {  	v34 =	vld [tilespmem:s7+$0x144A0]  }
0xc2: {  	v48 =	vld [tilespmem:s13+$0x11480];
	v25 =	vadd.s32 v25, v26  }
0xc3: {  	v50 =	vld [tilespmem:s13+$0x12480];
	v23 =	vadd.s32 v23, v25;
	v27 =	vadd.s32 v27, v28;
	v49 =	vadd.s32 v29, v30  }
0xc4: {  	v51 =	vld [tilespmem:s7+$0x154A0];
	v21 =	vadd.s32 v21, v23;
	v56 =	vadd.s32 v35, v47;
	v24 =	vadd.s32 v24, v27  }
0xc5: {  	v27 =	vadd.s32 v31, v49;
	v19 =	vadd.s32 v19, v21;
	v22 =	vadd.s32 v22, v24  }
0xc6: {  	v52 =	vld [tilespmem:s7+$0x164A0];
	v53 =	vadd.s32 v32, v27;
	v17 =	vadd.s32 v17, v19;
	v20 =	vadd.s32 v20, v22  }
0xc7: {  	v54 =	vld [tilespmem:s7+$0x174A0];
	v55 =	vadd.s32 v33, v53;
	v15 =	vadd.s32 v15, v17;
	v18 =	vadd.s32 v18, v20  }
0xc8: {  	v58 =	vld [tilespmem:s13+$0x16480];
	v57 =	vadd.s32 v34, v55;
	v16 =	vadd.s32 v16, v18;
	v18 =	vadd.s32 v48, v56  }
0xc9: {  	v59 =	vld [tilespmem:s7+$0x184A0];
	v13 =	vadd.s32 v13, v15;
	v61 =	vadd.s32 v51, v57;
	v60 =	vadd.s32 v50, v18  }
0xca: {  	v8 =	vadd.s32 v8, v13;
	v14 =	vadd.s32 v14, v16;
	v12 =	vadd.s32 v12, v60  }
0xcb: {  	v62 =	vadd.s32 v52, v61;
	v11 =	vadd.s32 v11, v14;
	v10 =	vadd.s32 v10, v12  }
0xcc: {  	v3 =	vadd.s32 v3, v8;
	v5 =	vadd.s32 v5, v11;
	v8 =	vadd.s32 v9, v10  }
0xcd: {  	v63 =	vadd.s32 v54, v62;
	v2 =	vadd.s32 v2, v5;
	v5 =	vadd.s32 v58, v8  }
0xce: {  	v1 =	vadd.s32 v1, v3;
	v3 =	vadd.s32 v59, v63;
	[tilespmem:s7+$0xF4B0] =	vst v2;
	v2 =	vadd.s32 v7, v5  }
0xcf: {  	[tilespmem:s7+$0xF490] =	vst v1;
	v0 =	vadd.s32 v0, v3;
	v1 =	vadd.s32 v6, v2  }
0xd0: {  	s21 =	simm.s32 $0x80;
	[tilespmem:s7+$0xF4A0] =	vst v0;
	v0 =	vadd.s32 v4, v1  }
0xd1: {  	s8 =	simm.s32 $0x400;
	s22 =	simm.s32 $0xF480;
	s23 =	simm.s32 $0x1;
	[tilespmem:s7+$0xF480] =	vst v0  }
0xd2: {  	[spmem:s6] =	stream.strided.scatter [tilespmem:s22], [sflag:$0x1], $0x1000, s8, s21, $0x38;
	[tilespmem:$0x1C690] =	vst v63  }
0xd3: {  	_ =	swait.ge [sflag:s23], $0x1000  }
0xd4: {  	[sflag:s23] =	ssyncset.done $0x0  }
0xd5: {  	s24 =	simm.s32 $0x800;
	[sflag:s23] =	ssyncadd.s32 $0xFFFFF000  }
0xd6: {  	s25 =	simm.s32 $0x8000;
	s14 =	simm.s32 $0x1A480;
	[bflag:$0x0] =	sbarrier.arrive $0xFFFF  }
0xd7: {  	[tilespmem:s14], [sflag:$0x1] =	stream.strided.gather [spmem:s5], $0x1000, s25, s24, $0x38;
	[tilespmem:$0x1C690] =	vst v63  }
0xd8: {  	s7 =	simm.s32 $0x0;
	_ =	swait.ge [sflag:s23], $0x1000  }
0xd9: {  	s26 =	sand.u32 $0x70, s7;
	s28 =	sand.u32 $0x400, s7;
	[sflag:s23] =	ssyncset.done $0x0  }
0xda: {  	s13 =	sor.u32 s26, s28;
	[sflag:s23] =	ssyncadd.s32 $0xFFFFF000  }
0xdb: {  	s29 =	sadd.s32 $0x1A480, s13;
	v0 =	vld [tilespmem:s13+$0x1A480]  }
0xdc: {  	v1 =	vld [tilespmem:s29+$0x80]  }
0xdd: {  	v2 =	vld [tilespmem:s29+$0x100]  }
0xde: {  	v3 =	vld [tilespmem:s29+$0x180]  }
0xdf: {  	v4 =	vld [tilespmem:s29+$0x200]  }
0xe0: {  	s30 =	sor.u32 s7, s7;
	v5 =	vld [tilespmem:s29+$0x280]  }
0xe1: {  	s31 =	sor.u32 $0x380, s30;
	v0 =	vadd.s32 v0, v1;
	v1 =	vld [tilespmem:s29+$0x300]  }
0xe2: {  	v6 =	vld [tilespmem:s31+$0x1A480];
	v0 =	vadd.s32 v2, v0  }
0xe3: {  	v7 =	vld [tilespmem:s13+$0x1AC80];
	v0 =	vadd.s32 v3, v0  }
0xe4: {  	v8 =	vld [tilespmem:s13+$0x1AD00];
	v0 =	vadd.s32 v4, v0  }
0xe5: {  	v4 =	vld [tilespmem:s13+$0x1AD80];
	v0 =	vadd.s32 v5, v0  }
0xe6: {  	v2 =	vld [tilespmem:s13+$0x1AE00];
	v0 =	vadd.s32 v1, v0  }
0xe7: {  	v3 =	vld [tilespmem:s13+$0x1AE80];
	v0 =	vadd.s32 v6, v0  }
0xe8: {  	s15 =	simm.s32 $0x10;
	s16 =	simm.s32 $0x2;
	s14 =	simm.s32 $0x80;
	v5 =	vld [tilespmem:s13+$0x1AF00];
	v6 =	vadd.s32 v7, v0  }
0xe9: {  	s17 =	sand.u32 $0x70, s15;
	s8 =	simm.s32 $0x1;
	s18 =	sand.u32 $0x400, s14;
	v1 =	vimm.s32 $0x0;
	v0 =	vlaneseq.u32;
	v7 =	vadd.s32 v8, v6;
	v6 =	vld [tilespmem:s13+$0x1AF80]  }
.LBB2_11:
0xea: {  	p1 =	sne.s32 s16, $0xF;
	v4 =	vadd.s32 v4, v7;
	v7 =	vld [tilespmem:s13+$0x1B000];
	s13 =	sor.u32 s17, s18  }
0xeb: {  	s17 =	sadd.s32 $0x1A480, s13;
	v8 =	vld [tilespmem:s13+$0x1A480];
	v2 =	vadd.s32 v2, v4  }
0xec: {  	v4 =	vld [tilespmem:s17+$0x80];
	v2 =	vadd.s32 v3, v2  }
0xed: {  	v3 =	vld [tilespmem:s17+$0x100];
	v2 =	vadd.s32 v5, v2  }
0xee: {  	v5 =	vld [tilespmem:s17+$0x180];
	v2 =	vadd.s32 v6, v2  }
0xef: {  	v6 =	vld [tilespmem:s17+$0x200];
	v2 =	vadd.s32 v7, v2  }
0xf0: {  	s18 =	sor.u32 s14, s15;
	v7 =	vld [tilespmem:s17+$0x280];
	(xrf0) =	vadd.scan.msk.s32 $0xffff, v2  }
0xf1: {  	v2 =	vadd.s32 v8, v4;
	v8 =	vld [tilespmem:s17+$0x300];
	s17 =	sor.u32 $0x380, s18  }
0xf2: {  	v2 =	vadd.s32 v3, v2;
	v3 =	vld [tilespmem:s17+$0x1A480]  }
0xf3: {  	v2 =	vadd.s32 v5, v2;
	v5 =	vld [tilespmem:s13+$0x1AC80]  }
0xf4: {  	v2 =	vadd.s32 v6, v2;
	v6 =	vld [tilespmem:s13+$0x1AD00]  }
.Ltmp6:
0xf5: {  	v2 =	vadd.s32 v7, v2;
	v4 =	vld [tilespmem:s13+$0x1AD80];
	(pc) =	sbr.rel @p1 .LBB2_11-.Ltmp6, $4  }
0xf6: {  	v7 =	vadd.s32 v8, v2;
	v2 =	vld [tilespmem:s13+$0x1AE00];
	v8, _, _ =	vpop (xrf0)  }
0xf7: {  	v9 =	vmov s7;
	s7 =	smov.u32 s8;
	s8 =	smov.u32 s16;
	v7 =	vadd.s32 v3, v7;
	v3 =	vld [tilespmem:s13+$0x1AE80];
	v8 =	vbroadcast v8, $0xF  }
0xf8: {  	s14 =	sadd.s32 $0x80, s14;
	s15 =	sadd.s32 $0x10, s15;
	vm0 =	veq.s32 v9, v0;
	v7 =	vadd.s32 v5, v7;
	v5 =	vld [tilespmem:s13+$0x1AF00]  }
0xf9: {  	s16 =	sadd.s32 $0x1, s16;
	s18 =	sand.u32 $0x400, s14;
	s17 =	sand.u32 $0x70, s15;
	v7 =	vadd.s32 v6, v7;
	v6 =	vld [tilespmem:s13+$0x1AF80];
	v1 =	vsel vm0, v8, v1  }
0xfa: {  	s16 =	sor.u32 s17, s18;
	v8 =	vld [tilespmem:s13+$0x1B000]  }
0xfb: {  	s22 =	sadd.s32 $0x1A480, s16;
	v9 =	vld [tilespmem:s16+$0x1A480]  }
0xfc: {  	v10 =	vld [tilespmem:s22+$0x80]  }
0xfd: {  	v11 =	vld [tilespmem:s22+$0x100]  }
0xfe: {  	v12 =	vld [tilespmem:s22+$0x180]  }
0xff: {  	v13 =	vld [tilespmem:s22+$0x200]  }
0x100: {  	s14 =	sor.u32 s14, s15;
	v14 =	vld [tilespmem:s22+$0x280]  }
0x101: {  	s23 =	sor.u32 $0x380, s14;
	v43 =	vld [tilespmem:s22+$0x300];
	v9 =	vadd.s32 v9, v10  }
0x102: {  	v44 =	vld [tilespmem:s23+$0x1A480];
	v9 =	vadd.s32 v11, v9  }
0x103: {  	v45 =	vld [tilespmem:s16+$0x1AC80];
	v9 =	vadd.s32 v12, v9  }
0x104: {  	v46 =	vld [tilespmem:s16+$0x1AD00];
	v9 =	vadd.s32 v13, v9  }
0x105: {  	v47 =	vld [tilespmem:s16+$0x1AD80];
	v9 =	vadd.s32 v14, v9  }
0x106: {  	v48 =	vld [tilespmem:s16+$0x1AE00];
	v9 =	vadd.s32 v43, v9  }
0x107: {  	v49 =	vld [tilespmem:s16+$0x1AE80];
	v9 =	vadd.s32 v44, v9  }
0x108: {  	v50 =	vld [tilespmem:s16+$0x1AF00];
	v9 =	vadd.s32 v45, v9  }
0x109: {  	v4 =	vadd.s32 v4, v7;
	v52 =	vld [tilespmem:s16+$0x1AF80];
	v51 =	vadd.s32 v46, v9  }
0x10a: {  	v2 =	vadd.s32 v2, v4;
	v53 =	vld [tilespmem:s16+$0x1B000];
	v4 =	vadd.s32 v47, v51  }
0x10b: {  	v2 =	vadd.s32 v3, v2;
	v3 =	vadd.s32 v48, v4  }
0x10c: {  	v2 =	vadd.s32 v5, v2;
	v3 =	vadd.s32 v49, v3  }
0x10d: {  	v2 =	vadd.s32 v6, v2;
	v3 =	vadd.s32 v50, v3  }
0x10e: {  	v2 =	vadd.s32 v8, v2;
	v3 =	vadd.s32 v52, v3  }
0x10f: {  	(xrf0) =	vadd.scan.msk.s32 $0xffff, v2;
	v2 =	vadd.s32 v53, v3  }
0x110: {  	(xrf0) =	vadd.scan.msk.s32 $0xffff, v2;
	_ =	sdelay $0x4  }
0x111: {  	v2, _, _ =	vpop (xrf0)  }
0x112: {  	v3 =	vmov s7;
	v2 =	vbroadcast v2, $0xF;
	v4, _, _ =	vpop (xrf0)  }
0x113: {  	vm0 =	veq.s32 v3, v0;
	v3 =	vmov s8;
	v4 =	vbroadcast v4, $0xF  }
0x114: {  	vm4 =	veq.s32 v3, v0;
	v1 =	vsel vm0, v2, v1  }
0x115: {  	v0 =	vsel vm4, v4, v1  }
0x116: {  	s24 =	simm.s32 $0x1B600;
	s25 =	simm.s32 $0x1;
	[tilespmem:$0x1B600] =	vst v0  }
0x117: {  	[spmem:s4] =	stream.linear.scatter [tilespmem:s24], [sflag:$0x1], $0x10, $0x38;
	[tilespmem:$0x1C690] =	vst v63  }
0x118: {  	_ =	swait.ge [sflag:s25], $0x10  }
0x119: {  	[sflag:s25] =	ssyncset.done $0x0  }
0x11a: {  	[sflag:s25] =	ssyncadd.s32 $0xFFFFFFF0  }
0x11b: {  	s26 =	simm.s32 $0x1B480;
	[bflag:$0x0] =	sbarrier.arrive $0xFFFF  }
0x11c: {  	[tilespmem:s26], [sflag:$0x1] =	stream.linear.gather [spmem:s3], $0x100, $0x38;
	[tilespmem:$0x1C690] =	vst v63  }
0x11d: {  	_ =	swait.ge [sflag:s25], $0x100  }
0x11e: {  	[sflag:s25] =	ssyncset.done $0x0  }
0x11f: {  	[sflag:s25] =	ssyncadd.s32 $0xFFFFFF00  }
0x120: {  	v0 =	vld [tilespmem:$0x1B570]  }
0x121: {  	v1 =	vld [tilespmem:$0x1B560]  }
0x122: {  	v2 =	vld [tilespmem:$0x1B550]  }
0x123: {  	v3 =	vld [tilespmem:$0x1B540]  }
0x124: {  	v4 =	vld [tilespmem:$0x1B530]  }
0x125: {  	(xrf0) =	vadd.scan.msk.s32 $0xffff, v0;
	v0 =	vld [tilespmem:$0x1B520]  }
0x126: {  	(xrf0) =	vadd.scan.msk.s32 $0xffff, v1;
	v1 =	vld [tilespmem:$0x1B510]  }
0x127: {  	(xrf0) =	vadd.scan.msk.s32 $0xffff, v2;
	v2 =	vld [tilespmem:$0x1B500]  }
0x128: {  	(xrf0) =	vadd.scan.msk.s32 $0xffff, v3;
	v3 =	vld [tilespmem:$0x1B480]  }
0x129: {  	(xrf0) =	vadd.scan.msk.s32 $0xffff, v4;
	v4 =	vld [tilespmem:$0x1B490]  }
0x12a: {  	(xrf0) =	vadd.scan.msk.s32 $0xffff, v0;
	v0 =	vld [tilespmem:$0x1B4A0]  }
0x12b: {  	vm5 =	vmmov $0x1;
	vm6 =	vmmov $0x3;
	v5, _, _ =	vpop (xrf0);
	(xrf0) =	vadd.scan.msk.s32 $0xffff, v1;
	v1 =	vld [tilespmem:$0x1B4B0]  }
0x12c: {  	vm7 =	vmmov $0x7;
	v61 =	vimm.s32 $0x0;
	v63 =	vimm.s32 $0x0;
	v54, _, _ =	vpop (xrf0);
	(xrf0) =	vadd.scan.msk.s32 $0xffff, v2  }
0x12d: {  	vm11 =	vmmov vm5;
	v2 =	vld [tilespmem:$0x1B4C0];
	v5 =	vbroadcast v5, $0xF;
	v6 =	vbroadcast v54, $0xF;
	v55, _, _ =	vpop (xrf0);
	(xrf0) =	vadd.scan.msk.s32 $0xffff, v3  }
0x12e: {  	vm12 =	vmmov vm6;
	vm4 =	vmmov $0xf;
	v3 =	vbroadcast v55, $0xF;
	v56, _, _ =	vpop (xrf0);
	(xrf0) =	vadd.scan.msk.s32 $0xffff, v4;
	v4 =	vld [tilespmem:$0x1B4D0]  }
0x12f: {  	v7 =	vsel vm4, $0xFFFFFFFF, v61;
	v5 =	vsel vm5, v5, v6;
	v57 =	vbroadcast v56, $0xF;
	v58, _, _ =	vpop (xrf0);
	(xrf0) =	vadd.scan.msk.s32 $0xffff, v0  }
0x130: {  	vm5 =	vmmov $0x1f;
	v3 =	vsel vm6, v5, v3;
	v59, _, _ =	vpop (xrf0);
	(xrf0) =	vadd.scan.msk.s32 $0xffff, v1;
	v1 =	vimm.s32 $0x0  }
0x131: {  	[tilespmem:$0x1FF60] =	vst v7;
	v5 =	vbroadcast v58, $0xF;
	v7 =	vsel vm5, $0xFFFFFFFF, v63;
	v1 =	vsel vm7, $0xFFFFFFFF, v1  }
0x132: {  	v60, _, _ =	vpop (xrf0);
	(xrf0) =	vadd.scan.msk.s32 $0xffff, v2;
	[tilespmem:$0x1FF50] =	vst v1;
	v1 =	vsel vm7, v3, v57;
	v3 =	vbroadcast v59, $0xF  }
0x133: {  	v0 =	vld [tilespmem:$0x1B4E0];
	vm6 =	vmmov $0x3f;
	v2, _, _ =	vpop (xrf0);
	vm7 =	vmmov $0x7f;
	(xrf0) =	vadd.scan.msk.s32 $0xffff, v4;
	v4 =	vimm.s32 $0x0  }
0x134: {  	v1 =	vsel vm4, v1, v5;
	v5 =	vbroadcast v60, $0xF;
	v4 =	vsel vm6, $0xFFFFFFFF, v4  }
0x135: {  	v2 =	vbroadcast v2, $0xF;
	vm4 =	vmmov $0xff;
	v1 =	vsel vm5, v1, v3  }
0x136: {  	vm5 =	vmmov $0x1ff;
	v1 =	vsel vm6, v1, v5;
	v5 =	vimm.s32 $0x0;
	v3, _, _ =	vpop (xrf0)  }
0x137: {  	[tilespmem:$0x1FF80] =	vst v4;
	vm6 =	vmmov $0x3ff;
	v5 =	vsel vm7, $0xFFFFFFFF, v5;
	v3 =	vbroadcast v3, $0xF;
	v4, _, _ =	vpop (xrf0)  }
0x138: {  	(xrf0) =	vadd.scan.msk.s32 $0xffff, v0;
	v1 =	vsel vm7, v1, v2;
	vm7 =	vmmov $0x7ff;
	v0, _, _ =	vpop (xrf0);
	v2 =	vbroadcast v4, $0xF  }
0x139: {  	[tilespmem:$0x1FF90] =	vst v5;
	v5 =	vimm.s32 $0x0;
	v4, _, _ =	vpop (xrf0);
	v1 =	vsel vm4, v1, v3;
	v0 =	vbroadcast v0, $0xF  }
0x13a: {  	v62 =	vld [tilespmem:$0x1B4F0];
	v3 =	vimm.s32 $0x0;
	v1 =	vsel vm5, v1, v2;
	v2 =	vbroadcast v4, $0xF  }
0x13b: {  	v5 =	vsel vm4, $0xFFFFFFFF, v5;
	v3 =	vsel vm5, $0xFFFFFFFF, v3;
	v0 =	vsel vm6, v1, v0  }
0x13c: {  	vm4 =	vmmov $0xfff;
	v0 =	vsel vm7, v0, v2;
	v2 =	vimm.s32 $0x0  }
0x13d: {  	v2 =	vsel vm4, $0xFFFFFFFF, v2  }
0x13e: {  	[tilespmem:$0x1FFB0] =	vst v3;
	v3, _, _ =	vpop (xrf0)  }
0x13f: {  	(xrf0) =	vadd.scan.msk.s32 $0xffff, v62;
	v1 =	vbroadcast v3, $0xF;
	v3, _, _ =	vpop (xrf0)  }
0x140: {  	[tilespmem:$0x1FFD0] =	vst v2;
	v2, _, _ =	vpop (xrf0)  }
0x141: {  	v2 =	vbroadcast v2, $0xF  }
0x142: {  	v4 =	vimm.s32 $0x0;
	v0 =	vsel vm4, v0, v1;
	v1 =	vbroadcast v3, $0xF  }
0x143: {  	vm5 =	vmmov $0x1fff;
	v4 =	vsel vm6, $0xFFFFFFFF, v4;
	v3 =	vlaneseq.u32  }
0x144: {  	vm6 =	vmmov $0x3fff;
	v0 =	vsel vm5, v0, v1;
	v1 =	vmul.u32 $0xFFFFFFFF, v3  }
0x145: {  	vm13 =	vmmov vm7;
	vm7 =	vmmov $0x7fff;
	v0 =	vsel vm6, v0, v2;
	v2, _, _ =	vpop (xrf0)  }
0x146: {  	v0 =	vsel vm7, v0, v2;
	v2 =	vadd.s32 $0xF, v1  }
0x147: {  	v1 =	vperm.xlane v0, v2;
	_ =	sdelay $0x1  }
0x148: {  	(xrf0) =	vadd.scan.msk.s32 $0xffff, v1;
	_ =	sdelay $0x4  }
0x149: {  	[tilespmem:$0x1FFC0] =	vst v4;
	v4 =	vimm.s32 $0x0  }
0x14a: {  	v4 =	vsel vm5, $0xFFFFFFFF, v4;
	v1, _, _ =	vpop (xrf0)  }
0x14b: {  	[tilespmem:$0x1FFE0] =	vst v4;
	v4 =	vimm.s32 $0x0;
	v1 =	vperm.xlane v1, v2  }
0x14c: {  	v4 =	vsel vm7, $0xFFFFFFFF, v4  }
0x14d: {  	[tilespmem:$0x1FFF0] =	vst v4;
	v4 =	vor.u32 $0x80000000, v3;
	vm4 =	vgt.s32 v1, $0x1FF  }
0x14e: {  	[tilespmem:$0x1FFA0] =	vst v5;
	v5 =	vnsel vm4, $0x7FFFFFFF, v4  }
0x14f: {  	(xrf0) =	vmax.scan.msk.u32 $0xffff, v5;
	_ =	sdelay $0x5  }
0x150: {  	v5, _, _ =	vpop (xrf0)  }
0x151: {  	(v2sf) =	vpush v5, $0xF;
	_ =	sdelay $0xe  }
0x152: {  	s7 =	spop (v2sf)  }
0x153: {  	s28 =	sxor.u32 $0x80000000, s7  }
0x154: {  	v5 =	vmov s28  }
0x155: {  	v1 =	vxor.u32 $0x80000000, v1;
	vm5 =	veq.s32 v5, v3  }
0x156: {  	v0 =	vxor.u32 $0x80000000, v0;
	v1 =	vnsel vm5, $0x0, v1  }
0x157: {  	v0 =	vnsel vm5, $0x0, v0;
	(xrf0) =	vmax.scan.msk.u32 $0xffff, v1  }
0x158: {  	(xrf0) =	vmax.scan.msk.u32 $0xffff, v0;
	_ =	sdelay $0x3  }
0x159: {  	s8 =	ssub.s32 $0xF, s7;
	s13 =	sadd.s32 $0xFFFFFF8, s7;
	p1 =	slt.s32 s28, $0x8  }
0x15a: {  	s13 =	smov.u32 @p1 s8;
	v0, _, _ =	vpop (xrf0)  }
0x15b: {  	s29 =	sshll.u32 s13, $0x4;
	(v2sf) =	vpush v0, $0xF;
	v0, _, _ =	vpop (xrf0)  }
0x15c: {  	(v2sf) =	vpush v0, $0xF;
	v0 =	vld [tilespmem:s29+$0x1B480];
	_ =	sdelay $0x4  }
0x15d: {  	v1 =	vperm.xlane v0, v2  }
0x15e: {  	vm14 =	vmmov vm6;
	vm6 =	vlt.s32 v5, $0x8  }
0x15f: {  	v1 =	vsel vm6, v1, v0  }
0x160: {  	v0 =	vperm.xlane v1, v2;
	_ =	sdelay $0x1  }
0x161: {  	(xrf0) =	vadd.scan.msk.s32 $0xffff, v0;
	_ =	sdelay $0x3  }
0x162: {  	s30 =	spop (v2sf)  }
0x163: {  	s31 =	spop (v2sf)  }
0x164: {  	s8 =	sxor.u32 $0x80000000, s30;
	s13 =	sxor.u32 $0x80000000, s31;
	v0, _, _ =	vpop (xrf0)  }
0x165: {  	s8 =	ssub.s32 s13, s8;
	v2 =	vperm.xlane v0, v2  }
0x166: {  	s13 =	sadd.s32 $0x200, s8  }
0x167: {  	vm7 =	vlt.s32 v2, s13  }
0x168: {  	v0 =	vsel vm7, $0x7FFFFFFF, v4  }
0x169: {  	(xrf0) =	vmax.scan.msk.u32 $0xffff, v0;
	_ =	sdelay $0x5  }
0x16a: {  	v0, _, _ =	vpop (xrf0)  }
0x16b: {  	(v2sf) =	vpush v0, $0xF;
	_ =	sdelay $0xe  }
0x16c: {  	s8 =	spop (v2sf)  }
.Ltmp7:
0x16d: {  	s14 =	sxor.u32 $0x80000000, s8;
	(pc) =	sbr.rel .LBB2_13-.Ltmp7, $4  }
0x16e: {  	s15 =	ssub.s32 $0xF, s14;
	s17 =	smov.u32 s14  }
0x16f: {  	s12 =	smul.u32 $0xB0, s12;
	s17 =	smov.u32 @p1 s15  }
0x170: {  	s16 =	sshll.u32 s11, $0x4;
	s15 =	simm.s32 $0x0;
	s17 =	sadd.s32 s29, s17  }
0x171: {  	s11 =	simm.s32 $0x0;
	[tilespmem:$0x1FF70] =	vst v7;
	v3 =	vimm.s32 $0x0;
	[smem:$0x0] =	sst s15;
	v0 =	vmov s17;
	s17 =	sadd.s32 $0x50, s16  }
.LBB2_15:
0x172: {  	s12 =	sadd.s32 $0xFFFFFF50, s12  }
0x173: {  	p1 =	seq.s32 s12, $0x0  }
.Ltmp8:
0x174: {  	_ = 	snop;
	(pc) =	sbr.rel @p1 .LBB2_16-.Ltmp8, $2  }
0x175: {  	_ =	sdelay $0x2  }
0x176: {  	s16 =	sadd.s32 $0xB0, s16;
	s17 =	sadd.s32 $0xB0, s17  }
.LBB2_13:
0x177: {  	v14 =	vld [tilespmem:s17+$0xFFFFFFB0]  }
0x178: {  	v13 =	vld [tilespmem:s17+$0xFFFFFFC0]  }
0x179: {  	v12 =	vld [tilespmem:s17+$0xFFFFFFD0]  }
0x17a: {  	v8 =	vld [tilespmem:s17+$0xFFFFFFE0]  }
0x17b: {  	v6 =	vld [tilespmem:s17+$0xFFFFFFF0]  }
0x17c: {  	v4 =	vld [tilespmem:s17+$0x0]  }
0x17d: {  	v5 =	vld [tilespmem:s17+$0x10];
	v7 =	vshrl.u32 v14, $0x18;
	v9 =	vshrl.u32 v13, $0x18  }
0x17e: {  	s18 =	sand.u32 $0xFFFFFFF0, s16;
	vm9 =	veq.s32 v7, v0;
	vm3 =	veq.s32 v9, v0;
	v9 =	vshrl.u32 v12, $0x18;
	v7 =	vld [tilespmem:s17+$0x20]  }
0x17f: {  	v10 =	vshrl.u32 v8, $0x18;
	vm4 =	veq.s32 v9, v0;
	v9 =	vld [tilespmem:s18+$0x80];
	vm0 =	vmor vm9, vm3  }
0x180: {  	v11 =	vshrl.u32 v6, $0x18;
	vm15 =	veq.s32 v10, v0;
	v10 =	vld [tilespmem:s17+$0x40];
	vm1 =	vmor vm0, vm4  }
0x181: {  	v15 =	vshrl.u32 v4, $0x18;
	vm0 =	veq.s32 v11, v0;
	v11 =	vld [tilespmem:s17+$0x50];
	vm2 =	vmor vm1, vm15  }
0x182: {  	vm1 =	veq.s32 v15, v0;
	v15 =	vshrl.u32 v5, $0x18;
	vm5 =	vmor vm2, vm0  }
0x183: {  	vm2 =	veq.s32 v15, v0;
	v15 =	vshrl.u32 v7, $0x18;
	vm6 =	vmor vm5, vm1  }
0x184: {  	vm5 =	veq.s32 v15, v0;
	v15 =	vshrl.u32 v9, $0x18;
	vm7 =	vmor vm6, vm2  }
0x185: {  	vm6 =	veq.s32 v15, v0;
	v15 =	vshrl.u32 v10, $0x18;
	vm8 =	vmor vm7, vm5  }
0x186: {  	vm7 =	veq.s32 v15, v0;
	v15 =	vshrl.u32 v11, $0x18;
	vm10 =	vmor vm8, vm6  }
0x187: {  	vm8 =	veq.s32 v15, v0;
	vm10 =	vmor vm10, vm7  }
0x188: {  	vm10 =	vmor vm10, vm8  }
0x189: {  	v15 =	vsel vm10, $0x1, v3  }
0x18a: {  	v15 =	vor.u32 $0x80000000, v15  }
0x18b: {  	(xrf0) =	vmax.scan.msk.u32 $0xffff, v15;
	_ =	sdelay $0x5  }
0x18c: {  	v15, _, _ =	vpop (xrf0)  }
0x18d: {  	(v2sf) =	vpush v15, $0xF;
	_ =	sdelay $0xe  }
0x18e: {  	s31 =	spop (v2sf)  }
0x18f: {  	p1 =	slt.u32 s31, $0x80000001  }
.Ltmp9:
0x190: {  	_ = 	snop;
	(pc) =	sbr.rel @p1 .LBB2_15-.Ltmp9, $1  }
0x191: {  	_ =	sdelay $0x3  }
0x192: {  	v15 =	vsel vm9, $0x1, v3  }
0x193: {  	(xrf0) =	vadd.scan.msk.s32 $0xffff, v15;
	_ =	sdelay $0x5  }
0x194: {  	v15, _, _ =	vpop (xrf0)  }
0x195: {  	v16 =	vxor.u32 $0x80000000, v15  }
0x196: {  	v48 =	vsel vm3, $0x1, v3;
	(xrf0) =	vmax.scan.msk.u32 $0xffff, v16  }
0x197: {  	(xrf0) =	vadd.scan.msk.s32 $0xffff, v48;
	_ =	sdelay $0x4  }
0x198: {  	v49, _, _ =	vpop (xrf0)  }
0x199: {  	v17, _, _ =	vpop (xrf0)  }
0x19a: {  	v18 =	vxor.u32 $0x80000000, v17  }
0x19b: {  	v50 =	vsel vm4, $0x1, v3;
	(xrf0) =	vmax.scan.msk.u32 $0xffff, v18  }
0x19c: {  	(xrf0) =	vadd.scan.msk.s32 $0xffff, v50;
	_ =	sdelay $0x4  }
0x19d: {  	v51, _, _ =	vpop (xrf0)  }
0x19e: {  	v19, _, _ =	vpop (xrf0)  }
0x19f: {  	v20 =	vxor.u32 $0x80000000, v19  }
0x1a0: {  	v52 =	vsel vm15, $0x1, v3;
	(xrf0) =	vmax.scan.msk.u32 $0xffff, v20  }
0x1a1: {  	(xrf0) =	vadd.scan.msk.s32 $0xffff, v52;
	_ =	sdelay $0x4  }
0x1a2: {  	v53, _, _ =	vpop (xrf0)  }
0x1a3: {  	v21, _, _ =	vpop (xrf0)  }
0x1a4: {  	v22 =	vxor.u32 $0x80000000, v21  }
0x1a5: {  	v54 =	vsel vm0, $0x1, v3;
	(xrf0) =	vmax.scan.msk.u32 $0xffff, v22  }
0x1a6: {  	(xrf0) =	vadd.scan.msk.s32 $0xffff, v54;
	_ =	sdelay $0x4  }
0x1a7: {  	v55, _, _ =	vpop (xrf0)  }
0x1a8: {  	v23, _, _ =	vpop (xrf0)  }
0x1a9: {  	v24 =	vxor.u32 $0x80000000, v23  }
0x1aa: {  	v56 =	vsel vm1, $0x1, v3;
	(xrf0) =	vmax.scan.msk.u32 $0xffff, v24  }
0x1ab: {  	(xrf0) =	vadd.scan.msk.s32 $0xffff, v56;
	_ =	sdelay $0x4  }
0x1ac: {  	v57, _, _ =	vpop (xrf0)  }
0x1ad: {  	v25, _, _ =	vpop (xrf0)  }
0x1ae: {  	v26 =	vxor.u32 $0x80000000, v25  }
0x1af: {  	v58 =	vsel vm2, $0x1, v3;
	(xrf0) =	vmax.scan.msk.u32 $0xffff, v26  }
0x1b0: {  	(xrf0) =	vadd.scan.msk.s32 $0xffff, v58;
	_ =	sdelay $0x4  }
0x1b1: {  	v59, _, _ =	vpop (xrf0)  }
0x1b2: {  	v27, _, _ =	vpop (xrf0)  }
0x1b3: {  	v28 =	vxor.u32 $0x80000000, v27  }
0x1b4: {  	v60 =	vsel vm5, $0x1, v3;
	(xrf0) =	vmax.scan.msk.u32 $0xffff, v28  }
0x1b5: {  	(xrf0) =	vadd.scan.msk.s32 $0xffff, v60;
	_ =	sdelay $0x4  }
0x1b6: {  	v61, _, _ =	vpop (xrf0)  }
0x1b7: {  	v29, _, _ =	vpop (xrf0)  }
0x1b8: {  	v30 =	vxor.u32 $0x80000000, v29  }
0x1b9: {  	v62 =	vsel vm6, $0x1, v3;
	(xrf0) =	vmax.scan.msk.u32 $0xffff, v30  }
0x1ba: {  	(xrf0) =	vadd.scan.msk.s32 $0xffff, v62;
	_ =	sdelay $0x4  }
0x1bb: {  	v63, _, _ =	vpop (xrf0)  }
0x1bc: {  	v31, _, _ =	vpop (xrf0)  }
0x1bd: {  	v32 =	vxor.u32 $0x80000000, v31  }
0x1be: {  	v36 =	vsel vm7, $0x1, v3;
	(xrf0) =	vmax.scan.msk.u32 $0xffff, v32  }
0x1bf: {  	(xrf0) =	vadd.scan.msk.s32 $0xffff, v36  }
0x1c0: {  	(v2sf) =	vpush v49, $0xF;
	_ =	sdelay $0x1  }
0x1c1: {  	(v2sf) =	vpush v51, $0xF;
	_ =	sdelay $0x1  }
0x1c2: {  	(v2sf) =	vpush v53, $0xF;
	v37, _, _ =	vpop (xrf0)  }
0x1c3: {  	v38, _, _ =	vpop (xrf0)  }
0x1c4: {  	(v2sf) =	vpush v55, $0xF;
	v39 =	vxor.u32 $0x80000000, v38  }
0x1c5: {  	v40 =	vsel vm8, $0x1, v3;
	(xrf0) =	vmax.scan.msk.u32 $0xffff, v39  }
0x1c6: {  	(v2sf) =	vpush v57, $0xF;
	(xrf0) =	vadd.scan.msk.s32 $0xffff, v40;
	_ =	sdelay $0x1  }
0x1c7: {  	(v2sf) =	vpush v59, $0xF;
	_ =	sdelay $0x1  }
0x1c8: {  	(v2sf) =	vpush v61, $0xF  }
0x1c9: {  	v41, _, _ =	vpop (xrf0)  }
0x1ca: {  	(v2sf) =	vpush v63, $0xF;
	v42, _, _ =	vpop (xrf0)  }
0x1cb: {  	s18 =	spop (v2sf);
	v43 =	vxor.u32 $0x80000000, v42  }
0x1cc: {  	s18 =	sadd.s32 s18, s11;
	(v2sf) =	vpush v37, $0xF;
	(xrf0) =	vmax.scan.msk.u32 $0xffff, v43  }
0x1cd: {  	s18 =	sadd.s32 $0x80000000, s18;
	s19 =	spop (v2sf)  }
0x1ce: {  	s19 =	sadd.s32 s19, s18;
	(v2sf) =	vpush v41, $0xF  }
0x1cf: {  	s19 =	sadd.s32 $0x80000000, s19;
	s20 =	spop (v2sf)  }
0x1d0: {  	s20 =	sadd.s32 s20, s19  }
0x1d1: {  	s20 =	sadd.s32 $0x80000000, s20;
	s21 =	spop (v2sf)  }
0x1d2: {  	s21 =	sadd.s32 s21, s20;
	v44, _, _ =	vpop (xrf0)  }
0x1d3: {  	s21 =	sadd.s32 $0x80000000, s21;
	s22 =	spop (v2sf);
	(v2sf) =	vpush v44, $0xF  }
0x1d4: {  	v45 =	vsel vm9, $0xFFFFFFFF, v3;
	s22 =	sadd.s32 s22, s21  }
0x1d5: {  	v46 =	vsel vm3, $0xFFFFFFFF, v3;
	v15 =	vadd.s32 v45, v15;
	s22 =	sadd.s32 $0x80000000, s22;
	s23 =	spop (v2sf)  }
0x1d6: {  	v47 =	vsel vm4, $0xFFFFFFFF, v3;
	v15 =	vadd.s32 s11, v15;
	v16 =	vadd.s32 v46, v17;
	s23 =	sadd.s32 s23, s22  }
0x1d7: {  	v48 =	vsel vm15, $0xFFFFFFFF, v3;
	v17 =	vadd.s32 v47, v19;
	v16 =	vadd.s32 s18, v16;
	s11 =	sadd.s32 $0x80000000, s23;
	s24 =	spop (v2sf)  }
0x1d8: {  	v49 =	vsel vm0, $0xFFFFFFFF, v3;
	v19 =	vadd.s32 v48, v21;
	v17 =	vadd.s32 s19, v17;
	s18 =	sadd.s32 s24, s11  }
0x1d9: {  	v50 =	vsel vm1, $0xFFFFFFFF, v3;
	v20 =	vadd.s32 v49, v23;
	v19 =	vadd.s32 s20, v19;
	s18 =	sadd.s32 $0x80000000, s18;
	s25 =	spop (v2sf)  }
0x1da: {  	v51 =	vsel vm2, $0xFFFFFFFF, v3;
	v21 =	vadd.s32 v50, v25;
	v20 =	vadd.s32 s21, v20;
	s19 =	sadd.s32 s25, s18  }
0x1db: {  	[tilespmem:v15+s15+$0x0] =	vst.idx.msk vm9, v14;
	v54 =	vsel vm5, $0xFFFFFFFF, v3;
	v53 =	vadd.s32 v51, v27;
	v52 =	vadd.s32 s22, v21;
	s19 =	sadd.s32 $0x80000000, s19;
	s26 =	spop (v2sf)  }
0x1dc: {  	[tilespmem:v16+s15+$0x0] =	vst.idx.msk vm3, v13;
	v56 =	vsel vm6, $0xFFFFFFFF, v3;
	v55 =	vadd.s32 v54, v29;
	v15 =	vadd.s32 s11, v53;
	s28 =	sadd.s32 s26, s19  }
0x1dd: {  	[tilespmem:v17+s15+$0x0] =	vst.idx.msk vm4, v12;
	v59 =	vsel vm7, $0xFFFFFFFF, v3;
	v58 =	vadd.s32 v56, v31;
	v57 =	vadd.s32 s18, v55;
	s11 =	sadd.s32 $0x80000000, s28;
	s29 =	spop (v2sf)  }
0x1de: {  	[tilespmem:v19+s15+$0x0] =	vst.idx.msk vm15, v8;
	v61 =	vsel vm8, $0xFFFFFFFF, v3;
	v60 =	vadd.s32 v59, v38;
	v13 =	vadd.s32 s19, v58;
	s18 =	sadd.s32 s29, s11  }
0x1df: {  	[tilespmem:v20+s15+$0x0] =	vst.idx.msk vm0, v6;
	v63 =	vadd.s32 v61, v42;
	v62 =	vadd.s32 s11, v60;
	s30 =	sadd.s32 $0x80000000, s18  }
0x1e0: {  	[tilespmem:v52+s15+$0x0] =	vst.idx.msk vm1, v4;
	v4 =	vadd.s32 s30, v63  }
.Ltmp10:
0x1e1: {  	[tilespmem:v15+s15+$0x0] =	vst.idx.msk vm2, v5;
	(pc) =	sbr.rel .LBB2_15-.Ltmp10, $4  }
0x1e2: {  	[tilespmem:v57+s15+$0x0] =	vst.idx.msk vm5, v7;
	s31 =	spop (v2sf)  }
0x1e3: {  	[tilespmem:v13+s15+$0x0] =	vst.idx.msk vm6, v9;
	s11 =	sadd.s32 s31, s30  }
0x1e4: {  	[tilespmem:v62+s15+$0x0] =	vst.idx.msk vm7, v10;
	s11 =	sadd.s32 $0x80000000, s11  }
0x1e5: {  	[tilespmem:v4+s15+$0x0] =	vst.idx.msk vm8, v11;
	[smem:$0x0] =	sst s11  }
.LBB2_16:
0x1e6: {  	v3 =	vmov s14;
	v4 =	vlaneseq.u32  }
0x1e7: {  	v2 =	vxor.u32 $0x80000000, v2;
	vm0 =	veq.s32 v3, v4  }
0x1e8: {  	v1 =	vxor.u32 $0x80000000, v1;
	v2 =	vnsel vm0, $0x0, v2  }
0x1e9: {  	v1 =	vnsel vm0, $0x0, v1;
	(xrf0) =	vmax.scan.msk.u32 $0xffff, v2  }
0x1ea: {  	(xrf0) =	vmax.scan.msk.u32 $0xffff, v1;
	_ =	sdelay $0x4  }
0x1eb: {  	v1, _, _ =	vpop (xrf0)  }
0x1ec: {  	(v2sf) =	vpush v1, $0xF;
	v1, _, _ =	vpop (xrf0)  }
0x1ed: {  	(v2sf) =	vpush v1, $0xF;
	_ =	sdelay $0xc  }
.Ltmp11:
0x1ee: {  	_ = 	snop;
	(pc) =	sbr.rel @p0 .LBB2_17-.Ltmp11, $4  }
0x1ef: {  	s12 =	spop (v2sf)  }
0x1f0: {  	s31 =	spop (v2sf)  }
0x1f1: {  	s12 =	sxor.u32 $0x80000000, s12;
	s14 =	sxor.u32 $0x80000000, s31  }
0x1f2: {  	s12 =	ssub.s32 s14, s12  }
0x1f3: {  	s10 =	sshrl.u32 s10, $0x2  }
0x1f4: {  	v1 =	vld [tilespmem:s10+$0x0];
	_ =	sdelay $0x4  }
0x1f5: {  	v3 =	vshrl.u32 v1, $0x18  }
0x1f6: {  	v2 =	vimm.s32 $0x0;
	vm0 =	veq.s32 v3, v0  }
0x1f7: {  	v4 =	vsel vm0, $0x1, v2  }
0x1f8: {  	v5 =	vor.u32 $0x80000000, v4  }
0x1f9: {  	(xrf0) =	vmax.scan.msk.u32 $0xffff, v5  }
0x1fa: {  	s14 =	sadd.s32 $0xFFFFFFFF, s9  }
0x1fb: {  	p0 =	sne.s32 s14, $0x0  }
.Ltmp12:
0x1fc: {  	_ = 	snop;
	(pc) =	sbr.rel @!p0 .LBB2_19-.Ltmp12, $3  }
0x1fd: {  	_ =	sdelay $0x1  }
0x1fe: {  	v5, _, _ =	vpop (xrf0)  }
0x1ff: {  	p1 =	por $0x0, $0x0;
	vm2 =	vmmov vm11;
	(v2sf) =	vpush v5, $0xF  }
0x200: {  	_ =	sdelay $0xd  }
0x201: {  	s9 =	spop (v2sf)  }
0x202: {  	p0 =	slt.u32 s9, $0x80000001  }
0x203: {  	(xrf0) =	vadd.scan.msk.s32 @!p0 $0xffff, v4;
	_ =	sdelay $0x5  }
0x204: {  	vm0 =	veq.s32 @!p0 v3, v0;
	v3 =	vimm.s32 @!p0 $0x0;
	v4, _, _ =	vpop @!p0 (xrf0)  }
0x205: {  	v3 =	vsel @!p0 vm0, $0xFFFFFFFF, v3;
	v5 =	vxor.u32 @!p0 $0x80000000, v4  }
0x206: {  	v3 =	vadd.s32 @!p0 v3, v4;
	(xrf0) =	vmax.scan.msk.u32 @!p0 $0xffff, v5  }
0x207: {  	v3 =	vadd.s32 @!p0 s11, v3;
	_ =	sdelay $0x3  }
0x208: {  	s9 =	simm.s32 @!p0 $0x0  }
0x209: {  	[tilespmem:v3+s9+$0x0] =	vst.idx.msk @!p0 vm0, v1;
	s9 =	sadd.s32 $0x10, s10;
	v4, _, _ =	vpop @!p0 (xrf0)  }
0x20a: {  	v1 =	vld [tilespmem:s9+$0x0];
	(v2sf) =	vpush @!p0 v4, $0xF;
	_ =	sdelay $0x4  }
0x20b: {  	v3 =	vshrl.u32 v1, $0x18  }
0x20c: {  	vm0 =	veq.s32 v3, v0  }
0x20d: {  	v4 =	vsel vm0, $0x1, v2  }
0x20e: {  	v5 =	vor.u32 $0x80000000, v4  }
0x20f: {  	(xrf0) =	vmax.scan.msk.u32 $0xffff, v5;
	_ =	sdelay $0x1  }
0x210: {  	s14 =	sadd.s32 $0xFFFFFFFF, s14  }
0x211: {  	p2 =	sne.s32 s14, $0x0  }
.Ltmp13:
0x212: {  	_ = 	snop;
	(pc) =	sbr.rel @!p2 .LBB2_63-.Ltmp13, $4  }
0x213: {  	_ = 	snop  }
0x214: {  	v5, _, _ =	vpop (xrf0);
	s10 =	spop @!p0 (v2sf)  }
0x215: {  	(v2sf) =	vpush v5, $0xF;
	s10 =	sadd.s32 @!p0 s10, s11  }
0x216: {  	p1 =	por $0x1, $0x1;
	vm3 =	vmmov vm12;
	s15 =	sadd.s32 @!p0 $0x80000000, s10;
	s10 =	smov.u32 s11  }
.LBB2_21:
0x217: {  	s16 =	smov.u32 s10;
	s10 =	smov.u32 s15  }
0x218: {  	s14 =	sadd.s32 $0xFFFFFFFF, s14;
	[smem:$0x0] =	sst @!p0 s15;
	s10 =	smov.u32 @p0 s16  }
0x219: {  	p2 =	sne.s32 s14, $0x0;
	_ =	sdelay $0xa  }
0x21a: {  	s15 =	spop (v2sf)  }
0x21b: {  	p0 =	slt.u32 s15, $0x80000001  }
0x21c: {  	vm0 =	veq.s32 @!p0 v3, v0;
	v3 =	vimm.s32 @!p0 $0x0;
	(xrf0) =	vadd.scan.msk.s32 @!p0 $0xffff, v4  }
0x21d: {  	v3 =	vsel @!p0 vm0, $0xFFFFFFFF, v3;
	_ =	sdelay $0x4  }
0x21e: {  	v4, _, _ =	vpop @!p0 (xrf0)  }
0x21f: {  	v3 =	vadd.s32 @!p0 v3, v4;
	v4 =	vxor.u32 @!p0 $0x80000000, v4  }
0x220: {  	v3 =	vadd.s32 @!p0 s10, v3;
	(xrf0) =	vmax.scan.msk.u32 @!p0 $0xffff, v4;
	_ =	sdelay $0x3  }
0x221: {  	s15 =	simm.s32 @!p0 $0x0  }
0x222: {  	s9 =	sadd.s32 $0x10, s9;
	[tilespmem:v3+s15+$0x0] =	vst.idx.msk @!p0 vm0, v1  }
0x223: {  	v1 =	vld [tilespmem:s9+$0x0];
	v3, _, _ =	vpop @!p0 (xrf0)  }
0x224: {  	(v2sf) =	vpush @!p0 v3, $0xF;
	_ =	sdelay $0x3  }
0x225: {  	v3 =	vshrl.u32 v1, $0x18  }
0x226: {  	vm0 =	veq.s32 v3, v0  }
0x227: {  	v4 =	vsel vm0, $0x1, v2  }
0x228: {  	v5 =	vor.u32 $0x80000000, v4  }
0x229: {  	(xrf0) =	vmax.scan.msk.u32 $0xffff, v5;
	_ =	sdelay $0x4  }
.Ltmp14:
0x22a: {  	(pc) =	sbr.rel @p2 .LBB2_21-.Ltmp14, $4  }
0x22b: {  	v5, _, _ =	vpop (xrf0)  }
0x22c: {  	(v2sf) =	vpush v5, $0xF;
	s15 =	spop @!p0 (v2sf)  }
0x22d: {  	s15 =	sadd.s32 @!p0 s15, s10  }
0x22e: {  	s15 =	sadd.s32 @!p0 $0x80000000, s15  }
0x22f: {  	v2 =	vld [tilespmem:$0x1FF50];
	_ =	sdelay $0x4  }
0x230: {  	vm4 =	vnez.u8 v2;
	v2 =	vld [tilespmem:$0x1FF60];
	_ =	sdelay $0x4  }
0x231: {  	vm5 =	vnez.u8 v2;
	v2 =	vld [tilespmem:$0x1FF80];
	_ =	sdelay $0x4  }
0x232: {  	vm6 =	vnez.u8 v2;
	v2 =	vld [tilespmem:$0x1FF70];
	_ =	sdelay $0x4  }
0x233: {  	vm7 =	vnez.u8 v2;
	v2 =	vld [tilespmem:$0x1FF90];
	_ =	sdelay $0x4  }
0x234: {  	vm8 =	vnez.u8 v2;
	v2 =	vld [tilespmem:$0x1FFB0];
	_ =	sdelay $0x4  }
0x235: {  	vm9 =	vnez.u8 v2;
	v2 =	vld [tilespmem:$0x1FFC0];
	_ =	sdelay $0x4  }
0x236: {  	vm10 =	vnez.u8 v2;
	v2 =	vld [tilespmem:$0x1FFA0];
	_ =	sdelay $0x4  }
0x237: {  	vm12 =	vmmov vm13;
	vm11 =	vnez.u8 v2  }
.LBB2_23:
0x238: {  	s9 =	spop (v2sf)  }
0x239: {  	p2 =	slt.u32 s9, $0x80000001  }
0x23a: {  	(xrf0) =	vadd.scan.msk.s32 @!p2 $0xffff, v4;
	_ =	sdelay $0x5  }
0x23b: {  	v2, _, _ =	vpop @!p2 (xrf0)  }
0x23c: {  	v4 =	vxor.u32 @!p2 $0x80000000, v2  }
0x23d: {  	(xrf0) =	vmax.scan.msk.u32 @!p2 $0xffff, v4;
	_ =	sdelay $0x5  }
0x23e: {  	v4, _, _ =	vpop @!p2 (xrf0)  }
0x23f: {  	(v2sf) =	vpush @!p2 v4, $0xF;
	_ =	sdelay $0xa  }
0x240: {  	p3 =	por !p0, !p1;
	vm0 =	veq.s32 @!p2 v3, v0;
	v0 =	vimm.s32 @!p2 $0x0  }
0x241: {  	s10 =	smov.u32 @p3 s15;
	v0 =	vsel @!p2 vm0, $0xFFFFFFFF, v0  }
0x242: {  	v62 =	vld [tilespmem:$0x1FFD0];
	s11 =	smov.u32 @p1 s10;
	v0 =	vadd.s32 @!p2 v0, v2  }
0x243: {  	v63 =	vld [tilespmem:$0x1FFE0];
	v0 =	vadd.s32 @!p2 s11, v0  }
.Ltmp15:
0x244: {  	s9 =	spop @!p2 (v2sf);
	(pc) =	sbr.rel .LBB2_24-.Ltmp15, $4  }
0x245: {  	p0 =	por p0, !p1;
	s9 =	sadd.s32 @!p2 s9, s11  }
0x246: {  	[smem:$0x0] =	sst @!p0 s15;
	s9 =	sadd.s32 @!p2 $0x80000000, s9  }
0x247: {  	s10 =	simm.s32 @!p2 $0x0;
	[smem:$0x0] =	sst @!p2 s9;
	s9 =	smov.u32 @p2 s11  }
0x248: {  	vm13 =	vnez.u8 v62;
	vm15 =	vnez.u8 v63;
	[tilespmem:v0+s10+$0x0] =	vst.idx.msk @!p2 vm0, v1;
	s11 =	smov.u32 s9  }
.LBB2_17:
0x249: {  	v0 =	vld [tilespmem:$0x1FF50]  }
0x24a: {  	v55 =	vld [tilespmem:$0x1FF60]  }
0x24b: {  	v56 =	vld [tilespmem:$0x1FF80]  }
0x24c: {  	v57 =	vld [tilespmem:$0x1FF70]  }
0x24d: {  	v58 =	vld [tilespmem:$0x1FF90]  }
0x24e: {  	v59 =	vld [tilespmem:$0x1FFB0]  }
0x24f: {  	v60 =	vld [tilespmem:$0x1FFC0]  }
0x250: {  	v61 =	vld [tilespmem:$0x1FFA0]  }
0x251: {  	v62 =	vld [tilespmem:$0x1FFD0]  }
0x252: {  	v63 =	vld [tilespmem:$0x1FFE0]  }
0x253: {  	vm2 =	vmmov vm11  }
0x254: {  	vm3 =	vmmov vm12;
	vm12 =	vmmov vm13;
	vm4 =	vnez.u8 v0  }
0x255: {  	vm5 =	vnez.u8 v55;
	vm6 =	vnez.u8 v56;
	vm7 =	vnez.u8 v57  }
0x256: {  	vm8 =	vnez.u8 v58;
	vm9 =	vnez.u8 v59;
	vm10 =	vnez.u8 v60  }
0x257: {  	vm11 =	vnez.u8 v61;
	vm13 =	vnez.u8 v62;
	vm15 =	vnez.u8 v63  }
.LBB2_24:
0x258: {  	s9 =	sadd.s32 s13, s12;
	v0 =	vimm.s32 $0x0;
	s10 =	simm.s32 $0x0;
	s12 =	simm.s32 $0x200  }
.LBB2_25:
0x259: {  	p0 =	sne.s32 s12, $0x3E00;
	[tilespmem:s10+$0xF4F0] =	vst v0  }
0x25a: {  	[tilespmem:s10+$0xF480] =	vst v0  }
0x25b: {  	[tilespmem:s10+$0xF490] =	vst v0  }
.Ltmp16:
0x25c: {  	[tilespmem:s10+$0xF4A0] =	vst v0;
	(pc) =	sbr.rel @p0 .LBB2_25-.Ltmp16, $4  }
0x25d: {  	[tilespmem:s10+$0xF4B0] =	vst v0  }
0x25e: {  	[tilespmem:s10+$0xF4C0] =	vst v0  }
0x25f: {  	[tilespmem:s10+$0xF4D0] =	vst v0  }
0x260: {  	[tilespmem:s10+$0xF4E0] =	vst v0;
	s10 =	sshra.s32 s12, $0x2;
	s12 =	sadd.s32 $0x200, s12  }
0x261: {  	[tilespmem:s10+$0xF4F0] =	vst v0  }
0x262: {  	[tilespmem:s10+$0xF480] =	vst v0;
	s14 =	sshrl.u32 s11, $0x4  }
0x263: {  	[tilespmem:s10+$0xF490] =	vst v0;
	p0 =	seq.s32 s14, $0x0  }
.Ltmp17:
0x264: {  	[tilespmem:s10+$0xF4A0] =	vst v0;
	(pc) =	sbr.rel @p0 .LBB2_30-.Ltmp17, $4  }
0x265: {  	[tilespmem:s10+$0xF4B0] =	vst v0  }
0x266: {  	[tilespmem:s10+$0xF4C0] =	vst v0  }
0x267: {  	[tilespmem:s10+$0xF4D0] =	vst v0  }
0x268: {  	[tilespmem:s10+$0xF4E0] =	vst v0;
	s10 =	sand.u32 $0xF, s11  }
0x269: {  	p0 =	sne.s32 s14, $0x1  }
.Ltmp18:
0x26a: {  	_ = 	snop;
	(pc) =	sbr.rel @!p0 .LBB2_29-.Ltmp18, $3  }
0x26b: {  	_ =	sdelay $0x1  }
0x26c: {  	s13 =	simm.s32 $0x0  }
0x26d: {  	v0 =	vlaneseq.u32;
	v1 =	vimm.s32 $0x1;
	s12 =	simm.s32 $0xF480;
	s14 =	sadd.s32 $0xFFFFFFFF, s14;
	v2 =	vld [tilespmem:s13+$0x0]  }
.LBB2_28:
0x26e: {  	p0 =	sne.s32 s14, $0x1;
	_ =	sdelay $0x3  }
0x26f: {  	v3 =	vshra.s32 v2, $0x1F  }
0x270: {  	v2 =	vxor.u32 v2, v3  }
0x271: {  	v2 =	vshrl.u32 v2, $0xC  }
0x272: {  	v2 =	vand.u32 $0xFF0, v2  }
0x273: {  	v2 =	vor.u32 v0, v2;
	_ =	sdelay $0x1  }
.Ltmp19:
0x274: {  	(pc) =	sbr.rel @p0 .LBB2_28-.Ltmp19, $3  }
0x275: {  	_ =	sdelay $0x1  }
0x276: {  	s13 =	sadd.s32 $0x10, s13;
	[tilespmem:v2+s12+$0x0] =	vst.idx.add.s32.msk $0xffff, v1  }
0x277: {  	s14 =	sadd.s32 $0xFFFFFFFF, s14;
	v2 =	vld [tilespmem:s13+$0x0]  }
.LBB2_29:
0x278: {  	_ =	sdelay $0x3  }
0x279: {  	v3 =	vshra.s32 v2, $0x1F  }
0x27a: {  	v2 =	vxor.u32 v2, v3  }
0x27b: {  	v2 =	vshrl.u32 v2, $0xC  }
0x27c: {  	v2 =	vand.u32 $0xFF0, v2  }
0x27d: {  	v0 =	vor.u32 v0, v2;
	_ =	sdelay $0x4  }
0x27e: {  	[tilespmem:v0+s12+$0x0] =	vst.idx.add.s32.msk $0xffff, v1  }
.LBB2_30:
0x27f: {  	s12 =	sand.u32 $0xFFFFFFF0, s11  }
0x280: {  	v0 =	vld [tilespmem:s12+$0x0];
	_ =	sdelay $0x4  }
0x281: {  	v1 =	vshra.s32 v0, $0x1F  }
0x282: {  	v0 =	vxor.u32 v0, v1  }
0x283: {  	v2 =	vmov s10;
	v1 =	vshrl.u32 v0, $0xC;
	v0 =	vlaneseq.u32  }
0x284: {  	vm0 =	vgt.u32 v2, v0;
	v1 =	vand.u32 $0xFF0, v1  }
0x285: {  	v1 =	vor.u32 v0, v1;
	_ =	sdelay $0x3  }
0x286: {  	s21 =	simm.s32 $0xF480;
	v2 =	vimm.s32 $0x1  }
0x287: {  	s22 =	simm.s32 $0x80;
	s13 =	simm.s32 $0x400;
	s23 =	simm.s32 $0x1;
	[tilespmem:v1+s21+$0x0] =	vst.idx.add.s32.msk vm0, v2  }
0x288: {  	[spmem:s6] =	stream.strided.scatter [tilespmem:s21], [sflag:$0x1], $0x1000, s13, s22, $0x38;
	[tilespmem:$0x1C690] =	vst v63  }
0x289: {  	_ =	swait.ge [sflag:s23], $0x1000  }
0x28a: {  	[sflag:s23] =	ssyncset.done $0x0  }
0x28b: {  	s24 =	simm.s32 $0x800;
	[sflag:s23] =	ssyncadd.s32 $0xFFFFF000  }
0x28c: {  	s25 =	simm.s32 $0x8000;
	s14 =	simm.s32 $0x1A480;
	[bflag:$0x0] =	sbarrier.arrive $0xFFFF  }
0x28d: {  	[tilespmem:s14], [sflag:$0x1] =	stream.strided.gather [spmem:s5], $0x1000, s25, s24, $0x38;
	[tilespmem:$0x1C690] =	vst v63  }
0x28e: {  	s10 =	simm.s32 $0x0;
	_ =	swait.ge [sflag:s23], $0x1000  }
0x28f: {  	s26 =	sand.u32 $0x70, s10;
	s28 =	sand.u32 $0x400, s10;
	[sflag:s23] =	ssyncset.done $0x0  }
0x290: {  	s13 =	sor.u32 s26, s28;
	[sflag:s23] =	ssyncadd.s32 $0xFFFFF000  }
0x291: {  	s29 =	sadd.s32 $0x1A480, s13;
	v1 =	vld [tilespmem:s13+$0x1A480]  }
0x292: {  	v2 =	vld [tilespmem:s29+$0x80]  }
0x293: {  	v3 =	vld [tilespmem:s29+$0x100]  }
0x294: {  	v4 =	vld [tilespmem:s29+$0x180]  }
0x295: {  	v5 =	vld [tilespmem:s29+$0x200]  }
0x296: {  	s30 =	sor.u32 s10, s10;
	v6 =	vld [tilespmem:s29+$0x280]  }
0x297: {  	s31 =	sor.u32 $0x380, s30;
	v1 =	vadd.s32 v1, v2;
	v2 =	vld [tilespmem:s29+$0x300]  }
0x298: {  	v1 =	vadd.s32 v3, v1;
	v3 =	vld [tilespmem:s31+$0x1A480]  }
0x299: {  	v7 =	vld [tilespmem:s13+$0x1AC80];
	v1 =	vadd.s32 v4, v1  }
0x29a: {  	v8 =	vld [tilespmem:s13+$0x1AD00];
	v1 =	vadd.s32 v5, v1  }
0x29b: {  	v4 =	vld [tilespmem:s13+$0x1AD80];
	v1 =	vadd.s32 v6, v1  }
0x29c: {  	v1 =	vadd.s32 v2, v1;
	v2 =	vld [tilespmem:s13+$0x1AE00]  }
0x29d: {  	v1 =	vadd.s32 v3, v1;
	v3 =	vld [tilespmem:s13+$0x1AE80]  }
0x29e: {  	s15 =	simm.s32 $0x10;
	s16 =	simm.s32 $0x2;
	s14 =	simm.s32 $0x80;
	v5 =	vld [tilespmem:s13+$0x1AF00];
	v6 =	vadd.s32 v7, v1  }
0x29f: {  	s12 =	simm.s32 $0x1;
	s17 =	sand.u32 $0x70, s15;
	s18 =	sand.u32 $0x400, s14;
	v1 =	vimm.s32 $0x0;
	v7 =	vadd.s32 v8, v6;
	v6 =	vld [tilespmem:s13+$0x1AF80]  }
.LBB2_31:
0x2a0: {  	p0 =	sne.s32 s16, $0xF;
	v4 =	vadd.s32 v4, v7;
	v7 =	vld [tilespmem:s13+$0x1B000];
	s13 =	sor.u32 s17, s18  }
0x2a1: {  	s17 =	sadd.s32 $0x1A480, s13;
	v8 =	vld [tilespmem:s13+$0x1A480];
	v2 =	vadd.s32 v2, v4  }
0x2a2: {  	v4 =	vld [tilespmem:s17+$0x80];
	v2 =	vadd.s32 v3, v2  }
0x2a3: {  	v3 =	vld [tilespmem:s17+$0x100];
	v2 =	vadd.s32 v5, v2  }
0x2a4: {  	v5 =	vld [tilespmem:s17+$0x180];
	v2 =	vadd.s32 v6, v2  }
0x2a5: {  	v6 =	vld [tilespmem:s17+$0x200];
	v2 =	vadd.s32 v7, v2  }
0x2a6: {  	s18 =	sor.u32 s14, s15;
	v7 =	vld [tilespmem:s17+$0x280];
	(xrf0) =	vadd.scan.msk.s32 $0xffff, v2  }
0x2a7: {  	v2 =	vadd.s32 v8, v4;
	v8 =	vld [tilespmem:s17+$0x300];
	s17 =	sor.u32 $0x380, s18  }
0x2a8: {  	v2 =	vadd.s32 v3, v2;
	v3 =	vld [tilespmem:s17+$0x1A480]  }
0x2a9: {  	v2 =	vadd.s32 v5, v2;
	v5 =	vld [tilespmem:s13+$0x1AC80]  }
0x2aa: {  	v2 =	vadd.s32 v6, v2;
	v6 =	vld [tilespmem:s13+$0x1AD00]  }
.Ltmp20:
0x2ab: {  	v2 =	vadd.s32 v7, v2;
	v4 =	vld [tilespmem:s13+$0x1AD80];
	(pc) =	sbr.rel @p0 .LBB2_31-.Ltmp20, $4  }
0x2ac: {  	v7 =	vadd.s32 v8, v2;
	v2 =	vld [tilespmem:s13+$0x1AE00];
	v8, _, _ =	vpop (xrf0)  }
0x2ad: {  	v9 =	vmov s10;
	s10 =	smov.u32 s12;
	s12 =	smov.u32 s16;
	v7 =	vadd.s32 v3, v7;
	v3 =	vld [tilespmem:s13+$0x1AE80];
	v8 =	vbroadcast v8, $0xF  }
0x2ae: {  	s14 =	sadd.s32 $0x80, s14;
	s15 =	sadd.s32 $0x10, s15;
	vm0 =	veq.s32 v9, v0;
	v7 =	vadd.s32 v5, v7;
	v5 =	vld [tilespmem:s13+$0x1AF00]  }
0x2af: {  	s16 =	sadd.s32 $0x1, s16;
	s18 =	sand.u32 $0x400, s14;
	s17 =	sand.u32 $0x70, s15;
	v7 =	vadd.s32 v6, v7;
	v6 =	vld [tilespmem:s13+$0x1AF80];
	v1 =	vsel vm0, v8, v1  }
0x2b0: {  	s16 =	sor.u32 s17, s18;
	v8 =	vld [tilespmem:s13+$0x1B000]  }
0x2b1: {  	s17 =	sadd.s32 $0x1A480, s16;
	v9 =	vld [tilespmem:s16+$0x1A480]  }
0x2b2: {  	v10 =	vld [tilespmem:s17+$0x80]  }
0x2b3: {  	v11 =	vld [tilespmem:s17+$0x100]  }
0x2b4: {  	v12 =	vld [tilespmem:s17+$0x180]  }
0x2b5: {  	v13 =	vld [tilespmem:s17+$0x200]  }
0x2b6: {  	s14 =	sor.u32 s14, s15;
	v14 =	vld [tilespmem:s17+$0x280]  }
0x2b7: {  	s18 =	sor.u32 $0x380, s14;
	v29 =	vld [tilespmem:s17+$0x300];
	v9 =	vadd.s32 v9, v10  }
0x2b8: {  	v30 =	vld [tilespmem:s18+$0x1A480];
	v9 =	vadd.s32 v11, v9  }
0x2b9: {  	v31 =	vld [tilespmem:s16+$0x1AC80];
	v9 =	vadd.s32 v12, v9  }
0x2ba: {  	v32 =	vld [tilespmem:s16+$0x1AD00];
	v9 =	vadd.s32 v13, v9  }
0x2bb: {  	v33 =	vld [tilespmem:s16+$0x1AD80];
	v9 =	vadd.s32 v14, v9  }
0x2bc: {  	v34 =	vld [tilespmem:s16+$0x1AE00];
	v9 =	vadd.s32 v29, v9  }
0x2bd: {  	v35 =	vld [tilespmem:s16+$0x1AE80];
	v9 =	vadd.s32 v30, v9  }
0x2be: {  	v36 =	vld [tilespmem:s16+$0x1AF00];
	v9 =	vadd.s32 v31, v9  }
0x2bf: {  	v4 =	vadd.s32 v4, v7;
	v38 =	vld [tilespmem:s16+$0x1AF80];
	v37 =	vadd.s32 v32, v9  }
0x2c0: {  	v2 =	vadd.s32 v2, v4;
	v40 =	vld [tilespmem:s16+$0x1B000];
	v39 =	vadd.s32 v33, v37  }
0x2c1: {  	v2 =	vadd.s32 v3, v2;
	v3 =	vadd.s32 v34, v39  }
0x2c2: {  	v2 =	vadd.s32 v5, v2;
	v3 =	vadd.s32 v35, v3  }
0x2c3: {  	v2 =	vadd.s32 v6, v2;
	v3 =	vadd.s32 v36, v3  }
0x2c4: {  	v2 =	vadd.s32 v8, v2;
	v3 =	vadd.s32 v38, v3  }
0x2c5: {  	(xrf0) =	vadd.scan.msk.s32 $0xffff, v2;
	v2 =	vadd.s32 v40, v3  }
0x2c6: {  	(xrf0) =	vadd.scan.msk.s32 $0xffff, v2;
	_ =	sdelay $0x4  }
0x2c7: {  	v2, _, _ =	vpop (xrf0)  }
0x2c8: {  	v3 =	vmov s10;
	v2 =	vbroadcast v2, $0xF;
	v41, _, _ =	vpop (xrf0)  }
0x2c9: {  	vm0 =	veq.s32 v3, v0;
	v3 =	vmov s12;
	v4 =	vbroadcast v41, $0xF  }
0x2ca: {  	v1 =	vsel vm0, v2, v1;
	vm0 =	veq.s32 v3, v0  }
0x2cb: {  	v0 =	vsel vm0, v4, v1  }
0x2cc: {  	s19 =	simm.s32 $0x1B600;
	s20 =	simm.s32 $0x1;
	[tilespmem:$0x1B600] =	vst v0  }
0x2cd: {  	[spmem:s4] =	stream.linear.scatter [tilespmem:s19], [sflag:$0x1], $0x10, $0x38;
	[tilespmem:$0x1C690] =	vst v63  }
0x2ce: {  	_ =	swait.ge [sflag:s20], $0x10  }
0x2cf: {  	[sflag:s20] =	ssyncset.done $0x0  }
0x2d0: {  	[sflag:s20] =	ssyncadd.s32 $0xFFFFFFF0  }
0x2d1: {  	s21 =	simm.s32 $0x1B480;
	[bflag:$0x0] =	sbarrier.arrive $0xFFFF  }
0x2d2: {  	[tilespmem:s21], [sflag:$0x1] =	stream.linear.gather [spmem:s3], $0x100, $0x38;
	[tilespmem:$0x1C690] =	vst v63  }
0x2d3: {  	_ =	swait.ge [sflag:s20], $0x100  }
0x2d4: {  	[sflag:s20] =	ssyncset.done $0x0  }
0x2d5: {  	[sflag:s20] =	ssyncadd.s32 $0xFFFFFF00  }
0x2d6: {  	v0 =	vld [tilespmem:$0x1B480]  }
0x2d7: {  	v1 =	vld [tilespmem:$0x1B490]  }
0x2d8: {  	v2 =	vld [tilespmem:$0x1B4A0]  }
0x2d9: {  	v3 =	vld [tilespmem:$0x1B4B0]  }
0x2da: {  	v42 =	vld [tilespmem:$0x1B4C0]  }
0x2db: {  	(xrf0) =	vadd.scan.msk.s32 $0xffff, v0;
	v0 =	vld [tilespmem:$0x1B4D0]  }
0x2dc: {  	(xrf0) =	vadd.scan.msk.s32 $0xffff, v1;
	v1 =	vld [tilespmem:$0x1B4E0]  }
0x2dd: {  	(xrf0) =	vadd.scan.msk.s32 $0xffff, v2;
	v2 =	vld [tilespmem:$0x1B4F0]  }
0x2de: {  	(xrf0) =	vadd.scan.msk.s32 $0xffff, v3;
	v3 =	vld [tilespmem:$0x1B500]  }
0x2df: {  	v43 =	vld [tilespmem:$0x1B510];
	(xrf0) =	vadd.scan.msk.s32 $0xffff, v42  }
0x2e0: {  	(xrf0) =	vadd.scan.msk.s32 $0xffff, v0;
	v0 =	vld [tilespmem:$0x1B520]  }
0x2e1: {  	v44, _, _ =	vpop (xrf0);
	(xrf0) =	vadd.scan.msk.s32 $0xffff, v1  }
0x2e2: {  	v1 =	vld [tilespmem:$0x1B530];
	v45, _, _ =	vpop (xrf0);
	(xrf0) =	vadd.scan.msk.s32 $0xffff, v2  }
0x2e3: {  	v2 =	vld [tilespmem:$0x1B540];
	v5 =	vbroadcast v44, $0xF;
	v6 =	vbroadcast v45, $0xF;
	v46, _, _ =	vpop (xrf0);
	(xrf0) =	vadd.scan.msk.s32 $0xffff, v3  }
0x2e4: {  	v3 =	vld [tilespmem:$0x1B550];
	v7 =	vbroadcast v46, $0xF;
	v47, _, _ =	vpop (xrf0);
	(xrf0) =	vadd.scan.msk.s32 $0xffff, v43  }
0x2e5: {  	v48 =	vld [tilespmem:$0x1B560];
	v5 =	vsel vm2, v5, v6;
	v49 =	vbroadcast v47, $0xF;
	v50, _, _ =	vpop (xrf0);
	(xrf0) =	vadd.scan.msk.s32 $0xffff, v0  }
0x2e6: {  	v0 =	vsel vm3, v5, v7;
	v51 =	vbroadcast v50, $0xF;
	v52, _, _ =	vpop (xrf0)  }
0x2e7: {  	(xrf0) =	vadd.scan.msk.s32 $0xffff, v1;
	v0 =	vsel vm4, v0, v49;
	v1 =	vbroadcast v52, $0xF;
	v53, _, _ =	vpop (xrf0)  }
0x2e8: {  	(xrf0) =	vadd.scan.msk.s32 $0xffff, v2;
	v0 =	vsel vm5, v0, v51;
	v54 =	vbroadcast v53, $0xF;
	v55, _, _ =	vpop (xrf0)  }
0x2e9: {  	v2 =	vld [tilespmem:$0x1B570];
	(xrf0) =	vadd.scan.msk.s32 $0xffff, v3;
	v0 =	vsel vm7, v0, v1;
	v1 =	vbroadcast v55, $0xF;
	v3, _, _ =	vpop (xrf0)  }
0x2ea: {  	(xrf0) =	vadd.scan.msk.s32 $0xffff, v48;
	v56, _, _ =	vpop (xrf0);
	v0 =	vsel vm6, v0, v54;
	v3 =	vbroadcast v3, $0xF  }
0x2eb: {  	v57, _, _ =	vpop (xrf0);
	v0 =	vsel vm8, v0, v1  }
0x2ec: {  	v0 =	vsel vm11, v0, v3;
	v3 =	vbroadcast v57, $0xF  }
0x2ed: {  	v1 =	vbroadcast v56, $0xF;
	v58, _, _ =	vpop (xrf0)  }
0x2ee: {  	(xrf0) =	vadd.scan.msk.s32 $0xffff, v2;
	v2, _, _ =	vpop (xrf0)  }
0x2ef: {  	v0 =	vsel vm9, v0, v1;
	v59, _, _ =	vpop (xrf0)  }
0x2f0: {  	v60 =	vld [tilespmem:$0x1FFF0];
	v1 =	vbroadcast v58, $0xF;
	v0 =	vsel vm10, v0, v3;
	v3, _, _ =	vpop (xrf0)  }
0x2f1: {  	v2 =	vbroadcast v2, $0xF;
	v3 =	vbroadcast v3, $0xF  }
0x2f2: {  	v0 =	vsel vm12, v0, v1;
	v1 =	vbroadcast v59, $0xF  }
0x2f3: {  	v2 =	vsel vm13, v0, v2;
	v0 =	vlaneseq.u32  }
0x2f4: {  	v1 =	vsel vm15, v2, v1;
	v2 =	vmul.u32 $0xFFFFFFFF, v0  }
0x2f5: {  	vm0 =	vnez.u8 v60;
	v1 =	vsel vm14, v1, v3;
	v3, _, _ =	vpop (xrf0)  }
0x2f6: {  	v2 =	vadd.s32 $0xF, v2;
	v1 =	vsel vm0, v1, v3  }
0x2f7: {  	v3 =	vperm.xlane v1, v2;
	_ =	sdelay $0x1  }
0x2f8: {  	(xrf0) =	vadd.scan.msk.s32 $0xffff, v3;
	_ =	sdelay $0x5  }
0x2f9: {  	v3, _, _ =	vpop (xrf0)  }
0x2fa: {  	v3 =	vperm.xlane v3, v2;
	_ =	sdelay $0x1  }
0x2fb: {  	v61 =	vor.u32 $0x80000000, v0;
	vm0 =	vlt.s32 v3, s9  }
0x2fc: {  	v62 =	vsel vm0, $0x7FFFFFFF, v61  }
0x2fd: {  	(xrf0) =	vmax.scan.msk.u32 $0xffff, v62;
	_ =	sdelay $0x5  }
0x2fe: {  	v5, _, _ =	vpop (xrf0)  }
0x2ff: {  	(v2sf) =	vpush v5, $0xF;
	_ =	sdelay $0xe  }
0x300: {  	s22 =	spop (v2sf)  }
0x301: {  	s23 =	sxor.u32 $0x80000000, s22  }
0x302: {  	v63 =	vmov s23  }
0x303: {  	v3 =	vxor.u32 $0x80000000, v3;
	vm0 =	veq.s32 v63, v0  }
0x304: {  	v1 =	vxor.u32 $0x80000000, v1;
	v3 =	vnsel vm0, $0x0, v3  }
0x305: {  	v1 =	vnsel vm0, $0x0, v1;
	(xrf0) =	vmax.scan.msk.u32 $0xffff, v3  }
0x306: {  	(xrf0) =	vmax.scan.msk.u32 $0xffff, v1;
	_ =	sdelay $0x4  }
0x307: {  	v1, _, _ =	vpop (xrf0)  }
0x308: {  	(v2sf) =	vpush v1, $0xF;
	v1, _, _ =	vpop (xrf0)  }
0x309: {  	(v2sf) =	vpush v1, $0xF;
	_ =	sdelay $0x1  }
0x30a: {  	s24 =	sshll.u32 s22, $0x4  }
0x30b: {  	v1 =	vld [tilespmem:s24+$0x1B480];
	_ =	sdelay $0x4  }
0x30c: {  	v3 =	vperm.xlane v1, v2;
	_ =	sdelay $0x1  }
0x30d: {  	(xrf0) =	vadd.scan.msk.s32 $0xffff, v3;
	_ =	sdelay $0x3  }
0x30e: {  	s25 =	spop (v2sf)  }
0x30f: {  	s26 =	spop (v2sf)  }
0x310: {  	v3, _, _ =	vpop (xrf0);
	s10 =	sxor.u32 $0x80000000, s25;
	s13 =	sxor.u32 $0x80000000, s26  }
0x311: {  	v2 =	vperm.xlane v3, v2;
	s10 =	ssub.s32 s13, s10  }
0x312: {  	s10 =	sadd.s32 s9, s10  }
0x313: {  	vm0 =	vlt.s32 v2, s10  }
0x314: {  	v3 =	vsel vm0, $0x7FFFFFFF, v61  }
0x315: {  	(xrf0) =	vmax.scan.msk.u32 $0xffff, v3;
	_ =	sdelay $0x5  }
0x316: {  	v3, _, _ =	vpop (xrf0)  }
0x317: {  	(v2sf) =	vpush v3, $0xF;
	_ =	sdelay $0xe  }
0x318: {  	s28 =	spop (v2sf)  }
0x319: {  	s9 =	sxor.u32 $0x80000000, s28  }
0x31a: {  	v3 =	vmov s9  }
0x31b: {  	v2 =	vxor.u32 $0x80000000, v2;
	vm0 =	veq.s32 v3, v0  }
0x31c: {  	v1 =	vxor.u32 $0x80000000, v1;
	v2 =	vnsel vm0, $0x0, v2  }
0x31d: {  	v1 =	vnsel vm0, $0x0, v1;
	(xrf0) =	vmax.scan.msk.u32 $0xffff, v2  }
0x31e: {  	(xrf0) =	vmax.scan.msk.u32 $0xffff, v1;
	_ =	sdelay $0x4  }
0x31f: {  	v1, _, _ =	vpop (xrf0)  }
0x320: {  	(v2sf) =	vpush v1, $0xF;
	v1, _, _ =	vpop (xrf0)  }
0x321: {  	(v2sf) =	vpush v1, $0xF;
	_ =	sdelay $0x9  }
0x322: {  	s30 =	sadd.s32 $0xF, s11  }
0x323: {  	s14 =	sshrl.u32 s30, $0x4  }
0x324: {  	p0 =	seq.s32 s14, $0x0  }
.Ltmp21:
0x325: {  	_ = 	snop;
	(pc) =	sbr.rel @p0 .LBB2_39-.Ltmp21, $4  }
0x326: {  	s29 =	spop (v2sf)  }
0x327: {  	s31 =	spop (v2sf)  }
0x328: {  	s13 =	sxor.u32 $0x80000000, s29;
	s15 =	sxor.u32 $0x80000000, s31  }
0x329: {  	s12 =	simm.s32 $0x0;
	s9 =	sadd.s32 s24, s9;
	s13 =	ssub.s32 s15, s13  }
0x32a: {  	p1 =	seq.s32 s14, $0x1  }
.Ltmp22:
0x32b: {  	_ = 	snop;
	(pc) =	sbr.rel @p1 .LBB2_34-.Ltmp22, $3  }
0x32c: {  	_ =	sdelay $0x1  }
0x32d: {  	v3 =	vmov s11;
	s11 =	simm.s32 $0x0  }
0x32e: {  	v4 =	vmov s9;
	v1 =	vimm.s32 $0x0;
	s12 =	sadd.s32 $0xFFFFFFFF, s14;
	p0 =	por $0x0, $0x0;
	v2 =	vld [tilespmem:s11+$0x0]  }
0x32f: {  	_ =	sdelay $0x3  }
0x330: {  	v5 =	vshra.s32 v2, $0x1F  }
0x331: {  	v5 =	vxor.u32 v2, v5  }
0x332: {  	v5 =	vshrl.u32 v5, $0x10  }
0x333: {  	v6 =	vor.u32 s11, v0;
	v5 =	vand.u32 $0xFF, v5  }
0x334: {  	vm0 =	vlt.s32 v6, v3;
	vm1 =	veq.s32 v5, v4  }
0x335: {  	vm0 =	vmand vm0, vm1  }
0x336: {  	v5 =	vsel vm0, $0x1, v1  }
0x337: {  	(xrf0) =	vadd.scan.msk.s32 $0xffff, v5;
	_ =	sdelay $0x5  }
0x338: {  	v5 =	vsel vm0, $0xFFFFFFFF, v1;
	v6, _, _ =	vpop (xrf0)  }
0x339: {  	v5 =	vadd.s32 s11, v5;
	v7 =	vxor.u32 $0x80000000, v6  }
0x33a: {  	v5 =	vadd.s32 v6, v5;
	(xrf0) =	vmax.scan.msk.u32 $0xffff, v7  }
0x33b: {  	p1 =	seq.s32 s12, $0x1  }
.Ltmp23:
0x33c: {  	_ = 	snop;
	(pc) =	sbr.rel @p1 .LBB2_36-.Ltmp23, $3  }
0x33d: {  	_ =	sdelay $0x1  }
0x33e: {  	s15 =	simm.s32 $0x10;
	s16 =	sadd.s32 $0xFFFFFFFF, s12;
	[tilespmem:v5+s11+$0x0] =	vst.idx.msk vm0, v2  }
0x33f: {  	p0 =	por $0x1, $0x1;
	s14 =	simm.s32 $0x0;
	s12 =	simm.s32 $0x0;
	v2 =	vld [tilespmem:s15+$0x0];
	v5, _, _ =	vpop (xrf0)  }
.LBB2_37:
0x340: {  	p1 =	seq.s32 s16, $0x1;
	(v2sf) =	vpush v5, $0xF;
	_ =	sdelay $0x3  }
0x341: {  	v5 =	vshra.s32 v2, $0x1F  }
0x342: {  	v5 =	vxor.u32 v2, v5  }
0x343: {  	s14 =	sadd.s32 $0x10, s14;
	v5 =	vshrl.u32 v5, $0x10  }
0x344: {  	v6 =	vor.u32 s14, v0;
	v5 =	vand.u32 $0xFF, v5  }
0x345: {  	vm0 =	vlt.s32 v6, v3;
	vm1 =	veq.s32 v5, v4  }
0x346: {  	vm0 =	vmand vm0, vm1  }
0x347: {  	v5 =	vsel vm0, $0xFFFFFFFF, v1;
	v6 =	vsel vm0, $0x1, v1  }
0x348: {  	(xrf0) =	vadd.scan.msk.s32 $0xffff, v6;
	_ =	sdelay $0x3  }
0x349: {  	s17 =	spop (v2sf)  }
0x34a: {  	s12 =	sadd.s32 s17, s12  }
0x34b: {  	v6, _, _ =	vpop (xrf0);
	s12 =	sadd.s32 $0x80000000, s12  }
0x34c: {  	v5 =	vadd.s32 s12, v5;
	v7 =	vxor.u32 $0x80000000, v6  }
0x34d: {  	v5 =	vadd.s32 v6, v5;
	(xrf0) =	vmax.scan.msk.u32 $0xffff, v7;
	_ =	sdelay $0x1  }
.Ltmp24:
0x34e: {  	(pc) =	sbr.rel @!p1 .LBB2_37-.Ltmp24, $3  }
0x34f: {  	_ =	sdelay $0x1  }
0x350: {  	s15 =	sadd.s32 $0x10, s15;
	[tilespmem:v5+s11+$0x0] =	vst.idx.msk vm0, v2  }
0x351: {  	s16 =	sadd.s32 $0xFFFFFFFF, s16;
	v2 =	vld [tilespmem:s15+$0x0];
	v5, _, _ =	vpop (xrf0)  }
.LBB2_38:
0x352: {  	_ =	sdelay $0x3  }
0x353: {  	v6 =	vshra.s32 v2, $0x1F  }
0x354: {  	s14 =	sadd.s32 @p0 $0x10, s14;
	s15 =	simm.s32 $0x0;
	v6 =	vxor.u32 v2, v6  }
0x355: {  	s15 =	smov.u32 @p0 s14;
	v6 =	vshrl.u32 v6, $0x10  }
0x356: {  	v0 =	vor.u32 s15, v0;
	v6 =	vand.u32 $0xFF, v6  }
0x357: {  	vm0 =	vlt.s32 v0, v3;
	vm1 =	veq.s32 v6, v4  }
0x358: {  	vm0 =	vmand vm0, vm1  }
0x359: {  	v61 =	vsel vm0, $0x1, v1  }
0x35a: {  	(xrf0) =	vadd.scan.msk.s32 $0xffff, v61;
	_ =	sdelay $0x5  }
0x35b: {  	v0, _, _ =	vpop (xrf0)  }
0x35c: {  	(v2sf) =	vpush @p0 v5, $0xF;
	v62 =	vxor.u32 $0x80000000, v0  }
0x35d: {  	(xrf0) =	vmax.scan.msk.u32 $0xffff, v62;
	_ =	sdelay $0x5  }
0x35e: {  	v3, _, _ =	vpop (xrf0)  }
0x35f: {  	(v2sf) =	vpush v3, $0xF;
	_ =	sdelay $0x6  }
0x360: {  	s14 =	spop @p0 (v2sf)  }
0x361: {  	s12 =	sadd.s32 @p0 s14, s12  }
0x362: {  	s14 =	simm.s32 $0x0;
	s12 =	sadd.s32 @p0 $0x80000000, s12  }
0x363: {  	v63 =	vsel vm0, $0xFFFFFFFF, v1;
	s14 =	smov.u32 @p0 s12  }
0x364: {  	v1 =	vadd.s32 s14, v63  }
0x365: {  	v0 =	vadd.s32 v0, v1;
	_ =	sdelay $0x2  }
0x366: {  	s31 =	spop (v2sf)  }
0x367: {  	s12 =	sadd.s32 s31, s14  }
0x368: {  	[tilespmem:v0+s11+$0x0] =	vst.idx.msk vm0, v2;
	s12 =	sadd.s32 $0x80000000, s12  }
.LBB2_39:
0x369: {  	s10 =	sadd.s32 s10, s13;
	v0 =	vimm.s32 $0x0;
	s11 =	simm.s32 $0x0;
	s13 =	simm.s32 $0x200  }
.LBB2_40:
0x36a: {  	p0 =	sne.s32 s13, $0x3E00;
	[tilespmem:s11+$0xF4F0] =	vst v0  }
0x36b: {  	[tilespmem:s11+$0xF480] =	vst v0  }
0x36c: {  	[tilespmem:s11+$0xF490] =	vst v0  }
.Ltmp25:
0x36d: {  	[tilespmem:s11+$0xF4A0] =	vst v0;
	(pc) =	sbr.rel @p0 .LBB2_40-.Ltmp25, $4  }
0x36e: {  	[tilespmem:s11+$0xF4B0] =	vst v0  }
0x36f: {  	[tilespmem:s11+$0xF4C0] =	vst v0  }
0x370: {  	[tilespmem:s11+$0xF4D0] =	vst v0  }
0x371: {  	[tilespmem:s11+$0xF4E0] =	vst v0;
	s11 =	sshra.s32 s13, $0x2;
	s13 =	sadd.s32 $0x200, s13  }
0x372: {  	[tilespmem:s11+$0xF4F0] =	vst v0  }
0x373: {  	[tilespmem:s11+$0xF480] =	vst v0;
	s15 =	sshrl.u32 s12, $0x4  }
0x374: {  	[tilespmem:s11+$0xF490] =	vst v0;
	p0 =	seq.s32 s15, $0x0  }
.Ltmp26:
0x375: {  	[tilespmem:s11+$0xF4A0] =	vst v0;
	(pc) =	sbr.rel @p0 .LBB2_45-.Ltmp26, $4  }
0x376: {  	[tilespmem:s11+$0xF4B0] =	vst v0  }
0x377: {  	[tilespmem:s11+$0xF4C0] =	vst v0  }
0x378: {  	[tilespmem:s11+$0xF4D0] =	vst v0  }
0x379: {  	[tilespmem:s11+$0xF4E0] =	vst v0;
	s11 =	sand.u32 $0xF, s12  }
0x37a: {  	p0 =	sne.s32 s15, $0x1  }
.Ltmp27:
0x37b: {  	_ = 	snop;
	(pc) =	sbr.rel @!p0 .LBB2_44-.Ltmp27, $3  }
0x37c: {  	_ =	sdelay $0x1  }
0x37d: {  	s14 =	simm.s32 $0x0  }
0x37e: {  	v0 =	vlaneseq.u32;
	v1 =	vimm.s32 $0x1;
	s13 =	simm.s32 $0xF480;
	s15 =	sadd.s32 $0xFFFFFFFF, s15;
	v2 =	vld [tilespmem:s14+$0x0]  }
.LBB2_43:
0x37f: {  	p0 =	sne.s32 s15, $0x1;
	_ =	sdelay $0x3  }
0x380: {  	v3 =	vshra.s32 v2, $0x1F  }
0x381: {  	v2 =	vxor.u32 v2, v3  }
0x382: {  	v2 =	vshrl.u32 v2, $0x4  }
0x383: {  	v2 =	vand.u32 $0xFF0, v2  }
0x384: {  	v2 =	vor.u32 v0, v2;
	_ =	sdelay $0x1  }
.Ltmp28:
0x385: {  	(pc) =	sbr.rel @p0 .LBB2_43-.Ltmp28, $3  }
0x386: {  	_ =	sdelay $0x1  }
0x387: {  	s14 =	sadd.s32 $0x10, s14;
	[tilespmem:v2+s13+$0x0] =	vst.idx.add.s32.msk $0xffff, v1  }
0x388: {  	s15 =	sadd.s32 $0xFFFFFFFF, s15;
	v2 =	vld [tilespmem:s14+$0x0]  }
.LBB2_44:
0x389: {  	_ =	sdelay $0x3  }
0x38a: {  	v3 =	vshra.s32 v2, $0x1F  }
0x38b: {  	v2 =	vxor.u32 v2, v3  }
0x38c: {  	v2 =	vshrl.u32 v2, $0x4  }
0x38d: {  	v2 =	vand.u32 $0xFF0, v2  }
0x38e: {  	v0 =	vor.u32 v0, v2;
	_ =	sdelay $0x4  }
0x38f: {  	[tilespmem:v0+s13+$0x0] =	vst.idx.add.s32.msk $0xffff, v1  }
.LBB2_45:
0x390: {  	s13 =	sand.u32 $0xFFFFFFF0, s12  }
0x391: {  	v0 =	vld [tilespmem:s13+$0x0];
	_ =	sdelay $0x4  }
0x392: {  	v1 =	vshra.s32 v0, $0x1F  }
0x393: {  	v0 =	vxor.u32 v0, v1  }
0x394: {  	v2 =	vmov s11;
	v1 =	vshrl.u32 v0, $0x4;
	v0 =	vlaneseq.u32  }
0x395: {  	vm0 =	vgt.u32 v2, v0;
	v1 =	vand.u32 $0xFF0, v1  }
0x396: {  	v1 =	vor.u32 v0, v1;
	_ =	sdelay $0x3  }
0x397: {  	s21 =	simm.s32 $0xF480;
	v2 =	vimm.s32 $0x1  }
0x398: {  	s22 =	simm.s32 $0x80;
	s14 =	simm.s32 $0x400;
	s23 =	simm.s32 $0x1;
	[tilespmem:v1+s21+$0x0] =	vst.idx.add.s32.msk vm0, v2  }
0x399: {  	[spmem:s6] =	stream.strided.scatter [tilespmem:s21], [sflag:$0x1], $0x1000, s14, s22, $0x38;
	[tilespmem:$0x1C690] =	vst v63  }
0x39a: {  	_ =	swait.ge [sflag:s23], $0x1000  }
0x39b: {  	[sflag:s23] =	ssyncset.done $0x0  }
0x39c: {  	s24 =	simm.s32 $0x800;
	[sflag:s23] =	ssyncadd.s32 $0xFFFFF000  }
0x39d: {  	s25 =	simm.s32 $0x8000;
	s15 =	simm.s32 $0x1A480;
	[bflag:$0x0] =	sbarrier.arrive $0xFFFF  }
0x39e: {  	[tilespmem:s15], [sflag:$0x1] =	stream.strided.gather [spmem:s5], $0x1000, s25, s24, $0x38;
	[tilespmem:$0x1C690] =	vst v63  }
0x39f: {  	s11 =	simm.s32 $0x0;
	_ =	swait.ge [sflag:s23], $0x1000  }
0x3a0: {  	s26 =	sand.u32 $0x70, s11;
	s28 =	sand.u32 $0x400, s11;
	[sflag:s23] =	ssyncset.done $0x0  }
0x3a1: {  	s14 =	sor.u32 s26, s28;
	[sflag:s23] =	ssyncadd.s32 $0xFFFFF000  }
0x3a2: {  	s29 =	sadd.s32 $0x1A480, s14;
	v1 =	vld [tilespmem:s14+$0x1A480]  }
0x3a3: {  	v2 =	vld [tilespmem:s29+$0x80]  }
0x3a4: {  	v3 =	vld [tilespmem:s29+$0x100]  }
0x3a5: {  	v4 =	vld [tilespmem:s29+$0x180]  }
0x3a6: {  	v5 =	vld [tilespmem:s29+$0x200]  }
0x3a7: {  	s30 =	sor.u32 s11, s11;
	v6 =	vld [tilespmem:s29+$0x280]  }
0x3a8: {  	s31 =	sor.u32 $0x380, s30;
	v1 =	vadd.s32 v1, v2;
	v2 =	vld [tilespmem:s29+$0x300]  }
0x3a9: {  	v1 =	vadd.s32 v3, v1;
	v3 =	vld [tilespmem:s31+$0x1A480]  }
0x3aa: {  	v7 =	vld [tilespmem:s14+$0x1AC80];
	v1 =	vadd.s32 v4, v1  }
0x3ab: {  	v8 =	vld [tilespmem:s14+$0x1AD00];
	v1 =	vadd.s32 v5, v1  }
0x3ac: {  	v4 =	vld [tilespmem:s14+$0x1AD80];
	v1 =	vadd.s32 v6, v1  }
0x3ad: {  	v1 =	vadd.s32 v2, v1;
	v2 =	vld [tilespmem:s14+$0x1AE00]  }
0x3ae: {  	v1 =	vadd.s32 v3, v1;
	v3 =	vld [tilespmem:s14+$0x1AE80]  }
0x3af: {  	s16 =	simm.s32 $0x10;
	s17 =	simm.s32 $0x2;
	s15 =	simm.s32 $0x80;
	v5 =	vld [tilespmem:s14+$0x1AF00];
	v6 =	vadd.s32 v7, v1  }
0x3b0: {  	s13 =	simm.s32 $0x1;
	s18 =	sand.u32 $0x70, s16;
	s19 =	sand.u32 $0x400, s15;
	v1 =	vimm.s32 $0x0;
	v7 =	vadd.s32 v8, v6;
	v6 =	vld [tilespmem:s14+$0x1AF80]  }
.LBB2_46:
0x3b1: {  	p0 =	sne.s32 s17, $0xF;
	v4 =	vadd.s32 v4, v7;
	v7 =	vld [tilespmem:s14+$0x1B000];
	s14 =	sor.u32 s18, s19  }
0x3b2: {  	s18 =	sadd.s32 $0x1A480, s14;
	v8 =	vld [tilespmem:s14+$0x1A480];
	v2 =	vadd.s32 v2, v4  }
0x3b3: {  	v4 =	vld [tilespmem:s18+$0x80];
	v2 =	vadd.s32 v3, v2  }
0x3b4: {  	v3 =	vld [tilespmem:s18+$0x100];
	v2 =	vadd.s32 v5, v2  }
0x3b5: {  	v5 =	vld [tilespmem:s18+$0x180];
	v2 =	vadd.s32 v6, v2  }
0x3b6: {  	v6 =	vld [tilespmem:s18+$0x200];
	v2 =	vadd.s32 v7, v2  }
0x3b7: {  	s19 =	sor.u32 s15, s16;
	v7 =	vld [tilespmem:s18+$0x280];
	(xrf0) =	vadd.scan.msk.s32 $0xffff, v2  }
0x3b8: {  	v2 =	vadd.s32 v8, v4;
	v8 =	vld [tilespmem:s18+$0x300];
	s18 =	sor.u32 $0x380, s19  }
0x3b9: {  	v2 =	vadd.s32 v3, v2;
	v3 =	vld [tilespmem:s18+$0x1A480]  }
0x3ba: {  	v2 =	vadd.s32 v5, v2;
	v5 =	vld [tilespmem:s14+$0x1AC80]  }
0x3bb: {  	v2 =	vadd.s32 v6, v2;
	v6 =	vld [tilespmem:s14+$0x1AD00]  }
.Ltmp29:
0x3bc: {  	v2 =	vadd.s32 v7, v2;
	v4 =	vld [tilespmem:s14+$0x1AD80];
	(pc) =	sbr.rel @p0 .LBB2_46-.Ltmp29, $4  }
0x3bd: {  	v7 =	vadd.s32 v8, v2;
	v2 =	vld [tilespmem:s14+$0x1AE00];
	v8, _, _ =	vpop (xrf0)  }
0x3be: {  	v9 =	vmov s11;
	s11 =	smov.u32 s13;
	s13 =	smov.u32 s17;
	v7 =	vadd.s32 v3, v7;
	v3 =	vld [tilespmem:s14+$0x1AE80];
	v8 =	vbroadcast v8, $0xF  }
0x3bf: {  	s15 =	sadd.s32 $0x80, s15;
	s16 =	sadd.s32 $0x10, s16;
	vm0 =	veq.s32 v9, v0;
	v7 =	vadd.s32 v5, v7;
	v5 =	vld [tilespmem:s14+$0x1AF00]  }
0x3c0: {  	s17 =	sadd.s32 $0x1, s17;
	s19 =	sand.u32 $0x400, s15;
	s18 =	sand.u32 $0x70, s16;
	v7 =	vadd.s32 v6, v7;
	v6 =	vld [tilespmem:s14+$0x1AF80];
	v1 =	vsel vm0, v8, v1  }
0x3c1: {  	s17 =	sor.u32 s18, s19;
	v8 =	vld [tilespmem:s14+$0x1B000]  }
0x3c2: {  	s31 =	sadd.s32 $0x1A480, s17;
	v9 =	vld [tilespmem:s17+$0x1A480]  }
0x3c3: {  	v10 =	vld [tilespmem:s31+$0x80]  }
0x3c4: {  	v11 =	vld [tilespmem:s31+$0x100]  }
0x3c5: {  	v12 =	vld [tilespmem:s31+$0x180]  }
0x3c6: {  	v13 =	vld [tilespmem:s31+$0x200]  }
0x3c7: {  	s15 =	sor.u32 s15, s16;
	v14 =	vld [tilespmem:s31+$0x280]  }
0x3c8: {  	s18 =	sor.u32 $0x380, s15;
	v29 =	vld [tilespmem:s31+$0x300];
	v9 =	vadd.s32 v9, v10  }
0x3c9: {  	v30 =	vld [tilespmem:s18+$0x1A480];
	v9 =	vadd.s32 v11, v9  }
0x3ca: {  	v31 =	vld [tilespmem:s17+$0x1AC80];
	v9 =	vadd.s32 v12, v9  }
0x3cb: {  	v32 =	vld [tilespmem:s17+$0x1AD00];
	v9 =	vadd.s32 v13, v9  }
0x3cc: {  	v33 =	vld [tilespmem:s17+$0x1AD80];
	v9 =	vadd.s32 v14, v9  }
0x3cd: {  	v34 =	vld [tilespmem:s17+$0x1AE00];
	v9 =	vadd.s32 v29, v9  }
0x3ce: {  	v35 =	vld [tilespmem:s17+$0x1AE80];
	v9 =	vadd.s32 v30, v9  }
0x3cf: {  	v36 =	vld [tilespmem:s17+$0x1AF00];
	v9 =	vadd.s32 v31, v9  }
0x3d0: {  	v4 =	vadd.s32 v4, v7;
	v38 =	vld [tilespmem:s17+$0x1AF80];
	v37 =	vadd.s32 v32, v9  }
0x3d1: {  	v2 =	vadd.s32 v2, v4;
	v40 =	vld [tilespmem:s17+$0x1B000];
	v39 =	vadd.s32 v33, v37  }
0x3d2: {  	v2 =	vadd.s32 v3, v2;
	v3 =	vadd.s32 v34, v39  }
0x3d3: {  	v2 =	vadd.s32 v5, v2;
	v3 =	vadd.s32 v35, v3  }
0x3d4: {  	v2 =	vadd.s32 v6, v2;
	v3 =	vadd.s32 v36, v3  }
0x3d5: {  	v2 =	vadd.s32 v8, v2;
	v3 =	vadd.s32 v38, v3  }
0x3d6: {  	(xrf0) =	vadd.scan.msk.s32 $0xffff, v2;
	v2 =	vadd.s32 v40, v3  }
0x3d7: {  	(xrf0) =	vadd.scan.msk.s32 $0xffff, v2;
	_ =	sdelay $0x4  }
0x3d8: {  	v2, _, _ =	vpop (xrf0)  }
0x3d9: {  	v3 =	vmov s11;
	v2 =	vbroadcast v2, $0xF;
	v41, _, _ =	vpop (xrf0)  }
0x3da: {  	vm0 =	veq.s32 v3, v0;
	v3 =	vmov s13;
	v4 =	vbroadcast v41, $0xF  }
0x3db: {  	v1 =	vsel vm0, v2, v1;
	vm0 =	veq.s32 v3, v0  }
0x3dc: {  	v0 =	vsel vm0, v4, v1  }
0x3dd: {  	s19 =	simm.s32 $0x1B600;
	s20 =	simm.s32 $0x1;
	[tilespmem:$0x1B600] =	vst v0  }
0x3de: {  	[spmem:s4] =	stream.linear.scatter [tilespmem:s19], [sflag:$0x1], $0x10, $0x38;
	[tilespmem:$0x1C690] =	vst v63  }
0x3df: {  	_ =	swait.ge [sflag:s20], $0x10  }
0x3e0: {  	[sflag:s20] =	ssyncset.done $0x0  }
0x3e1: {  	[sflag:s20] =	ssyncadd.s32 $0xFFFFFFF0  }
0x3e2: {  	s21 =	simm.s32 $0x1B480;
	[bflag:$0x0] =	sbarrier.arrive $0xFFFF  }
0x3e3: {  	[tilespmem:s21], [sflag:$0x1] =	stream.linear.gather [spmem:s3], $0x100, $0x38;
	[tilespmem:$0x1C690] =	vst v63  }
0x3e4: {  	_ =	swait.ge [sflag:s20], $0x100  }
0x3e5: {  	[sflag:s20] =	ssyncset.done $0x0  }
0x3e6: {  	[sflag:s20] =	ssyncadd.s32 $0xFFFFFF00  }
0x3e7: {  	v0 =	vld [tilespmem:$0x1B480]  }
0x3e8: {  	v1 =	vld [tilespmem:$0x1B490]  }
0x3e9: {  	v2 =	vld [tilespmem:$0x1B4A0]  }
0x3ea: {  	v3 =	vld [tilespmem:$0x1B4B0]  }
0x3eb: {  	v42 =	vld [tilespmem:$0x1B4C0]  }
0x3ec: {  	(xrf0) =	vadd.scan.msk.s32 $0xffff, v0;
	v0 =	vld [tilespmem:$0x1B4D0]  }
0x3ed: {  	(xrf0) =	vadd.scan.msk.s32 $0xffff, v1;
	v1 =	vld [tilespmem:$0x1B4E0]  }
0x3ee: {  	(xrf0) =	vadd.scan.msk.s32 $0xffff, v2;
	v2 =	vld [tilespmem:$0x1B4F0]  }
0x3ef: {  	(xrf0) =	vadd.scan.msk.s32 $0xffff, v3;
	v3 =	vld [tilespmem:$0x1B500]  }
0x3f0: {  	v43 =	vld [tilespmem:$0x1B510];
	(xrf0) =	vadd.scan.msk.s32 $0xffff, v42  }
0x3f1: {  	(xrf0) =	vadd.scan.msk.s32 $0xffff, v0;
	v0 =	vld [tilespmem:$0x1B520]  }
0x3f2: {  	v44, _, _ =	vpop (xrf0);
	(xrf0) =	vadd.scan.msk.s32 $0xffff, v1  }
0x3f3: {  	v1 =	vld [tilespmem:$0x1B530];
	v45, _, _ =	vpop (xrf0);
	(xrf0) =	vadd.scan.msk.s32 $0xffff, v2  }
0x3f4: {  	v2 =	vld [tilespmem:$0x1B540];
	v5 =	vbroadcast v44, $0xF;
	v6 =	vbroadcast v45, $0xF;
	v46, _, _ =	vpop (xrf0);
	(xrf0) =	vadd.scan.msk.s32 $0xffff, v3  }
0x3f5: {  	v3 =	vld [tilespmem:$0x1B550];
	v7 =	vbroadcast v46, $0xF;
	v47, _, _ =	vpop (xrf0);
	(xrf0) =	vadd.scan.msk.s32 $0xffff, v43  }
0x3f6: {  	v48 =	vld [tilespmem:$0x1B560];
	v5 =	vsel vm2, v5, v6;
	v49 =	vbroadcast v47, $0xF;
	v50, _, _ =	vpop (xrf0);
	(xrf0) =	vadd.scan.msk.s32 $0xffff, v0  }
0x3f7: {  	v0 =	vsel vm3, v5, v7;
	v51 =	vbroadcast v50, $0xF;
	v52, _, _ =	vpop (xrf0)  }
0x3f8: {  	(xrf0) =	vadd.scan.msk.s32 $0xffff, v1;
	v0 =	vsel vm4, v0, v49;
	v1 =	vbroadcast v52, $0xF;
	v53, _, _ =	vpop (xrf0)  }
0x3f9: {  	(xrf0) =	vadd.scan.msk.s32 $0xffff, v2;
	v0 =	vsel vm5, v0, v51;
	v54 =	vbroadcast v53, $0xF;
	v55, _, _ =	vpop (xrf0)  }
0x3fa: {  	v2 =	vld [tilespmem:$0x1B570];
	(xrf0) =	vadd.scan.msk.s32 $0xffff, v3;
	v0 =	vsel vm7, v0, v1;
	v1 =	vbroadcast v55, $0xF;
	v3, _, _ =	vpop (xrf0)  }
0x3fb: {  	(xrf0) =	vadd.scan.msk.s32 $0xffff, v48;
	v56, _, _ =	vpop (xrf0);
	v0 =	vsel vm6, v0, v54;
	v3 =	vbroadcast v3, $0xF  }
0x3fc: {  	v57, _, _ =	vpop (xrf0);
	v0 =	vsel vm8, v0, v1  }
0x3fd: {  	v0 =	vsel vm11, v0, v3;
	v3 =	vbroadcast v57, $0xF  }
0x3fe: {  	v1 =	vbroadcast v56, $0xF;
	v58, _, _ =	vpop (xrf0)  }
0x3ff: {  	(xrf0) =	vadd.scan.msk.s32 $0xffff, v2;
	v2, _, _ =	vpop (xrf0)  }
0x400: {  	v0 =	vsel vm9, v0, v1;
	v59, _, _ =	vpop (xrf0)  }
0x401: {  	v60 =	vld [tilespmem:$0x1FFF0];
	v1 =	vbroadcast v58, $0xF;
	v0 =	vsel vm10, v0, v3;
	v3, _, _ =	vpop (xrf0)  }
0x402: {  	v2 =	vbroadcast v2, $0xF;
	v3 =	vbroadcast v3, $0xF  }
0x403: {  	v0 =	vsel vm12, v0, v1;
	v1 =	vbroadcast v59, $0xF  }
0x404: {  	v2 =	vsel vm13, v0, v2;
	v0 =	vlaneseq.u32  }
0x405: {  	v1 =	vsel vm15, v2, v1;
	v2 =	vmul.u32 $0xFFFFFFFF, v0  }
0x406: {  	vm0 =	vnez.u8 v60;
	v1 =	vsel vm14, v1, v3;
	v3, _, _ =	vpop (xrf0)  }
0x407: {  	v2 =	vadd.s32 $0xF, v2;
	v1 =	vsel vm0, v1, v3  }
0x408: {  	v3 =	vperm.xlane v1, v2;
	_ =	sdelay $0x1  }
0x409: {  	(xrf0) =	vadd.scan.msk.s32 $0xffff, v3;
	_ =	sdelay $0x5  }
0x40a: {  	v3, _, _ =	vpop (xrf0)  }
0x40b: {  	v3 =	vperm.xlane v3, v2;
	_ =	sdelay $0x1  }
0x40c: {  	v61 =	vor.u32 $0x80000000, v0;
	vm0 =	vlt.s32 v3, s10  }
0x40d: {  	v62 =	vsel vm0, $0x7FFFFFFF, v61  }
0x40e: {  	(xrf0) =	vmax.scan.msk.u32 $0xffff, v62;
	_ =	sdelay $0x5  }
0x40f: {  	v5, _, _ =	vpop (xrf0)  }
0x410: {  	(v2sf) =	vpush v5, $0xF;
	_ =	sdelay $0xe  }
0x411: {  	s22 =	spop (v2sf)  }
0x412: {  	s23 =	sxor.u32 $0x80000000, s22  }
0x413: {  	v63 =	vmov s23  }
0x414: {  	v3 =	vxor.u32 $0x80000000, v3;
	vm0 =	veq.s32 v63, v0  }
0x415: {  	v1 =	vxor.u32 $0x80000000, v1;
	v3 =	vnsel vm0, $0x0, v3  }
0x416: {  	v1 =	vnsel vm0, $0x0, v1;
	(xrf0) =	vmax.scan.msk.u32 $0xffff, v3  }
0x417: {  	(xrf0) =	vmax.scan.msk.u32 $0xffff, v1;
	_ =	sdelay $0x4  }
0x418: {  	v1, _, _ =	vpop (xrf0)  }
0x419: {  	(v2sf) =	vpush v1, $0xF;
	v1, _, _ =	vpop (xrf0)  }
0x41a: {  	(v2sf) =	vpush v1, $0xF;
	_ =	sdelay $0x1  }
0x41b: {  	s24 =	sshll.u32 s22, $0x4  }
0x41c: {  	v1 =	vld [tilespmem:s24+$0x1B480];
	_ =	sdelay $0x4  }
0x41d: {  	v3 =	vperm.xlane v1, v2;
	_ =	sdelay $0x1  }
0x41e: {  	(xrf0) =	vadd.scan.msk.s32 $0xffff, v3;
	_ =	sdelay $0x3  }
0x41f: {  	s25 =	spop (v2sf)  }
0x420: {  	s26 =	spop (v2sf)  }
0x421: {  	v3, _, _ =	vpop (xrf0);
	s11 =	sxor.u32 $0x80000000, s25;
	s13 =	sxor.u32 $0x80000000, s26  }
0x422: {  	v2 =	vperm.xlane v3, v2;
	s11 =	ssub.s32 s13, s11  }
0x423: {  	s11 =	sadd.s32 s10, s11  }
0x424: {  	vm0 =	vlt.s32 v2, s11  }
0x425: {  	v3 =	vsel vm0, $0x7FFFFFFF, v61  }
0x426: {  	(xrf0) =	vmax.scan.msk.u32 $0xffff, v3;
	_ =	sdelay $0x5  }
0x427: {  	v3, _, _ =	vpop (xrf0)  }
0x428: {  	(v2sf) =	vpush v3, $0xF;
	_ =	sdelay $0xe  }
0x429: {  	s28 =	spop (v2sf)  }
0x42a: {  	s10 =	sxor.u32 $0x80000000, s28  }
0x42b: {  	v3 =	vmov s10  }
0x42c: {  	v2 =	vxor.u32 $0x80000000, v2;
	vm0 =	veq.s32 v3, v0  }
0x42d: {  	v1 =	vxor.u32 $0x80000000, v1;
	v2 =	vnsel vm0, $0x0, v2  }
0x42e: {  	v1 =	vnsel vm0, $0x0, v1;
	(xrf0) =	vmax.scan.msk.u32 $0xffff, v2  }
0x42f: {  	(xrf0) =	vmax.scan.msk.u32 $0xffff, v1;
	_ =	sdelay $0x4  }
0x430: {  	v1, _, _ =	vpop (xrf0)  }
0x431: {  	(v2sf) =	vpush v1, $0xF;
	v1, _, _ =	vpop (xrf0)  }
0x432: {  	(v2sf) =	vpush v1, $0xF;
	_ =	sdelay $0x9  }
0x433: {  	s30 =	sadd.s32 $0xF, s12  }
0x434: {  	s15 =	sshrl.u32 s30, $0x4  }
0x435: {  	p0 =	seq.s32 s15, $0x0  }
.Ltmp30:
0x436: {  	_ = 	snop;
	(pc) =	sbr.rel @p0 .LBB2_54-.Ltmp30, $4  }
0x437: {  	s29 =	spop (v2sf)  }
0x438: {  	s31 =	spop (v2sf)  }
0x439: {  	s13 =	sxor.u32 $0x80000000, s29;
	s16 =	sxor.u32 $0x80000000, s31  }
0x43a: {  	s14 =	simm.s32 $0x0;
	s10 =	sadd.s32 s24, s10;
	s13 =	ssub.s32 s16, s13  }
0x43b: {  	p1 =	seq.s32 s15, $0x1  }
.Ltmp31:
0x43c: {  	_ = 	snop;
	(pc) =	sbr.rel @p1 .LBB2_49-.Ltmp31, $3  }
0x43d: {  	_ =	sdelay $0x1  }
0x43e: {  	v3 =	vmov s12;
	s12 =	simm.s32 $0x0  }
0x43f: {  	v4 =	vmov s10;
	v1 =	vimm.s32 $0x0;
	s14 =	sadd.s32 $0xFFFFFFFF, s15;
	p0 =	por $0x0, $0x0;
	v2 =	vld [tilespmem:s12+$0x0]  }
0x440: {  	_ =	sdelay $0x3  }
0x441: {  	v5 =	vshra.s32 v2, $0x1F  }
0x442: {  	v5 =	vxor.u32 v2, v5  }
0x443: {  	v5 =	vshrl.u32 v5, $0x8  }
0x444: {  	v6 =	vor.u32 s12, v0;
	v5 =	vand.u32 $0xFF, v5  }
0x445: {  	vm0 =	vlt.s32 v6, v3;
	vm1 =	veq.s32 v5, v4  }
0x446: {  	vm0 =	vmand vm0, vm1  }
0x447: {  	v5 =	vsel vm0, $0x1, v1  }
0x448: {  	(xrf0) =	vadd.scan.msk.s32 $0xffff, v5;
	_ =	sdelay $0x5  }
0x449: {  	v5 =	vsel vm0, $0xFFFFFFFF, v1;
	v6, _, _ =	vpop (xrf0)  }
0x44a: {  	v5 =	vadd.s32 s12, v5;
	v7 =	vxor.u32 $0x80000000, v6  }
0x44b: {  	v5 =	vadd.s32 v6, v5;
	(xrf0) =	vmax.scan.msk.u32 $0xffff, v7  }
0x44c: {  	p1 =	seq.s32 s14, $0x1  }
.Ltmp32:
0x44d: {  	_ = 	snop;
	(pc) =	sbr.rel @p1 .LBB2_51-.Ltmp32, $3  }
0x44e: {  	_ =	sdelay $0x1  }
0x44f: {  	s16 =	simm.s32 $0x10;
	s17 =	sadd.s32 $0xFFFFFFFF, s14;
	[tilespmem:v5+s12+$0x0] =	vst.idx.msk vm0, v2  }
0x450: {  	p0 =	por $0x1, $0x1;
	s15 =	simm.s32 $0x0;
	s14 =	simm.s32 $0x0;
	v2 =	vld [tilespmem:s16+$0x0];
	v5, _, _ =	vpop (xrf0)  }
.LBB2_52:
0x451: {  	p1 =	seq.s32 s17, $0x1;
	(v2sf) =	vpush v5, $0xF;
	_ =	sdelay $0x3  }
0x452: {  	v5 =	vshra.s32 v2, $0x1F  }
0x453: {  	v5 =	vxor.u32 v2, v5  }
0x454: {  	s15 =	sadd.s32 $0x10, s15;
	v5 =	vshrl.u32 v5, $0x8  }
0x455: {  	v6 =	vor.u32 s15, v0;
	v5 =	vand.u32 $0xFF, v5  }
0x456: {  	vm0 =	vlt.s32 v6, v3;
	vm1 =	veq.s32 v5, v4  }
0x457: {  	vm0 =	vmand vm0, vm1  }
0x458: {  	v5 =	vsel vm0, $0xFFFFFFFF, v1;
	v6 =	vsel vm0, $0x1, v1  }
0x459: {  	(xrf0) =	vadd.scan.msk.s32 $0xffff, v6;
	_ =	sdelay $0x3  }
0x45a: {  	s18 =	spop (v2sf)  }
0x45b: {  	s14 =	sadd.s32 s18, s14  }
0x45c: {  	v6, _, _ =	vpop (xrf0);
	s14 =	sadd.s32 $0x80000000, s14  }
0x45d: {  	v5 =	vadd.s32 s14, v5;
	v7 =	vxor.u32 $0x80000000, v6  }
0x45e: {  	v5 =	vadd.s32 v6, v5;
	(xrf0) =	vmax.scan.msk.u32 $0xffff, v7;
	_ =	sdelay $0x1  }
.Ltmp33:
0x45f: {  	(pc) =	sbr.rel @!p1 .LBB2_52-.Ltmp33, $3  }
0x460: {  	_ =	sdelay $0x1  }
0x461: {  	s16 =	sadd.s32 $0x10, s16;
	[tilespmem:v5+s12+$0x0] =	vst.idx.msk vm0, v2  }
0x462: {  	s17 =	sadd.s32 $0xFFFFFFFF, s17;
	v2 =	vld [tilespmem:s16+$0x0];
	v5, _, _ =	vpop (xrf0)  }
.LBB2_53:
0x463: {  	_ =	sdelay $0x3  }
0x464: {  	v6 =	vshra.s32 v2, $0x1F  }
0x465: {  	s15 =	sadd.s32 @p0 $0x10, s15;
	s16 =	simm.s32 $0x0;
	v6 =	vxor.u32 v2, v6  }
0x466: {  	s16 =	smov.u32 @p0 s15;
	v6 =	vshrl.u32 v6, $0x8  }
0x467: {  	v0 =	vor.u32 s16, v0;
	v6 =	vand.u32 $0xFF, v6  }
0x468: {  	vm0 =	vlt.s32 v0, v3;
	vm1 =	veq.s32 v6, v4  }
0x469: {  	vm0 =	vmand vm0, vm1  }
0x46a: {  	v61 =	vsel vm0, $0x1, v1  }
0x46b: {  	(xrf0) =	vadd.scan.msk.s32 $0xffff, v61;
	_ =	sdelay $0x5  }
0x46c: {  	v0, _, _ =	vpop (xrf0)  }
0x46d: {  	(v2sf) =	vpush @p0 v5, $0xF;
	v62 =	vxor.u32 $0x80000000, v0  }
0x46e: {  	(xrf0) =	vmax.scan.msk.u32 $0xffff, v62;
	_ =	sdelay $0x5  }
0x46f: {  	v3, _, _ =	vpop (xrf0)  }
0x470: {  	(v2sf) =	vpush v3, $0xF;
	_ =	sdelay $0x6  }
0x471: {  	s15 =	spop @p0 (v2sf)  }
0x472: {  	s14 =	sadd.s32 @p0 s15, s14  }
0x473: {  	s15 =	simm.s32 $0x0;
	s14 =	sadd.s32 @p0 $0x80000000, s14  }
0x474: {  	v63 =	vsel vm0, $0xFFFFFFFF, v1;
	s15 =	smov.u32 @p0 s14  }
0x475: {  	v1 =	vadd.s32 s15, v63  }
0x476: {  	v0 =	vadd.s32 v0, v1;
	_ =	sdelay $0x2  }
0x477: {  	s31 =	spop (v2sf)  }
0x478: {  	s14 =	sadd.s32 s31, s15  }
0x479: {  	[tilespmem:v0+s12+$0x0] =	vst.idx.msk vm0, v2;
	s14 =	sadd.s32 $0x80000000, s14  }
.LBB2_54:
0x47a: {  	s11 =	sadd.s32 s11, s13;
	v0 =	vimm.s32 $0x0;
	s12 =	simm.s32 $0x0;
	s13 =	simm.s32 $0x200  }
.LBB2_55:
0x47b: {  	p0 =	sne.s32 s13, $0x3E00;
	[tilespmem:s12+$0xF4F0] =	vst v0  }
0x47c: {  	[tilespmem:s12+$0xF480] =	vst v0  }
0x47d: {  	[tilespmem:s12+$0xF490] =	vst v0  }
.Ltmp34:
0x47e: {  	[tilespmem:s12+$0xF4A0] =	vst v0;
	(pc) =	sbr.rel @p0 .LBB2_55-.Ltmp34, $4  }
0x47f: {  	[tilespmem:s12+$0xF4B0] =	vst v0  }
0x480: {  	[tilespmem:s12+$0xF4C0] =	vst v0  }
0x481: {  	[tilespmem:s12+$0xF4D0] =	vst v0  }
0x482: {  	[tilespmem:s12+$0xF4E0] =	vst v0;
	s12 =	sshra.s32 s13, $0x2;
	s13 =	sadd.s32 $0x200, s13  }
0x483: {  	[tilespmem:s12+$0xF4F0] =	vst v0  }
0x484: {  	[tilespmem:s12+$0xF480] =	vst v0;
	s16 =	sshrl.u32 s14, $0x4  }
0x485: {  	[tilespmem:s12+$0xF490] =	vst v0;
	p0 =	seq.s32 s16, $0x0  }
.Ltmp35:
0x486: {  	[tilespmem:s12+$0xF4A0] =	vst v0;
	(pc) =	sbr.rel @p0 .LBB2_60-.Ltmp35, $4  }
0x487: {  	[tilespmem:s12+$0xF4B0] =	vst v0  }
0x488: {  	[tilespmem:s12+$0xF4C0] =	vst v0  }
0x489: {  	[tilespmem:s12+$0xF4D0] =	vst v0  }
0x48a: {  	[tilespmem:s12+$0xF4E0] =	vst v0;
	s12 =	sand.u32 $0xF, s14  }
0x48b: {  	p0 =	sne.s32 s16, $0x1  }
.Ltmp36:
0x48c: {  	_ = 	snop;
	(pc) =	sbr.rel @!p0 .LBB2_59-.Ltmp36, $3  }
0x48d: {  	_ =	sdelay $0x1  }
0x48e: {  	s15 =	simm.s32 $0x0  }
0x48f: {  	v1 =	vlaneseq.u32;
	v0 =	vimm.s32 $0x1;
	s13 =	simm.s32 $0xF480;
	s16 =	sadd.s32 $0xFFFFFFFF, s16;
	v2 =	vld [tilespmem:s15+$0x0]  }
.LBB2_58:
0x490: {  	p0 =	sne.s32 s16, $0x1;
	_ =	sdelay $0x3  }
0x491: {  	v3 =	vshra.s32 v2, $0x1F  }
0x492: {  	v2 =	vxor.u32 v2, v3  }
0x493: {  	v2 =	vshll.u32 v2, $0x4  }
0x494: {  	v2 =	vor.u32 v1, v2  }
0x495: {  	v2 =	vand.u32 $0xFFF, v2;
	_ =	sdelay $0x1  }
.Ltmp37:
0x496: {  	(pc) =	sbr.rel @p0 .LBB2_58-.Ltmp37, $3  }
0x497: {  	_ =	sdelay $0x1  }
0x498: {  	s15 =	sadd.s32 $0x10, s15;
	[tilespmem:v2+s13+$0x0] =	vst.idx.add.s32.msk $0xffff, v0  }
0x499: {  	s16 =	sadd.s32 $0xFFFFFFFF, s16;
	v2 =	vld [tilespmem:s15+$0x0]  }
.LBB2_59:
0x49a: {  	_ =	sdelay $0x3  }
0x49b: {  	v3 =	vshra.s32 v2, $0x1F  }
0x49c: {  	v2 =	vxor.u32 v2, v3  }
0x49d: {  	v2 =	vshll.u32 v2, $0x4  }
0x49e: {  	v1 =	vor.u32 v1, v2  }
0x49f: {  	v1 =	vand.u32 $0xFFF, v1;
	_ =	sdelay $0x4  }
0x4a0: {  	[tilespmem:v1+s13+$0x0] =	vst.idx.add.s32.msk $0xffff, v0  }
.LBB2_60:
0x4a1: {  	s13 =	sand.u32 $0xFFFFFFF0, s14  }
0x4a2: {  	v0 =	vld [tilespmem:s13+$0x0];
	_ =	sdelay $0x4  }
0x4a3: {  	v1 =	vshra.s32 v0, $0x1F  }
0x4a4: {  	v0 =	vxor.u32 v0, v1  }
0x4a5: {  	v2 =	vmov s12;
	v1 =	vshll.u32 v0, $0x4;
	v0 =	vlaneseq.u32  }
0x4a6: {  	v1 =	vor.u32 v0, v1;
	vm0 =	vgt.u32 v2, v0  }
0x4a7: {  	v1 =	vand.u32 $0xFFF, v1;
	_ =	sdelay $0x3  }
0x4a8: {  	s19 =	simm.s32 $0xF480;
	v2 =	vimm.s32 $0x1  }
0x4a9: {  	s20 =	simm.s32 $0x80;
	s21 =	simm.s32 $0x400;
	s22 =	simm.s32 $0x1;
	[tilespmem:v1+s19+$0x0] =	vst.idx.add.s32.msk vm0, v2  }
0x4aa: {  	[spmem:s6] =	stream.strided.scatter [tilespmem:s19], [sflag:$0x1], $0x1000, s21, s20, $0x38;
	[tilespmem:$0x1C690] =	vst v63  }
0x4ab: {  	_ =	swait.ge [sflag:s22], $0x1000  }
0x4ac: {  	[sflag:s22] =	ssyncset.done $0x0  }
0x4ad: {  	s23 =	simm.s32 $0x800;
	[sflag:s22] =	ssyncadd.s32 $0xFFFFF000  }
0x4ae: {  	s24 =	simm.s32 $0x8000;
	s25 =	simm.s32 $0x1A480;
	[bflag:$0x0] =	sbarrier.arrive $0xFFFF  }
0x4af: {  	[tilespmem:s25], [sflag:$0x1] =	stream.strided.gather [spmem:s5], $0x1000, s24, s23, $0x38;
	[tilespmem:$0x1C690] =	vst v63  }
0x4b0: {  	s5 =	simm.s32 $0x0;
	_ =	swait.ge [sflag:s22], $0x1000  }
0x4b1: {  	s26 =	sand.u32 $0x70, s5;
	s28 =	sand.u32 $0x400, s5;
	[sflag:s22] =	ssyncset.done $0x0  }
0x4b2: {  	s12 =	sor.u32 s26, s28;
	[sflag:s22] =	ssyncadd.s32 $0xFFFFF000  }
0x4b3: {  	s29 =	sadd.s32 $0x1A480, s12;
	v1 =	vld [tilespmem:s12+$0x1A480]  }
0x4b4: {  	v2 =	vld [tilespmem:s29+$0x80]  }
0x4b5: {  	v3 =	vld [tilespmem:s29+$0x100]  }
0x4b6: {  	v4 =	vld [tilespmem:s29+$0x180]  }
0x4b7: {  	v5 =	vld [tilespmem:s29+$0x200]  }
0x4b8: {  	s30 =	sor.u32 s5, s5;
	v6 =	vld [tilespmem:s29+$0x280]  }
0x4b9: {  	s31 =	sor.u32 $0x380, s30;
	v1 =	vadd.s32 v1, v2;
	v2 =	vld [tilespmem:s29+$0x300]  }
0x4ba: {  	v1 =	vadd.s32 v3, v1;
	v3 =	vld [tilespmem:s31+$0x1A480]  }
0x4bb: {  	v7 =	vld [tilespmem:s12+$0x1AC80];
	v1 =	vadd.s32 v4, v1  }
0x4bc: {  	v8 =	vld [tilespmem:s12+$0x1AD00];
	v1 =	vadd.s32 v5, v1  }
0x4bd: {  	v4 =	vld [tilespmem:s12+$0x1AD80];
	v1 =	vadd.s32 v6, v1  }
0x4be: {  	v1 =	vadd.s32 v2, v1;
	v2 =	vld [tilespmem:s12+$0x1AE00]  }
0x4bf: {  	v1 =	vadd.s32 v3, v1;
	v3 =	vld [tilespmem:s12+$0x1AE80]  }
0x4c0: {  	s14 =	simm.s32 $0x10;
	s15 =	simm.s32 $0x2;
	s13 =	simm.s32 $0x80;
	v5 =	vld [tilespmem:s12+$0x1AF00];
	v6 =	vadd.s32 v7, v1  }
0x4c1: {  	s16 =	sand.u32 $0x70, s14;
	s17 =	sand.u32 $0x400, s13;
	s6 =	simm.s32 $0x1;
	v1 =	vimm.s32 $0x0;
	v7 =	vadd.s32 v8, v6;
	v6 =	vld [tilespmem:s12+$0x1AF80]  }
.LBB2_61:
0x4c2: {  	p0 =	sne.s32 s15, $0xF;
	v4 =	vadd.s32 v4, v7;
	v7 =	vld [tilespmem:s12+$0x1B000];
	s12 =	sor.u32 s16, s17  }
0x4c3: {  	s16 =	sadd.s32 $0x1A480, s12;
	v8 =	vld [tilespmem:s12+$0x1A480];
	v2 =	vadd.s32 v2, v4  }
0x4c4: {  	v4 =	vld [tilespmem:s16+$0x80];
	v2 =	vadd.s32 v3, v2  }
0x4c5: {  	v3 =	vld [tilespmem:s16+$0x100];
	v2 =	vadd.s32 v5, v2  }
0x4c6: {  	v5 =	vld [tilespmem:s16+$0x180];
	v2 =	vadd.s32 v6, v2  }
0x4c7: {  	v6 =	vld [tilespmem:s16+$0x200];
	v2 =	vadd.s32 v7, v2  }
0x4c8: {  	s17 =	sor.u32 s13, s14;
	v7 =	vld [tilespmem:s16+$0x280];
	(xrf0) =	vadd.scan.msk.s32 $0xffff, v2  }
0x4c9: {  	v2 =	vadd.s32 v8, v4;
	v8 =	vld [tilespmem:s16+$0x300];
	s16 =	sor.u32 $0x380, s17  }
0x4ca: {  	v2 =	vadd.s32 v3, v2;
	v3 =	vld [tilespmem:s16+$0x1A480]  }
0x4cb: {  	v2 =	vadd.s32 v5, v2;
	v5 =	vld [tilespmem:s12+$0x1AC80]  }
0x4cc: {  	v2 =	vadd.s32 v6, v2;
	v6 =	vld [tilespmem:s12+$0x1AD00]  }
.Ltmp38:
0x4cd: {  	v2 =	vadd.s32 v7, v2;
	v4 =	vld [tilespmem:s12+$0x1AD80];
	(pc) =	sbr.rel @p0 .LBB2_61-.Ltmp38, $4  }
0x4ce: {  	v7 =	vadd.s32 v8, v2;
	v2 =	vld [tilespmem:s12+$0x1AE00];
	v8, _, _ =	vpop (xrf0)  }
0x4cf: {  	v9 =	vmov s5;
	s5 =	smov.u32 s6;
	s6 =	smov.u32 s15;
	v7 =	vadd.s32 v3, v7;
	v3 =	vld [tilespmem:s12+$0x1AE80];
	v8 =	vbroadcast v8, $0xF  }
0x4d0: {  	s13 =	sadd.s32 $0x80, s13;
	s14 =	sadd.s32 $0x10, s14;
	vm0 =	veq.s32 v9, v0;
	v7 =	vadd.s32 v5, v7;
	v5 =	vld [tilespmem:s12+$0x1AF00]  }
0x4d1: {  	s15 =	sadd.s32 $0x1, s15;
	s17 =	sand.u32 $0x400, s13;
	s16 =	sand.u32 $0x70, s14;
	v7 =	vadd.s32 v6, v7;
	v6 =	vld [tilespmem:s12+$0x1AF80];
	v1 =	vsel vm0, v8, v1  }
0x4d2: {  	s15 =	sor.u32 s16, s17;
	v8 =	vld [tilespmem:s12+$0x1B000]  }
0x4d3: {  	s17 =	sadd.s32 $0x1A480, s15;
	v9 =	vld [tilespmem:s15+$0x1A480]  }
0x4d4: {  	v10 =	vld [tilespmem:s17+$0x80]  }
0x4d5: {  	v11 =	vld [tilespmem:s17+$0x100]  }
0x4d6: {  	v12 =	vld [tilespmem:s17+$0x180]  }
0x4d7: {  	v13 =	vld [tilespmem:s17+$0x200]  }
0x4d8: {  	s13 =	sor.u32 s13, s14;
	v14 =	vld [tilespmem:s17+$0x280]  }
0x4d9: {  	s18 =	sor.u32 $0x380, s13;
	v48 =	vld [tilespmem:s17+$0x300];
	v9 =	vadd.s32 v9, v10  }
0x4da: {  	v49 =	vld [tilespmem:s18+$0x1A480];
	v9 =	vadd.s32 v11, v9  }
0x4db: {  	v50 =	vld [tilespmem:s15+$0x1AC80];
	v9 =	vadd.s32 v12, v9  }
0x4dc: {  	v51 =	vld [tilespmem:s15+$0x1AD00];
	v9 =	vadd.s32 v13, v9  }
0x4dd: {  	v52 =	vld [tilespmem:s15+$0x1AD80];
	v9 =	vadd.s32 v14, v9  }
0x4de: {  	v53 =	vld [tilespmem:s15+$0x1AE00];
	v9 =	vadd.s32 v48, v9  }
0x4df: {  	v54 =	vld [tilespmem:s15+$0x1AE80];
	v9 =	vadd.s32 v49, v9  }
0x4e0: {  	v55 =	vld [tilespmem:s15+$0x1AF00];
	v9 =	vadd.s32 v50, v9  }
0x4e1: {  	v4 =	vadd.s32 v4, v7;
	v57 =	vld [tilespmem:s15+$0x1AF80];
	v56 =	vadd.s32 v51, v9  }
0x4e2: {  	v2 =	vadd.s32 v2, v4;
	v59 =	vld [tilespmem:s15+$0x1B000];
	v58 =	vadd.s32 v52, v56  }
0x4e3: {  	v2 =	vadd.s32 v3, v2;
	v60 =	vadd.s32 v53, v58  }
0x4e4: {  	v2 =	vadd.s32 v5, v2;
	v3 =	vadd.s32 v54, v60  }
0x4e5: {  	v2 =	vadd.s32 v6, v2;
	v3 =	vadd.s32 v55, v3  }
0x4e6: {  	v2 =	vadd.s32 v8, v2;
	v3 =	vadd.s32 v57, v3  }
0x4e7: {  	(xrf0) =	vadd.scan.msk.s32 $0xffff, v2;
	v61 =	vadd.s32 v59, v3  }
0x4e8: {  	(xrf0) =	vadd.scan.msk.s32 $0xffff, v61;
	_ =	sdelay $0x4  }
0x4e9: {  	v62, _, _ =	vpop (xrf0)  }
0x4ea: {  	v63 =	vmov s5;
	v2 =	vbroadcast v62, $0xF;
	v8, _, _ =	vpop (xrf0)  }
0x4eb: {  	vm0 =	veq.s32 v63, v0;
	v9 =	vmov s6;
	v4 =	vbroadcast v8, $0xF  }
0x4ec: {  	v1 =	vsel vm0, v2, v1;
	vm0 =	veq.s32 v9, v0  }
0x4ed: {  	v0 =	vsel vm0, v4, v1  }
0x4ee: {  	s19 =	simm.s32 $0x1B600;
	s20 =	simm.s32 $0x1;
	[tilespmem:$0x1B600] =	vst v0  }
0x4ef: {  	[spmem:s4] =	stream.linear.scatter [tilespmem:s19], [sflag:$0x1], $0x10, $0x38;
	[tilespmem:$0x1C690] =	vst v63  }
0x4f0: {  	_ =	swait.ge [sflag:s20], $0x10  }
0x4f1: {  	[sflag:s20] =	ssyncset.done $0x0  }
0x4f2: {  	[sflag:s20] =	ssyncadd.s32 $0xFFFFFFF0  }
0x4f3: {  	s21 =	simm.s32 $0x1B480;
	[bflag:$0x0] =	sbarrier.arrive $0xFFFF  }
0x4f4: {  	[tilespmem:s21], [sflag:$0x1] =	stream.linear.gather [spmem:s3], $0x100, $0x38;
	[tilespmem:$0x1C690] =	vst v63  }
0x4f5: {  	_ =	swait.ge [sflag:s20], $0x100  }
0x4f6: {  	[sflag:s20] =	ssyncset.done $0x0  }
0x4f7: {  	[sflag:s20] =	ssyncadd.s32 $0xFFFFFF00  }
0x4f8: {  	v10 =	vld [tilespmem:$0x1B480]  }
0x4f9: {  	v11 =	vld [tilespmem:$0x1B490]  }
0x4fa: {  	v12 =	vld [tilespmem:$0x1B4A0]  }
0x4fb: {  	v13 =	vld [tilespmem:$0x1B4B0]  }
0x4fc: {  	v14 =	vld [tilespmem:$0x1B4C0]  }
0x4fd: {  	v15 =	vld [tilespmem:$0x1B4D0];
	(xrf0) =	vadd.scan.msk.s32 $0xffff, v10  }
0x4fe: {  	v16 =	vld [tilespmem:$0x1B4E0];
	(xrf0) =	vadd.scan.msk.s32 $0xffff, v11  }
0x4ff: {  	v17 =	vld [tilespmem:$0x1B4F0];
	(xrf0) =	vadd.scan.msk.s32 $0xffff, v12  }
0x500: {  	v18 =	vld [tilespmem:$0x1B500];
	(xrf0) =	vadd.scan.msk.s32 $0xffff, v13  }
0x501: {  	v19 =	vld [tilespmem:$0x1B510];
	(xrf0) =	vadd.scan.msk.s32 $0xffff, v14  }
0x502: {  	v20 =	vld [tilespmem:$0x1B520];
	(xrf0) =	vadd.scan.msk.s32 $0xffff, v15  }
0x503: {  	v22 =	vld [tilespmem:$0x1B530];
	v21, _, _ =	vpop (xrf0);
	(xrf0) =	vadd.scan.msk.s32 $0xffff, v16  }
0x504: {  	v24 =	vld [tilespmem:$0x1B540];
	v23, _, _ =	vpop (xrf0);
	(xrf0) =	vadd.scan.msk.s32 $0xffff, v17  }
0x505: {  	v26 =	vld [tilespmem:$0x1B550];
	v5 =	vbroadcast v21, $0xF;
	v6 =	vbroadcast v23, $0xF;
	v25, _, _ =	vpop (xrf0);
	(xrf0) =	vadd.scan.msk.s32 $0xffff, v18  }
0x506: {  	v28 =	vld [tilespmem:$0x1B560];
	v7 =	vbroadcast v25, $0xF;
	v27, _, _ =	vpop (xrf0);
	(xrf0) =	vadd.scan.msk.s32 $0xffff, v19  }
0x507: {  	v5 =	vsel vm2, v5, v6;
	v29 =	vbroadcast v27, $0xF;
	v30, _, _ =	vpop (xrf0);
	(xrf0) =	vadd.scan.msk.s32 $0xffff, v20  }
0x508: {  	v31 =	vsel vm3, v5, v7;
	v32 =	vbroadcast v30, $0xF;
	v33, _, _ =	vpop (xrf0);
	(xrf0) =	vadd.scan.msk.s32 $0xffff, v22  }
0x509: {  	v36 =	vld [tilespmem:$0x1B570];
	v0 =	vsel vm4, v31, v29;
	v34 =	vbroadcast v33, $0xF;
	v35, _, _ =	vpop (xrf0);
	(xrf0) =	vadd.scan.msk.s32 $0xffff, v24  }
0x50a: {  	v0 =	vsel vm5, v0, v32;
	v37 =	vbroadcast v35, $0xF;
	v38, _, _ =	vpop (xrf0);
	(xrf0) =	vadd.scan.msk.s32 $0xffff, v26  }
0x50b: {  	v0 =	vsel vm7, v0, v34;
	v39 =	vbroadcast v38, $0xF;
	v40, _, _ =	vpop (xrf0);
	(xrf0) =	vadd.scan.msk.s32 $0xffff, v28  }
0x50c: {  	v41, _, _ =	vpop (xrf0);
	v0 =	vsel vm6, v0, v37;
	v3 =	vbroadcast v40, $0xF  }
0x50d: {  	v42, _, _ =	vpop (xrf0);
	v0 =	vsel vm8, v0, v39;
	v43 =	vbroadcast v41, $0xF  }
0x50e: {  	(xrf0) =	vadd.scan.msk.s32 $0xffff, v36;
	v0 =	vsel vm11, v0, v3;
	v44 =	vbroadcast v42, $0xF;
	v45, _, _ =	vpop (xrf0)  }
0x50f: {  	v55 =	vld [tilespmem:$0x1FFF0];
	v46, _, _ =	vpop (xrf0);
	v0 =	vsel vm9, v0, v43;
	v47 =	vbroadcast v45, $0xF  }
0x510: {  	v48, _, _ =	vpop (xrf0);
	v0 =	vsel vm10, v0, v44;
	v2 =	vbroadcast v46, $0xF  }
0x511: {  	v0 =	vsel vm12, v0, v47;
	v49 =	vbroadcast v48, $0xF;
	v50, _, _ =	vpop (xrf0)  }
0x512: {  	v52 =	vlaneseq.u32;
	v0 =	vsel vm13, v0, v2;
	v51 =	vbroadcast v50, $0xF  }
0x513: {  	v53 =	vmul.u32 $0xFFFFFFFF, v52;
	v0 =	vsel vm15, v0, v49  }
0x514: {  	vm11 =	vnez.u8 v55;
	v54, _, _ =	vpop (xrf0);
	v0 =	vsel vm14, v0, v51  }
0x515: {  	v1 =	vadd.s32 $0xF, v53;
	v0 =	vsel vm11, v0, v54  }
0x516: {  	v2 =	vperm.xlane v0, v1;
	_ =	sdelay $0x1  }
0x517: {  	(xrf0) =	vadd.scan.msk.s32 $0xffff, v2;
	_ =	sdelay $0x5  }
0x518: {  	v2, _, _ =	vpop (xrf0)  }
0x519: {  	v2 =	vperm.xlane v2, v1;
	_ =	sdelay $0x1  }
0x51a: {  	v56 =	vor.u32 $0x80000000, v52;
	vm12 =	vlt.s32 v2, s11  }
0x51b: {  	v57 =	vsel vm12, $0x7FFFFFFF, v56  }
0x51c: {  	(xrf0) =	vmax.scan.msk.u32 $0xffff, v57;
	_ =	sdelay $0x5  }
0x51d: {  	v5, _, _ =	vpop (xrf0)  }
0x51e: {  	(v2sf) =	vpush v5, $0xF;
	_ =	sdelay $0xe  }
0x51f: {  	s22 =	spop (v2sf)  }
0x520: {  	s23 =	sxor.u32 $0x80000000, s22  }
0x521: {  	v58 =	vmov s23  }
0x522: {  	v2 =	vxor.u32 $0x80000000, v2;
	vm13 =	veq.s32 v58, v52  }
0x523: {  	v2 =	vnsel vm13, $0x0, v2  }
0x524: {  	v0 =	vxor.u32 $0x80000000, v0;
	(xrf0) =	vmax.scan.msk.u32 $0xffff, v2  }
0x525: {  	v0 =	vnsel vm13, $0x0, v0  }
0x526: {  	(xrf0) =	vmax.scan.msk.u32 $0xffff, v0;
	_ =	sdelay $0x3  }
0x527: {  	v59, _, _ =	vpop (xrf0)  }
0x528: {  	(v2sf) =	vpush v59, $0xF  }
0x529: {  	v60, _, _ =	vpop (xrf0)  }
0x52a: {  	(v2sf) =	vpush v60, $0xF  }
0x52b: {  	s3 =	sshll.u32 s22, $0x4  }
0x52c: {  	v61 =	vld [tilespmem:s3+$0x1B480];
	_ =	sdelay $0x4  }
0x52d: {  	v0 =	vperm.xlane v61, v1;
	_ =	sdelay $0x1  }
0x52e: {  	(xrf0) =	vadd.scan.msk.s32 $0xffff, v0;
	_ =	sdelay $0x3  }
0x52f: {  	s24 =	spop (v2sf)  }
0x530: {  	s4 =	sxor.u32 $0x7FFFFFFF, s24  }
0x531: {  	v0, _, _ =	vpop (xrf0);
	s25 =	spop (v2sf);
	s4 =	sadd.s32 s11, s4  }
0x532: {  	v0 =	vperm.xlane v0, v1;
	s4 =	sadd.s32 s25, s4  }
0x533: {  	s4 =	sadd.s32 $0x80000001, s4  }
0x534: {  	vm14 =	vlt.s32 v0, s4  }
0x535: {  	v0 =	vsel vm14, $0x7FFFFFFF, v56  }
0x536: {  	(xrf0) =	vmax.scan.msk.u32 $0xffff, v0;
	_ =	sdelay $0x5  }
0x537: {  	v0, _, _ =	vpop (xrf0)  }
0x538: {  	(v2sf) =	vpush v0, $0xF;
	_ =	sdelay $0xd  }
0x539: {  	s26 =	sshll.u32 s7, $0x1C;
	s28 =	sshll.u32 s8, $0x18  }
0x53a: {  	s30 =	sshll.u32 s9, $0x10;
	s4 =	sadd.s32 s26, s28;
	s29 =	spop (v2sf)  }
0x53b: {  	s31 =	sshll.u32 s10, $0x8;
	s4 =	sor.u32 s4, s30;
	s3 =	sadd.s32 s29, s3  }
0x53c: {  	s4 =	sor.u32 s31, s4;
	s3 =	sadd.s32 $0x80000000, s3  }
0x53d: {  	s3 =	sor.u32 s3, s4  }
0x53e: {  	v62 =	vmov s3  }
0x53f: {  	v63 =	vimm.s32 $0x80000000;
	vm15 =	vgt.s32 v62, $0xFFFFFFFF  }
0x540: {  	v0 =	vsel vm15, $0xFFFFFFFF, v63  }
0x541: {  	v0 =	vxor.u32 s3, v0  }
0x542: {  	p0 =	sne.s32 s2, $0x0;
	[tilespmem:$0x1B580] =	vst v0  }
0x543: {  	_ =	sfence.sel @p0 $0x180000  }
0x544: {  	[bflag:$0x0] =	sbarrier.arrive @p0 $0xFFFF  }
0x545: {  	_ =	strace @p0 $0x90000047  }
0x546: {  	s2 =	simm.s32 @!p0 $0x0;
	s3 =	simm.s32 @!p0 $0x1B580;
	[bflag:$0x2] =	sbarrier.arrive @p0 $0xFFFF  }
0x547: {  	[hbm4b:s1+s2] =	stream.linear.scatter @!p0 [tilespmem:s3], [sflag:$0x1], $0x80, $0x38;
	[tilespmem:$0x1C690] =	vst v63  }
0x548: {  	s1 =	simm.s32 @!p0 $0x1  }
0x549: {  	_ =	swait.ge @!p0 [sflag:s1], $0x80  }
0x54a: {  	[sflag:s1] =	ssyncset.done @!p0 $0x0  }
0x54b: {  	[sflag:s1] =	ssyncadd.s32 @!p0 $0xFFFFFF80  }
0x54c: {  	_ =	sfence.sel @!p0 $0x180000  }
0x54d: {  	[bflag:$0x0] =	sbarrier.arrive @!p0 $0xFFFF  }
0x54e: {  	_ =	strace @!p0 $0x90000047  }
0x54f: {  	s0 =	sadd.s32 @!p0 $0x100000, s0;
	[bflag:$0x2] =	sbarrier.arrive @!p0 $0xFFFF  }
0x550: {  	[sflag:s0] =	ssyncadd.tile.s32 @!p0 $0x1;
	_ =	shalt  }
.LBB2_34:
.Ltmp39:
0x551: {  	(pc) =	sbr.rel .LBB2_38-.Ltmp39, $2  }
0x552: {  	_ =	sdelay $0x2  }
0x553: {  	s14 =	simm.s32 $0x0;
	s12 =	simm.s32 $0x0  }
.LBB2_49:
.Ltmp40:
0x554: {  	(pc) =	sbr.rel .LBB2_53-.Ltmp40, $2  }
0x555: {  	_ =	sdelay $0x2  }
0x556: {  	s15 =	simm.s32 $0x0;
	s14 =	simm.s32 $0x0  }
.LBB2_36:
.Ltmp41:
0x557: {  	(pc) =	sbr.rel .LBB2_38-.Ltmp41, $2  }
0x558: {  	_ =	sdelay $0x2  }
0x559: {  	s14 =	simm.s32 $0x0;
	s12 =	simm.s32 $0x0  }
.LBB2_51:
.Ltmp42:
0x55a: {  	(pc) =	sbr.rel .LBB2_53-.Ltmp42, $2  }
0x55b: {  	_ =	sdelay $0x2  }
0x55c: {  	s15 =	simm.s32 $0x0;
	s14 =	simm.s32 $0x0  }
.LBB2_19:
0x55d: {  	v2 =	vld [tilespmem:$0x1FF50];
	_ =	sdelay $0x4  }
0x55e: {  	vm4 =	vnez.u8 v2;
	v2 =	vld [tilespmem:$0x1FF60];
	_ =	sdelay $0x4  }
0x55f: {  	vm5 =	vnez.u8 v2;
	v2 =	vld [tilespmem:$0x1FF80];
	_ =	sdelay $0x4  }
0x560: {  	vm6 =	vnez.u8 v2;
	v2 =	vld [tilespmem:$0x1FF70];
	_ =	sdelay $0x4  }
0x561: {  	vm7 =	vnez.u8 v2;
	v2 =	vld [tilespmem:$0x1FF90];
	_ =	sdelay $0x4  }
0x562: {  	vm8 =	vnez.u8 v2;
	v2 =	vld [tilespmem:$0x1FFB0];
	_ =	sdelay $0x4  }
0x563: {  	vm9 =	vnez.u8 v2;
	v2 =	vld [tilespmem:$0x1FFC0];
	_ =	sdelay $0x4  }
0x564: {  	vm10 =	vnez.u8 v2;
	v2 =	vld [tilespmem:$0x1FFA0]  }
.Ltmp43:
0x565: {  	_ = 	snop;
	(pc) =	sbr.rel .LBB2_23-.Ltmp43, $2  }
0x566: {  	_ =	sdelay $0x2  }
0x567: {  	s10 =	smov.u32 s11;
	vm3 =	vmmov vm12;
	vm12 =	vmmov vm13;
	vm11 =	vnez.u8 v2  }
.LBB2_63:
0x568: {  	v2 =	vld [tilespmem:$0x1FF50];
	_ =	sdelay $0x4  }
0x569: {  	vm4 =	vnez.u8 v2;
	v2 =	vld [tilespmem:$0x1FF60];
	_ =	sdelay $0x4  }
0x56a: {  	vm5 =	vnez.u8 v2;
	v2 =	vld [tilespmem:$0x1FF80];
	_ =	sdelay $0x4  }
0x56b: {  	vm6 =	vnez.u8 v2;
	v2 =	vld [tilespmem:$0x1FF70];
	_ =	sdelay $0x4  }
0x56c: {  	vm7 =	vnez.u8 v2;
	v2 =	vld [tilespmem:$0x1FF90];
	_ =	sdelay $0x4  }
0x56d: {  	vm8 =	vnez.u8 v2;
	v2 =	vld [tilespmem:$0x1FFB0];
	_ =	sdelay $0x4  }
0x56e: {  	vm9 =	vnez.u8 v2;
	v2 =	vld [tilespmem:$0x1FFC0];
	_ =	sdelay $0x4  }
0x56f: {  	vm10 =	vnez.u8 v2;
	v2 =	vld [tilespmem:$0x1FFA0]  }
.Ltmp44:
0x570: {  	_ = 	snop;
	(pc) =	sbr.rel .LBB2_23-.Ltmp44, $2  }
0x571: {  	_ =	sdelay $0x2  }
0x572: {  	vm12 =	vmmov vm13;
	vm11 =	vnez.u8 v2  }
.Lfunc_end2:
_tile_overlayer_lowered:
.L_overlay_start_2:
0x573: {  	(tag) =	ssettag $0x2  }
0x574: {  	s0 =	rddreg [dreg:$0x0];
	s2 =	stileid.u32  }
0x575: {  	s1 =	rddreg [dreg:$0x1];
	p0 =	sne.s32 s2, $0x0  }
0x576: {  	s3 =	rddreg [dreg:$0x2];
	[bflag:$0x3] =	sbarrier.arrive $0xFFFF;
	s2 =	simm.s32 @!p0 $0x1C01  }
0x577: {  	[timem:s3], [sflag:s2] =	dma.local @!p0 [hbm:s0], s1  }
0x578: {  	s0 =	simm.s32 @!p0 $0x1  }
0x579: {  	_ =	swait.ge @!p0 [sflag:s0], s1  }
0x57a: {  	s1 =	ssub.s32 @!p0 $0x0, s1;
	[sflag:s0] =	ssyncset.done @!p0 $0x0  }
0x57b: {  	[sflag:s0] =	ssyncadd.s32 @!p0 s1  }
0x57c: {  	[bflag:$0x3] =	sbarrier.arrive $0xFFFF  }
0x57d: {  	_ =	shalt  }

</sc_bundles>
